<compile_context>
chip_gen: v7x
topology: tpu7x:2x2x1
jax: 0.10.2.dev20260603
libtpu: 0.0.44.dev20260713+nightly
codegen_flags: <defaults>
</compile_context>

<pallas_src>
import functools

import jax
import jax.numpy as jnp
from jax import lax
from jax.experimental import pallas as pl
from jax.experimental.pallas import tpu as pltpu
from jax.experimental.pallas import tpu_sc as plsc

N = 10000
E = 160000
F_IN = 256
H = 512
G = 64

NP = 10240
EP = 163840
PAD_SRC = N
PAD_DST = N + 16
NC = 2
NS = 16
ROWS_PT = NP // NS
BATCH = 128
CHUNK = 128
NBUF = 2
NHALF = 2

f32 = jnp.float32
i32 = jnp.int32

def _sc_mesh():
    return dict(mesh=plsc.VectorSubcoreMesh(core_axis_name="c",
                                            subcore_axis_name="s"))


def _sc_deg(dst2d, ones_np, zeros_np):
    nb = EP // (NC * NS) // BATCH

    @functools.partial(
        pl.kernel,
        out_type=(jax.ShapeDtypeStruct((NP,), f32),
                  jax.ShapeDtypeStruct((NP,), f32)),
        scratch_types=[
            pltpu.VMEM((nb, BATCH), i32),
            pltpu.VMEM((BATCH,), f32),
            pltpu.VMEM_SHARED((NP,), f32),
        ],
        **_sc_mesh(),
    )
    def k(dst_hbm, ones_hbm, zeros_hbm, out0, out1, idx_v, ones_v, acc):
        c = lax.axis_index("c")
        s = lax.axis_index("s")
        wid = c * NS + s

        @pl.when(c == 0)
        def _():
            pltpu.sync_copy(ones_hbm.at[pl.ds(s * ROWS_PT, ROWS_PT)],
                            acc.at[pl.ds(s * ROWS_PT, ROWS_PT)])

        @pl.when(c == 1)
        def _():
            pltpu.sync_copy(zeros_hbm.at[pl.ds(s * ROWS_PT, ROWS_PT)],
                            acc.at[pl.ds(s * ROWS_PT, ROWS_PT)])

        pltpu.sync_copy(ones_hbm.at[pl.ds(0, BATCH)], ones_v)
        pltpu.sync_copy(dst_hbm.at[pl.ds(wid * nb, nb)], idx_v)
        plsc.subcore_barrier()

        def body(j, carry):
            pltpu.sync_copy(ones_v, acc.at[idx_v.at[j]], add=True)
            return carry

        lax.fori_loop(0, nb, body, 0)
        plsc.subcore_barrier()

        @pl.when(c == 0)
        def _():
            pltpu.sync_copy(acc.at[pl.ds(s * ROWS_PT, ROWS_PT)],
                            out0.at[pl.ds(s * ROWS_PT, ROWS_PT)])

        @pl.when(c == 1)
        def _():
            pltpu.sync_copy(acc.at[pl.ds(s * ROWS_PT, ROWS_PT)],
                            out1.at[pl.ds(s * ROWS_PT, ROWS_PT)])

    return k(dst2d, ones_np, zeros_np)


def _make_sc_agg(cpc):
    nb = EP // NS // BATCH
    nbh = nb // NHALF
    ng = nbh // NBUF
    nchunks = NC * cpc

    @functools.partial(
        pl.kernel,
        out_type=tuple(jax.ShapeDtypeStruct((NP, CHUNK), f32)
                       for _ in range(nchunks)),
        scratch_types=[
            pltpu.VMEM((nbh, BATCH), i32),
            pltpu.VMEM((nbh, BATCH), i32),
            *[pltpu.VMEM((BATCH, CHUNK), f32) for _ in range(NBUF)],
            pltpu.VMEM_SHARED((NP, CHUNK), f32),
            *[pltpu.SemaphoreType.DMA for _ in range(2 * NBUF)],
        ],
        **_sc_mesh(),
    )
    def k(*args):
        xp = args[:nchunks]
        src2d, dst2d = args[nchunks], args[nchunks + 1]
        outs = args[nchunks + 2:2 * nchunks + 2]
        rest = args[2 * nchunks + 2:]
        src_v, dst_v = rest[0], rest[1]
        rows = rest[2:2 + NBUF]
        acc = rest[2 + NBUF]
        gsem = rest[3 + NBUF:3 + 2 * NBUF]
        ssem = rest[3 + 2 * NBUF:3 + 3 * NBUF]
        c = lax.axis_index("c")
        s = lax.axis_index("s")

        def do_chunk(xp_ref, out_ref):
            pltpu.sync_copy(xp_ref.at[pl.ds(s * ROWS_PT, ROWS_PT)],
                            acc.at[pl.ds(s * ROWS_PT, ROWS_PT)])
            plsc.subcore_barrier()

            for hh in range(NHALF):
                pltpu.sync_copy(
                    src2d.at[pl.ds(s * nb + hh * nbh, nbh)], src_v)
                pltpu.sync_copy(
                    dst2d.at[pl.ds(s * nb + hh * nbh, nbh)], dst_v)

                def group(g, carry):
                    base = g * NBUF

                    @pl.when(g > 0)
                    def _():
                        for b in range(NBUF):
                            pltpu.make_async_copy(
                                xp_ref.at[pl.ds(0, BATCH)], rows[b],
                                ssem[b]).wait()

                    gds = [pltpu.async_copy(
                        xp_ref.at[src_v.at[base + b]], rows[b], gsem[b])
                        for b in range(NBUF)]
                    for b in range(NBUF):
                        gds[b].wait()
                        pltpu.async_copy(rows[b],
                                         acc.at[dst_v.at[base + b]],
                                         ssem[b], add=True)
                    return carry

                lax.fori_loop(0, ng, group, 0)
                for b in range(NBUF):
                    pltpu.make_async_copy(xp_ref.at[pl.ds(0, BATCH)],
                                          rows[b], ssem[b]).wait()

            plsc.subcore_barrier()
            pltpu.sync_copy(acc.at[pl.ds(s * ROWS_PT, ROWS_PT)],
                            out_ref.at[pl.ds(s * ROWS_PT, ROWS_PT)])

        for cc in range(NC):
            @pl.when(c == cc)
            def _(cc=cc):
                for q in range(cpc):
                    do_chunk(xp[cc * cpc + q], outs[cc * cpc + q])

    return k


def _sc_agg2(*args):
    return _make_sc_agg(1)(*args)


def _sc_agg4(*args):
    return _make_sc_agg(2)(*args)


def _sc_agg_scalar(z_hbm_in, zeros_np, src2d, dst2d):
    nb = EP // (NC * NS) // BATCH

    @functools.partial(
        pl.kernel,
        out_type=(jax.ShapeDtypeStruct((NP,), f32),
                  jax.ShapeDtypeStruct((NP,), f32)),
        scratch_types=[
            pltpu.VMEM((nb, BATCH), i32),
            pltpu.VMEM((nb, BATCH), i32),
            pltpu.VMEM((BATCH,), f32),
            pltpu.VMEM_SHARED((NP,), f32),
            pltpu.VMEM_SHARED((NP,), f32),
            pltpu.SemaphoreType.DMA,
        ],
        **_sc_mesh(),
    )
    def k(z_hbm, zeros_hbm, src_hbm, dst_hbm, out0, out1,
          src_v, dst_v, vals, z_sp, acc, sem):
        c = lax.axis_index("c")
        s = lax.axis_index("s")
        wid = c * NS + s

        pltpu.sync_copy(z_hbm.at[pl.ds(s * ROWS_PT, ROWS_PT)],
                        z_sp.at[pl.ds(s * ROWS_PT, ROWS_PT)])

        @pl.when(c == 0)
        def _():
            pltpu.sync_copy(z_hbm.at[pl.ds(s * ROWS_PT, ROWS_PT)],
                            acc.at[pl.ds(s * ROWS_PT, ROWS_PT)])

        @pl.when(c == 1)
        def _():
            pltpu.sync_copy(zeros_hbm.at[pl.ds(s * ROWS_PT, ROWS_PT)],
                            acc.at[pl.ds(s * ROWS_PT, ROWS_PT)])

        pltpu.sync_copy(src_hbm.at[pl.ds(wid * nb, nb)], src_v)
        pltpu.sync_copy(dst_hbm.at[pl.ds(wid * nb, nb)], dst_v)
        plsc.subcore_barrier()

        def body(j, carry):
            pltpu.async_copy(z_sp.at[src_v.at[j]], vals, sem).wait()
            pltpu.sync_copy(vals, acc.at[dst_v.at[j]], add=True)
            return carry

        lax.fori_loop(0, nb, body, 0)
        plsc.subcore_barrier()

        @pl.when(c == 0)
        def _():
            pltpu.sync_copy(acc.at[pl.ds(s * ROWS_PT, ROWS_PT)],
                            out0.at[pl.ds(s * ROWS_PT, ROWS_PT)])

        @pl.when(c == 1)
        def _():
            pltpu.sync_copy(acc.at[pl.ds(s * ROWS_PT, ROWS_PT)],
                            out1.at[pl.ds(s * ROWS_PT, ROWS_PT)])

    return k(z_hbm_in, zeros_np, src2d, dst2d)


_BR = 1024
NC1 = F_IN // CHUNK
NC2 = H // CHUNK


def _tc_prep_body(deg0, deg1, x, dinv, dinv_row, *xps):
    i = pl.program_id(0)
    rows = i * _BR + lax.broadcasted_iota(i32, (_BR, 1), 0)
    deg = deg0[...] + deg1[...]
    dv = jnp.where(rows < N, lax.rsqrt(deg), 0.0)
    dinv[...] = dv
    dinv_row[...] = dv.reshape(1, _BR)
    xq = x[...] * dv
    for q in range(NC1):
        xps[q][...] = xq[:, q * CHUNK:(q + 1) * CHUNK]


def _tc_prep(deg0, deg1, x):
    return pl.pallas_call(
        _tc_prep_body,
        grid=(NP // _BR,),
        in_specs=[
            pl.BlockSpec((_BR, 1), lambda i: (i, 0)),
            pl.BlockSpec((_BR, 1), lambda i: (i, 0)),
            pl.BlockSpec((_BR, F_IN), lambda i: (i, 0)),
        ],
        out_specs=[
            pl.BlockSpec((_BR, 1), lambda i: (i, 0)),
            pl.BlockSpec((1, _BR), lambda i: (0, i)),
        ] + [pl.BlockSpec((_BR, CHUNK), lambda i: (i, 0))
             for _ in range(NC1)],
        out_shape=[
            jax.ShapeDtypeStruct((NP, 1), f32),
            jax.ShapeDtypeStruct((1, NP), f32),
        ] + [jax.ShapeDtypeStruct((NP, CHUNK), f32) for _ in range(NC1)],
    )(deg0, deg1, x)


def _tc_layer1_body(*refs):
    ss = refs[:NC1]
    dinv, W1, b1 = refs[NC1:NC1 + 3]
    outs = refs[NC1 + 3:]
    dv = dinv[...]
    h = b1[...]
    for q in range(NC1):
        h = h + jnp.dot(ss[q][...] * dv, W1[q * CHUNK:(q + 1) * CHUNK, :],
                        preferred_element_type=f32)
    h = jnp.maximum(h, 0.0) * dv
    for q in range(NC2):
        outs[q][...] = h[:, q * CHUNK:(q + 1) * CHUNK]


def _tc_layer1(ss, dinv, W1, b1):
    return pl.pallas_call(
        _tc_layer1_body,
        grid=(NP // _BR,),
        in_specs=[pl.BlockSpec((_BR, CHUNK), lambda i: (i, 0))
                  for _ in range(NC1)] + [
            pl.BlockSpec((_BR, 1), lambda i: (i, 0)),
            pl.BlockSpec((F_IN, H), lambda i: (0, 0)),
            pl.BlockSpec((1, H), lambda i: (0, 0)),
        ],
        out_specs=[pl.BlockSpec((_BR, CHUNK), lambda i: (i, 0))
                   for _ in range(NC2)],
        out_shape=[jax.ShapeDtypeStruct((NP, CHUNK), f32)
                   for _ in range(NC2)],
    )(*ss, dinv, W1, b1)


def _tc_layer2_body(*refs):
    ss = refs[:NC2]
    dinv, W2, b2, W3, Wp, z = refs[NC2:]
    dv = dinv[...]
    h = b2[...]
    for q in range(NC2):
        h = h + jnp.dot(ss[q][...] * dv, W2[q * CHUNK:(q + 1) * CHUNK, :],
                        preferred_element_type=f32)
    h = jnp.maximum(h, 0.0)
    w3p = jnp.dot(W3[...], Wp[...], preferred_element_type=f32)
    z[...] = jnp.dot(h, w3p, preferred_element_type=f32) * dv


def _tc_layer2(ss, dinv, W2, b2, W3, Wp):
    return pl.pallas_call(
        _tc_layer2_body,
        grid=(NP // _BR,),
        in_specs=[pl.BlockSpec((_BR, CHUNK), lambda i: (i, 0))
                  for _ in range(NC2)] + [
            pl.BlockSpec((_BR, 1), lambda i: (i, 0)),
            pl.BlockSpec((H, H), lambda i: (0, 0)),
            pl.BlockSpec((1, H), lambda i: (0, 0)),
            pl.BlockSpec((H, H), lambda i: (0, 0)),
            pl.BlockSpec((H, 1), lambda i: (0, 0)),
        ],
        out_specs=pl.BlockSpec((_BR, 1), lambda i: (i, 0)),
        out_shape=jax.ShapeDtypeStruct((NP, 1), f32),
    )(*ss, dinv, W2, b2, W3, Wp)


def _tc_pool_body(s3a, s3b, dinv_row, batch, b3, Wp, bp, out):
    out3 = (s3a[...] + s3b[...]) * dinv_row[...]
    iota_g = lax.broadcasted_iota(i32, (G, 1), 0)
    maskf = (batch[...] == iota_g).astype(f32)
    counts = jnp.sum(maskf, axis=1, keepdims=True)
    pooled = jnp.sum(maskf * out3, axis=1, keepdims=True)
    b3wp = jnp.dot(b3[...], Wp[...], preferred_element_type=f32)
    out[...] = (pooled / jnp.maximum(counts, 1.0)
                + jnp.where(counts > 0, b3wp, 0.0) + bp[...])


def _tc_pool(s3a, s3b, dinv_row, batch, b3, Wp, bp):
    return pl.pallas_call(
        _tc_pool_body,
        out_shape=jax.ShapeDtypeStruct((G, 1), f32),
    )(s3a, s3b, dinv_row, batch, b3, Wp, bp)


def kernel(x, edge_index, batch, W1, b1, W2, b2, W3, b3, Wp, bp):
    x = x.astype(f32)
    src = edge_index[0]
    dst = edge_index[1]
    src2d = jnp.concatenate(
        [src, jnp.full((EP - E,), PAD_SRC, i32)]).reshape(EP // BATCH, BATCH)
    dst2d = jnp.concatenate(
        [dst, jnp.full((EP - E,), PAD_DST, i32)]).reshape(EP // BATCH, BATCH)
    x_p = jnp.pad(x, ((0, NP - N), (0, 0)))
    batch_row = jnp.pad(batch, (0, NP - N),
                        constant_values=G).reshape(1, NP)
    ones_np = jnp.ones((NP,), f32)
    zeros_np = jnp.zeros((NP,), f32)

    deg0, deg1 = _sc_deg(dst2d, ones_np, zeros_np)
    prep = _tc_prep(deg0.reshape(NP, 1), deg1.reshape(NP, 1), x_p)
    dinv, dinv_row, xps = prep[0], prep[1], prep[2:]

    s1 = _sc_agg2(*xps, src2d, dst2d)
    h1p = _tc_layer1(s1, dinv, W1, b1.reshape(1, H))

    s2 = _sc_agg4(*h1p, src2d, dst2d)
    z3p = _tc_layer2(s2, dinv, W2, b2.reshape(1, H), W3, Wp)

    s3a, s3b = _sc_agg_scalar(z3p.reshape(NP), zeros_np, src2d, dst2d)
    out = _tc_pool(s3a.reshape(1, NP), s3b.reshape(1, NP), dinv_row,
                   batch_row, b3.reshape(1, H), Wp, bp.reshape(1, 1))
    return out

# --- scband reference (transcript-rebuilt; emitter-appended) ---
"""Pipeline reference for scband-molecular-energy-predictor-16303695855962 (READ-ONLY COPY).

The authoritative reference and input builder live on the scoring server;
editing this copy changes nothing except your own understanding.
"""

import jax, jax.numpy as jnp
import numpy as np

N = 10000
E = 160000
F_IN = 256
H = 512
G = 64


def setup_inputs(seed: int = 0) -> dict:
    key = jax.random.key(seed)
    ks = jax.random.split(key, 12)
    x = jax.random.normal(ks[0], (N, F_IN), dtype=jnp.float32)
    edge_index = jax.random.randint(ks[1], (2, E), 0, N, dtype=jnp.int32)
    batch = jnp.sort(jax.random.randint(ks[2], (N,), 0, G, dtype=jnp.int32))
    W1 = jax.random.normal(ks[3], (F_IN, H), dtype=jnp.float32) * (1.0 / np.sqrt(F_IN))
    b1 = jnp.zeros((H,), dtype=jnp.float32)
    W2 = jax.random.normal(ks[4], (H, H), dtype=jnp.float32) * (1.0 / np.sqrt(H))
    b2 = jnp.zeros((H,), dtype=jnp.float32)
    W3 = jax.random.normal(ks[5], (H, H), dtype=jnp.float32) * (1.0 / np.sqrt(H))
    b3 = jnp.zeros((H,), dtype=jnp.float32)
    Wp = jax.random.normal(ks[6], (H, 1), dtype=jnp.float32) * (1.0 / np.sqrt(H))
    bp = jnp.zeros((1,), dtype=jnp.float32)
    return {"x": x, "edge_index": edge_index, "batch": batch,
            "W1": W1, "b1": b1, "W2": W2, "b2": b2, "W3": W3, "b3": b3,
            "Wp": Wp, "bp": bp}


def _gcn_conv(x, edge_index, W, b):
    n = x.shape[0]
    src = edge_index[0]
    dst = edge_index[1]
    loop = jnp.arange(n, dtype=src.dtype)
    src = jnp.concatenate([src, loop])
    dst = jnp.concatenate([dst, loop])
    deg = jnp.zeros((n,), dtype=jnp.float32).at[dst].add(1.0)
    dinv = jnp.where(deg > 0, 1.0 / jnp.sqrt(deg), 0.0)
    norm = dinv[src] * dinv[dst]
    h = x @ W
    msg = h[src] * norm[:, None]
    out = jax.ops.segment_sum(msg, dst, num_segments=n)
    return out + b


def reference(x, edge_index, batch, W1, b1, W2, b2, W3, b3, Wp, bp):
    # layer 1
    h = _gcn_conv(x.astype(jnp.float32), edge_index, W1, b1)
    h = jax.nn.relu(h)  # dropout is identity in eval mode
    # layer 2
    h = _gcn_conv(h, edge_index, W2, b2)
    h = jax.nn.relu(h)
    # layer 3 (no relu/dropout after final conv)
    h = _gcn_conv(h, edge_index, W3, b3)
    # global mean pool over graphs
    counts = jax.ops.segment_sum(jnp.ones((x.shape[0],), dtype=jnp.float32), batch, num_segments=G)
    pooled = jax.ops.segment_sum(h, batch, num_segments=G)
    pooled = pooled / jnp.maximum(counts, 1.0)[:, None]
    # linear predictor
    return pooled @ Wp + bp

if __name__ == "__main__":
    import jax
    _d = setup_inputs()
    print(jax.jit(kernel)(*tuple(_d.values())))

</pallas_src>

<mosaic_0001>
#map = affine_map<(d0, d1) -> (0, 0)>
#map1 = affine_map<(d0, d1) -> (0)>
module attributes {stable_mosaic.version = 14 : i64} {
  func.func @k(%arg0: i32, %arg1: i32, %arg2: memref<1280x128xi32, #tpu.memory_space<hbm>>, %arg3: memref<10240xf32, #tpu.memory_space<hbm>>, %arg4: memref<10240xf32, #tpu.memory_space<hbm>>, %arg5: memref<10240xf32, #tpu.memory_space<hbm>>, %arg6: memref<10240xf32, #tpu.memory_space<hbm>>, %arg7: memref<40x128xi32, #tpu.memory_space<vmem>>, %arg8: memref<128xf32, #tpu.memory_space<vmem>>, %arg9: memref<10240xf32, #tpu.memory_space<vmem_shared>>) attributes {dimension_semantics = [#tpu.dimension_semantics<core_parallel>, #tpu.dimension_semantics<subcore_parallel>], iteration_bounds = array<i64: 2, 16>, scalar_prefetch = 0 : i64, scratch_operands = 3 : i64, tpu.core_type = #tpu.core_type<sc_vector_subcore>, window_params = [{transform_indices = #map}, {transform_indices = #map1}, {transform_indices = #map1}, {transform_indices = #map1}, {transform_indices = #map1}]} {
    %mul3A = arith.constant 16 : i32
    %mul3A_0 = arith.muli %arg0, %mul3A : i32
    %add3A = arith.addi %mul3A_0, %arg1 : i32
    %eq3A = arith.constant 0 : i32
    %eq3A_1 = arith.cmpi eq, %arg0, %eq3A : i32
    %convert_element_type3A = arith.extui %eq3A_1 : i1 to i32
    %cond3A = arith.constant 0 : i32
    %cond3A_2 = arith.cmpi ne, %convert_element_type3A, %cond3A : i32
    scf.if %cond3A_2 {
      %mul3A_26 = arith.constant 640 : i32
      %mul3A_27 = arith.muli %arg1, %mul3A_26 : i32
      %mul3A_28 = arith.constant 640 : i32
      %mul3A_29 = arith.muli %arg1, %mul3A_28 : i32
      "tpu.region"() ({
        %run_scoped3A = tpu.sem_alloc : memref<!tpu.dma_semaphore, #tpu.memory_space<semaphore_mem>>
        %dma_start3A = tpu.memref_slice %arg9[%mul3A_29] : memref<10240xf32, #tpu.memory_space<vmem_shared>> -> memref<640xf32, #tpu.memory_space<vmem_shared>>
        %dma_start3A_30 = tpu.memref_slice %arg3[%mul3A_27] : memref<10240xf32, #tpu.memory_space<hbm>> -> memref<640xf32, #tpu.memory_space<hbm>>
        tpu.enqueue_dma source(%dma_start3A_30 : memref<640xf32, #tpu.memory_space<hbm>>) target(%dma_start3A : memref<640xf32, #tpu.memory_space<vmem_shared>>) target_semaphore(%run_scoped3A : memref<!tpu.dma_semaphore, #tpu.memory_space<semaphore_mem>>)
        %dma_wait3A = tpu.memref_slice %arg9[%mul3A_29] : memref<10240xf32, #tpu.memory_space<vmem_shared>> -> memref<640xf32, #tpu.memory_space<vmem_shared>>
        %dma_wait3A_31 = tpu.memref_slice %arg3[%mul3A_27] : memref<10240xf32, #tpu.memory_space<hbm>> -> memref<640xf32, #tpu.memory_space<hbm>>
        tpu.wait_dma2 semaphore(%run_scoped3A : memref<!tpu.dma_semaphore, #tpu.memory_space<semaphore_mem>>) src(%dma_wait3A_31 : memref<640xf32, #tpu.memory_space<hbm>>) dst(%dma_wait3A : memref<640xf32, #tpu.memory_space<vmem_shared>>)
        tpu.yield
      }) : () -> ()
    } else {
    }
    %eq3A_3 = arith.constant 1 : i32
    %eq3A_4 = arith.cmpi eq, %arg0, %eq3A_3 : i32
    %convert_element_type3A_5 = arith.extui %eq3A_4 : i1 to i32
    %cond3A_6 = arith.constant 0 : i32
    %cond3A_7 = arith.cmpi ne, %convert_element_type3A_5, %cond3A_6 : i32
    scf.if %cond3A_7 {
      %mul3A_26 = arith.constant 640 : i32
      %mul3A_27 = arith.muli %arg1, %mul3A_26 : i32
      %mul3A_28 = arith.constant 640 : i32
      %mul3A_29 = arith.muli %arg1, %mul3A_28 : i32
      "tpu.region"() ({
        %run_scoped3A = tpu.sem_alloc : memref<!tpu.dma_semaphore, #tpu.memory_space<semaphore_mem>>
        %dma_start3A = tpu.memref_slice %arg9[%mul3A_29] : memref<10240xf32, #tpu.memory_space<vmem_shared>> -> memref<640xf32, #tpu.memory_space<vmem_shared>>
        %dma_start3A_30 = tpu.memref_slice %arg4[%mul3A_27] : memref<10240xf32, #tpu.memory_space<hbm>> -> memref<640xf32, #tpu.memory_space<hbm>>
        tpu.enqueue_dma source(%dma_start3A_30 : memref<640xf32, #tpu.memory_space<hbm>>) target(%dma_start3A : memref<640xf32, #tpu.memory_space<vmem_shared>>) target_semaphore(%run_scoped3A : memref<!tpu.dma_semaphore, #tpu.memory_space<semaphore_mem>>)
        %dma_wait3A = tpu.memref_slice %arg9[%mul3A_29] : memref<10240xf32, #tpu.memory_space<vmem_shared>> -> memref<640xf32, #tpu.memory_space<vmem_shared>>
        %dma_wait3A_31 = tpu.memref_slice %arg4[%mul3A_27] : memref<10240xf32, #tpu.memory_space<hbm>> -> memref<640xf32, #tpu.memory_space<hbm>>
        tpu.wait_dma2 semaphore(%run_scoped3A : memref<!tpu.dma_semaphore, #tpu.memory_space<semaphore_mem>>) src(%dma_wait3A_31 : memref<640xf32, #tpu.memory_space<hbm>>) dst(%dma_wait3A : memref<640xf32, #tpu.memory_space<vmem_shared>>)
        tpu.yield
      }) : () -> ()
    } else {
    }
    "tpu.region"() ({
      %run_scoped3A = tpu.sem_alloc : memref<!tpu.dma_semaphore, #tpu.memory_space<semaphore_mem>>
      %dma_start3A = arith.constant 0 : i32
      %dma_start3A_26 = tpu.memref_slice %arg3[%dma_start3A] : memref<10240xf32, #tpu.memory_space<hbm>> -> memref<128xf32, #tpu.memory_space<hbm>>
      %dma_start3A_27 = arith.constant 0 : i32
      %dma_start3A_28 = tpu.memref_slice %arg3[%dma_start3A_27] : memref<10240xf32, #tpu.memory_space<hbm>> -> memref<128xf32, #tpu.memory_space<hbm>>
      tpu.enqueue_dma source(%dma_start3A_28 : memref<128xf32, #tpu.memory_space<hbm>>) target(%arg8 : memref<128xf32, #tpu.memory_space<vmem>>) target_semaphore(%run_scoped3A : memref<!tpu.dma_semaphore, #tpu.memory_space<semaphore_mem>>)
      %dma_wait3A = arith.constant 0 : i32
      %dma_wait3A_29 = tpu.memref_slice %arg3[%dma_wait3A] : memref<10240xf32, #tpu.memory_space<hbm>> -> memref<128xf32, #tpu.memory_space<hbm>>
      %dma_wait3A_30 = arith.constant 0 : i32
      %dma_wait3A_31 = tpu.memref_slice %arg3[%dma_wait3A_30] : memref<10240xf32, #tpu.memory_space<hbm>> -> memref<128xf32, #tpu.memory_space<hbm>>
      tpu.wait_dma2 semaphore(%run_scoped3A : memref<!tpu.dma_semaphore, #tpu.memory_space<semaphore_mem>>) src(%dma_wait3A_31 : memref<128xf32, #tpu.memory_space<hbm>>) dst(%arg8 : memref<128xf32, #tpu.memory_space<vmem>>)
      tpu.yield
    }) : () -> ()
    %mul3A_8 = arith.constant 40 : i32
    %mul3A_9 = arith.muli %add3A, %mul3A_8 : i32
    "tpu.region"() ({
      %run_scoped3A = tpu.sem_alloc : memref<!tpu.dma_semaphore, #tpu.memory_space<semaphore_mem>>
      %dma_start3A = arith.constant 0 : i32
      %dma_start3A_26 = tpu.memref_slice %arg2[%mul3A_9, %dma_start3A] : memref<1280x128xi32, #tpu.memory_space<hbm>> -> memref<40x128xi32, #tpu.memory_space<hbm>>
      %dma_start3A_27 = arith.constant 0 : i32
      %dma_start3A_28 = tpu.memref_slice %arg2[%mul3A_9, %dma_start3A_27] : memref<1280x128xi32, #tpu.memory_space<hbm>> -> memref<40x128xi32, #tpu.memory_space<hbm>>
      tpu.enqueue_dma source(%dma_start3A_28 : memref<40x128xi32, #tpu.memory_space<hbm>>) target(%arg7 : memref<40x128xi32, #tpu.memory_space<vmem>>) target_semaphore(%run_scoped3A : memref<!tpu.dma_semaphore, #tpu.memory_space<semaphore_mem>>)
      %dma_wait3A = arith.constant 0 : i32
      %dma_wait3A_29 = tpu.memref_slice %arg2[%mul3A_9, %dma_wait3A] : memref<1280x128xi32, #tpu.memory_space<hbm>> -> memref<40x128xi32, #tpu.memory_space<hbm>>
      %dma_wait3A_30 = arith.constant 0 : i32
      %dma_wait3A_31 = tpu.memref_slice %arg2[%mul3A_9, %dma_wait3A_30] : memref<1280x128xi32, #tpu.memory_space<hbm>> -> memref<40x128xi32, #tpu.memory_space<hbm>>
      tpu.wait_dma2 semaphore(%run_scoped3A : memref<!tpu.dma_semaphore, #tpu.memory_space<semaphore_mem>>) src(%dma_wait3A_31 : memref<40x128xi32, #tpu.memory_space<hbm>>) dst(%arg7 : memref<40x128xi32, #tpu.memory_space<vmem>>)
      tpu.yield
    }) : () -> ()
    %barrier3A = arith.constant 0 : index
    tpu.barrier barrier_id(%barrier3A)
    %scan3A = arith.constant 0 : i32
    %scan3A_10 = arith.constant 0 : i32
    %scan3A_11 = arith.constant 40 : i32
    %scan3A_12 = arith.addi %scan3A_10, %scan3A_11 : i32
    %scan3A_13 = arith.constant 1 : i32
    scf.for %scan3A_26 = %scan3A_10 to %scan3A_12 step %scan3A_13  : i32 {
      "tpu.region"() ({
        %run_scoped3A = tpu.sem_alloc : memref<!tpu.dma_semaphore, #tpu.memory_space<semaphore_mem>>
        %dma_start3A = arith.constant 0 : i32
        %dma_start3A_27 = tpu.memref_slice %arg7[%scan3A_26, %dma_start3A] : memref<40x128xi32, #tpu.memory_space<vmem>> -> memref<1x128xi32, #tpu.memory_space<vmem>>
        %dma_start3A_28 = tpu.memref_squeeze %dma_start3A_27 : memref<1x128xi32, #tpu.memory_space<vmem>> -> memref<128xi32, #tpu.memory_space<vmem>>
        %dma_start3A_29 = arith.constant 0 : i32
        %dma_start3A_30 = tpu.memref_slice %arg9[%dma_start3A_29] : memref<10240xf32, #tpu.memory_space<vmem_shared>> -> memref<10240xf32, #tpu.memory_space<vmem_shared>>
        tpu.enqueue_indirect_dma source(%arg8 : memref<128xf32, #tpu.memory_space<vmem>>) target(%dma_start3A_30 : memref<10240xf32, #tpu.memory_space<vmem_shared>>) offsets(%dma_start3A_28 : memref<128xi32, #tpu.memory_space<vmem>>) semaphore(%run_scoped3A : memref<!tpu.dma_semaphore, #tpu.memory_space<semaphore_mem>>) {add = true}
        %dma_wait3A = arith.constant 0 : i32
        %dma_wait3A_31 = tpu.memref_slice %arg7[%scan3A_26, %dma_wait3A] : memref<40x128xi32, #tpu.memory_space<vmem>> -> memref<1x128xi32, #tpu.memory_space<vmem>>
        %dma_wait3A_32 = tpu.memref_squeeze %dma_wait3A_31 : memref<1x128xi32, #tpu.memory_space<vmem>> -> memref<128xi32, #tpu.memory_space<vmem>>
        %dma_wait3A_33 = arith.constant 0 : i32
        %dma_wait3A_34 = tpu.memref_slice %arg9[%dma_wait3A_33] : memref<10240xf32, #tpu.memory_space<vmem_shared>> -> memref<10240xf32, #tpu.memory_space<vmem_shared>>
        tpu.wait_indirect_dma semaphore(%run_scoped3A : memref<!tpu.dma_semaphore, #tpu.memory_space<semaphore_mem>>) src(%arg8 : memref<128xf32, #tpu.memory_space<vmem>>) dst(%dma_wait3A_34 : memref<10240xf32, #tpu.memory_space<vmem_shared>>)
        tpu.yield
      }) : () -> ()
    }
    %scan3A_14 = arith.constant 40 : i32
    %barrier3A_15 = arith.constant 0 : index
    tpu.barrier barrier_id(%barrier3A_15)
    %eq3A_16 = arith.constant 0 : i32
    %eq3A_17 = arith.cmpi eq, %arg0, %eq3A_16 : i32
    %convert_element_type3A_18 = arith.extui %eq3A_17 : i1 to i32
    %cond3A_19 = arith.constant 0 : i32
    %cond3A_20 = arith.cmpi ne, %convert_element_type3A_18, %cond3A_19 : i32
    scf.if %cond3A_20 {
      %mul3A_26 = arith.constant 640 : i32
      %mul3A_27 = arith.muli %arg1, %mul3A_26 : i32
      %mul3A_28 = arith.constant 640 : i32
      %mul3A_29 = arith.muli %arg1, %mul3A_28 : i32
      "tpu.region"() ({
        %run_scoped3A = tpu.sem_alloc : memref<!tpu.dma_semaphore, #tpu.memory_space<semaphore_mem>>
        %dma_start3A = tpu.memref_slice %arg5[%mul3A_29] : memref<10240xf32, #tpu.memory_space<hbm>> -> memref<640xf32, #tpu.memory_space<hbm>>
        %dma_start3A_30 = tpu.memref_slice %arg9[%mul3A_27] : memref<10240xf32, #tpu.memory_space<vmem_shared>> -> memref<640xf32, #tpu.memory_space<vmem_shared>>
        tpu.enqueue_dma source(%dma_start3A_30 : memref<640xf32, #tpu.memory_space<vmem_shared>>) target(%dma_start3A : memref<640xf32, #tpu.memory_space<hbm>>) target_semaphore(%run_scoped3A : memref<!tpu.dma_semaphore, #tpu.memory_space<semaphore_mem>>)
        %dma_wait3A = tpu.memref_slice %arg5[%mul3A_29] : memref<10240xf32, #tpu.memory_space<hbm>> -> memref<640xf32, #tpu.memory_space<hbm>>
        %dma_wait3A_31 = tpu.memref_slice %arg9[%mul3A_27] : memref<10240xf32, #tpu.memory_space<vmem_shared>> -> memref<640xf32, #tpu.memory_space<vmem_shared>>
        tpu.wait_dma2 semaphore(%run_scoped3A : memref<!tpu.dma_semaphore, #tpu.memory_space<semaphore_mem>>) src(%dma_wait3A_31 : memref<640xf32, #tpu.memory_space<vmem_shared>>) dst(%dma_wait3A : memref<640xf32, #tpu.memory_space<hbm>>)
        tpu.yield
      }) : () -> ()
    } else {
    }
    %eq3A_21 = arith.constant 1 : i32
    %eq3A_22 = arith.cmpi eq, %arg0, %eq3A_21 : i32
    %convert_element_type3A_23 = arith.extui %eq3A_22 : i1 to i32
    %cond3A_24 = arith.constant 0 : i32
    %cond3A_25 = arith.cmpi ne, %convert_element_type3A_23, %cond3A_24 : i32
    scf.if %cond3A_25 {
      %mul3A_26 = arith.constant 640 : i32
      %mul3A_27 = arith.muli %arg1, %mul3A_26 : i32
      %mul3A_28 = arith.constant 640 : i32
      %mul3A_29 = arith.muli %arg1, %mul3A_28 : i32
      "tpu.region"() ({
        %run_scoped3A = tpu.sem_alloc : memref<!tpu.dma_semaphore, #tpu.memory_space<semaphore_mem>>
        %dma_start3A = tpu.memref_slice %arg6[%mul3A_29] : memref<10240xf32, #tpu.memory_space<hbm>> -> memref<640xf32, #tpu.memory_space<hbm>>
        %dma_start3A_30 = tpu.memref_slice %arg9[%mul3A_27] : memref<10240xf32, #tpu.memory_space<vmem_shared>> -> memref<640xf32, #tpu.memory_space<vmem_shared>>
        tpu.enqueue_dma source(%dma_start3A_30 : memref<640xf32, #tpu.memory_space<vmem_shared>>) target(%dma_start3A : memref<640xf32, #tpu.memory_space<hbm>>) target_semaphore(%run_scoped3A : memref<!tpu.dma_semaphore, #tpu.memory_space<semaphore_mem>>)
        %dma_wait3A = tpu.memref_slice %arg6[%mul3A_29] : memref<10240xf32, #tpu.memory_space<hbm>> -> memref<640xf32, #tpu.memory_space<hbm>>
        %dma_wait3A_31 = tpu.memref_slice %arg9[%mul3A_27] : memref<10240xf32, #tpu.memory_space<vmem_shared>> -> memref<640xf32, #tpu.memory_space<vmem_shared>>
        tpu.wait_dma2 semaphore(%run_scoped3A : memref<!tpu.dma_semaphore, #tpu.memory_space<semaphore_mem>>) src(%dma_wait3A_31 : memref<640xf32, #tpu.memory_space<vmem_shared>>) dst(%dma_wait3A : memref<640xf32, #tpu.memory_space<hbm>>)
        tpu.yield
      }) : () -> ()
    } else {
    }
    return
  }
}

#map = affine_map<(d0, d1) -> (0)>
#map1 = affine_map<(d0, d1) -> (0, 0)>
module attributes {stable_mosaic.version = 14 : i64} {
  func.func @k(%arg0: i32, %arg1: i32, %arg2: memref<10240xf32, #tpu.memory_space<hbm>>, %arg3: memref<10240xf32, #tpu.memory_space<hbm>>, %arg4: memref<1280x128xi32, #tpu.memory_space<hbm>>, %arg5: memref<1280x128xi32, #tpu.memory_space<hbm>>, %arg6: memref<10240xf32, #tpu.memory_space<hbm>>, %arg7: memref<10240xf32, #tpu.memory_space<hbm>>, %arg8: memref<40x128xi32, #tpu.memory_space<vmem>>, %arg9: memref<40x128xi32, #tpu.memory_space<vmem>>, %arg10: memref<128xf32, #tpu.memory_space<vmem>>, %arg11: memref<10240xf32, #tpu.memory_space<vmem_shared>>, %arg12: memref<10240xf32, #tpu.memory_space<vmem_shared>>, %arg13: memref<!tpu.dma_semaphore, #tpu.memory_space<semaphore_mem>>) attributes {dimension_semantics = [#tpu.dimension_semantics<core_parallel>, #tpu.dimension_semantics<subcore_parallel>], iteration_bounds = array<i64: 2, 16>, scalar_prefetch = 0 : i64, scratch_operands = 6 : i64, tpu.core_type = #tpu.core_type<sc_vector_subcore>, window_params = [{transform_indices = #map}, {transform_indices = #map}, {transform_indices = #map1}, {transform_indices = #map1}, {transform_indices = #map}, {transform_indices = #map}]} {
    %mul3A = arith.constant 16 : i32
    %mul3A_0 = arith.muli %arg0, %mul3A : i32
    %add3A = arith.addi %mul3A_0, %arg1 : i32
    %mul3A_1 = arith.constant 640 : i32
    %mul3A_2 = arith.muli %arg1, %mul3A_1 : i32
    %mul3A_3 = arith.constant 640 : i32
    %mul3A_4 = arith.muli %arg1, %mul3A_3 : i32
    "tpu.region"() ({
      %run_scoped3A = tpu.sem_alloc : memref<!tpu.dma_semaphore, #tpu.memory_space<semaphore_mem>>
      %dma_start3A = tpu.memref_slice %arg11[%mul3A_4] : memref<10240xf32, #tpu.memory_space<vmem_shared>> -> memref<640xf32, #tpu.memory_space<vmem_shared>>
      %dma_start3A_32 = tpu.memref_slice %arg2[%mul3A_2] : memref<10240xf32, #tpu.memory_space<hbm>> -> memref<640xf32, #tpu.memory_space<hbm>>
      tpu.enqueue_dma source(%dma_start3A_32 : memref<640xf32, #tpu.memory_space<hbm>>) target(%dma_start3A : memref<640xf32, #tpu.memory_space<vmem_shared>>) target_semaphore(%run_scoped3A : memref<!tpu.dma_semaphore, #tpu.memory_space<semaphore_mem>>)
      %dma_wait3A = tpu.memref_slice %arg11[%mul3A_4] : memref<10240xf32, #tpu.memory_space<vmem_shared>> -> memref<640xf32, #tpu.memory_space<vmem_shared>>
      %dma_wait3A_33 = tpu.memref_slice %arg2[%mul3A_2] : memref<10240xf32, #tpu.memory_space<hbm>> -> memref<640xf32, #tpu.memory_space<hbm>>
      tpu.wait_dma2 semaphore(%run_scoped3A : memref<!tpu.dma_semaphore, #tpu.memory_space<semaphore_mem>>) src(%dma_wait3A_33 : memref<640xf32, #tpu.memory_space<hbm>>) dst(%dma_wait3A : memref<640xf32, #tpu.memory_space<vmem_shared>>)
      tpu.yield
    }) : () -> ()
    %eq3A = arith.constant 0 : i32
    %eq3A_5 = arith.cmpi eq, %arg0, %eq3A : i32
    %convert_element_type3A = arith.extui %eq3A_5 : i1 to i32
    %cond3A = arith.constant 0 : i32
    %cond3A_6 = arith.cmpi ne, %convert_element_type3A, %cond3A : i32
    scf.if %cond3A_6 {
      %mul3A_32 = arith.constant 640 : i32
      %mul3A_33 = arith.muli %arg1, %mul3A_32 : i32
      %mul3A_34 = arith.constant 640 : i32
      %mul3A_35 = arith.muli %arg1, %mul3A_34 : i32
      "tpu.region"() ({
        %run_scoped3A = tpu.sem_alloc : memref<!tpu.dma_semaphore, #tpu.memory_space<semaphore_mem>>
        %dma_start3A = tpu.memref_slice %arg12[%mul3A_35] : memref<10240xf32, #tpu.memory_space<vmem_shared>> -> memref<640xf32, #tpu.memory_space<vmem_shared>>
        %dma_start3A_36 = tpu.memref_slice %arg2[%mul3A_33] : memref<10240xf32, #tpu.memory_space<hbm>> -> memref<640xf32, #tpu.memory_space<hbm>>
        tpu.enqueue_dma source(%dma_start3A_36 : memref<640xf32, #tpu.memory_space<hbm>>) target(%dma_start3A : memref<640xf32, #tpu.memory_space<vmem_shared>>) target_semaphore(%run_scoped3A : memref<!tpu.dma_semaphore, #tpu.memory_space<semaphore_mem>>)
        %dma_wait3A = tpu.memref_slice %arg12[%mul3A_35] : memref<10240xf32, #tpu.memory_space<vmem_shared>> -> memref<640xf32, #tpu.memory_space<vmem_shared>>
        %dma_wait3A_37 = tpu.memref_slice %arg2[%mul3A_33] : memref<10240xf32, #tpu.memory_space<hbm>> -> memref<640xf32, #tpu.memory_space<hbm>>
        tpu.wait_dma2 semaphore(%run_scoped3A : memref<!tpu.dma_semaphore, #tpu.memory_space<semaphore_mem>>) src(%dma_wait3A_37 : memref<640xf32, #tpu.memory_space<hbm>>) dst(%dma_wait3A : memref<640xf32, #tpu.memory_space<vmem_shared>>)
        tpu.yield
      }) : () -> ()
    } else {
    }
    %eq3A_7 = arith.constant 1 : i32
    %eq3A_8 = arith.cmpi eq, %arg0, %eq3A_7 : i32
    %convert_element_type3A_9 = arith.extui %eq3A_8 : i1 to i32
    %cond3A_10 = arith.constant 0 : i32
    %cond3A_11 = arith.cmpi ne, %convert_element_type3A_9, %cond3A_10 : i32
    scf.if %cond3A_11 {
      %mul3A_32 = arith.constant 640 : i32
      %mul3A_33 = arith.muli %arg1, %mul3A_32 : i32
      %mul3A_34 = arith.constant 640 : i32
      %mul3A_35 = arith.muli %arg1, %mul3A_34 : i32
      "tpu.region"() ({
        %run_scoped3A = tpu.sem_alloc : memref<!tpu.dma_semaphore, #tpu.memory_space<semaphore_mem>>
        %dma_start3A = tpu.memref_slice %arg12[%mul3A_35] : memref<10240xf32, #tpu.memory_space<vmem_shared>> -> memref<640xf32, #tpu.memory_space<vmem_shared>>
        %dma_start3A_36 = tpu.memref_slice %arg3[%mul3A_33] : memref<10240xf32, #tpu.memory_space<hbm>> -> memref<640xf32, #tpu.memory_space<hbm>>
        tpu.enqueue_dma source(%dma_start3A_36 : memref<640xf32, #tpu.memory_space<hbm>>) target(%dma_start3A : memref<640xf32, #tpu.memory_space<vmem_shared>>) target_semaphore(%run_scoped3A : memref<!tpu.dma_semaphore, #tpu.memory_space<semaphore_mem>>)
        %dma_wait3A = tpu.memref_slice %arg12[%mul3A_35] : memref<10240xf32, #tpu.memory_space<vmem_shared>> -> memref<640xf32, #tpu.memory_space<vmem_shared>>
        %dma_wait3A_37 = tpu.memref_slice %arg3[%mul3A_33] : memref<10240xf32, #tpu.memory_space<hbm>> -> memref<640xf32, #tpu.memory_space<hbm>>
        tpu.wait_dma2 semaphore(%run_scoped3A : memref<!tpu.dma_semaphore, #tpu.memory_space<semaphore_mem>>) src(%dma_wait3A_37 : memref<640xf32, #tpu.memory_space<hbm>>) dst(%dma_wait3A : memref<640xf32, #tpu.memory_space<vmem_shared>>)
        tpu.yield
      }) : () -> ()
    } else {
    }
    %mul3A_12 = arith.constant 40 : i32
    %mul3A_13 = arith.muli %add3A, %mul3A_12 : i32
    "tpu.region"() ({
      %run_scoped3A = tpu.sem_alloc : memref<!tpu.dma_semaphore, #tpu.memory_space<semaphore_mem>>
      %dma_start3A = arith.constant 0 : i32
      %dma_start3A_32 = tpu.memref_slice %arg4[%mul3A_13, %dma_start3A] : memref<1280x128xi32, #tpu.memory_space<hbm>> -> memref<40x128xi32, #tpu.memory_space<hbm>>
      %dma_start3A_33 = arith.constant 0 : i32
      %dma_start3A_34 = tpu.memref_slice %arg4[%mul3A_13, %dma_start3A_33] : memref<1280x128xi32, #tpu.memory_space<hbm>> -> memref<40x128xi32, #tpu.memory_space<hbm>>
      tpu.enqueue_dma source(%dma_start3A_34 : memref<40x128xi32, #tpu.memory_space<hbm>>) target(%arg8 : memref<40x128xi32, #tpu.memory_space<vmem>>) target_semaphore(%run_scoped3A : memref<!tpu.dma_semaphore, #tpu.memory_space<semaphore_mem>>)
      %dma_wait3A = arith.constant 0 : i32
      %dma_wait3A_35 = tpu.memref_slice %arg4[%mul3A_13, %dma_wait3A] : memref<1280x128xi32, #tpu.memory_space<hbm>> -> memref<40x128xi32, #tpu.memory_space<hbm>>
      %dma_wait3A_36 = arith.constant 0 : i32
      %dma_wait3A_37 = tpu.memref_slice %arg4[%mul3A_13, %dma_wait3A_36] : memref<1280x128xi32, #tpu.memory_space<hbm>> -> memref<40x128xi32, #tpu.memory_space<hbm>>
      tpu.wait_dma2 semaphore(%run_scoped3A : memref<!tpu.dma_semaphore, #tpu.memory_space<semaphore_mem>>) src(%dma_wait3A_37 : memref<40x128xi32, #tpu.memory_space<hbm>>) dst(%arg8 : memref<40x128xi32, #tpu.memory_space<vmem>>)
      tpu.yield
    }) : () -> ()
    %mul3A_14 = arith.constant 40 : i32
    %mul3A_15 = arith.muli %add3A, %mul3A_14 : i32
    "tpu.region"() ({
      %run_scoped3A = tpu.sem_alloc : memref<!tpu.dma_semaphore, #tpu.memory_space<semaphore_mem>>
      %dma_start3A = arith.constant 0 : i32
      %dma_start3A_32 = tpu.memref_slice %arg5[%mul3A_15, %dma_start3A] : memref<1280x128xi32, #tpu.memory_space<hbm>> -> memref<40x128xi32, #tpu.memory_space<hbm>>
      %dma_start3A_33 = arith.constant 0 : i32
      %dma_start3A_34 = tpu.memref_slice %arg5[%mul3A_15, %dma_start3A_33] : memref<1280x128xi32, #tpu.memory_space<hbm>> -> memref<40x128xi32, #tpu.memory_space<hbm>>
      tpu.enqueue_dma source(%dma_start3A_34 : memref<40x128xi32, #tpu.memory_space<hbm>>) target(%arg9 : memref<40x128xi32, #tpu.memory_space<vmem>>) target_semaphore(%run_scoped3A : memref<!tpu.dma_semaphore, #tpu.memory_space<semaphore_mem>>)
      %dma_wait3A = arith.constant 0 : i32
      %dma_wait3A_35 = tpu.memref_slice %arg5[%mul3A_15, %dma_wait3A] : memref<1280x128xi32, #tpu.memory_space<hbm>> -> memref<40x128xi32, #tpu.memory_space<hbm>>
      %dma_wait3A_36 = arith.constant 0 : i32
      %dma_wait3A_37 = tpu.memref_slice %arg5[%mul3A_15, %dma_wait3A_36] : memref<1280x128xi32, #tpu.memory_space<hbm>> -> memref<40x128xi32, #tpu.memory_space<hbm>>
      tpu.wait_dma2 semaphore(%run_scoped3A : memref<!tpu.dma_semaphore, #tpu.memory_space<semaphore_mem>>) src(%dma_wait3A_37 : memref<40x128xi32, #tpu.memory_space<hbm>>) dst(%arg9 : memref<40x128xi32, #tpu.memory_space<vmem>>)
      tpu.yield
    }) : () -> ()
    %barrier3A = arith.constant 0 : index
    tpu.barrier barrier_id(%barrier3A)
    %scan3A = arith.constant 0 : i32
    %scan3A_16 = arith.constant 0 : i32
    %scan3A_17 = arith.constant 40 : i32
    %scan3A_18 = arith.addi %scan3A_16, %scan3A_17 : i32
    %scan3A_19 = arith.constant 1 : i32
    scf.for %scan3A_32 = %scan3A_16 to %scan3A_18 step %scan3A_19  : i32 {
      %dma_start3A = arith.constant 0 : i32
      %dma_start3A_33 = tpu.memref_slice %arg8[%scan3A_32, %dma_start3A] : memref<40x128xi32, #tpu.memory_space<vmem>> -> memref<1x128xi32, #tpu.memory_space<vmem>>
      %dma_start3A_34 = tpu.memref_squeeze %dma_start3A_33 : memref<1x128xi32, #tpu.memory_space<vmem>> -> memref<128xi32, #tpu.memory_space<vmem>>
      %dma_start3A_35 = arith.constant 0 : i32
      %dma_start3A_36 = tpu.memref_slice %arg11[%dma_start3A_35] : memref<10240xf32, #tpu.memory_space<vmem_shared>> -> memref<10240xf32, #tpu.memory_space<vmem_shared>>
      tpu.enqueue_indirect_dma source(%dma_start3A_36 : memref<10240xf32, #tpu.memory_space<vmem_shared>>) target(%arg10 : memref<128xf32, #tpu.memory_space<vmem>>) offsets(%dma_start3A_34 : memref<128xi32, #tpu.memory_space<vmem>>) semaphore(%arg13 : memref<!tpu.dma_semaphore, #tpu.memory_space<semaphore_mem>>)
      %dma_wait3A = arith.constant 0 : i32
      %dma_wait3A_37 = tpu.memref_slice %arg8[%scan3A_32, %dma_wait3A] : memref<40x128xi32, #tpu.memory_space<vmem>> -> memref<1x128xi32, #tpu.memory_space<vmem>>
      %dma_wait3A_38 = tpu.memref_squeeze %dma_wait3A_37 : memref<1x128xi32, #tpu.memory_space<vmem>> -> memref<128xi32, #tpu.memory_space<vmem>>
      %dma_wait3A_39 = arith.constant 0 : i32
      %dma_wait3A_40 = tpu.memref_slice %arg11[%dma_wait3A_39] : memref<10240xf32, #tpu.memory_space<vmem_shared>> -> memref<10240xf32, #tpu.memory_space<vmem_shared>>
      tpu.wait_indirect_dma semaphore(%arg13 : memref<!tpu.dma_semaphore, #tpu.memory_space<semaphore_mem>>) src(%dma_wait3A_40 : memref<10240xf32, #tpu.memory_space<vmem_shared>>) dst(%arg10 : memref<128xf32, #tpu.memory_space<vmem>>)
      "tpu.region"() ({
        %run_scoped3A = tpu.sem_alloc : memref<!tpu.dma_semaphore, #tpu.memory_space<semaphore_mem>>
        %dma_start3A_41 = arith.constant 0 : i32
        %dma_start3A_42 = tpu.memref_slice %arg9[%scan3A_32, %dma_start3A_41] : memref<40x128xi32, #tpu.memory_space<vmem>> -> memref<1x128xi32, #tpu.memory_space<vmem>>
        %dma_start3A_43 = tpu.memref_squeeze %dma_start3A_42 : memref<1x128xi32, #tpu.memory_space<vmem>> -> memref<128xi32, #tpu.memory_space<vmem>>
        %dma_start3A_44 = arith.constant 0 : i32
        %dma_start3A_45 = tpu.memref_slice %arg12[%dma_start3A_44] : memref<10240xf32, #tpu.memory_space<vmem_shared>> -> memref<10240xf32, #tpu.memory_space<vmem_shared>>
        tpu.enqueue_indirect_dma source(%arg10 : memref<128xf32, #tpu.memory_space<vmem>>) target(%dma_start3A_45 : memref<10240xf32, #tpu.memory_space<vmem_shared>>) offsets(%dma_start3A_43 : memref<128xi32, #tpu.memory_space<vmem>>) semaphore(%run_scoped3A : memref<!tpu.dma_semaphore, #tpu.memory_space<semaphore_mem>>) {add = true}
        %dma_wait3A_46 = arith.constant 0 : i32
        %dma_wait3A_47 = tpu.memref_slice %arg9[%scan3A_32, %dma_wait3A_46] : memref<40x128xi32, #tpu.memory_space<vmem>> -> memref<1x128xi32, #tpu.memory_space<vmem>>
        %dma_wait3A_48 = tpu.memref_squeeze %dma_wait3A_47 : memref<1x128xi32, #tpu.memory_space<vmem>> -> memref<128xi32, #tpu.memory_space<vmem>>
        %dma_wait3A_49 = arith.constant 0 : i32
        %dma_wait3A_50 = tpu.memref_slice %arg12[%dma_wait3A_49] : memref<10240xf32, #tpu.memory_space<vmem_shared>> -> memref<10240xf32, #tpu.memory_space<vmem_shared>>
        tpu.wait_indirect_dma semaphore(%run_scoped3A : memref<!tpu.dma_semaphore, #tpu.memory_space<semaphore_mem>>) src(%arg10 : memref<128xf32, #tpu.memory_space<vmem>>) dst(%dma_wait3A_50 : memref<10240xf32, #tpu.memory_space<vmem_shared>>)
        tpu.yield
      }) : () -> ()
    }
    %scan3A_20 = arith.constant 40 : i32
    %barrier3A_21 = arith.constant 0 : index
    tpu.barrier barrier_id(%barrier3A_21)
    %eq3A_22 = arith.constant 0 : i32
    %eq3A_23 = arith.cmpi eq, %arg0, %eq3A_22 : i32
    %convert_element_type3A_24 = arith.extui %eq3A_23 : i1 to i32
    %cond3A_25 = arith.constant 0 : i32
    %cond3A_26 = arith.cmpi ne, %convert_element_type3A_24, %cond3A_25 : i32
    scf.if %cond3A_26 {
      %mul3A_32 = arith.constant 640 : i32
      %mul3A_33 = arith.muli %arg1, %mul3A_32 : i32
      %mul3A_34 = arith.constant 640 : i32
      %mul3A_35 = arith.muli %arg1, %mul3A_34 : i32
      "tpu.region"() ({
        %run_scoped3A = tpu.sem_alloc : memref<!tpu.dma_semaphore, #tpu.memory_space<semaphore_mem>>
        %dma_start3A = tpu.memref_slice %arg6[%mul3A_35] : memref<10240xf32, #tpu.memory_space<hbm>> -> memref<640xf32, #tpu.memory_space<hbm>>
        %dma_start3A_36 = tpu.memref_slice %arg12[%mul3A_33] : memref<10240xf32, #tpu.memory_space<vmem_shared>> -> memref<640xf32, #tpu.memory_space<vmem_shared>>
        tpu.enqueue_dma source(%dma_start3A_36 : memref<640xf32, #tpu.memory_space<vmem_shared>>) target(%dma_start3A : memref<640xf32, #tpu.memory_space<hbm>>) target_semaphore(%run_scoped3A : memref<!tpu.dma_semaphore, #tpu.memory_space<semaphore_mem>>)
        %dma_wait3A = tpu.memref_slice %arg6[%mul3A_35] : memref<10240xf32, #tpu.memory_space<hbm>> -> memref<640xf32, #tpu.memory_space<hbm>>
        %dma_wait3A_37 = tpu.memref_slice %arg12[%mul3A_33] : memref<10240xf32, #tpu.memory_space<vmem_shared>> -> memref<640xf32, #tpu.memory_space<vmem_shared>>
        tpu.wait_dma2 semaphore(%run_scoped3A : memref<!tpu.dma_semaphore, #tpu.memory_space<semaphore_mem>>) src(%dma_wait3A_37 : memref<640xf32, #tpu.memory_space<vmem_shared>>) dst(%dma_wait3A : memref<640xf32, #tpu.memory_space<hbm>>)
        tpu.yield
      }) : () -> ()
    } else {
    }
    %eq3A_27 = arith.constant 1 : i32
    %eq3A_28 = arith.cmpi eq, %arg0, %eq3A_27 : i32
    %convert_element_type3A_29 = arith.extui %eq3A_28 : i1 to i32
    %cond3A_30 = arith.constant 0 : i32
    %cond3A_31 = arith.cmpi ne, %convert_element_type3A_29, %cond3A_30 : i32
    scf.if %cond3A_31 {
      %mul3A_32 = arith.constant 640 : i32
      %mul3A_33 = arith.muli %arg1, %mul3A_32 : i32
      %mul3A_34 = arith.constant 640 : i32
      %mul3A_35 = arith.muli %arg1, %mul3A_34 : i32
      "tpu.region"() ({
        %run_scoped3A = tpu.sem_alloc : memref<!tpu.dma_semaphore, #tpu.memory_space<semaphore_mem>>
        %dma_start3A = tpu.memref_slice %arg7[%mul3A_35] : memref<10240xf32, #tpu.memory_space<hbm>> -> memref<640xf32, #tpu.memory_space<hbm>>
        %dma_start3A_36 = tpu.memref_slice %arg12[%mul3A_33] : memref<10240xf32, #tpu.memory_space<vmem_shared>> -> memref<640xf32, #tpu.memory_space<vmem_shared>>
        tpu.enqueue_dma source(%dma_start3A_36 : memref<640xf32, #tpu.memory_space<vmem_shared>>) target(%dma_start3A : memref<640xf32, #tpu.memory_space<hbm>>) target_semaphore(%run_scoped3A : memref<!tpu.dma_semaphore, #tpu.memory_space<semaphore_mem>>)
        %dma_wait3A = tpu.memref_slice %arg7[%mul3A_35] : memref<10240xf32, #tpu.memory_space<hbm>> -> memref<640xf32, #tpu.memory_space<hbm>>
        %dma_wait3A_37 = tpu.memref_slice %arg12[%mul3A_33] : memref<10240xf32, #tpu.memory_space<vmem_shared>> -> memref<640xf32, #tpu.memory_space<vmem_shared>>
        tpu.wait_dma2 semaphore(%run_scoped3A : memref<!tpu.dma_semaphore, #tpu.memory_space<semaphore_mem>>) src(%dma_wait3A_37 : memref<640xf32, #tpu.memory_space<vmem_shared>>) dst(%dma_wait3A : memref<640xf32, #tpu.memory_space<hbm>>)
        tpu.yield
      }) : () -> ()
    } else {
    }
    return
  }
}

#map = affine_map<(d0, d1) -> (0, 0)>
module attributes {stable_mosaic.version = 14 : i64} {
  func.func @k(%arg0: i32, %arg1: i32, %arg2: memref<10240x128xf32, #tpu.memory_space<hbm>>, %arg3: memref<10240x128xf32, #tpu.memory_space<hbm>>, %arg4: memref<10240x128xf32, #tpu.memory_space<hbm>>, %arg5: memref<10240x128xf32, #tpu.memory_space<hbm>>, %arg6: memref<1280x128xi32, #tpu.memory_space<hbm>>, %arg7: memref<1280x128xi32, #tpu.memory_space<hbm>>, %arg8: memref<10240x128xf32, #tpu.memory_space<hbm>>, %arg9: memref<10240x128xf32, #tpu.memory_space<hbm>>, %arg10: memref<10240x128xf32, #tpu.memory_space<hbm>>, %arg11: memref<10240x128xf32, #tpu.memory_space<hbm>>, %arg12: memref<40x128xi32, #tpu.memory_space<vmem>>, %arg13: memref<40x128xi32, #tpu.memory_space<vmem>>, %arg14: memref<128x128xf32, #tpu.memory_space<vmem>>, %arg15: memref<128x128xf32, #tpu.memory_space<vmem>>, %arg16: memref<10240x128xf32, #tpu.memory_space<vmem_shared>>, %arg17: memref<!tpu.dma_semaphore, #tpu.memory_space<semaphore_mem>>, %arg18: memref<!tpu.dma_semaphore, #tpu.memory_space<semaphore_mem>>, %arg19: memref<!tpu.dma_semaphore, #tpu.memory_space<semaphore_mem>>, %arg20: memref<!tpu.dma_semaphore, #tpu.memory_space<semaphore_mem>>) attributes {dimension_semantics = [#tpu.dimension_semantics<core_parallel>, #tpu.dimension_semantics<subcore_parallel>], iteration_bounds = array<i64: 2, 16>, scalar_prefetch = 0 : i64, scratch_operands = 9 : i64, tpu.core_type = #tpu.core_type<sc_vector_subcore>, window_params = [{transform_indices = #map}, {transform_indices = #map}, {transform_indices = #map}, {transform_indices = #map}, {transform_indices = #map}, {transform_indices = #map}, {transform_indices = #map}, {transform_indices = #map}, {transform_indices = #map}, {transform_indices = #map}]} {
    %eq3A = arith.constant 0 : i32
    %eq3A_0 = arith.cmpi eq, %arg0, %eq3A : i32
    %convert_element_type3A = arith.extui %eq3A_0 : i1 to i32
    %cond3A = arith.constant 0 : i32
    %cond3A_1 = arith.cmpi ne, %convert_element_type3A, %cond3A : i32
    scf.if %cond3A_1 {
      %mul3A = arith.constant 640 : i32
      %mul3A_7 = arith.muli %arg1, %mul3A : i32
      %mul3A_8 = arith.constant 640 : i32
      %mul3A_9 = arith.muli %arg1, %mul3A_8 : i32
      "tpu.region"() ({
        %run_scoped3A = tpu.sem_alloc : memref<!tpu.dma_semaphore, #tpu.memory_space<semaphore_mem>>
        %dma_start3A = arith.constant 0 : i32
        %dma_start3A_126 = tpu.memref_slice %arg16[%mul3A_9, %dma_start3A] : memref<10240x128xf32, #tpu.memory_space<vmem_shared>> -> memref<640x128xf32, #tpu.memory_space<vmem_shared>>
        %dma_start3A_127 = arith.constant 0 : i32
        %dma_start3A_128 = tpu.memref_slice %arg2[%mul3A_7, %dma_start3A_127] : memref<10240x128xf32, #tpu.memory_space<hbm>> -> memref<640x128xf32, #tpu.memory_space<hbm>>
        tpu.enqueue_dma source(%dma_start3A_128 : memref<640x128xf32, #tpu.memory_space<hbm>>) target(%dma_start3A_126 : memref<640x128xf32, #tpu.memory_space<vmem_shared>>) target_semaphore(%run_scoped3A : memref<!tpu.dma_semaphore, #tpu.memory_space<semaphore_mem>>)
        %dma_wait3A_129 = arith.constant 0 : i32
        %dma_wait3A_130 = tpu.memref_slice %arg16[%mul3A_9, %dma_wait3A_129] : memref<10240x128xf32, #tpu.memory_space<vmem_shared>> -> memref<640x128xf32, #tpu.memory_space<vmem_shared>>
        %dma_wait3A_131 = arith.constant 0 : i32
        %dma_wait3A_132 = tpu.memref_slice %arg2[%mul3A_7, %dma_wait3A_131] : memref<10240x128xf32, #tpu.memory_space<hbm>> -> memref<640x128xf32, #tpu.memory_space<hbm>>
        tpu.wait_dma2 semaphore(%run_scoped3A : memref<!tpu.dma_semaphore, #tpu.memory_space<semaphore_mem>>) src(%dma_wait3A_132 : memref<640x128xf32, #tpu.memory_space<hbm>>) dst(%dma_wait3A_130 : memref<640x128xf32, #tpu.memory_space<vmem_shared>>)
        tpu.yield
      }) : () -> ()
      %barrier3A = arith.constant 0 : index
      tpu.barrier barrier_id(%barrier3A)
      %mul3A_10 = arith.constant 80 : i32
      %mul3A_11 = arith.muli %arg1, %mul3A_10 : i32
      %add3A = arith.constant 0 : i32
      %add3A_12 = arith.addi %mul3A_11, %add3A : i32
      "tpu.region"() ({
        %run_scoped3A = tpu.sem_alloc : memref<!tpu.dma_semaphore, #tpu.memory_space<semaphore_mem>>
        %dma_start3A = arith.constant 0 : i32
        %dma_start3A_126 = tpu.memref_slice %arg6[%add3A_12, %dma_start3A] : memref<1280x128xi32, #tpu.memory_space<hbm>> -> memref<40x128xi32, #tpu.memory_space<hbm>>
        %dma_start3A_127 = arith.constant 0 : i32
        %dma_start3A_128 = tpu.memref_slice %arg6[%add3A_12, %dma_start3A_127] : memref<1280x128xi32, #tpu.memory_space<hbm>> -> memref<40x128xi32, #tpu.memory_space<hbm>>
        tpu.enqueue_dma source(%dma_start3A_128 : memref<40x128xi32, #tpu.memory_space<hbm>>) target(%arg12 : memref<40x128xi32, #tpu.memory_space<vmem>>) target_semaphore(%run_scoped3A : memref<!tpu.dma_semaphore, #tpu.memory_space<semaphore_mem>>)
        %dma_wait3A_129 = arith.constant 0 : i32
        %dma_wait3A_130 = tpu.memref_slice %arg6[%add3A_12, %dma_wait3A_129] : memref<1280x128xi32, #tpu.memory_space<hbm>> -> memref<40x128xi32, #tpu.memory_space<hbm>>
        %dma_wait3A_131 = arith.constant 0 : i32
        %dma_wait3A_132 = tpu.memref_slice %arg6[%add3A_12, %dma_wait3A_131] : memref<1280x128xi32, #tpu.memory_space<hbm>> -> memref<40x128xi32, #tpu.memory_space<hbm>>
        tpu.wait_dma2 semaphore(%run_scoped3A : memref<!tpu.dma_semaphore, #tpu.memory_space<semaphore_mem>>) src(%dma_wait3A_132 : memref<40x128xi32, #tpu.memory_space<hbm>>) dst(%arg12 : memref<40x128xi32, #tpu.memory_space<vmem>>)
        tpu.yield
      }) : () -> ()
      %mul3A_13 = arith.constant 80 : i32
      %mul3A_14 = arith.muli %arg1, %mul3A_13 : i32
      %add3A_15 = arith.constant 0 : i32
      %add3A_16 = arith.addi %mul3A_14, %add3A_15 : i32
      "tpu.region"() ({
        %run_scoped3A = tpu.sem_alloc : memref<!tpu.dma_semaphore, #tpu.memory_space<semaphore_mem>>
        %dma_start3A = arith.constant 0 : i32
        %dma_start3A_126 = tpu.memref_slice %arg7[%add3A_16, %dma_start3A] : memref<1280x128xi32, #tpu.memory_space<hbm>> -> memref<40x128xi32, #tpu.memory_space<hbm>>
        %dma_start3A_127 = arith.constant 0 : i32
        %dma_start3A_128 = tpu.memref_slice %arg7[%add3A_16, %dma_start3A_127] : memref<1280x128xi32, #tpu.memory_space<hbm>> -> memref<40x128xi32, #tpu.memory_space<hbm>>
        tpu.enqueue_dma source(%dma_start3A_128 : memref<40x128xi32, #tpu.memory_space<hbm>>) target(%arg13 : memref<40x128xi32, #tpu.memory_space<vmem>>) target_semaphore(%run_scoped3A : memref<!tpu.dma_semaphore, #tpu.memory_space<semaphore_mem>>)
        %dma_wait3A_129 = arith.constant 0 : i32
        %dma_wait3A_130 = tpu.memref_slice %arg7[%add3A_16, %dma_wait3A_129] : memref<1280x128xi32, #tpu.memory_space<hbm>> -> memref<40x128xi32, #tpu.memory_space<hbm>>
        %dma_wait3A_131 = arith.constant 0 : i32
        %dma_wait3A_132 = tpu.memref_slice %arg7[%add3A_16, %dma_wait3A_131] : memref<1280x128xi32, #tpu.memory_space<hbm>> -> memref<40x128xi32, #tpu.memory_space<hbm>>
        tpu.wait_dma2 semaphore(%run_scoped3A : memref<!tpu.dma_semaphore, #tpu.memory_space<semaphore_mem>>) src(%dma_wait3A_132 : memref<40x128xi32, #tpu.memory_space<hbm>>) dst(%arg13 : memref<40x128xi32, #tpu.memory_space<vmem>>)
        tpu.yield
      }) : () -> ()
      %scan3A = arith.constant 0 : i32
      %scan3A_17 = arith.constant 0 : i32
      %scan3A_18 = arith.constant 20 : i32
      %scan3A_19 = arith.addi %scan3A_17, %scan3A_18 : i32
      %scan3A_20 = arith.constant 1 : i32
      scf.for %scan3A_126 = %scan3A_17 to %scan3A_19 step %scan3A_20  : i32 {
        %mul3A_127 = arith.constant 2 : i32
        %mul3A_128 = arith.muli %scan3A_126, %mul3A_127 : i32
        %gt3A = arith.constant 0 : i32
        %gt3A_129 = arith.cmpi sgt, %scan3A_126, %gt3A : i32
        %convert_element_type3A_130 = arith.extui %gt3A_129 : i1 to i32
        %cond3A_131 = arith.constant 0 : i32
        %cond3A_132 = arith.cmpi ne, %convert_element_type3A_130, %cond3A_131 : i32
        scf.if %cond3A_132 {
          %dma_wait3A_176 = arith.constant 0 : i32
          %dma_wait3A_177 = arith.constant 0 : i32
          %dma_wait3A_178 = tpu.memref_slice %arg2[%dma_wait3A_176, %dma_wait3A_177] : memref<10240x128xf32, #tpu.memory_space<hbm>> -> memref<128x128xf32, #tpu.memory_space<hbm>>
          %dma_wait3A_179 = arith.constant 0 : i32
          %dma_wait3A_180 = arith.constant 0 : i32
          %dma_wait3A_181 = tpu.memref_slice %arg2[%dma_wait3A_179, %dma_wait3A_180] : memref<10240x128xf32, #tpu.memory_space<hbm>> -> memref<128x128xf32, #tpu.memory_space<hbm>>
          tpu.wait_dma2 semaphore(%arg19 : memref<!tpu.dma_semaphore, #tpu.memory_space<semaphore_mem>>) src(%dma_wait3A_181 : memref<128x128xf32, #tpu.memory_space<hbm>>) dst(%arg14 : memref<128x128xf32, #tpu.memory_space<vmem>>)
          %dma_wait3A_182 = arith.constant 0 : i32
          %dma_wait3A_183 = arith.constant 0 : i32
          %dma_wait3A_184 = tpu.memref_slice %arg2[%dma_wait3A_182, %dma_wait3A_183] : memref<10240x128xf32, #tpu.memory_space<hbm>> -> memref<128x128xf32, #tpu.memory_space<hbm>>
          %dma_wait3A_185 = arith.constant 0 : i32
          %dma_wait3A_186 = arith.constant 0 : i32
          %dma_wait3A_187 = tpu.memref_slice %arg2[%dma_wait3A_185, %dma_wait3A_186] : memref<10240x128xf32, #tpu.memory_space<hbm>> -> memref<128x128xf32, #tpu.memory_space<hbm>>
          tpu.wait_dma2 semaphore(%arg20 : memref<!tpu.dma_semaphore, #tpu.memory_space<semaphore_mem>>) src(%dma_wait3A_187 : memref<128x128xf32, #tpu.memory_space<hbm>>) dst(%arg15 : memref<128x128xf32, #tpu.memory_space<vmem>>)
        } else {
        }
        %add3A_133 = arith.constant 0 : i32
        %add3A_134 = arith.addi %mul3A_128, %add3A_133 : i32
        %dma_start3A = arith.constant 0 : i32
        %dma_start3A_135 = tpu.memref_slice %arg12[%add3A_134, %dma_start3A] : memref<40x128xi32, #tpu.memory_space<vmem>> -> memref<1x128xi32, #tpu.memory_space<vmem>>
        %dma_start3A_136 = tpu.memref_squeeze %dma_start3A_135 : memref<1x128xi32, #tpu.memory_space<vmem>> -> memref<128xi32, #tpu.memory_space<vmem>>
        %dma_start3A_137 = arith.constant 0 : i32
        %dma_start3A_138 = arith.constant 0 : i32
        %dma_start3A_139 = tpu.memref_slice %arg2[%dma_start3A_137, %dma_start3A_138] : memref<10240x128xf32, #tpu.memory_space<hbm>> -> memref<10240x128xf32, #tpu.memory_space<hbm>>
        tpu.enqueue_indirect_dma source(%dma_start3A_139 : memref<10240x128xf32, #tpu.memory_space<hbm>>) target(%arg14 : memref<128x128xf32, #tpu.memory_space<vmem>>) offsets(%dma_start3A_136 : memref<128xi32, #tpu.memory_space<vmem>>) semaphore(%arg17 : memref<!tpu.dma_semaphore, #tpu.memory_space<semaphore_mem>>)
        %add3A_140 = arith.constant 1 : i32
        %add3A_141 = arith.addi %mul3A_128, %add3A_140 : i32
        %dma_start3A_142 = arith.constant 0 : i32
        %dma_start3A_143 = tpu.memref_slice %arg12[%add3A_141, %dma_start3A_142] : memref<40x128xi32, #tpu.memory_space<vmem>> -> memref<1x128xi32, #tpu.memory_space<vmem>>
        %dma_start3A_144 = tpu.memref_squeeze %dma_start3A_143 : memref<1x128xi32, #tpu.memory_space<vmem>> -> memref<128xi32, #tpu.memory_space<vmem>>
        %dma_start3A_145 = arith.constant 0 : i32
        %dma_start3A_146 = arith.constant 0 : i32
        %dma_start3A_147 = tpu.memref_slice %arg2[%dma_start3A_145, %dma_start3A_146] : memref<10240x128xf32, #tpu.memory_space<hbm>> -> memref<10240x128xf32, #tpu.memory_space<hbm>>
        tpu.enqueue_indirect_dma source(%dma_start3A_147 : memref<10240x128xf32, #tpu.memory_space<hbm>>) target(%arg15 : memref<128x128xf32, #tpu.memory_space<vmem>>) offsets(%dma_start3A_144 : memref<128xi32, #tpu.memory_space<vmem>>) semaphore(%arg18 : memref<!tpu.dma_semaphore, #tpu.memory_space<semaphore_mem>>)
        %dma_wait3A_148 = arith.constant 0 : i32
        %dma_wait3A_149 = tpu.memref_slice %arg12[%add3A_134, %dma_wait3A_148] : memref<40x128xi32, #tpu.memory_space<vmem>> -> memref<1x128xi32, #tpu.memory_space<vmem>>
        %dma_wait3A_150 = tpu.memref_squeeze %dma_wait3A_149 : memref<1x128xi32, #tpu.memory_space<vmem>> -> memref<128xi32, #tpu.memory_space<vmem>>
        %dma_wait3A_151 = arith.constant 0 : i32
        %dma_wait3A_152 = arith.constant 0 : i32
        %dma_wait3A_153 = tpu.memref_slice %arg2[%dma_wait3A_151, %dma_wait3A_152] : memref<10240x128xf32, #tpu.memory_space<hbm>> -> memref<10240x128xf32, #tpu.memory_space<hbm>>
        tpu.wait_indirect_dma semaphore(%arg17 : memref<!tpu.dma_semaphore, #tpu.memory_space<semaphore_mem>>) src(%dma_wait3A_153 : memref<10240x128xf32, #tpu.memory_space<hbm>>) dst(%arg14 : memref<128x128xf32, #tpu.memory_space<vmem>>)
        %add3A_154 = arith.constant 0 : i32
        %add3A_155 = arith.addi %mul3A_128, %add3A_154 : i32
        %dma_start3A_156 = arith.constant 0 : i32
        %dma_start3A_157 = tpu.memref_slice %arg13[%add3A_155, %dma_start3A_156] : memref<40x128xi32, #tpu.memory_space<vmem>> -> memref<1x128xi32, #tpu.memory_space<vmem>>
        %dma_start3A_158 = tpu.memref_squeeze %dma_start3A_157 : memref<1x128xi32, #tpu.memory_space<vmem>> -> memref<128xi32, #tpu.memory_space<vmem>>
        %dma_start3A_159 = arith.constant 0 : i32
        %dma_start3A_160 = arith.constant 0 : i32
        %dma_start3A_161 = tpu.memref_slice %arg16[%dma_start3A_159, %dma_start3A_160] : memref<10240x128xf32, #tpu.memory_space<vmem_shared>> -> memref<10240x128xf32, #tpu.memory_space<vmem_shared>>
        tpu.enqueue_indirect_dma source(%arg14 : memref<128x128xf32, #tpu.memory_space<vmem>>) target(%dma_start3A_161 : memref<10240x128xf32, #tpu.memory_space<vmem_shared>>) offsets(%dma_start3A_158 : memref<128xi32, #tpu.memory_space<vmem>>) semaphore(%arg19 : memref<!tpu.dma_semaphore, #tpu.memory_space<semaphore_mem>>) {add = true}
        %dma_wait3A_162 = arith.constant 0 : i32
        %dma_wait3A_163 = tpu.memref_slice %arg12[%add3A_141, %dma_wait3A_162] : memref<40x128xi32, #tpu.memory_space<vmem>> -> memref<1x128xi32, #tpu.memory_space<vmem>>
        %dma_wait3A_164 = tpu.memref_squeeze %dma_wait3A_163 : memref<1x128xi32, #tpu.memory_space<vmem>> -> memref<128xi32, #tpu.memory_space<vmem>>
        %dma_wait3A_165 = arith.constant 0 : i32
        %dma_wait3A_166 = arith.constant 0 : i32
        %dma_wait3A_167 = tpu.memref_slice %arg2[%dma_wait3A_165, %dma_wait3A_166] : memref<10240x128xf32, #tpu.memory_space<hbm>> -> memref<10240x128xf32, #tpu.memory_space<hbm>>
        tpu.wait_indirect_dma semaphore(%arg18 : memref<!tpu.dma_semaphore, #tpu.memory_space<semaphore_mem>>) src(%dma_wait3A_167 : memref<10240x128xf32, #tpu.memory_space<hbm>>) dst(%arg15 : memref<128x128xf32, #tpu.memory_space<vmem>>)
        %add3A_168 = arith.constant 1 : i32
        %add3A_169 = arith.addi %mul3A_128, %add3A_168 : i32
        %dma_start3A_170 = arith.constant 0 : i32
        %dma_start3A_171 = tpu.memref_slice %arg13[%add3A_169, %dma_start3A_170] : memref<40x128xi32, #tpu.memory_space<vmem>> -> memref<1x128xi32, #tpu.memory_space<vmem>>
        %dma_start3A_172 = tpu.memref_squeeze %dma_start3A_171 : memref<1x128xi32, #tpu.memory_space<vmem>> -> memref<128xi32, #tpu.memory_space<vmem>>
        %dma_start3A_173 = arith.constant 0 : i32
        %dma_start3A_174 = arith.constant 0 : i32
        %dma_start3A_175 = tpu.memref_slice %arg16[%dma_start3A_173, %dma_start3A_174] : memref<10240x128xf32, #tpu.memory_space<vmem_shared>> -> memref<10240x128xf32, #tpu.memory_space<vmem_shared>>
        tpu.enqueue_indirect_dma source(%arg15 : memref<128x128xf32, #tpu.memory_space<vmem>>) target(%dma_start3A_175 : memref<10240x128xf32, #tpu.memory_space<vmem_shared>>) offsets(%dma_start3A_172 : memref<128xi32, #tpu.memory_space<vmem>>) semaphore(%arg20 : memref<!tpu.dma_semaphore, #tpu.memory_space<semaphore_mem>>) {add = true}
      }
      %scan3A_21 = arith.constant 20 : i32
      %dma_wait3A = arith.constant 0 : i32
      %dma_wait3A_22 = arith.constant 0 : i32
      %dma_wait3A_23 = tpu.memref_slice %arg2[%dma_wait3A, %dma_wait3A_22] : memref<10240x128xf32, #tpu.memory_space<hbm>> -> memref<128x128xf32, #tpu.memory_space<hbm>>
      %dma_wait3A_24 = arith.constant 0 : i32
      %dma_wait3A_25 = arith.constant 0 : i32
      %dma_wait3A_26 = tpu.memref_slice %arg2[%dma_wait3A_24, %dma_wait3A_25] : memref<10240x128xf32, #tpu.memory_space<hbm>> -> memref<128x128xf32, #tpu.memory_space<hbm>>
      tpu.wait_dma2 semaphore(%arg19 : memref<!tpu.dma_semaphore, #tpu.memory_space<semaphore_mem>>) src(%dma_wait3A_26 : memref<128x128xf32, #tpu.memory_space<hbm>>) dst(%arg14 : memref<128x128xf32, #tpu.memory_space<vmem>>)
      %dma_wait3A_27 = arith.constant 0 : i32
      %dma_wait3A_28 = arith.constant 0 : i32
      %dma_wait3A_29 = tpu.memref_slice %arg2[%dma_wait3A_27, %dma_wait3A_28] : memref<10240x128xf32, #tpu.memory_space<hbm>> -> memref<128x128xf32, #tpu.memory_space<hbm>>
      %dma_wait3A_30 = arith.constant 0 : i32
      %dma_wait3A_31 = arith.constant 0 : i32
      %dma_wait3A_32 = tpu.memref_slice %arg2[%dma_wait3A_30, %dma_wait3A_31] : memref<10240x128xf32, #tpu.memory_space<hbm>> -> memref<128x128xf32, #tpu.memory_space<hbm>>
      tpu.wait_dma2 semaphore(%arg20 : memref<!tpu.dma_semaphore, #tpu.memory_space<semaphore_mem>>) src(%dma_wait3A_32 : memref<128x128xf32, #tpu.memory_space<hbm>>) dst(%arg15 : memref<128x128xf32, #tpu.memory_space<vmem>>)
      %mul3A_33 = arith.constant 80 : i32
      %mul3A_34 = arith.muli %arg1, %mul3A_33 : i32
      %add3A_35 = arith.constant 40 : i32
      %add3A_36 = arith.addi %mul3A_34, %add3A_35 : i32
      "tpu.region"() ({
        %run_scoped3A = tpu.sem_alloc : memref<!tpu.dma_semaphore, #tpu.memory_space<semaphore_mem>>
        %dma_start3A = arith.constant 0 : i32
        %dma_start3A_126 = tpu.memref_slice %arg6[%add3A_36, %dma_start3A] : memref<1280x128xi32, #tpu.memory_space<hbm>> -> memref<40x128xi32, #tpu.memory_space<hbm>>
        %dma_start3A_127 = arith.constant 0 : i32
        %dma_start3A_128 = tpu.memref_slice %arg6[%add3A_36, %dma_start3A_127] : memref<1280x128xi32, #tpu.memory_space<hbm>> -> memref<40x128xi32, #tpu.memory_space<hbm>>
        tpu.enqueue_dma source(%dma_start3A_128 : memref<40x128xi32, #tpu.memory_space<hbm>>) target(%arg12 : memref<40x128xi32, #tpu.memory_space<vmem>>) target_semaphore(%run_scoped3A : memref<!tpu.dma_semaphore, #tpu.memory_space<semaphore_mem>>)
        %dma_wait3A_129 = arith.constant 0 : i32
        %dma_wait3A_130 = tpu.memref_slice %arg6[%add3A_36, %dma_wait3A_129] : memref<1280x128xi32, #tpu.memory_space<hbm>> -> memref<40x128xi32, #tpu.memory_space<hbm>>
        %dma_wait3A_131 = arith.constant 0 : i32
        %dma_wait3A_132 = tpu.memref_slice %arg6[%add3A_36, %dma_wait3A_131] : memref<1280x128xi32, #tpu.memory_space<hbm>> -> memref<40x128xi32, #tpu.memory_space<hbm>>
        tpu.wait_dma2 semaphore(%run_scoped3A : memref<!tpu.dma_semaphore, #tpu.memory_space<semaphore_mem>>) src(%dma_wait3A_132 : memref<40x128xi32, #tpu.memory_space<hbm>>) dst(%arg12 : memref<40x128xi32, #tpu.memory_space<vmem>>)
        tpu.yield
      }) : () -> ()
      %mul3A_37 = arith.constant 80 : i32
      %mul3A_38 = arith.muli %arg1, %mul3A_37 : i32
      %add3A_39 = arith.constant 40 : i32
      %add3A_40 = arith.addi %mul3A_38, %add3A_39 : i32
      "tpu.region"() ({
        %run_scoped3A = tpu.sem_alloc : memref<!tpu.dma_semaphore, #tpu.memory_space<semaphore_mem>>
        %dma_start3A = arith.constant 0 : i32
        %dma_start3A_126 = tpu.memref_slice %arg7[%add3A_40, %dma_start3A] : memref<1280x128xi32, #tpu.memory_space<hbm>> -> memref<40x128xi32, #tpu.memory_space<hbm>>
        %dma_start3A_127 = arith.constant 0 : i32
        %dma_start3A_128 = tpu.memref_slice %arg7[%add3A_40, %dma_start3A_127] : memref<1280x128xi32, #tpu.memory_space<hbm>> -> memref<40x128xi32, #tpu.memory_space<hbm>>
        tpu.enqueue_dma source(%dma_start3A_128 : memref<40x128xi32, #tpu.memory_space<hbm>>) target(%arg13 : memref<40x128xi32, #tpu.memory_space<vmem>>) target_semaphore(%run_scoped3A : memref<!tpu.dma_semaphore, #tpu.memory_space<semaphore_mem>>)
        %dma_wait3A_129 = arith.constant 0 : i32
        %dma_wait3A_130 = tpu.memref_slice %arg7[%add3A_40, %dma_wait3A_129] : memref<1280x128xi32, #tpu.memory_space<hbm>> -> memref<40x128xi32, #tpu.memory_space<hbm>>
        %dma_wait3A_131 = arith.constant 0 : i32
        %dma_wait3A_132 = tpu.memref_slice %arg7[%add3A_40, %dma_wait3A_131] : memref<1280x128xi32, #tpu.memory_space<hbm>> -> memref<40x128xi32, #tpu.memory_space<hbm>>
        tpu.wait_dma2 semaphore(%run_scoped3A : memref<!tpu.dma_semaphore, #tpu.memory_space<semaphore_mem>>) src(%dma_wait3A_132 : memref<40x128xi32, #tpu.memory_space<hbm>>) dst(%arg13 : memref<40x128xi32, #tpu.memory_space<vmem>>)
        tpu.yield
      }) : () -> ()
      %scan3A_41 = arith.constant 0 : i32
      %scan3A_42 = arith.constant 0 : i32
      %scan3A_43 = arith.constant 20 : i32
      %scan3A_44 = arith.addi %scan3A_42, %scan3A_43 : i32
      %scan3A_45 = arith.constant 1 : i32
      scf.for %scan3A_126 = %scan3A_42 to %scan3A_44 step %scan3A_45  : i32 {
        %mul3A_127 = arith.constant 2 : i32
        %mul3A_128 = arith.muli %scan3A_126, %mul3A_127 : i32
        %gt3A = arith.constant 0 : i32
        %gt3A_129 = arith.cmpi sgt, %scan3A_126, %gt3A : i32
        %convert_element_type3A_130 = arith.extui %gt3A_129 : i1 to i32
        %cond3A_131 = arith.constant 0 : i32
        %cond3A_132 = arith.cmpi ne, %convert_element_type3A_130, %cond3A_131 : i32
        scf.if %cond3A_132 {
          %dma_wait3A_176 = arith.constant 0 : i32
          %dma_wait3A_177 = arith.constant 0 : i32
          %dma_wait3A_178 = tpu.memref_slice %arg2[%dma_wait3A_176, %dma_wait3A_177] : memref<10240x128xf32, #tpu.memory_space<hbm>> -> memref<128x128xf32, #tpu.memory_space<hbm>>
          %dma_wait3A_179 = arith.constant 0 : i32
          %dma_wait3A_180 = arith.constant 0 : i32
          %dma_wait3A_181 = tpu.memref_slice %arg2[%dma_wait3A_179, %dma_wait3A_180] : memref<10240x128xf32, #tpu.memory_space<hbm>> -> memref<128x128xf32, #tpu.memory_space<hbm>>
          tpu.wait_dma2 semaphore(%arg19 : memref<!tpu.dma_semaphore, #tpu.memory_space<semaphore_mem>>) src(%dma_wait3A_181 : memref<128x128xf32, #tpu.memory_space<hbm>>) dst(%arg14 : memref<128x128xf32, #tpu.memory_space<vmem>>)
          %dma_wait3A_182 = arith.constant 0 : i32
          %dma_wait3A_183 = arith.constant 0 : i32
          %dma_wait3A_184 = tpu.memref_slice %arg2[%dma_wait3A_182, %dma_wait3A_183] : memref<10240x128xf32, #tpu.memory_space<hbm>> -> memref<128x128xf32, #tpu.memory_space<hbm>>
          %dma_wait3A_185 = arith.constant 0 : i32
          %dma_wait3A_186 = arith.constant 0 : i32
          %dma_wait3A_187 = tpu.memref_slice %arg2[%dma_wait3A_185, %dma_wait3A_186] : memref<10240x128xf32, #tpu.memory_space<hbm>> -> memref<128x128xf32, #tpu.memory_space<hbm>>
          tpu.wait_dma2 semaphore(%arg20 : memref<!tpu.dma_semaphore, #tpu.memory_space<semaphore_mem>>) src(%dma_wait3A_187 : memref<128x128xf32, #tpu.memory_space<hbm>>) dst(%arg15 : memref<128x128xf32, #tpu.memory_space<vmem>>)
        } else {
        }
        %add3A_133 = arith.constant 0 : i32
        %add3A_134 = arith.addi %mul3A_128, %add3A_133 : i32
        %dma_start3A = arith.constant 0 : i32
        %dma_start3A_135 = tpu.memref_slice %arg12[%add3A_134, %dma_start3A] : memref<40x128xi32, #tpu.memory_space<vmem>> -> memref<1x128xi32, #tpu.memory_space<vmem>>
        %dma_start3A_136 = tpu.memref_squeeze %dma_start3A_135 : memref<1x128xi32, #tpu.memory_space<vmem>> -> memref<128xi32, #tpu.memory_space<vmem>>
        %dma_start3A_137 = arith.constant 0 : i32
        %dma_start3A_138 = arith.constant 0 : i32
        %dma_start3A_139 = tpu.memref_slice %arg2[%dma_start3A_137, %dma_start3A_138] : memref<10240x128xf32, #tpu.memory_space<hbm>> -> memref<10240x128xf32, #tpu.memory_space<hbm>>
        tpu.enqueue_indirect_dma source(%dma_start3A_139 : memref<10240x128xf32, #tpu.memory_space<hbm>>) target(%arg14 : memref<128x128xf32, #tpu.memory_space<vmem>>) offsets(%dma_start3A_136 : memref<128xi32, #tpu.memory_space<vmem>>) semaphore(%arg17 : memref<!tpu.dma_semaphore, #tpu.memory_space<semaphore_mem>>)
        %add3A_140 = arith.constant 1 : i32
        %add3A_141 = arith.addi %mul3A_128, %add3A_140 : i32
        %dma_start3A_142 = arith.constant 0 : i32
        %dma_start3A_143 = tpu.memref_slice %arg12[%add3A_141, %dma_start3A_142] : memref<40x128xi32, #tpu.memory_space<vmem>> -> memref<1x128xi32, #tpu.memory_space<vmem>>
        %dma_start3A_144 = tpu.memref_squeeze %dma_start3A_143 : memref<1x128xi32, #tpu.memory_space<vmem>> -> memref<128xi32, #tpu.memory_space<vmem>>
        %dma_start3A_145 = arith.constant 0 : i32
        %dma_start3A_146 = arith.constant 0 : i32
        %dma_start3A_147 = tpu.memref_slice %arg2[%dma_start3A_145, %dma_start3A_146] : memref<10240x128xf32, #tpu.memory_space<hbm>> -> memref<10240x128xf32, #tpu.memory_space<hbm>>
        tpu.enqueue_indirect_dma source(%dma_start3A_147 : memref<10240x128xf32, #tpu.memory_space<hbm>>) target(%arg15 : memref<128x128xf32, #tpu.memory_space<vmem>>) offsets(%dma_start3A_144 : memref<128xi32, #tpu.memory_space<vmem>>) semaphore(%arg18 : memref<!tpu.dma_semaphore, #tpu.memory_space<semaphore_mem>>)
        %dma_wait3A_148 = arith.constant 0 : i32
        %dma_wait3A_149 = tpu.memref_slice %arg12[%add3A_134, %dma_wait3A_148] : memref<40x128xi32, #tpu.memory_space<vmem>> -> memref<1x128xi32, #tpu.memory_space<vmem>>
        %dma_wait3A_150 = tpu.memref_squeeze %dma_wait3A_149 : memref<1x128xi32, #tpu.memory_space<vmem>> -> memref<128xi32, #tpu.memory_space<vmem>>
        %dma_wait3A_151 = arith.constant 0 : i32
        %dma_wait3A_152 = arith.constant 0 : i32
        %dma_wait3A_153 = tpu.memref_slice %arg2[%dma_wait3A_151, %dma_wait3A_152] : memref<10240x128xf32, #tpu.memory_space<hbm>> -> memref<10240x128xf32, #tpu.memory_space<hbm>>
        tpu.wait_indirect_dma semaphore(%arg17 : memref<!tpu.dma_semaphore, #tpu.memory_space<semaphore_mem>>) src(%dma_wait3A_153 : memref<10240x128xf32, #tpu.memory_space<hbm>>) dst(%arg14 : memref<128x128xf32, #tpu.memory_space<vmem>>)
        %add3A_154 = arith.constant 0 : i32
        %add3A_155 = arith.addi %mul3A_128, %add3A_154 : i32
        %dma_start3A_156 = arith.constant 0 : i32
        %dma_start3A_157 = tpu.memref_slice %arg13[%add3A_155, %dma_start3A_156] : memref<40x128xi32, #tpu.memory_space<vmem>> -> memref<1x128xi32, #tpu.memory_space<vmem>>
        %dma_start3A_158 = tpu.memref_squeeze %dma_start3A_157 : memref<1x128xi32, #tpu.memory_space<vmem>> -> memref<128xi32, #tpu.memory_space<vmem>>
        %dma_start3A_159 = arith.constant 0 : i32
        %dma_start3A_160 = arith.constant 0 : i32
        %dma_start3A_161 = tpu.memref_slice %arg16[%dma_start3A_159, %dma_start3A_160] : memref<10240x128xf32, #tpu.memory_space<vmem_shared>> -> memref<10240x128xf32, #tpu.memory_space<vmem_shared>>
        tpu.enqueue_indirect_dma source(%arg14 : memref<128x128xf32, #tpu.memory_space<vmem>>) target(%dma_start3A_161 : memref<10240x128xf32, #tpu.memory_space<vmem_shared>>) offsets(%dma_start3A_158 : memref<128xi32, #tpu.memory_space<vmem>>) semaphore(%arg19 : memref<!tpu.dma_semaphore, #tpu.memory_space<semaphore_mem>>) {add = true}
        %dma_wait3A_162 = arith.constant 0 : i32
        %dma_wait3A_163 = tpu.memref_slice %arg12[%add3A_141, %dma_wait3A_162] : memref<40x128xi32, #tpu.memory_space<vmem>> -> memref<1x128xi32, #tpu.memory_space<vmem>>
        %dma_wait3A_164 = tpu.memref_squeeze %dma_wait3A_163 : memref<1x128xi32, #tpu.memory_space<vmem>> -> memref<128xi32, #tpu.memory_space<vmem>>
        %dma_wait3A_165 = arith.constant 0 : i32
        %dma_wait3A_166 = arith.constant 0 : i32
        %dma_wait3A_167 = tpu.memref_slice %arg2[%dma_wait3A_165, %dma_wait3A_166] : memref<10240x128xf32, #tpu.memory_space<hbm>> -> memref<10240x128xf32, #tpu.memory_space<hbm>>
        tpu.wait_indirect_dma semaphore(%arg18 : memref<!tpu.dma_semaphore, #tpu.memory_space<semaphore_mem>>) src(%dma_wait3A_167 : memref<10240x128xf32, #tpu.memory_space<hbm>>) dst(%arg15 : memref<128x128xf32, #tpu.memory_space<vmem>>)
        %add3A_168 = arith.constant 1 : i32
        %add3A_169 = arith.addi %mul3A_128, %add3A_168 : i32
        %dma_start3A_170 = arith.constant 0 : i32
        %dma_start3A_171 = tpu.memref_slice %arg13[%add3A_169, %dma_start3A_170] : memref<40x128xi32, #tpu.memory_space<vmem>> -> memref<1x128xi32, #tpu.memory_space<vmem>>
        %dma_start3A_172 = tpu.memref_squeeze %dma_start3A_171 : memref<1x128xi32, #tpu.memory_space<vmem>> -> memref<128xi32, #tpu.memory_space<vmem>>
        %dma_start3A_173 = arith.constant 0 : i32
        %dma_start3A_174 = arith.constant 0 : i32
        %dma_start3A_175 = tpu.memref_slice %arg16[%dma_start3A_173, %dma_start3A_174] : memref<10240x128xf32, #tpu.memory_space<vmem_shared>> -> memref<10240x128xf32, #tpu.memory_space<vmem_shared>>
        tpu.enqueue_indirect_dma source(%arg15 : memref<128x128xf32, #tpu.memory_space<vmem>>) target(%dma_start3A_175 : memref<10240x128xf32, #tpu.memory_space<vmem_shared>>) offsets(%dma_start3A_172 : memref<128xi32, #tpu.memory_space<vmem>>) semaphore(%arg20 : memref<!tpu.dma_semaphore, #tpu.memory_space<semaphore_mem>>) {add = true}
      }
      %scan3A_46 = arith.constant 20 : i32
      %dma_wait3A_47 = arith.constant 0 : i32
      %dma_wait3A_48 = arith.constant 0 : i32
      %dma_wait3A_49 = tpu.memref_slice %arg2[%dma_wait3A_47, %dma_wait3A_48] : memref<10240x128xf32, #tpu.memory_space<hbm>> -> memref<128x128xf32, #tpu.memory_space<hbm>>
      %dma_wait3A_50 = arith.constant 0 : i32
      %dma_wait3A_51 = arith.constant 0 : i32
      %dma_wait3A_52 = tpu.memref_slice %arg2[%dma_wait3A_50, %dma_wait3A_51] : memref<10240x128xf32, #tpu.memory_space<hbm>> -> memref<128x128xf32, #tpu.memory_space<hbm>>
      tpu.wait_dma2 semaphore(%arg19 : memref<!tpu.dma_semaphore, #tpu.memory_space<semaphore_mem>>) src(%dma_wait3A_52 : memref<128x128xf32, #tpu.memory_space<hbm>>) dst(%arg14 : memref<128x128xf32, #tpu.memory_space<vmem>>)
      %dma_wait3A_53 = arith.constant 0 : i32
      %dma_wait3A_54 = arith.constant 0 : i32
      %dma_wait3A_55 = tpu.memref_slice %arg2[%dma_wait3A_53, %dma_wait3A_54] : memref<10240x128xf32, #tpu.memory_space<hbm>> -> memref<128x128xf32, #tpu.memory_space<hbm>>
      %dma_wait3A_56 = arith.constant 0 : i32
      %dma_wait3A_57 = arith.constant 0 : i32
      %dma_wait3A_58 = tpu.memref_slice %arg2[%dma_wait3A_56, %dma_wait3A_57] : memref<10240x128xf32, #tpu.memory_space<hbm>> -> memref<128x128xf32, #tpu.memory_space<hbm>>
      tpu.wait_dma2 semaphore(%arg20 : memref<!tpu.dma_semaphore, #tpu.memory_space<semaphore_mem>>) src(%dma_wait3A_58 : memref<128x128xf32, #tpu.memory_space<hbm>>) dst(%arg15 : memref<128x128xf32, #tpu.memory_space<vmem>>)
      %barrier3A_59 = arith.constant 0 : index
      tpu.barrier barrier_id(%barrier3A_59)
      %mul3A_60 = arith.constant 640 : i32
      %mul3A_61 = arith.muli %arg1, %mul3A_60 : i32
      %mul3A_62 = arith.constant 640 : i32
      %mul3A_63 = arith.muli %arg1, %mul3A_62 : i32
      "tpu.region"() ({
        %run_scoped3A = tpu.sem_alloc : memref<!tpu.dma_semaphore, #tpu.memory_space<semaphore_mem>>
        %dma_start3A = arith.constant 0 : i32
        %dma_start3A_126 = tpu.memref_slice %arg8[%mul3A_63, %dma_start3A] : memref<10240x128xf32, #tpu.memory_space<hbm>> -> memref<640x128xf32, #tpu.memory_space<hbm>>
        %dma_start3A_127 = arith.constant 0 : i32
        %dma_start3A_128 = tpu.memref_slice %arg16[%mul3A_61, %dma_start3A_127] : memref<10240x128xf32, #tpu.memory_space<vmem_shared>> -> memref<640x128xf32, #tpu.memory_space<vmem_shared>>
        tpu.enqueue_dma source(%dma_start3A_128 : memref<640x128xf32, #tpu.memory_space<vmem_shared>>) target(%dma_start3A_126 : memref<640x128xf32, #tpu.memory_space<hbm>>) target_semaphore(%run_scoped3A : memref<!tpu.dma_semaphore, #tpu.memory_space<semaphore_mem>>)
        %dma_wait3A_129 = arith.constant 0 : i32
        %dma_wait3A_130 = tpu.memref_slice %arg8[%mul3A_63, %dma_wait3A_129] : memref<10240x128xf32, #tpu.memory_space<hbm>> -> memref<640x128xf32, #tpu.memory_space<hbm>>
        %dma_wait3A_131 = arith.constant 0 : i32
        %dma_wait3A_132 = tpu.memref_slice %arg16[%mul3A_61, %dma_wait3A_131] : memref<10240x128xf32, #tpu.memory_space<vmem_shared>> -> memref<640x128xf32, #tpu.memory_space<vmem_shared>>
        tpu.wait_dma2 semaphore(%run_scoped3A : memref<!tpu.dma_semaphore, #tpu.memory_space<semaphore_mem>>) src(%dma_wait3A_132 : memref<640x128xf32, #tpu.memory_space<vmem_shared>>) dst(%dma_wait3A_130 : memref<640x128xf32, #tpu.memory_space<hbm>>)
        tpu.yield
      }) : () -> ()
      %mul3A_64 = arith.constant 640 : i32
      %mul3A_65 = arith.muli %arg1, %mul3A_64 : i32
      %mul3A_66 = arith.constant 640 : i32
      %mul3A_67 = arith.muli %arg1, %mul3A_66 : i32
      "tpu.region"() ({
        %run_scoped3A = tpu.sem_alloc : memref<!tpu.dma_semaphore, #tpu.memory_space<semaphore_mem>>
        %dma_start3A = arith.constant 0 : i32
        %dma_start3A_126 = tpu.memref_slice %arg16[%mul3A_67, %dma_start3A] : memref<10240x128xf32, #tpu.memory_space<vmem_shared>> -> memref<640x128xf32, #tpu.memory_space<vmem_shared>>
        %dma_start3A_127 = arith.constant 0 : i32
        %dma_start3A_128 = tpu.memref_slice %arg3[%mul3A_65, %dma_start3A_127] : memref<10240x128xf32, #tpu.memory_space<hbm>> -> memref<640x128xf32, #tpu.memory_space<hbm>>
        tpu.enqueue_dma source(%dma_start3A_128 : memref<640x128xf32, #tpu.memory_space<hbm>>) target(%dma_start3A_126 : memref<640x128xf32, #tpu.memory_space<vmem_shared>>) target_semaphore(%run_scoped3A : memref<!tpu.dma_semaphore, #tpu.memory_space<semaphore_mem>>)
        %dma_wait3A_129 = arith.constant 0 : i32
        %dma_wait3A_130 = tpu.memref_slice %arg16[%mul3A_67, %dma_wait3A_129] : memref<10240x128xf32, #tpu.memory_space<vmem_shared>> -> memref<640x128xf32, #tpu.memory_space<vmem_shared>>
        %dma_wait3A_131 = arith.constant 0 : i32
        %dma_wait3A_132 = tpu.memref_slice %arg3[%mul3A_65, %dma_wait3A_131] : memref<10240x128xf32, #tpu.memory_space<hbm>> -> memref<640x128xf32, #tpu.memory_space<hbm>>
        tpu.wait_dma2 semaphore(%run_scoped3A : memref<!tpu.dma_semaphore, #tpu.memory_space<semaphore_mem>>) src(%dma_wait3A_132 : memref<640x128xf32, #tpu.memory_space<hbm>>) dst(%dma_wait3A_130 : memref<640x128xf32, #tpu.memory_space<vmem_shared>>)
        tpu.yield
      }) : () -> ()
      %barrier3A_68 = arith.constant 0 : index
      tpu.barrier barrier_id(%barrier3A_68)
      %mul3A_69 = arith.constant 80 : i32
      %mul3A_70 = arith.muli %arg1, %mul3A_69 : i32
      %add3A_71 = arith.constant 0 : i32
      %add3A_72 = arith.addi %mul3A_70, %add3A_71 : i32
      "tpu.region"() ({
        %run_scoped3A = tpu.sem_alloc : memref<!tpu.dma_semaphore, #tpu.memory_space<semaphore_mem>>
        %dma_start3A = arith.constant 0 : i32
        %dma_start3A_126 = tpu.memref_slice %arg6[%add3A_72, %dma_start3A] : memref<1280x128xi32, #tpu.memory_space<hbm>> -> memref<40x128xi32, #tpu.memory_space<hbm>>
        %dma_start3A_127 = arith.constant 0 : i32
        %dma_start3A_128 = tpu.memref_slice %arg6[%add3A_72, %dma_start3A_127] : memref<1280x128xi32, #tpu.memory_space<hbm>> -> memref<40x128xi32, #tpu.memory_space<hbm>>
        tpu.enqueue_dma source(%dma_start3A_128 : memref<40x128xi32, #tpu.memory_space<hbm>>) target(%arg12 : memref<40x128xi32, #tpu.memory_space<vmem>>) target_semaphore(%run_scoped3A : memref<!tpu.dma_semaphore, #tpu.memory_space<semaphore_mem>>)
        %dma_wait3A_129 = arith.constant 0 : i32
        %dma_wait3A_130 = tpu.memref_slice %arg6[%add3A_72, %dma_wait3A_129] : memref<1280x128xi32, #tpu.memory_space<hbm>> -> memref<40x128xi32, #tpu.memory_space<hbm>>
        %dma_wait3A_131 = arith.constant 0 : i32
        %dma_wait3A_132 = tpu.memref_slice %arg6[%add3A_72, %dma_wait3A_131] : memref<1280x128xi32, #tpu.memory_space<hbm>> -> memref<40x128xi32, #tpu.memory_space<hbm>>
        tpu.wait_dma2 semaphore(%run_scoped3A : memref<!tpu.dma_semaphore, #tpu.memory_space<semaphore_mem>>) src(%dma_wait3A_132 : memref<40x128xi32, #tpu.memory_space<hbm>>) dst(%arg12 : memref<40x128xi32, #tpu.memory_space<vmem>>)
        tpu.yield
      }) : () -> ()
      %mul3A_73 = arith.constant 80 : i32
      %mul3A_74 = arith.muli %arg1, %mul3A_73 : i32
      %add3A_75 = arith.constant 0 : i32
      %add3A_76 = arith.addi %mul3A_74, %add3A_75 : i32
      "tpu.region"() ({
        %run_scoped3A = tpu.sem_alloc : memref<!tpu.dma_semaphore, #tpu.memory_space<semaphore_mem>>
        %dma_start3A = arith.constant 0 : i32
        %dma_start3A_126 = tpu.memref_slice %arg7[%add3A_76, %dma_start3A] : memref<1280x128xi32, #tpu.memory_space<hbm>> -> memref<40x128xi32, #tpu.memory_space<hbm>>
        %dma_start3A_127 = arith.constant 0 : i32
        %dma_start3A_128 = tpu.memref_slice %arg7[%add3A_76, %dma_start3A_127] : memref<1280x128xi32, #tpu.memory_space<hbm>> -> memref<40x128xi32, #tpu.memory_space<hbm>>
        tpu.enqueue_dma source(%dma_start3A_128 : memref<40x128xi32, #tpu.memory_space<hbm>>) target(%arg13 : memref<40x128xi32, #tpu.memory_space<vmem>>) target_semaphore(%run_scoped3A : memref<!tpu.dma_semaphore, #tpu.memory_space<semaphore_mem>>)
        %dma_wait3A_129 = arith.constant 0 : i32
        %dma_wait3A_130 = tpu.memref_slice %arg7[%add3A_76, %dma_wait3A_129] : memref<1280x128xi32, #tpu.memory_space<hbm>> -> memref<40x128xi32, #tpu.memory_space<hbm>>
        %dma_wait3A_131 = arith.constant 0 : i32
        %dma_wait3A_132 = tpu.memref_slice %arg7[%add3A_76, %dma_wait3A_131] : memref<1280x128xi32, #tpu.memory_space<hbm>> -> memref<40x128xi32, #tpu.memory_space<hbm>>
        tpu.wait_dma2 semaphore(%run_scoped3A : memref<!tpu.dma_semaphore, #tpu.memory_space<semaphore_mem>>) src(%dma_wait3A_132 : memref<40x128xi32, #tpu.memory_space<hbm>>) dst(%arg13 : memref<40x128xi32, #tpu.memory_space<vmem>>)
        tpu.yield
      }) : () -> ()
      %scan3A_77 = arith.constant 0 : i32
      %scan3A_78 = arith.constant 0 : i32
      %scan3A_79 = arith.constant 20 : i32
      %scan3A_80 = arith.addi %scan3A_78, %scan3A_79 : i32
      %scan3A_81 = arith.constant 1 : i32
      scf.for %scan3A_126 = %scan3A_78 to %scan3A_80 step %scan3A_81  : i32 {
        %mul3A_127 = arith.constant 2 : i32
        %mul3A_128 = arith.muli %scan3A_126, %mul3A_127 : i32
        %gt3A = arith.constant 0 : i32
        %gt3A_129 = arith.cmpi sgt, %scan3A_126, %gt3A : i32
        %convert_element_type3A_130 = arith.extui %gt3A_129 : i1 to i32
        %cond3A_131 = arith.constant 0 : i32
        %cond3A_132 = arith.cmpi ne, %convert_element_type3A_130, %cond3A_131 : i32
        scf.if %cond3A_132 {
          %dma_wait3A_176 = arith.constant 0 : i32
          %dma_wait3A_177 = arith.constant 0 : i32
          %dma_wait3A_178 = tpu.memref_slice %arg3[%dma_wait3A_176, %dma_wait3A_177] : memref<10240x128xf32, #tpu.memory_space<hbm>> -> memref<128x128xf32, #tpu.memory_space<hbm>>
          %dma_wait3A_179 = arith.constant 0 : i32
          %dma_wait3A_180 = arith.constant 0 : i32
          %dma_wait3A_181 = tpu.memref_slice %arg3[%dma_wait3A_179, %dma_wait3A_180] : memref<10240x128xf32, #tpu.memory_space<hbm>> -> memref<128x128xf32, #tpu.memory_space<hbm>>
          tpu.wait_dma2 semaphore(%arg19 : memref<!tpu.dma_semaphore, #tpu.memory_space<semaphore_mem>>) src(%dma_wait3A_181 : memref<128x128xf32, #tpu.memory_space<hbm>>) dst(%arg14 : memref<128x128xf32, #tpu.memory_space<vmem>>)
          %dma_wait3A_182 = arith.constant 0 : i32
          %dma_wait3A_183 = arith.constant 0 : i32
          %dma_wait3A_184 = tpu.memref_slice %arg3[%dma_wait3A_182, %dma_wait3A_183] : memref<10240x128xf32, #tpu.memory_space<hbm>> -> memref<128x128xf32, #tpu.memory_space<hbm>>
          %dma_wait3A_185 = arith.constant 0 : i32
          %dma_wait3A_186 = arith.constant 0 : i32
          %dma_wait3A_187 = tpu.memref_slice %arg3[%dma_wait3A_185, %dma_wait3A_186] : memref<10240x128xf32, #tpu.memory_space<hbm>> -> memref<128x128xf32, #tpu.memory_space<hbm>>
          tpu.wait_dma2 semaphore(%arg20 : memref<!tpu.dma_semaphore, #tpu.memory_space<semaphore_mem>>) src(%dma_wait3A_187 : memref<128x128xf32, #tpu.memory_space<hbm>>) dst(%arg15 : memref<128x128xf32, #tpu.memory_space<vmem>>)
        } else {
        }
        %add3A_133 = arith.constant 0 : i32
        %add3A_134 = arith.addi %mul3A_128, %add3A_133 : i32
        %dma_start3A = arith.constant 0 : i32
        %dma_start3A_135 = tpu.memref_slice %arg12[%add3A_134, %dma_start3A] : memref<40x128xi32, #tpu.memory_space<vmem>> -> memref<1x128xi32, #tpu.memory_space<vmem>>
        %dma_start3A_136 = tpu.memref_squeeze %dma_start3A_135 : memref<1x128xi32, #tpu.memory_space<vmem>> -> memref<128xi32, #tpu.memory_space<vmem>>
        %dma_start3A_137 = arith.constant 0 : i32
        %dma_start3A_138 = arith.constant 0 : i32
        %dma_start3A_139 = tpu.memref_slice %arg3[%dma_start3A_137, %dma_start3A_138] : memref<10240x128xf32, #tpu.memory_space<hbm>> -> memref<10240x128xf32, #tpu.memory_space<hbm>>
        tpu.enqueue_indirect_dma source(%dma_start3A_139 : memref<10240x128xf32, #tpu.memory_space<hbm>>) target(%arg14 : memref<128x128xf32, #tpu.memory_space<vmem>>) offsets(%dma_start3A_136 : memref<128xi32, #tpu.memory_space<vmem>>) semaphore(%arg17 : memref<!tpu.dma_semaphore, #tpu.memory_space<semaphore_mem>>)
        %add3A_140 = arith.constant 1 : i32
        %add3A_141 = arith.addi %mul3A_128, %add3A_140 : i32
        %dma_start3A_142 = arith.constant 0 : i32
        %dma_start3A_143 = tpu.memref_slice %arg12[%add3A_141, %dma_start3A_142] : memref<40x128xi32, #tpu.memory_space<vmem>> -> memref<1x128xi32, #tpu.memory_space<vmem>>
        %dma_start3A_144 = tpu.memref_squeeze %dma_start3A_143 : memref<1x128xi32, #tpu.memory_space<vmem>> -> memref<128xi32, #tpu.memory_space<vmem>>
        %dma_start3A_145 = arith.constant 0 : i32
        %dma_start3A_146 = arith.constant 0 : i32
        %dma_start3A_147 = tpu.memref_slice %arg3[%dma_start3A_145, %dma_start3A_146] : memref<10240x128xf32, #tpu.memory_space<hbm>> -> memref<10240x128xf32, #tpu.memory_space<hbm>>
        tpu.enqueue_indirect_dma source(%dma_start3A_147 : memref<10240x128xf32, #tpu.memory_space<hbm>>) target(%arg15 : memref<128x128xf32, #tpu.memory_space<vmem>>) offsets(%dma_start3A_144 : memref<128xi32, #tpu.memory_space<vmem>>) semaphore(%arg18 : memref<!tpu.dma_semaphore, #tpu.memory_space<semaphore_mem>>)
        %dma_wait3A_148 = arith.constant 0 : i32
        %dma_wait3A_149 = tpu.memref_slice %arg12[%add3A_134, %dma_wait3A_148] : memref<40x128xi32, #tpu.memory_space<vmem>> -> memref<1x128xi32, #tpu.memory_space<vmem>>
        %dma_wait3A_150 = tpu.memref_squeeze %dma_wait3A_149 : memref<1x128xi32, #tpu.memory_space<vmem>> -> memref<128xi32, #tpu.memory_space<vmem>>
        %dma_wait3A_151 = arith.constant 0 : i32
        %dma_wait3A_152 = arith.constant 0 : i32
        %dma_wait3A_153 = tpu.memref_slice %arg3[%dma_wait3A_151, %dma_wait3A_152] : memref<10240x128xf32, #tpu.memory_space<hbm>> -> memref<10240x128xf32, #tpu.memory_space<hbm>>
        tpu.wait_indirect_dma semaphore(%arg17 : memref<!tpu.dma_semaphore, #tpu.memory_space<semaphore_mem>>) src(%dma_wait3A_153 : memref<10240x128xf32, #tpu.memory_space<hbm>>) dst(%arg14 : memref<128x128xf32, #tpu.memory_space<vmem>>)
        %add3A_154 = arith.constant 0 : i32
        %add3A_155 = arith.addi %mul3A_128, %add3A_154 : i32
        %dma_start3A_156 = arith.constant 0 : i32
        %dma_start3A_157 = tpu.memref_slice %arg13[%add3A_155, %dma_start3A_156] : memref<40x128xi32, #tpu.memory_space<vmem>> -> memref<1x128xi32, #tpu.memory_space<vmem>>
        %dma_start3A_158 = tpu.memref_squeeze %dma_start3A_157 : memref<1x128xi32, #tpu.memory_space<vmem>> -> memref<128xi32, #tpu.memory_space<vmem>>
        %dma_start3A_159 = arith.constant 0 : i32
        %dma_start3A_160 = arith.constant 0 : i32
        %dma_start3A_161 = tpu.memref_slice %arg16[%dma_start3A_159, %dma_start3A_160] : memref<10240x128xf32, #tpu.memory_space<vmem_shared>> -> memref<10240x128xf32, #tpu.memory_space<vmem_shared>>
        tpu.enqueue_indirect_dma source(%arg14 : memref<128x128xf32, #tpu.memory_space<vmem>>) target(%dma_start3A_161 : memref<10240x128xf32, #tpu.memory_space<vmem_shared>>) offsets(%dma_start3A_158 : memref<128xi32, #tpu.memory_space<vmem>>) semaphore(%arg19 : memref<!tpu.dma_semaphore, #tpu.memory_space<semaphore_mem>>) {add = true}
        %dma_wait3A_162 = arith.constant 0 : i32
        %dma_wait3A_163 = tpu.memref_slice %arg12[%add3A_141, %dma_wait3A_162] : memref<40x128xi32, #tpu.memory_space<vmem>> -> memref<1x128xi32, #tpu.memory_space<vmem>>
        %dma_wait3A_164 = tpu.memref_squeeze %dma_wait3A_163 : memref<1x128xi32, #tpu.memory_space<vmem>> -> memref<128xi32, #tpu.memory_space<vmem>>
        %dma_wait3A_165 = arith.constant 0 : i32
        %dma_wait3A_166 = arith.constant 0 : i32
        %dma_wait3A_167 = tpu.memref_slice %arg3[%dma_wait3A_165, %dma_wait3A_166] : memref<10240x128xf32, #tpu.memory_space<hbm>> -> memref<10240x128xf32, #tpu.memory_space<hbm>>
        tpu.wait_indirect_dma semaphore(%arg18 : memref<!tpu.dma_semaphore, #tpu.memory_space<semaphore_mem>>) src(%dma_wait3A_167 : memref<10240x128xf32, #tpu.memory_space<hbm>>) dst(%arg15 : memref<128x128xf32, #tpu.memory_space<vmem>>)
        %add3A_168 = arith.constant 1 : i32
        %add3A_169 = arith.addi %mul3A_128, %add3A_168 : i32
        %dma_start3A_170 = arith.constant 0 : i32
        %dma_start3A_171 = tpu.memref_slice %arg13[%add3A_169, %dma_start3A_170] : memref<40x128xi32, #tpu.memory_space<vmem>> -> memref<1x128xi32, #tpu.memory_space<vmem>>
        %dma_start3A_172 = tpu.memref_squeeze %dma_start3A_171 : memref<1x128xi32, #tpu.memory_space<vmem>> -> memref<128xi32, #tpu.memory_space<vmem>>
        %dma_start3A_173 = arith.constant 0 : i32
        %dma_start3A_174 = arith.constant 0 : i32
        %dma_start3A_175 = tpu.memref_slice %arg16[%dma_start3A_173, %dma_start3A_174] : memref<10240x128xf32, #tpu.memory_space<vmem_shared>> -> memref<10240x128xf32, #tpu.memory_space<vmem_shared>>
        tpu.enqueue_indirect_dma source(%arg15 : memref<128x128xf32, #tpu.memory_space<vmem>>) target(%dma_start3A_175 : memref<10240x128xf32, #tpu.memory_space<vmem_shared>>) offsets(%dma_start3A_172 : memref<128xi32, #tpu.memory_space<vmem>>) semaphore(%arg20 : memref<!tpu.dma_semaphore, #tpu.memory_space<semaphore_mem>>) {add = true}
      }
      %scan3A_82 = arith.constant 20 : i32
      %dma_wait3A_83 = arith.constant 0 : i32
      %dma_wait3A_84 = arith.constant 0 : i32
      %dma_wait3A_85 = tpu.memref_slice %arg3[%dma_wait3A_83, %dma_wait3A_84] : memref<10240x128xf32, #tpu.memory_space<hbm>> -> memref<128x128xf32, #tpu.memory_space<hbm>>
      %dma_wait3A_86 = arith.constant 0 : i32
      %dma_wait3A_87 = arith.constant 0 : i32
      %dma_wait3A_88 = tpu.memref_slice %arg3[%dma_wait3A_86, %dma_wait3A_87] : memref<10240x128xf32, #tpu.memory_space<hbm>> -> memref<128x128xf32, #tpu.memory_space<hbm>>
      tpu.wait_dma2 semaphore(%arg19 : memref<!tpu.dma_semaphore, #tpu.memory_space<semaphore_mem>>) src(%dma_wait3A_88 : memref<128x128xf32, #tpu.memory_space<hbm>>) dst(%arg14 : memref<128x128xf32, #tpu.memory_space<vmem>>)
      %dma_wait3A_89 = arith.constant 0 : i32
      %dma_wait3A_90 = arith.constant 0 : i32
      %dma_wait3A_91 = tpu.memref_slice %arg3[%dma_wait3A_89, %dma_wait3A_90] : memref<10240x128xf32, #tpu.memory_space<hbm>> -> memref<128x128xf32, #tpu.memory_space<hbm>>
      %dma_wait3A_92 = arith.constant 0 : i32
      %dma_wait3A_93 = arith.constant 0 : i32
      %dma_wait3A_94 = tpu.memref_slice %arg3[%dma_wait3A_92, %dma_wait3A_93] : memref<10240x128xf32, #tpu.memory_space<hbm>> -> memref<128x128xf32, #tpu.memory_space<hbm>>
      tpu.wait_dma2 semaphore(%arg20 : memref<!tpu.dma_semaphore, #tpu.memory_space<semaphore_mem>>) src(%dma_wait3A_94 : memref<128x128xf32, #tpu.memory_space<hbm>>) dst(%arg15 : memref<128x128xf32, #tpu.memory_space<vmem>>)
      %mul3A_95 = arith.constant 80 : i32
      %mul3A_96 = arith.muli %arg1, %mul3A_95 : i32
      %add3A_97 = arith.constant 40 : i32
      %add3A_98 = arith.addi %mul3A_96, %add3A_97 : i32
      "tpu.region"() ({
        %run_scoped3A = tpu.sem_alloc : memref<!tpu.dma_semaphore, #tpu.memory_space<semaphore_mem>>
        %dma_start3A = arith.constant 0 : i32
        %dma_start3A_126 = tpu.memref_slice %arg6[%add3A_98, %dma_start3A] : memref<1280x128xi32, #tpu.memory_space<hbm>> -> memref<40x128xi32, #tpu.memory_space<hbm>>
        %dma_start3A_127 = arith.constant 0 : i32
        %dma_start3A_128 = tpu.memref_slice %arg6[%add3A_98, %dma_start3A_127] : memref<1280x128xi32, #tpu.memory_space<hbm>> -> memref<40x128xi32, #tpu.memory_space<hbm>>
        tpu.enqueue_dma source(%dma_start3A_128 : memref<40x128xi32, #tpu.memory_space<hbm>>) target(%arg12 : memref<40x128xi32, #tpu.memory_space<vmem>>) target_semaphore(%run_scoped3A : memref<!tpu.dma_semaphore, #tpu.memory_space<semaphore_mem>>)
        %dma_wait3A_129 = arith.constant 0 : i32
        %dma_wait3A_130 = tpu.memref_slice %arg6[%add3A_98, %dma_wait3A_129] : memref<1280x128xi32, #tpu.memory_space<hbm>> -> memref<40x128xi32, #tpu.memory_space<hbm>>
        %dma_wait3A_131 = arith.constant 0 : i32
        %dma_wait3A_132 = tpu.memref_slice %arg6[%add3A_98, %dma_wait3A_131] : memref<1280x128xi32, #tpu.memory_space<hbm>> -> memref<40x128xi32, #tpu.memory_space<hbm>>
        tpu.wait_dma2 semaphore(%run_scoped3A : memref<!tpu.dma_semaphore, #tpu.memory_space<semaphore_mem>>) src(%dma_wait3A_132 : memref<40x128xi32, #tpu.memory_space<hbm>>) dst(%arg12 : memref<40x128xi32, #tpu.memory_space<vmem>>)
        tpu.yield
      }) : () -> ()
      %mul3A_99 = arith.constant 80 : i32
      %mul3A_100 = arith.muli %arg1, %mul3A_99 : i32
      %add3A_101 = arith.constant 40 : i32
      %add3A_102 = arith.addi %mul3A_100, %add3A_101 : i32
      "tpu.region"() ({
        %run_scoped3A = tpu.sem_alloc : memref<!tpu.dma_semaphore, #tpu.memory_space<semaphore_mem>>
        %dma_start3A = arith.constant 0 : i32
        %dma_start3A_126 = tpu.memref_slice %arg7[%add3A_102, %dma_start3A] : memref<1280x128xi32, #tpu.memory_space<hbm>> -> memref<40x128xi32, #tpu.memory_space<hbm>>
        %dma_start3A_127 = arith.constant 0 : i32
        %dma_start3A_128 = tpu.memref_slice %arg7[%add3A_102, %dma_start3A_127] : memref<1280x128xi32, #tpu.memory_space<hbm>> -> memref<40x128xi32, #tpu.memory_space<hbm>>
        tpu.enqueue_dma source(%dma_start3A_128 : memref<40x128xi32, #tpu.memory_space<hbm>>) target(%arg13 : memref<40x128xi32, #tpu.memory_space<vmem>>) target_semaphore(%run_scoped3A : memref<!tpu.dma_semaphore, #tpu.memory_space<semaphore_mem>>)
        %dma_wait3A_129 = arith.constant 0 : i32
        %dma_wait3A_130 = tpu.memref_slice %arg7[%add3A_102, %dma_wait3A_129] : memref<1280x128xi32, #tpu.memory_space<hbm>> -> memref<40x128xi32, #tpu.memory_space<hbm>>
        %dma_wait3A_131 = arith.constant 0 : i32
        %dma_wait3A_132 = tpu.memref_slice %arg7[%add3A_102, %dma_wait3A_131] : memref<1280x128xi32, #tpu.memory_space<hbm>> -> memref<40x128xi32, #tpu.memory_space<hbm>>
        tpu.wait_dma2 semaphore(%run_scoped3A : memref<!tpu.dma_semaphore, #tpu.memory_space<semaphore_mem>>) src(%dma_wait3A_132 : memref<40x128xi32, #tpu.memory_space<hbm>>) dst(%arg13 : memref<40x128xi32, #tpu.memory_space<vmem>>)
        tpu.yield
      }) : () -> ()
      %scan3A_103 = arith.constant 0 : i32
      %scan3A_104 = arith.constant 0 : i32
      %scan3A_105 = arith.constant 20 : i32
      %scan3A_106 = arith.addi %scan3A_104, %scan3A_105 : i32
      %scan3A_107 = arith.constant 1 : i32
      scf.for %scan3A_126 = %scan3A_104 to %scan3A_106 step %scan3A_107  : i32 {
        %mul3A_127 = arith.constant 2 : i32
        %mul3A_128 = arith.muli %scan3A_126, %mul3A_127 : i32
        %gt3A = arith.constant 0 : i32
        %gt3A_129 = arith.cmpi sgt, %scan3A_126, %gt3A : i32
        %convert_element_type3A_130 = arith.extui %gt3A_129 : i1 to i32
        %cond3A_131 = arith.constant 0 : i32
        %cond3A_132 = arith.cmpi ne, %convert_element_type3A_130, %cond3A_131 : i32
        scf.if %cond3A_132 {
          %dma_wait3A_176 = arith.constant 0 : i32
          %dma_wait3A_177 = arith.constant 0 : i32
          %dma_wait3A_178 = tpu.memref_slice %arg3[%dma_wait3A_176, %dma_wait3A_177] : memref<10240x128xf32, #tpu.memory_space<hbm>> -> memref<128x128xf32, #tpu.memory_space<hbm>>
          %dma_wait3A_179 = arith.constant 0 : i32
          %dma_wait3A_180 = arith.constant 0 : i32
          %dma_wait3A_181 = tpu.memref_slice %arg3[%dma_wait3A_179, %dma_wait3A_180] : memref<10240x128xf32, #tpu.memory_space<hbm>> -> memref<128x128xf32, #tpu.memory_space<hbm>>
          tpu.wait_dma2 semaphore(%arg19 : memref<!tpu.dma_semaphore, #tpu.memory_space<semaphore_mem>>) src(%dma_wait3A_181 : memref<128x128xf32, #tpu.memory_space<hbm>>) dst(%arg14 : memref<128x128xf32, #tpu.memory_space<vmem>>)
          %dma_wait3A_182 = arith.constant 0 : i32
          %dma_wait3A_183 = arith.constant 0 : i32
          %dma_wait3A_184 = tpu.memref_slice %arg3[%dma_wait3A_182, %dma_wait3A_183] : memref<10240x128xf32, #tpu.memory_space<hbm>> -> memref<128x128xf32, #tpu.memory_space<hbm>>
          %dma_wait3A_185 = arith.constant 0 : i32
          %dma_wait3A_186 = arith.constant 0 : i32
          %dma_wait3A_187 = tpu.memref_slice %arg3[%dma_wait3A_185, %dma_wait3A_186] : memref<10240x128xf32, #tpu.memory_space<hbm>> -> memref<128x128xf32, #tpu.memory_space<hbm>>
          tpu.wait_dma2 semaphore(%arg20 : memref<!tpu.dma_semaphore, #tpu.memory_space<semaphore_mem>>) src(%dma_wait3A_187 : memref<128x128xf32, #tpu.memory_space<hbm>>) dst(%arg15 : memref<128x128xf32, #tpu.memory_space<vmem>>)
        } else {
        }
        %add3A_133 = arith.constant 0 : i32
        %add3A_134 = arith.addi %mul3A_128, %add3A_133 : i32
        %dma_start3A = arith.constant 0 : i32
        %dma_start3A_135 = tpu.memref_slice %arg12[%add3A_134, %dma_start3A] : memref<40x128xi32, #tpu.memory_space<vmem>> -> memref<1x128xi32, #tpu.memory_space<vmem>>
        %dma_start3A_136 = tpu.memref_squeeze %dma_start3A_135 : memref<1x128xi32, #tpu.memory_space<vmem>> -> memref<128xi32, #tpu.memory_space<vmem>>
        %dma_start3A_137 = arith.constant 0 : i32
        %dma_start3A_138 = arith.constant 0 : i32
        %dma_start3A_139 = tpu.memref_slice %arg3[%dma_start3A_137, %dma_start3A_138] : memref<10240x128xf32, #tpu.memory_space<hbm>> -> memref<10240x128xf32, #tpu.memory_space<hbm>>
        tpu.enqueue_indirect_dma source(%dma_start3A_139 : memref<10240x128xf32, #tpu.memory_space<hbm>>) target(%arg14 : memref<128x128xf32, #tpu.memory_space<vmem>>) offsets(%dma_start3A_136 : memref<128xi32, #tpu.memory_space<vmem>>) semaphore(%arg17 : memref<!tpu.dma_semaphore, #tpu.memory_space<semaphore_mem>>)
        %add3A_140 = arith.constant 1 : i32
        %add3A_141 = arith.addi %mul3A_128, %add3A_140 : i32
        %dma_start3A_142 = arith.constant 0 : i32
        %dma_start3A_143 = tpu.memref_slice %arg12[%add3A_141, %dma_start3A_142] : memref<40x128xi32, #tpu.memory_space<vmem>> -> memref<1x128xi32, #tpu.memory_space<vmem>>
        %dma_start3A_144 = tpu.memref_squeeze %dma_start3A_143 : memref<1x128xi32, #tpu.memory_space<vmem>> -> memref<128xi32, #tpu.memory_space<vmem>>
        %dma_start3A_145 = arith.constant 0 : i32
        %dma_start3A_146 = arith.constant 0 : i32
        %dma_start3A_147 = tpu.memref_slice %arg3[%dma_start3A_145, %dma_start3A_146] : memref<10240x128xf32, #tpu.memory_space<hbm>> -> memref<10240x128xf32, #tpu.memory_space<hbm>>
        tpu.enqueue_indirect_dma source(%dma_start3A_147 : memref<10240x128xf32, #tpu.memory_space<hbm>>) target(%arg15 : memref<128x128xf32, #tpu.memory_space<vmem>>) offsets(%dma_start3A_144 : memref<128xi32, #tpu.memory_space<vmem>>) semaphore(%arg18 : memref<!tpu.dma_semaphore, #tpu.memory_space<semaphore_mem>>)
        %dma_wait3A_148 = arith.constant 0 : i32
        %dma_wait3A_149 = tpu.memref_slice %arg12[%add3A_134, %dma_wait3A_148] : memref<40x128xi32, #tpu.memory_space<vmem>> -> memref<1x128xi32, #tpu.memory_space<vmem>>
        %dma_wait3A_150 = tpu.memref_squeeze %dma_wait3A_149 : memref<1x128xi32, #tpu.memory_space<vmem>> -> memref<128xi32, #tpu.memory_space<vmem>>
        %dma_wait3A_151 = arith.constant 0 : i32
        %dma_wait3A_152 = arith.constant 0 : i32
        %dma_wait3A_153 = tpu.memref_slice %arg3[%dma_wait3A_151, %dma_wait3A_152] : memref<10240x128xf32, #tpu.memory_space<hbm>> -> memref<10240x128xf32, #tpu.memory_space<hbm>>
        tpu.wait_indirect_dma semaphore(%arg17 : memref<!tpu.dma_semaphore, #tpu.memory_space<semaphore_mem>>) src(%dma_wait3A_153 : memref<10240x128xf32, #tpu.memory_space<hbm>>) dst(%arg14 : memref<128x128xf32, #tpu.memory_space<vmem>>)
        %add3A_154 = arith.constant 0 : i32
        %add3A_155 = arith.addi %mul3A_128, %add3A_154 : i32
        %dma_start3A_156 = arith.constant 0 : i32
        %dma_start3A_157 = tpu.memref_slice %arg13[%add3A_155, %dma_start3A_156] : memref<40x128xi32, #tpu.memory_space<vmem>> -> memref<1x128xi32, #tpu.memory_space<vmem>>
        %dma_start3A_158 = tpu.memref_squeeze %dma_start3A_157 : memref<1x128xi32, #tpu.memory_space<vmem>> -> memref<128xi32, #tpu.memory_space<vmem>>
        %dma_start3A_159 = arith.constant 0 : i32
        %dma_start3A_160 = arith.constant 0 : i32
        %dma_start3A_161 = tpu.memref_slice %arg16[%dma_start3A_159, %dma_start3A_160] : memref<10240x128xf32, #tpu.memory_space<vmem_shared>> -> memref<10240x128xf32, #tpu.memory_space<vmem_shared>>
        tpu.enqueue_indirect_dma source(%arg14 : memref<128x128xf32, #tpu.memory_space<vmem>>) target(%dma_start3A_161 : memref<10240x128xf32, #tpu.memory_space<vmem_shared>>) offsets(%dma_start3A_158 : memref<128xi32, #tpu.memory_space<vmem>>) semaphore(%arg19 : memref<!tpu.dma_semaphore, #tpu.memory_space<semaphore_mem>>) {add = true}
        %dma_wait3A_162 = arith.constant 0 : i32
        %dma_wait3A_163 = tpu.memref_slice %arg12[%add3A_141, %dma_wait3A_162] : memref<40x128xi32, #tpu.memory_space<vmem>> -> memref<1x128xi32, #tpu.memory_space<vmem>>
        %dma_wait3A_164 = tpu.memref_squeeze %dma_wait3A_163 : memref<1x128xi32, #tpu.memory_space<vmem>> -> memref<128xi32, #tpu.memory_space<vmem>>
        %dma_wait3A_165 = arith.constant 0 : i32
        %dma_wait3A_166 = arith.constant 0 : i32
        %dma_wait3A_167 = tpu.memref_slice %arg3[%dma_wait3A_165, %dma_wait3A_166] : memref<10240x128xf32, #tpu.memory_space<hbm>> -> memref<10240x128xf32, #tpu.memory_space<hbm>>
        tpu.wait_indirect_dma semaphore(%arg18 : memref<!tpu.dma_semaphore, #tpu.memory_space<semaphore_mem>>) src(%dma_wait3A_167 : memref<10240x128xf32, #tpu.memory_space<hbm>>) dst(%arg15 : memref<128x128xf32, #tpu.memory_space<vmem>>)
        %add3A_168 = arith.constant 1 : i32
        %add3A_169 = arith.addi %mul3A_128, %add3A_168 : i32
        %dma_start3A_170 = arith.constant 0 : i32
        %dma_start3A_171 = tpu.memref_slice %arg13[%add3A_169, %dma_start3A_170] : memref<40x128xi32, #tpu.memory_space<vmem>> -> memref<1x128xi32, #tpu.memory_space<vmem>>
        %dma_start3A_172 = tpu.memref_squeeze %dma_start3A_171 : memref<1x128xi32, #tpu.memory_space<vmem>> -> memref<128xi32, #tpu.memory_space<vmem>>
        %dma_start3A_173 = arith.constant 0 : i32
        %dma_start3A_174 = arith.constant 0 : i32
        %dma_start3A_175 = tpu.memref_slice %arg16[%dma_start3A_173, %dma_start3A_174] : memref<10240x128xf32, #tpu.memory_space<vmem_shared>> -> memref<10240x128xf32, #tpu.memory_space<vmem_shared>>
        tpu.enqueue_indirect_dma source(%arg15 : memref<128x128xf32, #tpu.memory_space<vmem>>) target(%dma_start3A_175 : memref<10240x128xf32, #tpu.memory_space<vmem_shared>>) offsets(%dma_start3A_172 : memref<128xi32, #tpu.memory_space<vmem>>) semaphore(%arg20 : memref<!tpu.dma_semaphore, #tpu.memory_space<semaphore_mem>>) {add = true}
      }
      %scan3A_108 = arith.constant 20 : i32
      %dma_wait3A_109 = arith.constant 0 : i32
      %dma_wait3A_110 = arith.constant 0 : i32
      %dma_wait3A_111 = tpu.memref_slice %arg3[%dma_wait3A_109, %dma_wait3A_110] : memref<10240x128xf32, #tpu.memory_space<hbm>> -> memref<128x128xf32, #tpu.memory_space<hbm>>
      %dma_wait3A_112 = arith.constant 0 : i32
      %dma_wait3A_113 = arith.constant 0 : i32
      %dma_wait3A_114 = tpu.memref_slice %arg3[%dma_wait3A_112, %dma_wait3A_113] : memref<10240x128xf32, #tpu.memory_space<hbm>> -> memref<128x128xf32, #tpu.memory_space<hbm>>
      tpu.wait_dma2 semaphore(%arg19 : memref<!tpu.dma_semaphore, #tpu.memory_space<semaphore_mem>>) src(%dma_wait3A_114 : memref<128x128xf32, #tpu.memory_space<hbm>>) dst(%arg14 : memref<128x128xf32, #tpu.memory_space<vmem>>)
      %dma_wait3A_115 = arith.constant 0 : i32
      %dma_wait3A_116 = arith.constant 0 : i32
      %dma_wait3A_117 = tpu.memref_slice %arg3[%dma_wait3A_115, %dma_wait3A_116] : memref<10240x128xf32, #tpu.memory_space<hbm>> -> memref<128x128xf32, #tpu.memory_space<hbm>>
      %dma_wait3A_118 = arith.constant 0 : i32
      %dma_wait3A_119 = arith.constant 0 : i32
      %dma_wait3A_120 = tpu.memref_slice %arg3[%dma_wait3A_118, %dma_wait3A_119] : memref<10240x128xf32, #tpu.memory_space<hbm>> -> memref<128x128xf32, #tpu.memory_space<hbm>>
      tpu.wait_dma2 semaphore(%arg20 : memref<!tpu.dma_semaphore, #tpu.memory_space<semaphore_mem>>) src(%dma_wait3A_120 : memref<128x128xf32, #tpu.memory_space<hbm>>) dst(%arg15 : memref<128x128xf32, #tpu.memory_space<vmem>>)
      %barrier3A_121 = arith.constant 0 : index
      tpu.barrier barrier_id(%barrier3A_121)
      %mul3A_122 = arith.constant 640 : i32
      %mul3A_123 = arith.muli %arg1, %mul3A_122 : i32
      %mul3A_124 = arith.constant 640 : i32
      %mul3A_125 = arith.muli %arg1, %mul3A_124 : i32
      "tpu.region"() ({
        %run_scoped3A = tpu.sem_alloc : memref<!tpu.dma_semaphore, #tpu.memory_space<semaphore_mem>>
        %dma_start3A = arith.constant 0 : i32
        %dma_start3A_126 = tpu.memref_slice %arg9[%mul3A_125, %dma_start3A] : memref<10240x128xf32, #tpu.memory_space<hbm>> -> memref<640x128xf32, #tpu.memory_space<hbm>>
        %dma_start3A_127 = arith.constant 0 : i32
        %dma_start3A_128 = tpu.memref_slice %arg16[%mul3A_123, %dma_start3A_127] : memref<10240x128xf32, #tpu.memory_space<vmem_shared>> -> memref<640x128xf32, #tpu.memory_space<vmem_shared>>
        tpu.enqueue_dma source(%dma_start3A_128 : memref<640x128xf32, #tpu.memory_space<vmem_shared>>) target(%dma_start3A_126 : memref<640x128xf32, #tpu.memory_space<hbm>>) target_semaphore(%run_scoped3A : memref<!tpu.dma_semaphore, #tpu.memory_space<semaphore_mem>>)
        %dma_wait3A_129 = arith.constant 0 : i32
        %dma_wait3A_130 = tpu.memref_slice %arg9[%mul3A_125, %dma_wait3A_129] : memref<10240x128xf32, #tpu.memory_space<hbm>> -> memref<640x128xf32, #tpu.memory_space<hbm>>
        %dma_wait3A_131 = arith.constant 0 : i32
        %dma_wait3A_132 = tpu.memref_slice %arg16[%mul3A_123, %dma_wait3A_131] : memref<10240x128xf32, #tpu.memory_space<vmem_shared>> -> memref<640x128xf32, #tpu.memory_space<vmem_shared>>
        tpu.wait_dma2 semaphore(%run_scoped3A : memref<!tpu.dma_semaphore, #tpu.memory_space<semaphore_mem>>) src(%dma_wait3A_132 : memref<640x128xf32, #tpu.memory_space<vmem_shared>>) dst(%dma_wait3A_130 : memref<640x128xf32, #tpu.memory_space<hbm>>)
        tpu.yield
      }) : () -> ()
    } else {
    }
    %eq3A_2 = arith.constant 1 : i32
    %eq3A_3 = arith.cmpi eq, %arg0, %eq3A_2 : i32
    %convert_element_type3A_4 = arith.extui %eq3A_3 : i1 to i32
    %cond3A_5 = arith.constant 0 : i32
    %cond3A_6 = arith.cmpi ne, %convert_element_type3A_4, %cond3A_5 : i32
    scf.if %cond3A_6 {
      %mul3A = arith.constant 640 : i32
      %mul3A_7 = arith.muli %arg1, %mul3A : i32
      %mul3A_8 = arith.constant 640 : i32
      %mul3A_9 = arith.muli %arg1, %mul3A_8 : i32
      "tpu.region"() ({
        %run_scoped3A = tpu.sem_alloc : memref<!tpu.dma_semaphore, #tpu.memory_space<semaphore_mem>>
        %dma_start3A = arith.constant 0 : i32
        %dma_start3A_126 = tpu.memref_slice %arg16[%mul3A_9, %dma_start3A] : memref<10240x128xf32, #tpu.memory_space<vmem_shared>> -> memref<640x128xf32, #tpu.memory_space<vmem_shared>>
        %dma_start3A_127 = arith.constant 0 : i32
        %dma_start3A_128 = tpu.memref_slice %arg4[%mul3A_7, %dma_start3A_127] : memref<10240x128xf32, #tpu.memory_space<hbm>> -> memref<640x128xf32, #tpu.memory_space<hbm>>
        tpu.enqueue_dma source(%dma_start3A_128 : memref<640x128xf32, #tpu.memory_space<hbm>>) target(%dma_start3A_126 : memref<640x128xf32, #tpu.memory_space<vmem_shared>>) target_semaphore(%run_scoped3A : memref<!tpu.dma_semaphore, #tpu.memory_space<semaphore_mem>>)
        %dma_wait3A_129 = arith.constant 0 : i32
        %dma_wait3A_130 = tpu.memref_slice %arg16[%mul3A_9, %dma_wait3A_129] : memref<10240x128xf32, #tpu.memory_space<vmem_shared>> -> memref<640x128xf32, #tpu.memory_space<vmem_shared>>
        %dma_wait3A_131 = arith.constant 0 : i32
        %dma_wait3A_132 = tpu.memref_slice %arg4[%mul3A_7, %dma_wait3A_131] : memref<10240x128xf32, #tpu.memory_space<hbm>> -> memref<640x128xf32, #tpu.memory_space<hbm>>
        tpu.wait_dma2 semaphore(%run_scoped3A : memref<!tpu.dma_semaphore, #tpu.memory_space<semaphore_mem>>) src(%dma_wait3A_132 : memref<640x128xf32, #tpu.memory_space<hbm>>) dst(%dma_wait3A_130 : memref<640x128xf32, #tpu.memory_space<vmem_shared>>)
        tpu.yield
      }) : () -> ()
      %barrier3A = arith.constant 0 : index
      tpu.barrier barrier_id(%barrier3A)
      %mul3A_10 = arith.constant 80 : i32
      %mul3A_11 = arith.muli %arg1, %mul3A_10 : i32
      %add3A = arith.constant 0 : i32
      %add3A_12 = arith.addi %mul3A_11, %add3A : i32
      "tpu.region"() ({
        %run_scoped3A = tpu.sem_alloc : memref<!tpu.dma_semaphore, #tpu.memory_space<semaphore_mem>>
        %dma_start3A = arith.constant 0 : i32
        %dma_start3A_126 = tpu.memref_slice %arg6[%add3A_12, %dma_start3A] : memref<1280x128xi32, #tpu.memory_space<hbm>> -> memref<40x128xi32, #tpu.memory_space<hbm>>
        %dma_start3A_127 = arith.constant 0 : i32
        %dma_start3A_128 = tpu.memref_slice %arg6[%add3A_12, %dma_start3A_127] : memref<1280x128xi32, #tpu.memory_space<hbm>> -> memref<40x128xi32, #tpu.memory_space<hbm>>
        tpu.enqueue_dma source(%dma_start3A_128 : memref<40x128xi32, #tpu.memory_space<hbm>>) target(%arg12 : memref<40x128xi32, #tpu.memory_space<vmem>>) target_semaphore(%run_scoped3A : memref<!tpu.dma_semaphore, #tpu.memory_space<semaphore_mem>>)
        %dma_wait3A_129 = arith.constant 0 : i32
        %dma_wait3A_130 = tpu.memref_slice %arg6[%add3A_12, %dma_wait3A_129] : memref<1280x128xi32, #tpu.memory_space<hbm>> -> memref<40x128xi32, #tpu.memory_space<hbm>>
        %dma_wait3A_131 = arith.constant 0 : i32
        %dma_wait3A_132 = tpu.memref_slice %arg6[%add3A_12, %dma_wait3A_131] : memref<1280x128xi32, #tpu.memory_space<hbm>> -> memref<40x128xi32, #tpu.memory_space<hbm>>
        tpu.wait_dma2 semaphore(%run_scoped3A : memref<!tpu.dma_semaphore, #tpu.memory_space<semaphore_mem>>) src(%dma_wait3A_132 : memref<40x128xi32, #tpu.memory_space<hbm>>) dst(%arg12 : memref<40x128xi32, #tpu.memory_space<vmem>>)
        tpu.yield
      }) : () -> ()
      %mul3A_13 = arith.constant 80 : i32
      %mul3A_14 = arith.muli %arg1, %mul3A_13 : i32
      %add3A_15 = arith.constant 0 : i32
      %add3A_16 = arith.addi %mul3A_14, %add3A_15 : i32
      "tpu.region"() ({
        %run_scoped3A = tpu.sem_alloc : memref<!tpu.dma_semaphore, #tpu.memory_space<semaphore_mem>>
        %dma_start3A = arith.constant 0 : i32
        %dma_start3A_126 = tpu.memref_slice %arg7[%add3A_16, %dma_start3A] : memref<1280x128xi32, #tpu.memory_space<hbm>> -> memref<40x128xi32, #tpu.memory_space<hbm>>
        %dma_start3A_127 = arith.constant 0 : i32
        %dma_start3A_128 = tpu.memref_slice %arg7[%add3A_16, %dma_start3A_127] : memref<1280x128xi32, #tpu.memory_space<hbm>> -> memref<40x128xi32, #tpu.memory_space<hbm>>
        tpu.enqueue_dma source(%dma_start3A_128 : memref<40x128xi32, #tpu.memory_space<hbm>>) target(%arg13 : memref<40x128xi32, #tpu.memory_space<vmem>>) target_semaphore(%run_scoped3A : memref<!tpu.dma_semaphore, #tpu.memory_space<semaphore_mem>>)
        %dma_wait3A_129 = arith.constant 0 : i32
        %dma_wait3A_130 = tpu.memref_slice %arg7[%add3A_16, %dma_wait3A_129] : memref<1280x128xi32, #tpu.memory_space<hbm>> -> memref<40x128xi32, #tpu.memory_space<hbm>>
        %dma_wait3A_131 = arith.constant 0 : i32
        %dma_wait3A_132 = tpu.memref_slice %arg7[%add3A_16, %dma_wait3A_131] : memref<1280x128xi32, #tpu.memory_space<hbm>> -> memref<40x128xi32, #tpu.memory_space<hbm>>
        tpu.wait_dma2 semaphore(%run_scoped3A : memref<!tpu.dma_semaphore, #tpu.memory_space<semaphore_mem>>) src(%dma_wait3A_132 : memref<40x128xi32, #tpu.memory_space<hbm>>) dst(%arg13 : memref<40x128xi32, #tpu.memory_space<vmem>>)
        tpu.yield
      }) : () -> ()
      %scan3A = arith.constant 0 : i32
      %scan3A_17 = arith.constant 0 : i32
      %scan3A_18 = arith.constant 20 : i32
      %scan3A_19 = arith.addi %scan3A_17, %scan3A_18 : i32
      %scan3A_20 = arith.constant 1 : i32
      scf.for %scan3A_126 = %scan3A_17 to %scan3A_19 step %scan3A_20  : i32 {
        %mul3A_127 = arith.constant 2 : i32
        %mul3A_128 = arith.muli %scan3A_126, %mul3A_127 : i32
        %gt3A = arith.constant 0 : i32
        %gt3A_129 = arith.cmpi sgt, %scan3A_126, %gt3A : i32
        %convert_element_type3A_130 = arith.extui %gt3A_129 : i1 to i32
        %cond3A_131 = arith.constant 0 : i32
        %cond3A_132 = arith.cmpi ne, %convert_element_type3A_130, %cond3A_131 : i32
        scf.if %cond3A_132 {
          %dma_wait3A_176 = arith.constant 0 : i32
          %dma_wait3A_177 = arith.constant 0 : i32
          %dma_wait3A_178 = tpu.memref_slice %arg4[%dma_wait3A_176, %dma_wait3A_177] : memref<10240x128xf32, #tpu.memory_space<hbm>> -> memref<128x128xf32, #tpu.memory_space<hbm>>
          %dma_wait3A_179 = arith.constant 0 : i32
          %dma_wait3A_180 = arith.constant 0 : i32
          %dma_wait3A_181 = tpu.memref_slice %arg4[%dma_wait3A_179, %dma_wait3A_180] : memref<10240x128xf32, #tpu.memory_space<hbm>> -> memref<128x128xf32, #tpu.memory_space<hbm>>
          tpu.wait_dma2 semaphore(%arg19 : memref<!tpu.dma_semaphore, #tpu.memory_space<semaphore_mem>>) src(%dma_wait3A_181 : memref<128x128xf32, #tpu.memory_space<hbm>>) dst(%arg14 : memref<128x128xf32, #tpu.memory_space<vmem>>)
          %dma_wait3A_182 = arith.constant 0 : i32
          %dma_wait3A_183 = arith.constant 0 : i32
          %dma_wait3A_184 = tpu.memref_slice %arg4[%dma_wait3A_182, %dma_wait3A_183] : memref<10240x128xf32, #tpu.memory_space<hbm>> -> memref<128x128xf32, #tpu.memory_space<hbm>>
          %dma_wait3A_185 = arith.constant 0 : i32
          %dma_wait3A_186 = arith.constant 0 : i32
          %dma_wait3A_187 = tpu.memref_slice %arg4[%dma_wait3A_185, %dma_wait3A_186] : memref<10240x128xf32, #tpu.memory_space<hbm>> -> memref<128x128xf32, #tpu.memory_space<hbm>>
          tpu.wait_dma2 semaphore(%arg20 : memref<!tpu.dma_semaphore, #tpu.memory_space<semaphore_mem>>) src(%dma_wait3A_187 : memref<128x128xf32, #tpu.memory_space<hbm>>) dst(%arg15 : memref<128x128xf32, #tpu.memory_space<vmem>>)
        } else {
        }
        %add3A_133 = arith.constant 0 : i32
        %add3A_134 = arith.addi %mul3A_128, %add3A_133 : i32
        %dma_start3A = arith.constant 0 : i32
        %dma_start3A_135 = tpu.memref_slice %arg12[%add3A_134, %dma_start3A] : memref<40x128xi32, #tpu.memory_space<vmem>> -> memref<1x128xi32, #tpu.memory_space<vmem>>
        %dma_start3A_136 = tpu.memref_squeeze %dma_start3A_135 : memref<1x128xi32, #tpu.memory_space<vmem>> -> memref<128xi32, #tpu.memory_space<vmem>>
        %dma_start3A_137 = arith.constant 0 : i32
        %dma_start3A_138 = arith.constant 0 : i32
        %dma_start3A_139 = tpu.memref_slice %arg4[%dma_start3A_137, %dma_start3A_138] : memref<10240x128xf32, #tpu.memory_space<hbm>> -> memref<10240x128xf32, #tpu.memory_space<hbm>>
        tpu.enqueue_indirect_dma source(%dma_start3A_139 : memref<10240x128xf32, #tpu.memory_space<hbm>>) target(%arg14 : memref<128x128xf32, #tpu.memory_space<vmem>>) offsets(%dma_start3A_136 : memref<128xi32, #tpu.memory_space<vmem>>) semaphore(%arg17 : memref<!tpu.dma_semaphore, #tpu.memory_space<semaphore_mem>>)
        %add3A_140 = arith.constant 1 : i32
        %add3A_141 = arith.addi %mul3A_128, %add3A_140 : i32
        %dma_start3A_142 = arith.constant 0 : i32
        %dma_start3A_143 = tpu.memref_slice %arg12[%add3A_141, %dma_start3A_142] : memref<40x128xi32, #tpu.memory_space<vmem>> -> memref<1x128xi32, #tpu.memory_space<vmem>>
        %dma_start3A_144 = tpu.memref_squeeze %dma_start3A_143 : memref<1x128xi32, #tpu.memory_space<vmem>> -> memref<128xi32, #tpu.memory_space<vmem>>
        %dma_start3A_145 = arith.constant 0 : i32
        %dma_start3A_146 = arith.constant 0 : i32
        %dma_start3A_147 = tpu.memref_slice %arg4[%dma_start3A_145, %dma_start3A_146] : memref<10240x128xf32, #tpu.memory_space<hbm>> -> memref<10240x128xf32, #tpu.memory_space<hbm>>
        tpu.enqueue_indirect_dma source(%dma_start3A_147 : memref<10240x128xf32, #tpu.memory_space<hbm>>) target(%arg15 : memref<128x128xf32, #tpu.memory_space<vmem>>) offsets(%dma_start3A_144 : memref<128xi32, #tpu.memory_space<vmem>>) semaphore(%arg18 : memref<!tpu.dma_semaphore, #tpu.memory_space<semaphore_mem>>)
        %dma_wait3A_148 = arith.constant 0 : i32
        %dma_wait3A_149 = tpu.memref_slice %arg12[%add3A_134, %dma_wait3A_148] : memref<40x128xi32, #tpu.memory_space<vmem>> -> memref<1x128xi32, #tpu.memory_space<vmem>>
        %dma_wait3A_150 = tpu.memref_squeeze %dma_wait3A_149 : memref<1x128xi32, #tpu.memory_space<vmem>> -> memref<128xi32, #tpu.memory_space<vmem>>
        %dma_wait3A_151 = arith.constant 0 : i32
        %dma_wait3A_152 = arith.constant 0 : i32
        %dma_wait3A_153 = tpu.memref_slice %arg4[%dma_wait3A_151, %dma_wait3A_152] : memref<10240x128xf32, #tpu.memory_space<hbm>> -> memref<10240x128xf32, #tpu.memory_space<hbm>>
        tpu.wait_indirect_dma semaphore(%arg17 : memref<!tpu.dma_semaphore, #tpu.memory_space<semaphore_mem>>) src(%dma_wait3A_153 : memref<10240x128xf32, #tpu.memory_space<hbm>>) dst(%arg14 : memref<128x128xf32, #tpu.memory_space<vmem>>)
        %add3A_154 = arith.constant 0 : i32
        %add3A_155 = arith.addi %mul3A_128, %add3A_154 : i32
        %dma_start3A_156 = arith.constant 0 : i32
        %dma_start3A_157 = tpu.memref_slice %arg13[%add3A_155, %dma_start3A_156] : memref<40x128xi32, #tpu.memory_space<vmem>> -> memref<1x128xi32, #tpu.memory_space<vmem>>
        %dma_start3A_158 = tpu.memref_squeeze %dma_start3A_157 : memref<1x128xi32, #tpu.memory_space<vmem>> -> memref<128xi32, #tpu.memory_space<vmem>>
        %dma_start3A_159 = arith.constant 0 : i32
        %dma_start3A_160 = arith.constant 0 : i32
        %dma_start3A_161 = tpu.memref_slice %arg16[%dma_start3A_159, %dma_start3A_160] : memref<10240x128xf32, #tpu.memory_space<vmem_shared>> -> memref<10240x128xf32, #tpu.memory_space<vmem_shared>>
        tpu.enqueue_indirect_dma source(%arg14 : memref<128x128xf32, #tpu.memory_space<vmem>>) target(%dma_start3A_161 : memref<10240x128xf32, #tpu.memory_space<vmem_shared>>) offsets(%dma_start3A_158 : memref<128xi32, #tpu.memory_space<vmem>>) semaphore(%arg19 : memref<!tpu.dma_semaphore, #tpu.memory_space<semaphore_mem>>) {add = true}
        %dma_wait3A_162 = arith.constant 0 : i32
        %dma_wait3A_163 = tpu.memref_slice %arg12[%add3A_141, %dma_wait3A_162] : memref<40x128xi32, #tpu.memory_space<vmem>> -> memref<1x128xi32, #tpu.memory_space<vmem>>
        %dma_wait3A_164 = tpu.memref_squeeze %dma_wait3A_163 : memref<1x128xi32, #tpu.memory_space<vmem>> -> memref<128xi32, #tpu.memory_space<vmem>>
        %dma_wait3A_165 = arith.constant 0 : i32
        %dma_wait3A_166 = arith.constant 0 : i32
        %dma_wait3A_167 = tpu.memref_slice %arg4[%dma_wait3A_165, %dma_wait3A_166] : memref<10240x128xf32, #tpu.memory_space<hbm>> -> memref<10240x128xf32, #tpu.memory_space<hbm>>
        tpu.wait_indirect_dma semaphore(%arg18 : memref<!tpu.dma_semaphore, #tpu.memory_space<semaphore_mem>>) src(%dma_wait3A_167 : memref<10240x128xf32, #tpu.memory_space<hbm>>) dst(%arg15 : memref<128x128xf32, #tpu.memory_space<vmem>>)
        %add3A_168 = arith.constant 1 : i32
        %add3A_169 = arith.addi %mul3A_128, %add3A_168 : i32
        %dma_start3A_170 = arith.constant 0 : i32
        %dma_start3A_171 = tpu.memref_slice %arg13[%add3A_169, %dma_start3A_170] : memref<40x128xi32, #tpu.memory_space<vmem>> -> memref<1x128xi32, #tpu.memory_space<vmem>>
        %dma_start3A_172 = tpu.memref_squeeze %dma_start3A_171 : memref<1x128xi32, #tpu.memory_space<vmem>> -> memref<128xi32, #tpu.memory_space<vmem>>
        %dma_start3A_173 = arith.constant 0 : i32
        %dma_start3A_174 = arith.constant 0 : i32
        %dma_start3A_175 = tpu.memref_slice %arg16[%dma_start3A_173, %dma_start3A_174] : memref<10240x128xf32, #tpu.memory_space<vmem_shared>> -> memref<10240x128xf32, #tpu.memory_space<vmem_shared>>
        tpu.enqueue_indirect_dma source(%arg15 : memref<128x128xf32, #tpu.memory_space<vmem>>) target(%dma_start3A_175 : memref<10240x128xf32, #tpu.memory_space<vmem_shared>>) offsets(%dma_start3A_172 : memref<128xi32, #tpu.memory_space<vmem>>) semaphore(%arg20 : memref<!tpu.dma_semaphore, #tpu.memory_space<semaphore_mem>>) {add = true}
      }
      %scan3A_21 = arith.constant 20 : i32
      %dma_wait3A = arith.constant 0 : i32
      %dma_wait3A_22 = arith.constant 0 : i32
      %dma_wait3A_23 = tpu.memref_slice %arg4[%dma_wait3A, %dma_wait3A_22] : memref<10240x128xf32, #tpu.memory_space<hbm>> -> memref<128x128xf32, #tpu.memory_space<hbm>>
      %dma_wait3A_24 = arith.constant 0 : i32
      %dma_wait3A_25 = arith.constant 0 : i32
      %dma_wait3A_26 = tpu.memref_slice %arg4[%dma_wait3A_24, %dma_wait3A_25] : memref<10240x128xf32, #tpu.memory_space<hbm>> -> memref<128x128xf32, #tpu.memory_space<hbm>>
      tpu.wait_dma2 semaphore(%arg19 : memref<!tpu.dma_semaphore, #tpu.memory_space<semaphore_mem>>) src(%dma_wait3A_26 : memref<128x128xf32, #tpu.memory_space<hbm>>) dst(%arg14 : memref<128x128xf32, #tpu.memory_space<vmem>>)
      %dma_wait3A_27 = arith.constant 0 : i32
      %dma_wait3A_28 = arith.constant 0 : i32
      %dma_wait3A_29 = tpu.memref_slice %arg4[%dma_wait3A_27, %dma_wait3A_28] : memref<10240x128xf32, #tpu.memory_space<hbm>> -> memref<128x128xf32, #tpu.memory_space<hbm>>
      %dma_wait3A_30 = arith.constant 0 : i32
      %dma_wait3A_31 = arith.constant 0 : i32
      %dma_wait3A_32 = tpu.memref_slice %arg4[%dma_wait3A_30, %dma_wait3A_31] : memref<10240x128xf32, #tpu.memory_space<hbm>> -> memref<128x128xf32, #tpu.memory_space<hbm>>
      tpu.wait_dma2 semaphore(%arg20 : memref<!tpu.dma_semaphore, #tpu.memory_space<semaphore_mem>>) src(%dma_wait3A_32 : memref<128x128xf32, #tpu.memory_space<hbm>>) dst(%arg15 : memref<128x128xf32, #tpu.memory_space<vmem>>)
      %mul3A_33 = arith.constant 80 : i32
      %mul3A_34 = arith.muli %arg1, %mul3A_33 : i32
      %add3A_35 = arith.constant 40 : i32
      %add3A_36 = arith.addi %mul3A_34, %add3A_35 : i32
      "tpu.region"() ({
        %run_scoped3A = tpu.sem_alloc : memref<!tpu.dma_semaphore, #tpu.memory_space<semaphore_mem>>
        %dma_start3A = arith.constant 0 : i32
        %dma_start3A_126 = tpu.memref_slice %arg6[%add3A_36, %dma_start3A] : memref<1280x128xi32, #tpu.memory_space<hbm>> -> memref<40x128xi32, #tpu.memory_space<hbm>>
        %dma_start3A_127 = arith.constant 0 : i32
        %dma_start3A_128 = tpu.memref_slice %arg6[%add3A_36, %dma_start3A_127] : memref<1280x128xi32, #tpu.memory_space<hbm>> -> memref<40x128xi32, #tpu.memory_space<hbm>>
        tpu.enqueue_dma source(%dma_start3A_128 : memref<40x128xi32, #tpu.memory_space<hbm>>) target(%arg12 : memref<40x128xi32, #tpu.memory_space<vmem>>) target_semaphore(%run_scoped3A : memref<!tpu.dma_semaphore, #tpu.memory_space<semaphore_mem>>)
        %dma_wait3A_129 = arith.constant 0 : i32
        %dma_wait3A_130 = tpu.memref_slice %arg6[%add3A_36, %dma_wait3A_129] : memref<1280x128xi32, #tpu.memory_space<hbm>> -> memref<40x128xi32, #tpu.memory_space<hbm>>
        %dma_wait3A_131 = arith.constant 0 : i32
        %dma_wait3A_132 = tpu.memref_slice %arg6[%add3A_36, %dma_wait3A_131] : memref<1280x128xi32, #tpu.memory_space<hbm>> -> memref<40x128xi32, #tpu.memory_space<hbm>>
        tpu.wait_dma2 semaphore(%run_scoped3A : memref<!tpu.dma_semaphore, #tpu.memory_space<semaphore_mem>>) src(%dma_wait3A_132 : memref<40x128xi32, #tpu.memory_space<hbm>>) dst(%arg12 : memref<40x128xi32, #tpu.memory_space<vmem>>)
        tpu.yield
      }) : () -> ()
      %mul3A_37 = arith.constant 80 : i32
      %mul3A_38 = arith.muli %arg1, %mul3A_37 : i32
      %add3A_39 = arith.constant 40 : i32
      %add3A_40 = arith.addi %mul3A_38, %add3A_39 : i32
      "tpu.region"() ({
        %run_scoped3A = tpu.sem_alloc : memref<!tpu.dma_semaphore, #tpu.memory_space<semaphore_mem>>
        %dma_start3A = arith.constant 0 : i32
        %dma_start3A_126 = tpu.memref_slice %arg7[%add3A_40, %dma_start3A] : memref<1280x128xi32, #tpu.memory_space<hbm>> -> memref<40x128xi32, #tpu.memory_space<hbm>>
        %dma_start3A_127 = arith.constant 0 : i32
        %dma_start3A_128 = tpu.memref_slice %arg7[%add3A_40, %dma_start3A_127] : memref<1280x128xi32, #tpu.memory_space<hbm>> -> memref<40x128xi32, #tpu.memory_space<hbm>>
        tpu.enqueue_dma source(%dma_start3A_128 : memref<40x128xi32, #tpu.memory_space<hbm>>) target(%arg13 : memref<40x128xi32, #tpu.memory_space<vmem>>) target_semaphore(%run_scoped3A : memref<!tpu.dma_semaphore, #tpu.memory_space<semaphore_mem>>)
        %dma_wait3A_129 = arith.constant 0 : i32
        %dma_wait3A_130 = tpu.memref_slice %arg7[%add3A_40, %dma_wait3A_129] : memref<1280x128xi32, #tpu.memory_space<hbm>> -> memref<40x128xi32, #tpu.memory_space<hbm>>
        %dma_wait3A_131 = arith.constant 0 : i32
        %dma_wait3A_132 = tpu.memref_slice %arg7[%add3A_40, %dma_wait3A_131] : memref<1280x128xi32, #tpu.memory_space<hbm>> -> memref<40x128xi32, #tpu.memory_space<hbm>>
        tpu.wait_dma2 semaphore(%run_scoped3A : memref<!tpu.dma_semaphore, #tpu.memory_space<semaphore_mem>>) src(%dma_wait3A_132 : memref<40x128xi32, #tpu.memory_space<hbm>>) dst(%arg13 : memref<40x128xi32, #tpu.memory_space<vmem>>)
        tpu.yield
      }) : () -> ()
      %scan3A_41 = arith.constant 0 : i32
      %scan3A_42 = arith.constant 0 : i32
      %scan3A_43 = arith.constant 20 : i32
      %scan3A_44 = arith.addi %scan3A_42, %scan3A_43 : i32
      %scan3A_45 = arith.constant 1 : i32
      scf.for %scan3A_126 = %scan3A_42 to %scan3A_44 step %scan3A_45  : i32 {
        %mul3A_127 = arith.constant 2 : i32
        %mul3A_128 = arith.muli %scan3A_126, %mul3A_127 : i32
        %gt3A = arith.constant 0 : i32
        %gt3A_129 = arith.cmpi sgt, %scan3A_126, %gt3A : i32
        %convert_element_type3A_130 = arith.extui %gt3A_129 : i1 to i32
        %cond3A_131 = arith.constant 0 : i32
        %cond3A_132 = arith.cmpi ne, %convert_element_type3A_130, %cond3A_131 : i32
        scf.if %cond3A_132 {
          %dma_wait3A_176 = arith.constant 0 : i32
          %dma_wait3A_177 = arith.constant 0 : i32
          %dma_wait3A_178 = tpu.memref_slice %arg4[%dma_wait3A_176, %dma_wait3A_177] : memref<10240x128xf32, #tpu.memory_space<hbm>> -> memref<128x128xf32, #tpu.memory_space<hbm>>
          %dma_wait3A_179 = arith.constant 0 : i32
          %dma_wait3A_180 = arith.constant 0 : i32
          %dma_wait3A_181 = tpu.memref_slice %arg4[%dma_wait3A_179, %dma_wait3A_180] : memref<10240x128xf32, #tpu.memory_space<hbm>> -> memref<128x128xf32, #tpu.memory_space<hbm>>
          tpu.wait_dma2 semaphore(%arg19 : memref<!tpu.dma_semaphore, #tpu.memory_space<semaphore_mem>>) src(%dma_wait3A_181 : memref<128x128xf32, #tpu.memory_space<hbm>>) dst(%arg14 : memref<128x128xf32, #tpu.memory_space<vmem>>)
          %dma_wait3A_182 = arith.constant 0 : i32
          %dma_wait3A_183 = arith.constant 0 : i32
          %dma_wait3A_184 = tpu.memref_slice %arg4[%dma_wait3A_182, %dma_wait3A_183] : memref<10240x128xf32, #tpu.memory_space<hbm>> -> memref<128x128xf32, #tpu.memory_space<hbm>>
          %dma_wait3A_185 = arith.constant 0 : i32
          %dma_wait3A_186 = arith.constant 0 : i32
          %dma_wait3A_187 = tpu.memref_slice %arg4[%dma_wait3A_185, %dma_wait3A_186] : memref<10240x128xf32, #tpu.memory_space<hbm>> -> memref<128x128xf32, #tpu.memory_space<hbm>>
          tpu.wait_dma2 semaphore(%arg20 : memref<!tpu.dma_semaphore, #tpu.memory_space<semaphore_mem>>) src(%dma_wait3A_187 : memref<128x128xf32, #tpu.memory_space<hbm>>) dst(%arg15 : memref<128x128xf32, #tpu.memory_space<vmem>>)
        } else {
        }
        %add3A_133 = arith.constant 0 : i32
        %add3A_134 = arith.addi %mul3A_128, %add3A_133 : i32
        %dma_start3A = arith.constant 0 : i32
        %dma_start3A_135 = tpu.memref_slice %arg12[%add3A_134, %dma_start3A] : memref<40x128xi32, #tpu.memory_space<vmem>> -> memref<1x128xi32, #tpu.memory_space<vmem>>
        %dma_start3A_136 = tpu.memref_squeeze %dma_start3A_135 : memref<1x128xi32, #tpu.memory_space<vmem>> -> memref<128xi32, #tpu.memory_space<vmem>>
        %dma_start3A_137 = arith.constant 0 : i32
        %dma_start3A_138 = arith.constant 0 : i32
        %dma_start3A_139 = tpu.memref_slice %arg4[%dma_start3A_137, %dma_start3A_138] : memref<10240x128xf32, #tpu.memory_space<hbm>> -> memref<10240x128xf32, #tpu.memory_space<hbm>>
        tpu.enqueue_indirect_dma source(%dma_start3A_139 : memref<10240x128xf32, #tpu.memory_space<hbm>>) target(%arg14 : memref<128x128xf32, #tpu.memory_space<vmem>>) offsets(%dma_start3A_136 : memref<128xi32, #tpu.memory_space<vmem>>) semaphore(%arg17 : memref<!tpu.dma_semaphore, #tpu.memory_space<semaphore_mem>>)
        %add3A_140 = arith.constant 1 : i32
        %add3A_141 = arith.addi %mul3A_128, %add3A_140 : i32
        %dma_start3A_142 = arith.constant 0 : i32
        %dma_start3A_143 = tpu.memref_slice %arg12[%add3A_141, %dma_start3A_142] : memref<40x128xi32, #tpu.memory_space<vmem>> -> memref<1x128xi32, #tpu.memory_space<vmem>>
        %dma_start3A_144 = tpu.memref_squeeze %dma_start3A_143 : memref<1x128xi32, #tpu.memory_space<vmem>> -> memref<128xi32, #tpu.memory_space<vmem>>
        %dma_start3A_145 = arith.constant 0 : i32
        %dma_start3A_146 = arith.constant 0 : i32
        %dma_start3A_147 = tpu.memref_slice %arg4[%dma_start3A_145, %dma_start3A_146] : memref<10240x128xf32, #tpu.memory_space<hbm>> -> memref<10240x128xf32, #tpu.memory_space<hbm>>
        tpu.enqueue_indirect_dma source(%dma_start3A_147 : memref<10240x128xf32, #tpu.memory_space<hbm>>) target(%arg15 : memref<128x128xf32, #tpu.memory_space<vmem>>) offsets(%dma_start3A_144 : memref<128xi32, #tpu.memory_space<vmem>>) semaphore(%arg18 : memref<!tpu.dma_semaphore, #tpu.memory_space<semaphore_mem>>)
        %dma_wait3A_148 = arith.constant 0 : i32
        %dma_wait3A_149 = tpu.memref_slice %arg12[%add3A_134, %dma_wait3A_148] : memref<40x128xi32, #tpu.memory_space<vmem>> -> memref<1x128xi32, #tpu.memory_space<vmem>>
        %dma_wait3A_150 = tpu.memref_squeeze %dma_wait3A_149 : memref<1x128xi32, #tpu.memory_space<vmem>> -> memref<128xi32, #tpu.memory_space<vmem>>
        %dma_wait3A_151 = arith.constant 0 : i32
        %dma_wait3A_152 = arith.constant 0 : i32
        %dma_wait3A_153 = tpu.memref_slice %arg4[%dma_wait3A_151, %dma_wait3A_152] : memref<10240x128xf32, #tpu.memory_space<hbm>> -> memref<10240x128xf32, #tpu.memory_space<hbm>>
        tpu.wait_indirect_dma semaphore(%arg17 : memref<!tpu.dma_semaphore, #tpu.memory_space<semaphore_mem>>) src(%dma_wait3A_153 : memref<10240x128xf32, #tpu.memory_space<hbm>>) dst(%arg14 : memref<128x128xf32, #tpu.memory_space<vmem>>)
        %add3A_154 = arith.constant 0 : i32
        %add3A_155 = arith.addi %mul3A_128, %add3A_154 : i32
        %dma_start3A_156 = arith.constant 0 : i32
        %dma_start3A_157 = tpu.memref_slice %arg13[%add3A_155, %dma_start3A_156] : memref<40x128xi32, #tpu.memory_space<vmem>> -> memref<1x128xi32, #tpu.memory_space<vmem>>
        %dma_start3A_158 = tpu.memref_squeeze %dma_start3A_157 : memref<1x128xi32, #tpu.memory_space<vmem>> -> memref<128xi32, #tpu.memory_space<vmem>>
        %dma_start3A_159 = arith.constant 0 : i32
        %dma_start3A_160 = arith.constant 0 : i32
        %dma_start3A_161 = tpu.memref_slice %arg16[%dma_start3A_159, %dma_start3A_160] : memref<10240x128xf32, #tpu.memory_space<vmem_shared>> -> memref<10240x128xf32, #tpu.memory_space<vmem_shared>>
        tpu.enqueue_indirect_dma source(%arg14 : memref<128x128xf32, #tpu.memory_space<vmem>>) target(%dma_start3A_161 : memref<10240x128xf32, #tpu.memory_space<vmem_shared>>) offsets(%dma_start3A_158 : memref<128xi32, #tpu.memory_space<vmem>>) semaphore(%arg19 : memref<!tpu.dma_semaphore, #tpu.memory_space<semaphore_mem>>) {add = true}
        %dma_wait3A_162 = arith.constant 0 : i32
        %dma_wait3A_163 = tpu.memref_slice %arg12[%add3A_141, %dma_wait3A_162] : memref<40x128xi32, #tpu.memory_space<vmem>> -> memref<1x128xi32, #tpu.memory_space<vmem>>
        %dma_wait3A_164 = tpu.memref_squeeze %dma_wait3A_163 : memref<1x128xi32, #tpu.memory_space<vmem>> -> memref<128xi32, #tpu.memory_space<vmem>>
        %dma_wait3A_165 = arith.constant 0 : i32
        %dma_wait3A_166 = arith.constant 0 : i32
        %dma_wait3A_167 = tpu.memref_slice %arg4[%dma_wait3A_165, %dma_wait3A_166] : memref<10240x128xf32, #tpu.memory_space<hbm>> -> memref<10240x128xf32, #tpu.memory_space<hbm>>
        tpu.wait_indirect_dma semaphore(%arg18 : memref<!tpu.dma_semaphore, #tpu.memory_space<semaphore_mem>>) src(%dma_wait3A_167 : memref<10240x128xf32, #tpu.memory_space<hbm>>) dst(%arg15 : memref<128x128xf32, #tpu.memory_space<vmem>>)
        %add3A_168 = arith.constant 1 : i32
        %add3A_169 = arith.addi %mul3A_128, %add3A_168 : i32
        %dma_start3A_170 = arith.constant 0 : i32
        %dma_start3A_171 = tpu.memref_slice %arg13[%add3A_169, %dma_start3A_170] : memref<40x128xi32, #tpu.memory_space<vmem>> -> memref<1x128xi32, #tpu.memory_space<vmem>>
        %dma_start3A_172 = tpu.memref_squeeze %dma_start3A_171 : memref<1x128xi32, #tpu.memory_space<vmem>> -> memref<128xi32, #tpu.memory_space<vmem>>
        %dma_start3A_173 = arith.constant 0 : i32
        %dma_start3A_174 = arith.constant 0 : i32
        %dma_start3A_175 = tpu.memref_slice %arg16[%dma_start3A_173, %dma_start3A_174] : memref<10240x128xf32, #tpu.memory_space<vmem_shared>> -> memref<10240x128xf32, #tpu.memory_space<vmem_shared>>
        tpu.enqueue_indirect_dma source(%arg15 : memref<128x128xf32, #tpu.memory_space<vmem>>) target(%dma_start3A_175 : memref<10240x128xf32, #tpu.memory_space<vmem_shared>>) offsets(%dma_start3A_172 : memref<128xi32, #tpu.memory_space<vmem>>) semaphore(%arg20 : memref<!tpu.dma_semaphore, #tpu.memory_space<semaphore_mem>>) {add = true}
      }
      %scan3A_46 = arith.constant 20 : i32
      %dma_wait3A_47 = arith.constant 0 : i32
      %dma_wait3A_48 = arith.constant 0 : i32
      %dma_wait3A_49 = tpu.memref_slice %arg4[%dma_wait3A_47, %dma_wait3A_48] : memref<10240x128xf32, #tpu.memory_space<hbm>> -> memref<128x128xf32, #tpu.memory_space<hbm>>
      %dma_wait3A_50 = arith.constant 0 : i32
      %dma_wait3A_51 = arith.constant 0 : i32
      %dma_wait3A_52 = tpu.memref_slice %arg4[%dma_wait3A_50, %dma_wait3A_51] : memref<10240x128xf32, #tpu.memory_space<hbm>> -> memref<128x128xf32, #tpu.memory_space<hbm>>
      tpu.wait_dma2 semaphore(%arg19 : memref<!tpu.dma_semaphore, #tpu.memory_space<semaphore_mem>>) src(%dma_wait3A_52 : memref<128x128xf32, #tpu.memory_space<hbm>>) dst(%arg14 : memref<128x128xf32, #tpu.memory_space<vmem>>)
      %dma_wait3A_53 = arith.constant 0 : i32
      %dma_wait3A_54 = arith.constant 0 : i32
      %dma_wait3A_55 = tpu.memref_slice %arg4[%dma_wait3A_53, %dma_wait3A_54] : memref<10240x128xf32, #tpu.memory_space<hbm>> -> memref<128x128xf32, #tpu.memory_space<hbm>>
      %dma_wait3A_56 = arith.constant 0 : i32
      %dma_wait3A_57 = arith.constant 0 : i32
      %dma_wait3A_58 = tpu.memref_slice %arg4[%dma_wait3A_56, %dma_wait3A_57] : memref<10240x128xf32, #tpu.memory_space<hbm>> -> memref<128x128xf32, #tpu.memory_space<hbm>>
      tpu.wait_dma2 semaphore(%arg20 : memref<!tpu.dma_semaphore, #tpu.memory_space<semaphore_mem>>) src(%dma_wait3A_58 : memref<128x128xf32, #tpu.memory_space<hbm>>) dst(%arg15 : memref<128x128xf32, #tpu.memory_space<vmem>>)
      %barrier3A_59 = arith.constant 0 : index
      tpu.barrier barrier_id(%barrier3A_59)
      %mul3A_60 = arith.constant 640 : i32
      %mul3A_61 = arith.muli %arg1, %mul3A_60 : i32
      %mul3A_62 = arith.constant 640 : i32
      %mul3A_63 = arith.muli %arg1, %mul3A_62 : i32
      "tpu.region"() ({
        %run_scoped3A = tpu.sem_alloc : memref<!tpu.dma_semaphore, #tpu.memory_space<semaphore_mem>>
        %dma_start3A = arith.constant 0 : i32
        %dma_start3A_126 = tpu.memref_slice %arg10[%mul3A_63, %dma_start3A] : memref<10240x128xf32, #tpu.memory_space<hbm>> -> memref<640x128xf32, #tpu.memory_space<hbm>>
        %dma_start3A_127 = arith.constant 0 : i32
        %dma_start3A_128 = tpu.memref_slice %arg16[%mul3A_61, %dma_start3A_127] : memref<10240x128xf32, #tpu.memory_space<vmem_shared>> -> memref<640x128xf32, #tpu.memory_space<vmem_shared>>
        tpu.enqueue_dma source(%dma_start3A_128 : memref<640x128xf32, #tpu.memory_space<vmem_shared>>) target(%dma_start3A_126 : memref<640x128xf32, #tpu.memory_space<hbm>>) target_semaphore(%run_scoped3A : memref<!tpu.dma_semaphore, #tpu.memory_space<semaphore_mem>>)
        %dma_wait3A_129 = arith.constant 0 : i32
        %dma_wait3A_130 = tpu.memref_slice %arg10[%mul3A_63, %dma_wait3A_129] : memref<10240x128xf32, #tpu.memory_space<hbm>> -> memref<640x128xf32, #tpu.memory_space<hbm>>
        %dma_wait3A_131 = arith.constant 0 : i32
        %dma_wait3A_132 = tpu.memref_slice %arg16[%mul3A_61, %dma_wait3A_131] : memref<10240x128xf32, #tpu.memory_space<vmem_shared>> -> memref<640x128xf32, #tpu.memory_space<vmem_shared>>
        tpu.wait_dma2 semaphore(%run_scoped3A : memref<!tpu.dma_semaphore, #tpu.memory_space<semaphore_mem>>) src(%dma_wait3A_132 : memref<640x128xf32, #tpu.memory_space<vmem_shared>>) dst(%dma_wait3A_130 : memref<640x128xf32, #tpu.memory_space<hbm>>)
        tpu.yield
      }) : () -> ()
      %mul3A_64 = arith.constant 640 : i32
      %mul3A_65 = arith.muli %arg1, %mul3A_64 : i32
      %mul3A_66 = arith.constant 640 : i32
      %mul3A_67 = arith.muli %arg1, %mul3A_66 : i32
      "tpu.region"() ({
        %run_scoped3A = tpu.sem_alloc : memref<!tpu.dma_semaphore, #tpu.memory_space<semaphore_mem>>
        %dma_start3A = arith.constant 0 : i32
        %dma_start3A_126 = tpu.memref_slice %arg16[%mul3A_67, %dma_start3A] : memref<10240x128xf32, #tpu.memory_space<vmem_shared>> -> memref<640x128xf32, #tpu.memory_space<vmem_shared>>
        %dma_start3A_127 = arith.constant 0 : i32
        %dma_start3A_128 = tpu.memref_slice %arg5[%mul3A_65, %dma_start3A_127] : memref<10240x128xf32, #tpu.memory_space<hbm>> -> memref<640x128xf32, #tpu.memory_space<hbm>>
        tpu.enqueue_dma source(%dma_start3A_128 : memref<640x128xf32, #tpu.memory_space<hbm>>) target(%dma_start3A_126 : memref<640x128xf32, #tpu.memory_space<vmem_shared>>) target_semaphore(%run_scoped3A : memref<!tpu.dma_semaphore, #tpu.memory_space<semaphore_mem>>)
        %dma_wait3A_129 = arith.constant 0 : i32
        %dma_wait3A_130 = tpu.memref_slice %arg16[%mul3A_67, %dma_wait3A_129] : memref<10240x128xf32, #tpu.memory_space<vmem_shared>> -> memref<640x128xf32, #tpu.memory_space<vmem_shared>>
        %dma_wait3A_131 = arith.constant 0 : i32
        %dma_wait3A_132 = tpu.memref_slice %arg5[%mul3A_65, %dma_wait3A_131] : memref<10240x128xf32, #tpu.memory_space<hbm>> -> memref<640x128xf32, #tpu.memory_space<hbm>>
        tpu.wait_dma2 semaphore(%run_scoped3A : memref<!tpu.dma_semaphore, #tpu.memory_space<semaphore_mem>>) src(%dma_wait3A_132 : memref<640x128xf32, #tpu.memory_space<hbm>>) dst(%dma_wait3A_130 : memref<640x128xf32, #tpu.memory_space<vmem_shared>>)
        tpu.yield
      }) : () -> ()
      %barrier3A_68 = arith.constant 0 : index
      tpu.barrier barrier_id(%barrier3A_68)
      %mul3A_69 = arith.constant 80 : i32
      %mul3A_70 = arith.muli %arg1, %mul3A_69 : i32
      %add3A_71 = arith.constant 0 : i32
      %add3A_72 = arith.addi %mul3A_70, %add3A_71 : i32
      "tpu.region"() ({
        %run_scoped3A = tpu.sem_alloc : memref<!tpu.dma_semaphore, #tpu.memory_space<semaphore_mem>>
        %dma_start3A = arith.constant 0 : i32
        %dma_start3A_126 = tpu.memref_slice %arg6[%add3A_72, %dma_start3A] : memref<1280x128xi32, #tpu.memory_space<hbm>> -> memref<40x128xi32, #tpu.memory_space<hbm>>
        %dma_start3A_127 = arith.constant 0 : i32
        %dma_start3A_128 = tpu.memref_slice %arg6[%add3A_72, %dma_start3A_127] : memref<1280x128xi32, #tpu.memory_space<hbm>> -> memref<40x128xi32, #tpu.memory_space<hbm>>
        tpu.enqueue_dma source(%dma_start3A_128 : memref<40x128xi32, #tpu.memory_space<hbm>>) target(%arg12 : memref<40x128xi32, #tpu.memory_space<vmem>>) target_semaphore(%run_scoped3A : memref<!tpu.dma_semaphore, #tpu.memory_space<semaphore_mem>>)
        %dma_wait3A_129 = arith.constant 0 : i32
        %dma_wait3A_130 = tpu.memref_slice %arg6[%add3A_72, %dma_wait3A_129] : memref<1280x128xi32, #tpu.memory_space<hbm>> -> memref<40x128xi32, #tpu.memory_space<hbm>>
        %dma_wait3A_131 = arith.constant 0 : i32
        %dma_wait3A_132 = tpu.memref_slice %arg6[%add3A_72, %dma_wait3A_131] : memref<1280x128xi32, #tpu.memory_space<hbm>> -> memref<40x128xi32, #tpu.memory_space<hbm>>
        tpu.wait_dma2 semaphore(%run_scoped3A : memref<!tpu.dma_semaphore, #tpu.memory_space<semaphore_mem>>) src(%dma_wait3A_132 : memref<40x128xi32, #tpu.memory_space<hbm>>) dst(%arg12 : memref<40x128xi32, #tpu.memory_space<vmem>>)
        tpu.yield
      }) : () -> ()
      %mul3A_73 = arith.constant 80 : i32
      %mul3A_74 = arith.muli %arg1, %mul3A_73 : i32
      %add3A_75 = arith.constant 0 : i32
      %add3A_76 = arith.addi %mul3A_74, %add3A_75 : i32
      "tpu.region"() ({
        %run_scoped3A = tpu.sem_alloc : memref<!tpu.dma_semaphore, #tpu.memory_space<semaphore_mem>>
        %dma_start3A = arith.constant 0 : i32
        %dma_start3A_126 = tpu.memref_slice %arg7[%add3A_76, %dma_start3A] : memref<1280x128xi32, #tpu.memory_space<hbm>> -> memref<40x128xi32, #tpu.memory_space<hbm>>
        %dma_start3A_127 = arith.constant 0 : i32
        %dma_start3A_128 = tpu.memref_slice %arg7[%add3A_76, %dma_start3A_127] : memref<1280x128xi32, #tpu.memory_space<hbm>> -> memref<40x128xi32, #tpu.memory_space<hbm>>
        tpu.enqueue_dma source(%dma_start3A_128 : memref<40x128xi32, #tpu.memory_space<hbm>>) target(%arg13 : memref<40x128xi32, #tpu.memory_space<vmem>>) target_semaphore(%run_scoped3A : memref<!tpu.dma_semaphore, #tpu.memory_space<semaphore_mem>>)
        %dma_wait3A_129 = arith.constant 0 : i32
        %dma_wait3A_130 = tpu.memref_slice %arg7[%add3A_76, %dma_wait3A_129] : memref<1280x128xi32, #tpu.memory_space<hbm>> -> memref<40x128xi32, #tpu.memory_space<hbm>>
        %dma_wait3A_131 = arith.constant 0 : i32
        %dma_wait3A_132 = tpu.memref_slice %arg7[%add3A_76, %dma_wait3A_131] : memref<1280x128xi32, #tpu.memory_space<hbm>> -> memref<40x128xi32, #tpu.memory_space<hbm>>
        tpu.wait_dma2 semaphore(%run_scoped3A : memref<!tpu.dma_semaphore, #tpu.memory_space<semaphore_mem>>) src(%dma_wait3A_132 : memref<40x128xi32, #tpu.memory_space<hbm>>) dst(%arg13 : memref<40x128xi32, #tpu.memory_space<vmem>>)
        tpu.yield
      }) : () -> ()
      %scan3A_77 = arith.constant 0 : i32
      %scan3A_78 = arith.constant 0 : i32
      %scan3A_79 = arith.constant 20 : i32
      %scan3A_80 = arith.addi %scan3A_78, %scan3A_79 : i32
      %scan3A_81 = arith.constant 1 : i32
      scf.for %scan3A_126 = %scan3A_78 to %scan3A_80 step %scan3A_81  : i32 {
        %mul3A_127 = arith.constant 2 : i32
        %mul3A_128 = arith.muli %scan3A_126, %mul3A_127 : i32
        %gt3A = arith.constant 0 : i32
        %gt3A_129 = arith.cmpi sgt, %scan3A_126, %gt3A : i32
        %convert_element_type3A_130 = arith.extui %gt3A_129 : i1 to i32
        %cond3A_131 = arith.constant 0 : i32
        %cond3A_132 = arith.cmpi ne, %convert_element_type3A_130, %cond3A_131 : i32
        scf.if %cond3A_132 {
          %dma_wait3A_176 = arith.constant 0 : i32
          %dma_wait3A_177 = arith.constant 0 : i32
          %dma_wait3A_178 = tpu.memref_slice %arg5[%dma_wait3A_176, %dma_wait3A_177] : memref<10240x128xf32, #tpu.memory_space<hbm>> -> memref<128x128xf32, #tpu.memory_space<hbm>>
          %dma_wait3A_179 = arith.constant 0 : i32
          %dma_wait3A_180 = arith.constant 0 : i32
          %dma_wait3A_181 = tpu.memref_slice %arg5[%dma_wait3A_179, %dma_wait3A_180] : memref<10240x128xf32, #tpu.memory_space<hbm>> -> memref<128x128xf32, #tpu.memory_space<hbm>>
          tpu.wait_dma2 semaphore(%arg19 : memref<!tpu.dma_semaphore, #tpu.memory_space<semaphore_mem>>) src(%dma_wait3A_181 : memref<128x128xf32, #tpu.memory_space<hbm>>) dst(%arg14 : memref<128x128xf32, #tpu.memory_space<vmem>>)
          %dma_wait3A_182 = arith.constant 0 : i32
          %dma_wait3A_183 = arith.constant 0 : i32
          %dma_wait3A_184 = tpu.memref_slice %arg5[%dma_wait3A_182, %dma_wait3A_183] : memref<10240x128xf32, #tpu.memory_space<hbm>> -> memref<128x128xf32, #tpu.memory_space<hbm>>
          %dma_wait3A_185 = arith.constant 0 : i32
          %dma_wait3A_186 = arith.constant 0 : i32
          %dma_wait3A_187 = tpu.memref_slice %arg5[%dma_wait3A_185, %dma_wait3A_186] : memref<10240x128xf32, #tpu.memory_space<hbm>> -> memref<128x128xf32, #tpu.memory_space<hbm>>
          tpu.wait_dma2 semaphore(%arg20 : memref<!tpu.dma_semaphore, #tpu.memory_space<semaphore_mem>>) src(%dma_wait3A_187 : memref<128x128xf32, #tpu.memory_space<hbm>>) dst(%arg15 : memref<128x128xf32, #tpu.memory_space<vmem>>)
        } else {
        }
        %add3A_133 = arith.constant 0 : i32
        %add3A_134 = arith.addi %mul3A_128, %add3A_133 : i32
        %dma_start3A = arith.constant 0 : i32
        %dma_start3A_135 = tpu.memref_slice %arg12[%add3A_134, %dma_start3A] : memref<40x128xi32, #tpu.memory_space<vmem>> -> memref<1x128xi32, #tpu.memory_space<vmem>>
        %dma_start3A_136 = tpu.memref_squeeze %dma_start3A_135 : memref<1x128xi32, #tpu.memory_space<vmem>> -> memref<128xi32, #tpu.memory_space<vmem>>
        %dma_start3A_137 = arith.constant 0 : i32
        %dma_start3A_138 = arith.constant 0 : i32
        %dma_start3A_139 = tpu.memref_slice %arg5[%dma_start3A_137, %dma_start3A_138] : memref<10240x128xf32, #tpu.memory_space<hbm>> -> memref<10240x128xf32, #tpu.memory_space<hbm>>
        tpu.enqueue_indirect_dma source(%dma_start3A_139 : memref<10240x128xf32, #tpu.memory_space<hbm>>) target(%arg14 : memref<128x128xf32, #tpu.memory_space<vmem>>) offsets(%dma_start3A_136 : memref<128xi32, #tpu.memory_space<vmem>>) semaphore(%arg17 : memref<!tpu.dma_semaphore, #tpu.memory_space<semaphore_mem>>)
        %add3A_140 = arith.constant 1 : i32
        %add3A_141 = arith.addi %mul3A_128, %add3A_140 : i32
        %dma_start3A_142 = arith.constant 0 : i32
        %dma_start3A_143 = tpu.memref_slice %arg12[%add3A_141, %dma_start3A_142] : memref<40x128xi32, #tpu.memory_space<vmem>> -> memref<1x128xi32, #tpu.memory_space<vmem>>
        %dma_start3A_144 = tpu.memref_squeeze %dma_start3A_143 : memref<1x128xi32, #tpu.memory_space<vmem>> -> memref<128xi32, #tpu.memory_space<vmem>>
        %dma_start3A_145 = arith.constant 0 : i32
        %dma_start3A_146 = arith.constant 0 : i32
        %dma_start3A_147 = tpu.memref_slice %arg5[%dma_start3A_145, %dma_start3A_146] : memref<10240x128xf32, #tpu.memory_space<hbm>> -> memref<10240x128xf32, #tpu.memory_space<hbm>>
        tpu.enqueue_indirect_dma source(%dma_start3A_147 : memref<10240x128xf32, #tpu.memory_space<hbm>>) target(%arg15 : memref<128x128xf32, #tpu.memory_space<vmem>>) offsets(%dma_start3A_144 : memref<128xi32, #tpu.memory_space<vmem>>) semaphore(%arg18 : memref<!tpu.dma_semaphore, #tpu.memory_space<semaphore_mem>>)
        %dma_wait3A_148 = arith.constant 0 : i32
        %dma_wait3A_149 = tpu.memref_slice %arg12[%add3A_134, %dma_wait3A_148] : memref<40x128xi32, #tpu.memory_space<vmem>> -> memref<1x128xi32, #tpu.memory_space<vmem>>
        %dma_wait3A_150 = tpu.memref_squeeze %dma_wait3A_149 : memref<1x128xi32, #tpu.memory_space<vmem>> -> memref<128xi32, #tpu.memory_space<vmem>>
        %dma_wait3A_151 = arith.constant 0 : i32
        %dma_wait3A_152 = arith.constant 0 : i32
        %dma_wait3A_153 = tpu.memref_slice %arg5[%dma_wait3A_151, %dma_wait3A_152] : memref<10240x128xf32, #tpu.memory_space<hbm>> -> memref<10240x128xf32, #tpu.memory_space<hbm>>
        tpu.wait_indirect_dma semaphore(%arg17 : memref<!tpu.dma_semaphore, #tpu.memory_space<semaphore_mem>>) src(%dma_wait3A_153 : memref<10240x128xf32, #tpu.memory_space<hbm>>) dst(%arg14 : memref<128x128xf32, #tpu.memory_space<vmem>>)
        %add3A_154 = arith.constant 0 : i32
        %add3A_155 = arith.addi %mul3A_128, %add3A_154 : i32
        %dma_start3A_156 = arith.constant 0 : i32
        %dma_start3A_157 = tpu.memref_slice %arg13[%add3A_155, %dma_start3A_156] : memref<40x128xi32, #tpu.memory_space<vmem>> -> memref<1x128xi32, #tpu.memory_space<vmem>>
        %dma_start3A_158 = tpu.memref_squeeze %dma_start3A_157 : memref<1x128xi32, #tpu.memory_space<vmem>> -> memref<128xi32, #tpu.memory_space<vmem>>
        %dma_start3A_159 = arith.constant 0 : i32
        %dma_start3A_160 = arith.constant 0 : i32
        %dma_start3A_161 = tpu.memref_slice %arg16[%dma_start3A_159, %dma_start3A_160] : memref<10240x128xf32, #tpu.memory_space<vmem_shared>> -> memref<10240x128xf32, #tpu.memory_space<vmem_shared>>
        tpu.enqueue_indirect_dma source(%arg14 : memref<128x128xf32, #tpu.memory_space<vmem>>) target(%dma_start3A_161 : memref<10240x128xf32, #tpu.memory_space<vmem_shared>>) offsets(%dma_start3A_158 : memref<128xi32, #tpu.memory_space<vmem>>) semaphore(%arg19 : memref<!tpu.dma_semaphore, #tpu.memory_space<semaphore_mem>>) {add = true}
        %dma_wait3A_162 = arith.constant 0 : i32
        %dma_wait3A_163 = tpu.memref_slice %arg12[%add3A_141, %dma_wait3A_162] : memref<40x128xi32, #tpu.memory_space<vmem>> -> memref<1x128xi32, #tpu.memory_space<vmem>>
        %dma_wait3A_164 = tpu.memref_squeeze %dma_wait3A_163 : memref<1x128xi32, #tpu.memory_space<vmem>> -> memref<128xi32, #tpu.memory_space<vmem>>
        %dma_wait3A_165 = arith.constant 0 : i32
        %dma_wait3A_166 = arith.constant 0 : i32
        %dma_wait3A_167 = tpu.memref_slice %arg5[%dma_wait3A_165, %dma_wait3A_166] : memref<10240x128xf32, #tpu.memory_space<hbm>> -> memref<10240x128xf32, #tpu.memory_space<hbm>>
        tpu.wait_indirect_dma semaphore(%arg18 : memref<!tpu.dma_semaphore, #tpu.memory_space<semaphore_mem>>) src(%dma_wait3A_167 : memref<10240x128xf32, #tpu.memory_space<hbm>>) dst(%arg15 : memref<128x128xf32, #tpu.memory_space<vmem>>)
        %add3A_168 = arith.constant 1 : i32
        %add3A_169 = arith.addi %mul3A_128, %add3A_168 : i32
        %dma_start3A_170 = arith.constant 0 : i32
        %dma_start3A_171 = tpu.memref_slice %arg13[%add3A_169, %dma_start3A_170] : memref<40x128xi32, #tpu.memory_space<vmem>> -> memref<1x128xi32, #tpu.memory_space<vmem>>
        %dma_start3A_172 = tpu.memref_squeeze %dma_start3A_171 : memref<1x128xi32, #tpu.memory_space<vmem>> -> memref<128xi32, #tpu.memory_space<vmem>>
        %dma_start3A_173 = arith.constant 0 : i32
        %dma_start3A_174 = arith.constant 0 : i32
        %dma_start3A_175 = tpu.memref_slice %arg16[%dma_start3A_173, %dma_start3A_174] : memref<10240x128xf32, #tpu.memory_space<vmem_shared>> -> memref<10240x128xf32, #tpu.memory_space<vmem_shared>>
        tpu.enqueue_indirect_dma source(%arg15 : memref<128x128xf32, #tpu.memory_space<vmem>>) target(%dma_start3A_175 : memref<10240x128xf32, #tpu.memory_space<vmem_shared>>) offsets(%dma_start3A_172 : memref<128xi32, #tpu.memory_space<vmem>>) semaphore(%arg20 : memref<!tpu.dma_semaphore, #tpu.memory_space<semaphore_mem>>) {add = true}
      }
      %scan3A_82 = arith.constant 20 : i32
      %dma_wait3A_83 = arith.constant 0 : i32
      %dma_wait3A_84 = arith.constant 0 : i32
      %dma_wait3A_85 = tpu.memref_slice %arg5[%dma_wait3A_83, %dma_wait3A_84] : memref<10240x128xf32, #tpu.memory_space<hbm>> -> memref<128x128xf32, #tpu.memory_space<hbm>>
      %dma_wait3A_86 = arith.constant 0 : i32
      %dma_wait3A_87 = arith.constant 0 : i32
      %dma_wait3A_88 = tpu.memref_slice %arg5[%dma_wait3A_86, %dma_wait3A_87] : memref<10240x128xf32, #tpu.memory_space<hbm>> -> memref<128x128xf32, #tpu.memory_space<hbm>>
      tpu.wait_dma2 semaphore(%arg19 : memref<!tpu.dma_semaphore, #tpu.memory_space<semaphore_mem>>) src(%dma_wait3A_88 : memref<128x128xf32, #tpu.memory_space<hbm>>) dst(%arg14 : memref<128x128xf32, #tpu.memory_space<vmem>>)
      %dma_wait3A_89 = arith.constant 0 : i32
      %dma_wait3A_90 = arith.constant 0 : i32
      %dma_wait3A_91 = tpu.memref_slice %arg5[%dma_wait3A_89, %dma_wait3A_90] : memref<10240x128xf32, #tpu.memory_space<hbm>> -> memref<128x128xf32, #tpu.memory_space<hbm>>
      %dma_wait3A_92 = arith.constant 0 : i32
      %dma_wait3A_93 = arith.constant 0 : i32
      %dma_wait3A_94 = tpu.memref_slice %arg5[%dma_wait3A_92, %dma_wait3A_93] : memref<10240x128xf32, #tpu.memory_space<hbm>> -> memref<128x128xf32, #tpu.memory_space<hbm>>
      tpu.wait_dma2 semaphore(%arg20 : memref<!tpu.dma_semaphore, #tpu.memory_space<semaphore_mem>>) src(%dma_wait3A_94 : memref<128x128xf32, #tpu.memory_space<hbm>>) dst(%arg15 : memref<128x128xf32, #tpu.memory_space<vmem>>)
      %mul3A_95 = arith.constant 80 : i32
      %mul3A_96 = arith.muli %arg1, %mul3A_95 : i32
      %add3A_97 = arith.constant 40 : i32
      %add3A_98 = arith.addi %mul3A_96, %add3A_97 : i32
      "tpu.region"() ({
        %run_scoped3A = tpu.sem_alloc : memref<!tpu.dma_semaphore, #tpu.memory_space<semaphore_mem>>
        %dma_start3A = arith.constant 0 : i32
        %dma_start3A_126 = tpu.memref_slice %arg6[%add3A_98, %dma_start3A] : memref<1280x128xi32, #tpu.memory_space<hbm>> -> memref<40x128xi32, #tpu.memory_space<hbm>>
        %dma_start3A_127 = arith.constant 0 : i32
        %dma_start3A_128 = tpu.memref_slice %arg6[%add3A_98, %dma_start3A_127] : memref<1280x128xi32, #tpu.memory_space<hbm>> -> memref<40x128xi32, #tpu.memory_space<hbm>>
        tpu.enqueue_dma source(%dma_start3A_128 : memref<40x128xi32, #tpu.memory_space<hbm>>) target(%arg12 : memref<40x128xi32, #tpu.memory_space<vmem>>) target_semaphore(%run_scoped3A : memref<!tpu.dma_semaphore, #tpu.memory_space<semaphore_mem>>)
        %dma_wait3A_129 = arith.constant 0 : i32
        %dma_wait3A_130 = tpu.memref_slice %arg6[%add3A_98, %dma_wait3A_129] : memref<1280x128xi32, #tpu.memory_space<hbm>> -> memref<40x128xi32, #tpu.memory_space<hbm>>
        %dma_wait3A_131 = arith.constant 0 : i32
        %dma_wait3A_132 = tpu.memref_slice %arg6[%add3A_98, %dma_wait3A_131] : memref<1280x128xi32, #tpu.memory_space<hbm>> -> memref<40x128xi32, #tpu.memory_space<hbm>>
        tpu.wait_dma2 semaphore(%run_scoped3A : memref<!tpu.dma_semaphore, #tpu.memory_space<semaphore_mem>>) src(%dma_wait3A_132 : memref<40x128xi32, #tpu.memory_space<hbm>>) dst(%arg12 : memref<40x128xi32, #tpu.memory_space<vmem>>)
        tpu.yield
      }) : () -> ()
      %mul3A_99 = arith.constant 80 : i32
      %mul3A_100 = arith.muli %arg1, %mul3A_99 : i32
      %add3A_101 = arith.constant 40 : i32
      %add3A_102 = arith.addi %mul3A_100, %add3A_101 : i32
      "tpu.region"() ({
        %run_scoped3A = tpu.sem_alloc : memref<!tpu.dma_semaphore, #tpu.memory_space<semaphore_mem>>
        %dma_start3A = arith.constant 0 : i32
        %dma_start3A_126 = tpu.memref_slice %arg7[%add3A_102, %dma_start3A] : memref<1280x128xi32, #tpu.memory_space<hbm>> -> memref<40x128xi32, #tpu.memory_space<hbm>>
        %dma_start3A_127 = arith.constant 0 : i32
        %dma_start3A_128 = tpu.memref_slice %arg7[%add3A_102, %dma_start3A_127] : memref<1280x128xi32, #tpu.memory_space<hbm>> -> memref<40x128xi32, #tpu.memory_space<hbm>>
        tpu.enqueue_dma source(%dma_start3A_128 : memref<40x128xi32, #tpu.memory_space<hbm>>) target(%arg13 : memref<40x128xi32, #tpu.memory_space<vmem>>) target_semaphore(%run_scoped3A : memref<!tpu.dma_semaphore, #tpu.memory_space<semaphore_mem>>)
        %dma_wait3A_129 = arith.constant 0 : i32
        %dma_wait3A_130 = tpu.memref_slice %arg7[%add3A_102, %dma_wait3A_129] : memref<1280x128xi32, #tpu.memory_space<hbm>> -> memref<40x128xi32, #tpu.memory_space<hbm>>
        %dma_wait3A_131 = arith.constant 0 : i32
        %dma_wait3A_132 = tpu.memref_slice %arg7[%add3A_102, %dma_wait3A_131] : memref<1280x128xi32, #tpu.memory_space<hbm>> -> memref<40x128xi32, #tpu.memory_space<hbm>>
        tpu.wait_dma2 semaphore(%run_scoped3A : memref<!tpu.dma_semaphore, #tpu.memory_space<semaphore_mem>>) src(%dma_wait3A_132 : memref<40x128xi32, #tpu.memory_space<hbm>>) dst(%arg13 : memref<40x128xi32, #tpu.memory_space<vmem>>)
        tpu.yield
      }) : () -> ()
      %scan3A_103 = arith.constant 0 : i32
      %scan3A_104 = arith.constant 0 : i32
      %scan3A_105 = arith.constant 20 : i32
      %scan3A_106 = arith.addi %scan3A_104, %scan3A_105 : i32
      %scan3A_107 = arith.constant 1 : i32
      scf.for %scan3A_126 = %scan3A_104 to %scan3A_106 step %scan3A_107  : i32 {
        %mul3A_127 = arith.constant 2 : i32
        %mul3A_128 = arith.muli %scan3A_126, %mul3A_127 : i32
        %gt3A = arith.constant 0 : i32
        %gt3A_129 = arith.cmpi sgt, %scan3A_126, %gt3A : i32
        %convert_element_type3A_130 = arith.extui %gt3A_129 : i1 to i32
        %cond3A_131 = arith.constant 0 : i32
        %cond3A_132 = arith.cmpi ne, %convert_element_type3A_130, %cond3A_131 : i32
        scf.if %cond3A_132 {
          %dma_wait3A_176 = arith.constant 0 : i32
          %dma_wait3A_177 = arith.constant 0 : i32
          %dma_wait3A_178 = tpu.memref_slice %arg5[%dma_wait3A_176, %dma_wait3A_177] : memref<10240x128xf32, #tpu.memory_space<hbm>> -> memref<128x128xf32, #tpu.memory_space<hbm>>
          %dma_wait3A_179 = arith.constant 0 : i32
          %dma_wait3A_180 = arith.constant 0 : i32
          %dma_wait3A_181 = tpu.memref_slice %arg5[%dma_wait3A_179, %dma_wait3A_180] : memref<10240x128xf32, #tpu.memory_space<hbm>> -> memref<128x128xf32, #tpu.memory_space<hbm>>
          tpu.wait_dma2 semaphore(%arg19 : memref<!tpu.dma_semaphore, #tpu.memory_space<semaphore_mem>>) src(%dma_wait3A_181 : memref<128x128xf32, #tpu.memory_space<hbm>>) dst(%arg14 : memref<128x128xf32, #tpu.memory_space<vmem>>)
          %dma_wait3A_182 = arith.constant 0 : i32
          %dma_wait3A_183 = arith.constant 0 : i32
          %dma_wait3A_184 = tpu.memref_slice %arg5[%dma_wait3A_182, %dma_wait3A_183] : memref<10240x128xf32, #tpu.memory_space<hbm>> -> memref<128x128xf32, #tpu.memory_space<hbm>>
          %dma_wait3A_185 = arith.constant 0 : i32
          %dma_wait3A_186 = arith.constant 0 : i32
          %dma_wait3A_187 = tpu.memref_slice %arg5[%dma_wait3A_185, %dma_wait3A_186] : memref<10240x128xf32, #tpu.memory_space<hbm>> -> memref<128x128xf32, #tpu.memory_space<hbm>>
          tpu.wait_dma2 semaphore(%arg20 : memref<!tpu.dma_semaphore, #tpu.memory_space<semaphore_mem>>) src(%dma_wait3A_187 : memref<128x128xf32, #tpu.memory_space<hbm>>) dst(%arg15 : memref<128x128xf32, #tpu.memory_space<vmem>>)
        } else {
        }
        %add3A_133 = arith.constant 0 : i32
        %add3A_134 = arith.addi %mul3A_128, %add3A_133 : i32
        %dma_start3A = arith.constant 0 : i32
        %dma_start3A_135 = tpu.memref_slice %arg12[%add3A_134, %dma_start3A] : memref<40x128xi32, #tpu.memory_space<vmem>> -> memref<1x128xi32, #tpu.memory_space<vmem>>
        %dma_start3A_136 = tpu.memref_squeeze %dma_start3A_135 : memref<1x128xi32, #tpu.memory_space<vmem>> -> memref<128xi32, #tpu.memory_space<vmem>>
        %dma_start3A_137 = arith.constant 0 : i32
        %dma_start3A_138 = arith.constant 0 : i32
        %dma_start3A_139 = tpu.memref_slice %arg5[%dma_start3A_137, %dma_start3A_138] : memref<10240x128xf32, #tpu.memory_space<hbm>> -> memref<10240x128xf32, #tpu.memory_space<hbm>>
        tpu.enqueue_indirect_dma source(%dma_start3A_139 : memref<10240x128xf32, #tpu.memory_space<hbm>>) target(%arg14 : memref<128x128xf32, #tpu.memory_space<vmem>>) offsets(%dma_start3A_136 : memref<128xi32, #tpu.memory_space<vmem>>) semaphore(%arg17 : memref<!tpu.dma_semaphore, #tpu.memory_space<semaphore_mem>>)
        %add3A_140 = arith.constant 1 : i32
        %add3A_141 = arith.addi %mul3A_128, %add3A_140 : i32
        %dma_start3A_142 = arith.constant 0 : i32
        %dma_start3A_143 = tpu.memref_slice %arg12[%add3A_141, %dma_start3A_142] : memref<40x128xi32, #tpu.memory_space<vmem>> -> memref<1x128xi32, #tpu.memory_space<vmem>>
        %dma_start3A_144 = tpu.memref_squeeze %dma_start3A_143 : memref<1x128xi32, #tpu.memory_space<vmem>> -> memref<128xi32, #tpu.memory_space<vmem>>
        %dma_start3A_145 = arith.constant 0 : i32
        %dma_start3A_146 = arith.constant 0 : i32
        %dma_start3A_147 = tpu.memref_slice %arg5[%dma_start3A_145, %dma_start3A_146] : memref<10240x128xf32, #tpu.memory_space<hbm>> -> memref<10240x128xf32, #tpu.memory_space<hbm>>
        tpu.enqueue_indirect_dma source(%dma_start3A_147 : memref<10240x128xf32, #tpu.memory_space<hbm>>) target(%arg15 : memref<128x128xf32, #tpu.memory_space<vmem>>) offsets(%dma_start3A_144 : memref<128xi32, #tpu.memory_space<vmem>>) semaphore(%arg18 : memref<!tpu.dma_semaphore, #tpu.memory_space<semaphore_mem>>)
        %dma_wait3A_148 = arith.constant 0 : i32
        %dma_wait3A_149 = tpu.memref_slice %arg12[%add3A_134, %dma_wait3A_148] : memref<40x128xi32, #tpu.memory_space<vmem>> -> memref<1x128xi32, #tpu.memory_space<vmem>>
        %dma_wait3A_150 = tpu.memref_squeeze %dma_wait3A_149 : memref<1x128xi32, #tpu.memory_space<vmem>> -> memref<128xi32, #tpu.memory_space<vmem>>
        %dma_wait3A_151 = arith.constant 0 : i32
        %dma_wait3A_152 = arith.constant 0 : i32
        %dma_wait3A_153 = tpu.memref_slice %arg5[%dma_wait3A_151, %dma_wait3A_152] : memref<10240x128xf32, #tpu.memory_space<hbm>> -> memref<10240x128xf32, #tpu.memory_space<hbm>>
        tpu.wait_indirect_dma semaphore(%arg17 : memref<!tpu.dma_semaphore, #tpu.memory_space<semaphore_mem>>) src(%dma_wait3A_153 : memref<10240x128xf32, #tpu.memory_space<hbm>>) dst(%arg14 : memref<128x128xf32, #tpu.memory_space<vmem>>)
        %add3A_154 = arith.constant 0 : i32
        %add3A_155 = arith.addi %mul3A_128, %add3A_154 : i32
        %dma_start3A_156 = arith.constant 0 : i32
        %dma_start3A_157 = tpu.memref_slice %arg13[%add3A_155, %dma_start3A_156] : memref<40x128xi32, #tpu.memory_space<vmem>> -> memref<1x128xi32, #tpu.memory_space<vmem>>
        %dma_start3A_158 = tpu.memref_squeeze %dma_start3A_157 : memref<1x128xi32, #tpu.memory_space<vmem>> -> memref<128xi32, #tpu.memory_space<vmem>>
        %dma_start3A_159 = arith.constant 0 : i32
        %dma_start3A_160 = arith.constant 0 : i32
        %dma_start3A_161 = tpu.memref_slice %arg16[%dma_start3A_159, %dma_start3A_160] : memref<10240x128xf32, #tpu.memory_space<vmem_shared>> -> memref<10240x128xf32, #tpu.memory_space<vmem_shared>>
        tpu.enqueue_indirect_dma source(%arg14 : memref<128x128xf32, #tpu.memory_space<vmem>>) target(%dma_start3A_161 : memref<10240x128xf32, #tpu.memory_space<vmem_shared>>) offsets(%dma_start3A_158 : memref<128xi32, #tpu.memory_space<vmem>>) semaphore(%arg19 : memref<!tpu.dma_semaphore, #tpu.memory_space<semaphore_mem>>) {add = true}
        %dma_wait3A_162 = arith.constant 0 : i32
        %dma_wait3A_163 = tpu.memref_slice %arg12[%add3A_141, %dma_wait3A_162] : memref<40x128xi32, #tpu.memory_space<vmem>> -> memref<1x128xi32, #tpu.memory_space<vmem>>
        %dma_wait3A_164 = tpu.memref_squeeze %dma_wait3A_163 : memref<1x128xi32, #tpu.memory_space<vmem>> -> memref<128xi32, #tpu.memory_space<vmem>>
        %dma_wait3A_165 = arith.constant 0 : i32
        %dma_wait3A_166 = arith.constant 0 : i32
        %dma_wait3A_167 = tpu.memref_slice %arg5[%dma_wait3A_165, %dma_wait3A_166] : memref<10240x128xf32, #tpu.memory_space<hbm>> -> memref<10240x128xf32, #tpu.memory_space<hbm>>
        tpu.wait_indirect_dma semaphore(%arg18 : memref<!tpu.dma_semaphore, #tpu.memory_space<semaphore_mem>>) src(%dma_wait3A_167 : memref<10240x128xf32, #tpu.memory_space<hbm>>) dst(%arg15 : memref<128x128xf32, #tpu.memory_space<vmem>>)
        %add3A_168 = arith.constant 1 : i32
        %add3A_169 = arith.addi %mul3A_128, %add3A_168 : i32
        %dma_start3A_170 = arith.constant 0 : i32
        %dma_start3A_171 = tpu.memref_slice %arg13[%add3A_169, %dma_start3A_170] : memref<40x128xi32, #tpu.memory_space<vmem>> -> memref<1x128xi32, #tpu.memory_space<vmem>>
        %dma_start3A_172 = tpu.memref_squeeze %dma_start3A_171 : memref<1x128xi32, #tpu.memory_space<vmem>> -> memref<128xi32, #tpu.memory_space<vmem>>
        %dma_start3A_173 = arith.constant 0 : i32
        %dma_start3A_174 = arith.constant 0 : i32
        %dma_start3A_175 = tpu.memref_slice %arg16[%dma_start3A_173, %dma_start3A_174] : memref<10240x128xf32, #tpu.memory_space<vmem_shared>> -> memref<10240x128xf32, #tpu.memory_space<vmem_shared>>
        tpu.enqueue_indirect_dma source(%arg15 : memref<128x128xf32, #tpu.memory_space<vmem>>) target(%dma_start3A_175 : memref<10240x128xf32, #tpu.memory_space<vmem_shared>>) offsets(%dma_start3A_172 : memref<128xi32, #tpu.memory_space<vmem>>) semaphore(%arg20 : memref<!tpu.dma_semaphore, #tpu.memory_space<semaphore_mem>>) {add = true}
      }
      %scan3A_108 = arith.constant 20 : i32
      %dma_wait3A_109 = arith.constant 0 : i32
      %dma_wait3A_110 = arith.constant 0 : i32
      %dma_wait3A_111 = tpu.memref_slice %arg5[%dma_wait3A_109, %dma_wait3A_110] : memref<10240x128xf32, #tpu.memory_space<hbm>> -> memref<128x128xf32, #tpu.memory_space<hbm>>
      %dma_wait3A_112 = arith.constant 0 : i32
      %dma_wait3A_113 = arith.constant 0 : i32
      %dma_wait3A_114 = tpu.memref_slice %arg5[%dma_wait3A_112, %dma_wait3A_113] : memref<10240x128xf32, #tpu.memory_space<hbm>> -> memref<128x128xf32, #tpu.memory_space<hbm>>
      tpu.wait_dma2 semaphore(%arg19 : memref<!tpu.dma_semaphore, #tpu.memory_space<semaphore_mem>>) src(%dma_wait3A_114 : memref<128x128xf32, #tpu.memory_space<hbm>>) dst(%arg14 : memref<128x128xf32, #tpu.memory_space<vmem>>)
      %dma_wait3A_115 = arith.constant 0 : i32
      %dma_wait3A_116 = arith.constant 0 : i32
      %dma_wait3A_117 = tpu.memref_slice %arg5[%dma_wait3A_115, %dma_wait3A_116] : memref<10240x128xf32, #tpu.memory_space<hbm>> -> memref<128x128xf32, #tpu.memory_space<hbm>>
      %dma_wait3A_118 = arith.constant 0 : i32
      %dma_wait3A_119 = arith.constant 0 : i32
      %dma_wait3A_120 = tpu.memref_slice %arg5[%dma_wait3A_118, %dma_wait3A_119] : memref<10240x128xf32, #tpu.memory_space<hbm>> -> memref<128x128xf32, #tpu.memory_space<hbm>>
      tpu.wait_dma2 semaphore(%arg20 : memref<!tpu.dma_semaphore, #tpu.memory_space<semaphore_mem>>) src(%dma_wait3A_120 : memref<128x128xf32, #tpu.memory_space<hbm>>) dst(%arg15 : memref<128x128xf32, #tpu.memory_space<vmem>>)
      %barrier3A_121 = arith.constant 0 : index
      tpu.barrier barrier_id(%barrier3A_121)
      %mul3A_122 = arith.constant 640 : i32
      %mul3A_123 = arith.muli %arg1, %mul3A_122 : i32
      %mul3A_124 = arith.constant 640 : i32
      %mul3A_125 = arith.muli %arg1, %mul3A_124 : i32
      "tpu.region"() ({
        %run_scoped3A = tpu.sem_alloc : memref<!tpu.dma_semaphore, #tpu.memory_space<semaphore_mem>>
        %dma_start3A = arith.constant 0 : i32
        %dma_start3A_126 = tpu.memref_slice %arg11[%mul3A_125, %dma_start3A] : memref<10240x128xf32, #tpu.memory_space<hbm>> -> memref<640x128xf32, #tpu.memory_space<hbm>>
        %dma_start3A_127 = arith.constant 0 : i32
        %dma_start3A_128 = tpu.memref_slice %arg16[%mul3A_123, %dma_start3A_127] : memref<10240x128xf32, #tpu.memory_space<vmem_shared>> -> memref<640x128xf32, #tpu.memory_space<vmem_shared>>
        tpu.enqueue_dma source(%dma_start3A_128 : memref<640x128xf32, #tpu.memory_space<vmem_shared>>) target(%dma_start3A_126 : memref<640x128xf32, #tpu.memory_space<hbm>>) target_semaphore(%run_scoped3A : memref<!tpu.dma_semaphore, #tpu.memory_space<semaphore_mem>>)
        %dma_wait3A_129 = arith.constant 0 : i32
        %dma_wait3A_130 = tpu.memref_slice %arg11[%mul3A_125, %dma_wait3A_129] : memref<10240x128xf32, #tpu.memory_space<hbm>> -> memref<640x128xf32, #tpu.memory_space<hbm>>
        %dma_wait3A_131 = arith.constant 0 : i32
        %dma_wait3A_132 = tpu.memref_slice %arg16[%mul3A_123, %dma_wait3A_131] : memref<10240x128xf32, #tpu.memory_space<vmem_shared>> -> memref<640x128xf32, #tpu.memory_space<vmem_shared>>
        tpu.wait_dma2 semaphore(%run_scoped3A : memref<!tpu.dma_semaphore, #tpu.memory_space<semaphore_mem>>) src(%dma_wait3A_132 : memref<640x128xf32, #tpu.memory_space<vmem_shared>>) dst(%dma_wait3A_130 : memref<640x128xf32, #tpu.memory_space<hbm>>)
        tpu.yield
      }) : () -> ()
    } else {
    }
    return
  }
}

#map = affine_map<(d0, d1) -> (0, 0)>
module attributes {stable_mosaic.version = 14 : i64} {
  func.func @k(%arg0: i32, %arg1: i32, %arg2: memref<10240x128xf32, #tpu.memory_space<hbm>>, %arg3: memref<10240x128xf32, #tpu.memory_space<hbm>>, %arg4: memref<1280x128xi32, #tpu.memory_space<hbm>>, %arg5: memref<1280x128xi32, #tpu.memory_space<hbm>>, %arg6: memref<10240x128xf32, #tpu.memory_space<hbm>>, %arg7: memref<10240x128xf32, #tpu.memory_space<hbm>>, %arg8: memref<40x128xi32, #tpu.memory_space<vmem>>, %arg9: memref<40x128xi32, #tpu.memory_space<vmem>>, %arg10: memref<128x128xf32, #tpu.memory_space<vmem>>, %arg11: memref<128x128xf32, #tpu.memory_space<vmem>>, %arg12: memref<10240x128xf32, #tpu.memory_space<vmem_shared>>, %arg13: memref<!tpu.dma_semaphore, #tpu.memory_space<semaphore_mem>>, %arg14: memref<!tpu.dma_semaphore, #tpu.memory_space<semaphore_mem>>, %arg15: memref<!tpu.dma_semaphore, #tpu.memory_space<semaphore_mem>>, %arg16: memref<!tpu.dma_semaphore, #tpu.memory_space<semaphore_mem>>) attributes {dimension_semantics = [#tpu.dimension_semantics<core_parallel>, #tpu.dimension_semantics<subcore_parallel>], iteration_bounds = array<i64: 2, 16>, scalar_prefetch = 0 : i64, scratch_operands = 9 : i64, tpu.core_type = #tpu.core_type<sc_vector_subcore>, window_params = [{transform_indices = #map}, {transform_indices = #map}, {transform_indices = #map}, {transform_indices = #map}, {transform_indices = #map}, {transform_indices = #map}]} {
    %eq3A = arith.constant 0 : i32
    %eq3A_0 = arith.cmpi eq, %arg0, %eq3A : i32
    %convert_element_type3A = arith.extui %eq3A_0 : i1 to i32
    %cond3A = arith.constant 0 : i32
    %cond3A_1 = arith.cmpi ne, %convert_element_type3A, %cond3A : i32
    scf.if %cond3A_1 {
      %mul3A = arith.constant 640 : i32
      %mul3A_7 = arith.muli %arg1, %mul3A : i32
      %mul3A_8 = arith.constant 640 : i32
      %mul3A_9 = arith.muli %arg1, %mul3A_8 : i32
      "tpu.region"() ({
        %run_scoped3A = tpu.sem_alloc : memref<!tpu.dma_semaphore, #tpu.memory_space<semaphore_mem>>
        %dma_start3A = arith.constant 0 : i32
        %dma_start3A_64 = tpu.memref_slice %arg12[%mul3A_9, %dma_start3A] : memref<10240x128xf32, #tpu.memory_space<vmem_shared>> -> memref<640x128xf32, #tpu.memory_space<vmem_shared>>
        %dma_start3A_65 = arith.constant 0 : i32
        %dma_start3A_66 = tpu.memref_slice %arg2[%mul3A_7, %dma_start3A_65] : memref<10240x128xf32, #tpu.memory_space<hbm>> -> memref<640x128xf32, #tpu.memory_space<hbm>>
        tpu.enqueue_dma source(%dma_start3A_66 : memref<640x128xf32, #tpu.memory_space<hbm>>) target(%dma_start3A_64 : memref<640x128xf32, #tpu.memory_space<vmem_shared>>) target_semaphore(%run_scoped3A : memref<!tpu.dma_semaphore, #tpu.memory_space<semaphore_mem>>)
        %dma_wait3A_67 = arith.constant 0 : i32
        %dma_wait3A_68 = tpu.memref_slice %arg12[%mul3A_9, %dma_wait3A_67] : memref<10240x128xf32, #tpu.memory_space<vmem_shared>> -> memref<640x128xf32, #tpu.memory_space<vmem_shared>>
        %dma_wait3A_69 = arith.constant 0 : i32
        %dma_wait3A_70 = tpu.memref_slice %arg2[%mul3A_7, %dma_wait3A_69] : memref<10240x128xf32, #tpu.memory_space<hbm>> -> memref<640x128xf32, #tpu.memory_space<hbm>>
        tpu.wait_dma2 semaphore(%run_scoped3A : memref<!tpu.dma_semaphore, #tpu.memory_space<semaphore_mem>>) src(%dma_wait3A_70 : memref<640x128xf32, #tpu.memory_space<hbm>>) dst(%dma_wait3A_68 : memref<640x128xf32, #tpu.memory_space<vmem_shared>>)
        tpu.yield
      }) : () -> ()
      %barrier3A = arith.constant 0 : index
      tpu.barrier barrier_id(%barrier3A)
      %mul3A_10 = arith.constant 80 : i32
      %mul3A_11 = arith.muli %arg1, %mul3A_10 : i32
      %add3A = arith.constant 0 : i32
      %add3A_12 = arith.addi %mul3A_11, %add3A : i32
      "tpu.region"() ({
        %run_scoped3A = tpu.sem_alloc : memref<!tpu.dma_semaphore, #tpu.memory_space<semaphore_mem>>
        %dma_start3A = arith.constant 0 : i32
        %dma_start3A_64 = tpu.memref_slice %arg4[%add3A_12, %dma_start3A] : memref<1280x128xi32, #tpu.memory_space<hbm>> -> memref<40x128xi32, #tpu.memory_space<hbm>>
        %dma_start3A_65 = arith.constant 0 : i32
        %dma_start3A_66 = tpu.memref_slice %arg4[%add3A_12, %dma_start3A_65] : memref<1280x128xi32, #tpu.memory_space<hbm>> -> memref<40x128xi32, #tpu.memory_space<hbm>>
        tpu.enqueue_dma source(%dma_start3A_66 : memref<40x128xi32, #tpu.memory_space<hbm>>) target(%arg8 : memref<40x128xi32, #tpu.memory_space<vmem>>) target_semaphore(%run_scoped3A : memref<!tpu.dma_semaphore, #tpu.memory_space<semaphore_mem>>)
        %dma_wait3A_67 = arith.constant 0 : i32
        %dma_wait3A_68 = tpu.memref_slice %arg4[%add3A_12, %dma_wait3A_67] : memref<1280x128xi32, #tpu.memory_space<hbm>> -> memref<40x128xi32, #tpu.memory_space<hbm>>
        %dma_wait3A_69 = arith.constant 0 : i32
        %dma_wait3A_70 = tpu.memref_slice %arg4[%add3A_12, %dma_wait3A_69] : memref<1280x128xi32, #tpu.memory_space<hbm>> -> memref<40x128xi32, #tpu.memory_space<hbm>>
        tpu.wait_dma2 semaphore(%run_scoped3A : memref<!tpu.dma_semaphore, #tpu.memory_space<semaphore_mem>>) src(%dma_wait3A_70 : memref<40x128xi32, #tpu.memory_space<hbm>>) dst(%arg8 : memref<40x128xi32, #tpu.memory_space<vmem>>)
        tpu.yield
      }) : () -> ()
      %mul3A_13 = arith.constant 80 : i32
      %mul3A_14 = arith.muli %arg1, %mul3A_13 : i32
      %add3A_15 = arith.constant 0 : i32
      %add3A_16 = arith.addi %mul3A_14, %add3A_15 : i32
      "tpu.region"() ({
        %run_scoped3A = tpu.sem_alloc : memref<!tpu.dma_semaphore, #tpu.memory_space<semaphore_mem>>
        %dma_start3A = arith.constant 0 : i32
        %dma_start3A_64 = tpu.memref_slice %arg5[%add3A_16, %dma_start3A] : memref<1280x128xi32, #tpu.memory_space<hbm>> -> memref<40x128xi32, #tpu.memory_space<hbm>>
        %dma_start3A_65 = arith.constant 0 : i32
        %dma_start3A_66 = tpu.memref_slice %arg5[%add3A_16, %dma_start3A_65] : memref<1280x128xi32, #tpu.memory_space<hbm>> -> memref<40x128xi32, #tpu.memory_space<hbm>>
        tpu.enqueue_dma source(%dma_start3A_66 : memref<40x128xi32, #tpu.memory_space<hbm>>) target(%arg9 : memref<40x128xi32, #tpu.memory_space<vmem>>) target_semaphore(%run_scoped3A : memref<!tpu.dma_semaphore, #tpu.memory_space<semaphore_mem>>)
        %dma_wait3A_67 = arith.constant 0 : i32
        %dma_wait3A_68 = tpu.memref_slice %arg5[%add3A_16, %dma_wait3A_67] : memref<1280x128xi32, #tpu.memory_space<hbm>> -> memref<40x128xi32, #tpu.memory_space<hbm>>
        %dma_wait3A_69 = arith.constant 0 : i32
        %dma_wait3A_70 = tpu.memref_slice %arg5[%add3A_16, %dma_wait3A_69] : memref<1280x128xi32, #tpu.memory_space<hbm>> -> memref<40x128xi32, #tpu.memory_space<hbm>>
        tpu.wait_dma2 semaphore(%run_scoped3A : memref<!tpu.dma_semaphore, #tpu.memory_space<semaphore_mem>>) src(%dma_wait3A_70 : memref<40x128xi32, #tpu.memory_space<hbm>>) dst(%arg9 : memref<40x128xi32, #tpu.memory_space<vmem>>)
        tpu.yield
      }) : () -> ()
      %scan3A = arith.constant 0 : i32
      %scan3A_17 = arith.constant 0 : i32
      %scan3A_18 = arith.constant 20 : i32
      %scan3A_19 = arith.addi %scan3A_17, %scan3A_18 : i32
      %scan3A_20 = arith.constant 1 : i32
      scf.for %scan3A_64 = %scan3A_17 to %scan3A_19 step %scan3A_20  : i32 {
        %mul3A_65 = arith.constant 2 : i32
        %mul3A_66 = arith.muli %scan3A_64, %mul3A_65 : i32
        %gt3A = arith.constant 0 : i32
        %gt3A_67 = arith.cmpi sgt, %scan3A_64, %gt3A : i32
        %convert_element_type3A_68 = arith.extui %gt3A_67 : i1 to i32
        %cond3A_69 = arith.constant 0 : i32
        %cond3A_70 = arith.cmpi ne, %convert_element_type3A_68, %cond3A_69 : i32
        scf.if %cond3A_70 {
          %dma_wait3A_114 = arith.constant 0 : i32
          %dma_wait3A_115 = arith.constant 0 : i32
          %dma_wait3A_116 = tpu.memref_slice %arg2[%dma_wait3A_114, %dma_wait3A_115] : memref<10240x128xf32, #tpu.memory_space<hbm>> -> memref<128x128xf32, #tpu.memory_space<hbm>>
          %dma_wait3A_117 = arith.constant 0 : i32
          %dma_wait3A_118 = arith.constant 0 : i32
          %dma_wait3A_119 = tpu.memref_slice %arg2[%dma_wait3A_117, %dma_wait3A_118] : memref<10240x128xf32, #tpu.memory_space<hbm>> -> memref<128x128xf32, #tpu.memory_space<hbm>>
          tpu.wait_dma2 semaphore(%arg15 : memref<!tpu.dma_semaphore, #tpu.memory_space<semaphore_mem>>) src(%dma_wait3A_119 : memref<128x128xf32, #tpu.memory_space<hbm>>) dst(%arg10 : memref<128x128xf32, #tpu.memory_space<vmem>>)
          %dma_wait3A_120 = arith.constant 0 : i32
          %dma_wait3A_121 = arith.constant 0 : i32
          %dma_wait3A_122 = tpu.memref_slice %arg2[%dma_wait3A_120, %dma_wait3A_121] : memref<10240x128xf32, #tpu.memory_space<hbm>> -> memref<128x128xf32, #tpu.memory_space<hbm>>
          %dma_wait3A_123 = arith.constant 0 : i32
          %dma_wait3A_124 = arith.constant 0 : i32
          %dma_wait3A_125 = tpu.memref_slice %arg2[%dma_wait3A_123, %dma_wait3A_124] : memref<10240x128xf32, #tpu.memory_space<hbm>> -> memref<128x128xf32, #tpu.memory_space<hbm>>
          tpu.wait_dma2 semaphore(%arg16 : memref<!tpu.dma_semaphore, #tpu.memory_space<semaphore_mem>>) src(%dma_wait3A_125 : memref<128x128xf32, #tpu.memory_space<hbm>>) dst(%arg11 : memref<128x128xf32, #tpu.memory_space<vmem>>)
        } else {
        }
        %add3A_71 = arith.constant 0 : i32
        %add3A_72 = arith.addi %mul3A_66, %add3A_71 : i32
        %dma_start3A = arith.constant 0 : i32
        %dma_start3A_73 = tpu.memref_slice %arg8[%add3A_72, %dma_start3A] : memref<40x128xi32, #tpu.memory_space<vmem>> -> memref<1x128xi32, #tpu.memory_space<vmem>>
        %dma_start3A_74 = tpu.memref_squeeze %dma_start3A_73 : memref<1x128xi32, #tpu.memory_space<vmem>> -> memref<128xi32, #tpu.memory_space<vmem>>
        %dma_start3A_75 = arith.constant 0 : i32
        %dma_start3A_76 = arith.constant 0 : i32
        %dma_start3A_77 = tpu.memref_slice %arg2[%dma_start3A_75, %dma_start3A_76] : memref<10240x128xf32, #tpu.memory_space<hbm>> -> memref<10240x128xf32, #tpu.memory_space<hbm>>
        tpu.enqueue_indirect_dma source(%dma_start3A_77 : memref<10240x128xf32, #tpu.memory_space<hbm>>) target(%arg10 : memref<128x128xf32, #tpu.memory_space<vmem>>) offsets(%dma_start3A_74 : memref<128xi32, #tpu.memory_space<vmem>>) semaphore(%arg13 : memref<!tpu.dma_semaphore, #tpu.memory_space<semaphore_mem>>)
        %add3A_78 = arith.constant 1 : i32
        %add3A_79 = arith.addi %mul3A_66, %add3A_78 : i32
        %dma_start3A_80 = arith.constant 0 : i32
        %dma_start3A_81 = tpu.memref_slice %arg8[%add3A_79, %dma_start3A_80] : memref<40x128xi32, #tpu.memory_space<vmem>> -> memref<1x128xi32, #tpu.memory_space<vmem>>
        %dma_start3A_82 = tpu.memref_squeeze %dma_start3A_81 : memref<1x128xi32, #tpu.memory_space<vmem>> -> memref<128xi32, #tpu.memory_space<vmem>>
        %dma_start3A_83 = arith.constant 0 : i32
        %dma_start3A_84 = arith.constant 0 : i32
        %dma_start3A_85 = tpu.memref_slice %arg2[%dma_start3A_83, %dma_start3A_84] : memref<10240x128xf32, #tpu.memory_space<hbm>> -> memref<10240x128xf32, #tpu.memory_space<hbm>>
        tpu.enqueue_indirect_dma source(%dma_start3A_85 : memref<10240x128xf32, #tpu.memory_space<hbm>>) target(%arg11 : memref<128x128xf32, #tpu.memory_space<vmem>>) offsets(%dma_start3A_82 : memref<128xi32, #tpu.memory_space<vmem>>) semaphore(%arg14 : memref<!tpu.dma_semaphore, #tpu.memory_space<semaphore_mem>>)
        %dma_wait3A_86 = arith.constant 0 : i32
        %dma_wait3A_87 = tpu.memref_slice %arg8[%add3A_72, %dma_wait3A_86] : memref<40x128xi32, #tpu.memory_space<vmem>> -> memref<1x128xi32, #tpu.memory_space<vmem>>
        %dma_wait3A_88 = tpu.memref_squeeze %dma_wait3A_87 : memref<1x128xi32, #tpu.memory_space<vmem>> -> memref<128xi32, #tpu.memory_space<vmem>>
        %dma_wait3A_89 = arith.constant 0 : i32
        %dma_wait3A_90 = arith.constant 0 : i32
        %dma_wait3A_91 = tpu.memref_slice %arg2[%dma_wait3A_89, %dma_wait3A_90] : memref<10240x128xf32, #tpu.memory_space<hbm>> -> memref<10240x128xf32, #tpu.memory_space<hbm>>
        tpu.wait_indirect_dma semaphore(%arg13 : memref<!tpu.dma_semaphore, #tpu.memory_space<semaphore_mem>>) src(%dma_wait3A_91 : memref<10240x128xf32, #tpu.memory_space<hbm>>) dst(%arg10 : memref<128x128xf32, #tpu.memory_space<vmem>>)
        %add3A_92 = arith.constant 0 : i32
        %add3A_93 = arith.addi %mul3A_66, %add3A_92 : i32
        %dma_start3A_94 = arith.constant 0 : i32
        %dma_start3A_95 = tpu.memref_slice %arg9[%add3A_93, %dma_start3A_94] : memref<40x128xi32, #tpu.memory_space<vmem>> -> memref<1x128xi32, #tpu.memory_space<vmem>>
        %dma_start3A_96 = tpu.memref_squeeze %dma_start3A_95 : memref<1x128xi32, #tpu.memory_space<vmem>> -> memref<128xi32, #tpu.memory_space<vmem>>
        %dma_start3A_97 = arith.constant 0 : i32
        %dma_start3A_98 = arith.constant 0 : i32
        %dma_start3A_99 = tpu.memref_slice %arg12[%dma_start3A_97, %dma_start3A_98] : memref<10240x128xf32, #tpu.memory_space<vmem_shared>> -> memref<10240x128xf32, #tpu.memory_space<vmem_shared>>
        tpu.enqueue_indirect_dma source(%arg10 : memref<128x128xf32, #tpu.memory_space<vmem>>) target(%dma_start3A_99 : memref<10240x128xf32, #tpu.memory_space<vmem_shared>>) offsets(%dma_start3A_96 : memref<128xi32, #tpu.memory_space<vmem>>) semaphore(%arg15 : memref<!tpu.dma_semaphore, #tpu.memory_space<semaphore_mem>>) {add = true}
        %dma_wait3A_100 = arith.constant 0 : i32
        %dma_wait3A_101 = tpu.memref_slice %arg8[%add3A_79, %dma_wait3A_100] : memref<40x128xi32, #tpu.memory_space<vmem>> -> memref<1x128xi32, #tpu.memory_space<vmem>>
        %dma_wait3A_102 = tpu.memref_squeeze %dma_wait3A_101 : memref<1x128xi32, #tpu.memory_space<vmem>> -> memref<128xi32, #tpu.memory_space<vmem>>
        %dma_wait3A_103 = arith.constant 0 : i32
        %dma_wait3A_104 = arith.constant 0 : i32
        %dma_wait3A_105 = tpu.memref_slice %arg2[%dma_wait3A_103, %dma_wait3A_104] : memref<10240x128xf32, #tpu.memory_space<hbm>> -> memref<10240x128xf32, #tpu.memory_space<hbm>>
        tpu.wait_indirect_dma semaphore(%arg14 : memref<!tpu.dma_semaphore, #tpu.memory_space<semaphore_mem>>) src(%dma_wait3A_105 : memref<10240x128xf32, #tpu.memory_space<hbm>>) dst(%arg11 : memref<128x128xf32, #tpu.memory_space<vmem>>)
        %add3A_106 = arith.constant 1 : i32
        %add3A_107 = arith.addi %mul3A_66, %add3A_106 : i32
        %dma_start3A_108 = arith.constant 0 : i32
        %dma_start3A_109 = tpu.memref_slice %arg9[%add3A_107, %dma_start3A_108] : memref<40x128xi32, #tpu.memory_space<vmem>> -> memref<1x128xi32, #tpu.memory_space<vmem>>
        %dma_start3A_110 = tpu.memref_squeeze %dma_start3A_109 : memref<1x128xi32, #tpu.memory_space<vmem>> -> memref<128xi32, #tpu.memory_space<vmem>>
        %dma_start3A_111 = arith.constant 0 : i32
        %dma_start3A_112 = arith.constant 0 : i32
        %dma_start3A_113 = tpu.memref_slice %arg12[%dma_start3A_111, %dma_start3A_112] : memref<10240x128xf32, #tpu.memory_space<vmem_shared>> -> memref<10240x128xf32, #tpu.memory_space<vmem_shared>>
        tpu.enqueue_indirect_dma source(%arg11 : memref<128x128xf32, #tpu.memory_space<vmem>>) target(%dma_start3A_113 : memref<10240x128xf32, #tpu.memory_space<vmem_shared>>) offsets(%dma_start3A_110 : memref<128xi32, #tpu.memory_space<vmem>>) semaphore(%arg16 : memref<!tpu.dma_semaphore, #tpu.memory_space<semaphore_mem>>) {add = true}
      }
      %scan3A_21 = arith.constant 20 : i32
      %dma_wait3A = arith.constant 0 : i32
      %dma_wait3A_22 = arith.constant 0 : i32
      %dma_wait3A_23 = tpu.memref_slice %arg2[%dma_wait3A, %dma_wait3A_22] : memref<10240x128xf32, #tpu.memory_space<hbm>> -> memref<128x128xf32, #tpu.memory_space<hbm>>
      %dma_wait3A_24 = arith.constant 0 : i32
      %dma_wait3A_25 = arith.constant 0 : i32
      %dma_wait3A_26 = tpu.memref_slice %arg2[%dma_wait3A_24, %dma_wait3A_25] : memref<10240x128xf32, #tpu.memory_space<hbm>> -> memref<128x128xf32, #tpu.memory_space<hbm>>
      tpu.wait_dma2 semaphore(%arg15 : memref<!tpu.dma_semaphore, #tpu.memory_space<semaphore_mem>>) src(%dma_wait3A_26 : memref<128x128xf32, #tpu.memory_space<hbm>>) dst(%arg10 : memref<128x128xf32, #tpu.memory_space<vmem>>)
      %dma_wait3A_27 = arith.constant 0 : i32
      %dma_wait3A_28 = arith.constant 0 : i32
      %dma_wait3A_29 = tpu.memref_slice %arg2[%dma_wait3A_27, %dma_wait3A_28] : memref<10240x128xf32, #tpu.memory_space<hbm>> -> memref<128x128xf32, #tpu.memory_space<hbm>>
      %dma_wait3A_30 = arith.constant 0 : i32
      %dma_wait3A_31 = arith.constant 0 : i32
      %dma_wait3A_32 = tpu.memref_slice %arg2[%dma_wait3A_30, %dma_wait3A_31] : memref<10240x128xf32, #tpu.memory_space<hbm>> -> memref<128x128xf32, #tpu.memory_space<hbm>>
      tpu.wait_dma2 semaphore(%arg16 : memref<!tpu.dma_semaphore, #tpu.memory_space<semaphore_mem>>) src(%dma_wait3A_32 : memref<128x128xf32, #tpu.memory_space<hbm>>) dst(%arg11 : memref<128x128xf32, #tpu.memory_space<vmem>>)
      %mul3A_33 = arith.constant 80 : i32
      %mul3A_34 = arith.muli %arg1, %mul3A_33 : i32
      %add3A_35 = arith.constant 40 : i32
      %add3A_36 = arith.addi %mul3A_34, %add3A_35 : i32
      "tpu.region"() ({
        %run_scoped3A = tpu.sem_alloc : memref<!tpu.dma_semaphore, #tpu.memory_space<semaphore_mem>>
        %dma_start3A = arith.constant 0 : i32
        %dma_start3A_64 = tpu.memref_slice %arg4[%add3A_36, %dma_start3A] : memref<1280x128xi32, #tpu.memory_space<hbm>> -> memref<40x128xi32, #tpu.memory_space<hbm>>
        %dma_start3A_65 = arith.constant 0 : i32
        %dma_start3A_66 = tpu.memref_slice %arg4[%add3A_36, %dma_start3A_65] : memref<1280x128xi32, #tpu.memory_space<hbm>> -> memref<40x128xi32, #tpu.memory_space<hbm>>
        tpu.enqueue_dma source(%dma_start3A_66 : memref<40x128xi32, #tpu.memory_space<hbm>>) target(%arg8 : memref<40x128xi32, #tpu.memory_space<vmem>>) target_semaphore(%run_scoped3A : memref<!tpu.dma_semaphore, #tpu.memory_space<semaphore_mem>>)
        %dma_wait3A_67 = arith.constant 0 : i32
        %dma_wait3A_68 = tpu.memref_slice %arg4[%add3A_36, %dma_wait3A_67] : memref<1280x128xi32, #tpu.memory_space<hbm>> -> memref<40x128xi32, #tpu.memory_space<hbm>>
        %dma_wait3A_69 = arith.constant 0 : i32
        %dma_wait3A_70 = tpu.memref_slice %arg4[%add3A_36, %dma_wait3A_69] : memref<1280x128xi32, #tpu.memory_space<hbm>> -> memref<40x128xi32, #tpu.memory_space<hbm>>
        tpu.wait_dma2 semaphore(%run_scoped3A : memref<!tpu.dma_semaphore, #tpu.memory_space<semaphore_mem>>) src(%dma_wait3A_70 : memref<40x128xi32, #tpu.memory_space<hbm>>) dst(%arg8 : memref<40x128xi32, #tpu.memory_space<vmem>>)
        tpu.yield
      }) : () -> ()
      %mul3A_37 = arith.constant 80 : i32
      %mul3A_38 = arith.muli %arg1, %mul3A_37 : i32
      %add3A_39 = arith.constant 40 : i32
      %add3A_40 = arith.addi %mul3A_38, %add3A_39 : i32
      "tpu.region"() ({
        %run_scoped3A = tpu.sem_alloc : memref<!tpu.dma_semaphore, #tpu.memory_space<semaphore_mem>>
        %dma_start3A = arith.constant 0 : i32
        %dma_start3A_64 = tpu.memref_slice %arg5[%add3A_40, %dma_start3A] : memref<1280x128xi32, #tpu.memory_space<hbm>> -> memref<40x128xi32, #tpu.memory_space<hbm>>
        %dma_start3A_65 = arith.constant 0 : i32
        %dma_start3A_66 = tpu.memref_slice %arg5[%add3A_40, %dma_start3A_65] : memref<1280x128xi32, #tpu.memory_space<hbm>> -> memref<40x128xi32, #tpu.memory_space<hbm>>
        tpu.enqueue_dma source(%dma_start3A_66 : memref<40x128xi32, #tpu.memory_space<hbm>>) target(%arg9 : memref<40x128xi32, #tpu.memory_space<vmem>>) target_semaphore(%run_scoped3A : memref<!tpu.dma_semaphore, #tpu.memory_space<semaphore_mem>>)
        %dma_wait3A_67 = arith.constant 0 : i32
        %dma_wait3A_68 = tpu.memref_slice %arg5[%add3A_40, %dma_wait3A_67] : memref<1280x128xi32, #tpu.memory_space<hbm>> -> memref<40x128xi32, #tpu.memory_space<hbm>>
        %dma_wait3A_69 = arith.constant 0 : i32
        %dma_wait3A_70 = tpu.memref_slice %arg5[%add3A_40, %dma_wait3A_69] : memref<1280x128xi32, #tpu.memory_space<hbm>> -> memref<40x128xi32, #tpu.memory_space<hbm>>
        tpu.wait_dma2 semaphore(%run_scoped3A : memref<!tpu.dma_semaphore, #tpu.memory_space<semaphore_mem>>) src(%dma_wait3A_70 : memref<40x128xi32, #tpu.memory_space<hbm>>) dst(%arg9 : memref<40x128xi32, #tpu.memory_space<vmem>>)
        tpu.yield
      }) : () -> ()
      %scan3A_41 = arith.constant 0 : i32
      %scan3A_42 = arith.constant 0 : i32
      %scan3A_43 = arith.constant 20 : i32
      %scan3A_44 = arith.addi %scan3A_42, %scan3A_43 : i32
      %scan3A_45 = arith.constant 1 : i32
      scf.for %scan3A_64 = %scan3A_42 to %scan3A_44 step %scan3A_45  : i32 {
        %mul3A_65 = arith.constant 2 : i32
        %mul3A_66 = arith.muli %scan3A_64, %mul3A_65 : i32
        %gt3A = arith.constant 0 : i32
        %gt3A_67 = arith.cmpi sgt, %scan3A_64, %gt3A : i32
        %convert_element_type3A_68 = arith.extui %gt3A_67 : i1 to i32
        %cond3A_69 = arith.constant 0 : i32
        %cond3A_70 = arith.cmpi ne, %convert_element_type3A_68, %cond3A_69 : i32
        scf.if %cond3A_70 {
          %dma_wait3A_114 = arith.constant 0 : i32
          %dma_wait3A_115 = arith.constant 0 : i32
          %dma_wait3A_116 = tpu.memref_slice %arg2[%dma_wait3A_114, %dma_wait3A_115] : memref<10240x128xf32, #tpu.memory_space<hbm>> -> memref<128x128xf32, #tpu.memory_space<hbm>>
          %dma_wait3A_117 = arith.constant 0 : i32
          %dma_wait3A_118 = arith.constant 0 : i32
          %dma_wait3A_119 = tpu.memref_slice %arg2[%dma_wait3A_117, %dma_wait3A_118] : memref<10240x128xf32, #tpu.memory_space<hbm>> -> memref<128x128xf32, #tpu.memory_space<hbm>>
          tpu.wait_dma2 semaphore(%arg15 : memref<!tpu.dma_semaphore, #tpu.memory_space<semaphore_mem>>) src(%dma_wait3A_119 : memref<128x128xf32, #tpu.memory_space<hbm>>) dst(%arg10 : memref<128x128xf32, #tpu.memory_space<vmem>>)
          %dma_wait3A_120 = arith.constant 0 : i32
          %dma_wait3A_121 = arith.constant 0 : i32
          %dma_wait3A_122 = tpu.memref_slice %arg2[%dma_wait3A_120, %dma_wait3A_121] : memref<10240x128xf32, #tpu.memory_space<hbm>> -> memref<128x128xf32, #tpu.memory_space<hbm>>
          %dma_wait3A_123 = arith.constant 0 : i32
          %dma_wait3A_124 = arith.constant 0 : i32
          %dma_wait3A_125 = tpu.memref_slice %arg2[%dma_wait3A_123, %dma_wait3A_124] : memref<10240x128xf32, #tpu.memory_space<hbm>> -> memref<128x128xf32, #tpu.memory_space<hbm>>
          tpu.wait_dma2 semaphore(%arg16 : memref<!tpu.dma_semaphore, #tpu.memory_space<semaphore_mem>>) src(%dma_wait3A_125 : memref<128x128xf32, #tpu.memory_space<hbm>>) dst(%arg11 : memref<128x128xf32, #tpu.memory_space<vmem>>)
        } else {
        }
        %add3A_71 = arith.constant 0 : i32
        %add3A_72 = arith.addi %mul3A_66, %add3A_71 : i32
        %dma_start3A = arith.constant 0 : i32
        %dma_start3A_73 = tpu.memref_slice %arg8[%add3A_72, %dma_start3A] : memref<40x128xi32, #tpu.memory_space<vmem>> -> memref<1x128xi32, #tpu.memory_space<vmem>>
        %dma_start3A_74 = tpu.memref_squeeze %dma_start3A_73 : memref<1x128xi32, #tpu.memory_space<vmem>> -> memref<128xi32, #tpu.memory_space<vmem>>
        %dma_start3A_75 = arith.constant 0 : i32
        %dma_start3A_76 = arith.constant 0 : i32
        %dma_start3A_77 = tpu.memref_slice %arg2[%dma_start3A_75, %dma_start3A_76] : memref<10240x128xf32, #tpu.memory_space<hbm>> -> memref<10240x128xf32, #tpu.memory_space<hbm>>
        tpu.enqueue_indirect_dma source(%dma_start3A_77 : memref<10240x128xf32, #tpu.memory_space<hbm>>) target(%arg10 : memref<128x128xf32, #tpu.memory_space<vmem>>) offsets(%dma_start3A_74 : memref<128xi32, #tpu.memory_space<vmem>>) semaphore(%arg13 : memref<!tpu.dma_semaphore, #tpu.memory_space<semaphore_mem>>)
        %add3A_78 = arith.constant 1 : i32
        %add3A_79 = arith.addi %mul3A_66, %add3A_78 : i32
        %dma_start3A_80 = arith.constant 0 : i32
        %dma_start3A_81 = tpu.memref_slice %arg8[%add3A_79, %dma_start3A_80] : memref<40x128xi32, #tpu.memory_space<vmem>> -> memref<1x128xi32, #tpu.memory_space<vmem>>
        %dma_start3A_82 = tpu.memref_squeeze %dma_start3A_81 : memref<1x128xi32, #tpu.memory_space<vmem>> -> memref<128xi32, #tpu.memory_space<vmem>>
        %dma_start3A_83 = arith.constant 0 : i32
        %dma_start3A_84 = arith.constant 0 : i32
        %dma_start3A_85 = tpu.memref_slice %arg2[%dma_start3A_83, %dma_start3A_84] : memref<10240x128xf32, #tpu.memory_space<hbm>> -> memref<10240x128xf32, #tpu.memory_space<hbm>>
        tpu.enqueue_indirect_dma source(%dma_start3A_85 : memref<10240x128xf32, #tpu.memory_space<hbm>>) target(%arg11 : memref<128x128xf32, #tpu.memory_space<vmem>>) offsets(%dma_start3A_82 : memref<128xi32, #tpu.memory_space<vmem>>) semaphore(%arg14 : memref<!tpu.dma_semaphore, #tpu.memory_space<semaphore_mem>>)
        %dma_wait3A_86 = arith.constant 0 : i32
        %dma_wait3A_87 = tpu.memref_slice %arg8[%add3A_72, %dma_wait3A_86] : memref<40x128xi32, #tpu.memory_space<vmem>> -> memref<1x128xi32, #tpu.memory_space<vmem>>
        %dma_wait3A_88 = tpu.memref_squeeze %dma_wait3A_87 : memref<1x128xi32, #tpu.memory_space<vmem>> -> memref<128xi32, #tpu.memory_space<vmem>>
        %dma_wait3A_89 = arith.constant 0 : i32
        %dma_wait3A_90 = arith.constant 0 : i32
        %dma_wait3A_91 = tpu.memref_slice %arg2[%dma_wait3A_89, %dma_wait3A_90] : memref<10240x128xf32, #tpu.memory_space<hbm>> -> memref<10240x128xf32, #tpu.memory_space<hbm>>
        tpu.wait_indirect_dma semaphore(%arg13 : memref<!tpu.dma_semaphore, #tpu.memory_space<semaphore_mem>>) src(%dma_wait3A_91 : memref<10240x128xf32, #tpu.memory_space<hbm>>) dst(%arg10 : memref<128x128xf32, #tpu.memory_space<vmem>>)
        %add3A_92 = arith.constant 0 : i32
        %add3A_93 = arith.addi %mul3A_66, %add3A_92 : i32
        %dma_start3A_94 = arith.constant 0 : i32
        %dma_start3A_95 = tpu.memref_slice %arg9[%add3A_93, %dma_start3A_94] : memref<40x128xi32, #tpu.memory_space<vmem>> -> memref<1x128xi32, #tpu.memory_space<vmem>>
        %dma_start3A_96 = tpu.memref_squeeze %dma_start3A_95 : memref<1x128xi32, #tpu.memory_space<vmem>> -> memref<128xi32, #tpu.memory_space<vmem>>
        %dma_start3A_97 = arith.constant 0 : i32
        %dma_start3A_98 = arith.constant 0 : i32
        %dma_start3A_99 = tpu.memref_slice %arg12[%dma_start3A_97, %dma_start3A_98] : memref<10240x128xf32, #tpu.memory_space<vmem_shared>> -> memref<10240x128xf32, #tpu.memory_space<vmem_shared>>
        tpu.enqueue_indirect_dma source(%arg10 : memref<128x128xf32, #tpu.memory_space<vmem>>) target(%dma_start3A_99 : memref<10240x128xf32, #tpu.memory_space<vmem_shared>>) offsets(%dma_start3A_96 : memref<128xi32, #tpu.memory_space<vmem>>) semaphore(%arg15 : memref<!tpu.dma_semaphore, #tpu.memory_space<semaphore_mem>>) {add = true}
        %dma_wait3A_100 = arith.constant 0 : i32
        %dma_wait3A_101 = tpu.memref_slice %arg8[%add3A_79, %dma_wait3A_100] : memref<40x128xi32, #tpu.memory_space<vmem>> -> memref<1x128xi32, #tpu.memory_space<vmem>>
        %dma_wait3A_102 = tpu.memref_squeeze %dma_wait3A_101 : memref<1x128xi32, #tpu.memory_space<vmem>> -> memref<128xi32, #tpu.memory_space<vmem>>
        %dma_wait3A_103 = arith.constant 0 : i32
        %dma_wait3A_104 = arith.constant 0 : i32
        %dma_wait3A_105 = tpu.memref_slice %arg2[%dma_wait3A_103, %dma_wait3A_104] : memref<10240x128xf32, #tpu.memory_space<hbm>> -> memref<10240x128xf32, #tpu.memory_space<hbm>>
        tpu.wait_indirect_dma semaphore(%arg14 : memref<!tpu.dma_semaphore, #tpu.memory_space<semaphore_mem>>) src(%dma_wait3A_105 : memref<10240x128xf32, #tpu.memory_space<hbm>>) dst(%arg11 : memref<128x128xf32, #tpu.memory_space<vmem>>)
        %add3A_106 = arith.constant 1 : i32
        %add3A_107 = arith.addi %mul3A_66, %add3A_106 : i32
        %dma_start3A_108 = arith.constant 0 : i32
        %dma_start3A_109 = tpu.memref_slice %arg9[%add3A_107, %dma_start3A_108] : memref<40x128xi32, #tpu.memory_space<vmem>> -> memref<1x128xi32, #tpu.memory_space<vmem>>
        %dma_start3A_110 = tpu.memref_squeeze %dma_start3A_109 : memref<1x128xi32, #tpu.memory_space<vmem>> -> memref<128xi32, #tpu.memory_space<vmem>>
        %dma_start3A_111 = arith.constant 0 : i32
        %dma_start3A_112 = arith.constant 0 : i32
        %dma_start3A_113 = tpu.memref_slice %arg12[%dma_start3A_111, %dma_start3A_112] : memref<10240x128xf32, #tpu.memory_space<vmem_shared>> -> memref<10240x128xf32, #tpu.memory_space<vmem_shared>>
        tpu.enqueue_indirect_dma source(%arg11 : memref<128x128xf32, #tpu.memory_space<vmem>>) target(%dma_start3A_113 : memref<10240x128xf32, #tpu.memory_space<vmem_shared>>) offsets(%dma_start3A_110 : memref<128xi32, #tpu.memory_space<vmem>>) semaphore(%arg16 : memref<!tpu.dma_semaphore, #tpu.memory_space<semaphore_mem>>) {add = true}
      }
      %scan3A_46 = arith.constant 20 : i32
      %dma_wait3A_47 = arith.constant 0 : i32
      %dma_wait3A_48 = arith.constant 0 : i32
      %dma_wait3A_49 = tpu.memref_slice %arg2[%dma_wait3A_47, %dma_wait3A_48] : memref<10240x128xf32, #tpu.memory_space<hbm>> -> memref<128x128xf32, #tpu.memory_space<hbm>>
      %dma_wait3A_50 = arith.constant 0 : i32
      %dma_wait3A_51 = arith.constant 0 : i32
      %dma_wait3A_52 = tpu.memref_slice %arg2[%dma_wait3A_50, %dma_wait3A_51] : memref<10240x128xf32, #tpu.memory_space<hbm>> -> memref<128x128xf32, #tpu.memory_space<hbm>>
      tpu.wait_dma2 semaphore(%arg15 : memref<!tpu.dma_semaphore, #tpu.memory_space<semaphore_mem>>) src(%dma_wait3A_52 : memref<128x128xf32, #tpu.memory_space<hbm>>) dst(%arg10 : memref<128x128xf32, #tpu.memory_space<vmem>>)
      %dma_wait3A_53 = arith.constant 0 : i32
      %dma_wait3A_54 = arith.constant 0 : i32
      %dma_wait3A_55 = tpu.memref_slice %arg2[%dma_wait3A_53, %dma_wait3A_54] : memref<10240x128xf32, #tpu.memory_space<hbm>> -> memref<128x128xf32, #tpu.memory_space<hbm>>
      %dma_wait3A_56 = arith.constant 0 : i32
      %dma_wait3A_57 = arith.constant 0 : i32
      %dma_wait3A_58 = tpu.memref_slice %arg2[%dma_wait3A_56, %dma_wait3A_57] : memref<10240x128xf32, #tpu.memory_space<hbm>> -> memref<128x128xf32, #tpu.memory_space<hbm>>
      tpu.wait_dma2 semaphore(%arg16 : memref<!tpu.dma_semaphore, #tpu.memory_space<semaphore_mem>>) src(%dma_wait3A_58 : memref<128x128xf32, #tpu.memory_space<hbm>>) dst(%arg11 : memref<128x128xf32, #tpu.memory_space<vmem>>)
      %barrier3A_59 = arith.constant 0 : index
      tpu.barrier barrier_id(%barrier3A_59)
      %mul3A_60 = arith.constant 640 : i32
      %mul3A_61 = arith.muli %arg1, %mul3A_60 : i32
      %mul3A_62 = arith.constant 640 : i32
      %mul3A_63 = arith.muli %arg1, %mul3A_62 : i32
      "tpu.region"() ({
        %run_scoped3A = tpu.sem_alloc : memref<!tpu.dma_semaphore, #tpu.memory_space<semaphore_mem>>
        %dma_start3A = arith.constant 0 : i32
        %dma_start3A_64 = tpu.memref_slice %arg6[%mul3A_63, %dma_start3A] : memref<10240x128xf32, #tpu.memory_space<hbm>> -> memref<640x128xf32, #tpu.memory_space<hbm>>
        %dma_start3A_65 = arith.constant 0 : i32
        %dma_start3A_66 = tpu.memref_slice %arg12[%mul3A_61, %dma_start3A_65] : memref<10240x128xf32, #tpu.memory_space<vmem_shared>> -> memref<640x128xf32, #tpu.memory_space<vmem_shared>>
        tpu.enqueue_dma source(%dma_start3A_66 : memref<640x128xf32, #tpu.memory_space<vmem_shared>>) target(%dma_start3A_64 : memref<640x128xf32, #tpu.memory_space<hbm>>) target_semaphore(%run_scoped3A : memref<!tpu.dma_semaphore, #tpu.memory_space<semaphore_mem>>)
        %dma_wait3A_67 = arith.constant 0 : i32
        %dma_wait3A_68 = tpu.memref_slice %arg6[%mul3A_63, %dma_wait3A_67] : memref<10240x128xf32, #tpu.memory_space<hbm>> -> memref<640x128xf32, #tpu.memory_space<hbm>>
        %dma_wait3A_69 = arith.constant 0 : i32
        %dma_wait3A_70 = tpu.memref_slice %arg12[%mul3A_61, %dma_wait3A_69] : memref<10240x128xf32, #tpu.memory_space<vmem_shared>> -> memref<640x128xf32, #tpu.memory_space<vmem_shared>>
        tpu.wait_dma2 semaphore(%run_scoped3A : memref<!tpu.dma_semaphore, #tpu.memory_space<semaphore_mem>>) src(%dma_wait3A_70 : memref<640x128xf32, #tpu.memory_space<vmem_shared>>) dst(%dma_wait3A_68 : memref<640x128xf32, #tpu.memory_space<hbm>>)
        tpu.yield
      }) : () -> ()
    } else {
    }
    %eq3A_2 = arith.constant 1 : i32
    %eq3A_3 = arith.cmpi eq, %arg0, %eq3A_2 : i32
    %convert_element_type3A_4 = arith.extui %eq3A_3 : i1 to i32
    %cond3A_5 = arith.constant 0 : i32
    %cond3A_6 = arith.cmpi ne, %convert_element_type3A_4, %cond3A_5 : i32
    scf.if %cond3A_6 {
      %mul3A = arith.constant 640 : i32
      %mul3A_7 = arith.muli %arg1, %mul3A : i32
      %mul3A_8 = arith.constant 640 : i32
      %mul3A_9 = arith.muli %arg1, %mul3A_8 : i32
      "tpu.region"() ({
        %run_scoped3A = tpu.sem_alloc : memref<!tpu.dma_semaphore, #tpu.memory_space<semaphore_mem>>
        %dma_start3A = arith.constant 0 : i32
        %dma_start3A_64 = tpu.memref_slice %arg12[%mul3A_9, %dma_start3A] : memref<10240x128xf32, #tpu.memory_space<vmem_shared>> -> memref<640x128xf32, #tpu.memory_space<vmem_shared>>
        %dma_start3A_65 = arith.constant 0 : i32
        %dma_start3A_66 = tpu.memref_slice %arg3[%mul3A_7, %dma_start3A_65] : memref<10240x128xf32, #tpu.memory_space<hbm>> -> memref<640x128xf32, #tpu.memory_space<hbm>>
        tpu.enqueue_dma source(%dma_start3A_66 : memref<640x128xf32, #tpu.memory_space<hbm>>) target(%dma_start3A_64 : memref<640x128xf32, #tpu.memory_space<vmem_shared>>) target_semaphore(%run_scoped3A : memref<!tpu.dma_semaphore, #tpu.memory_space<semaphore_mem>>)
        %dma_wait3A_67 = arith.constant 0 : i32
        %dma_wait3A_68 = tpu.memref_slice %arg12[%mul3A_9, %dma_wait3A_67] : memref<10240x128xf32, #tpu.memory_space<vmem_shared>> -> memref<640x128xf32, #tpu.memory_space<vmem_shared>>
        %dma_wait3A_69 = arith.constant 0 : i32
        %dma_wait3A_70 = tpu.memref_slice %arg3[%mul3A_7, %dma_wait3A_69] : memref<10240x128xf32, #tpu.memory_space<hbm>> -> memref<640x128xf32, #tpu.memory_space<hbm>>
        tpu.wait_dma2 semaphore(%run_scoped3A : memref<!tpu.dma_semaphore, #tpu.memory_space<semaphore_mem>>) src(%dma_wait3A_70 : memref<640x128xf32, #tpu.memory_space<hbm>>) dst(%dma_wait3A_68 : memref<640x128xf32, #tpu.memory_space<vmem_shared>>)
        tpu.yield
      }) : () -> ()
      %barrier3A = arith.constant 0 : index
      tpu.barrier barrier_id(%barrier3A)
      %mul3A_10 = arith.constant 80 : i32
      %mul3A_11 = arith.muli %arg1, %mul3A_10 : i32
      %add3A = arith.constant 0 : i32
      %add3A_12 = arith.addi %mul3A_11, %add3A : i32
      "tpu.region"() ({
        %run_scoped3A = tpu.sem_alloc : memref<!tpu.dma_semaphore, #tpu.memory_space<semaphore_mem>>
        %dma_start3A = arith.constant 0 : i32
        %dma_start3A_64 = tpu.memref_slice %arg4[%add3A_12, %dma_start3A] : memref<1280x128xi32, #tpu.memory_space<hbm>> -> memref<40x128xi32, #tpu.memory_space<hbm>>
        %dma_start3A_65 = arith.constant 0 : i32
        %dma_start3A_66 = tpu.memref_slice %arg4[%add3A_12, %dma_start3A_65] : memref<1280x128xi32, #tpu.memory_space<hbm>> -> memref<40x128xi32, #tpu.memory_space<hbm>>
        tpu.enqueue_dma source(%dma_start3A_66 : memref<40x128xi32, #tpu.memory_space<hbm>>) target(%arg8 : memref<40x128xi32, #tpu.memory_space<vmem>>) target_semaphore(%run_scoped3A : memref<!tpu.dma_semaphore, #tpu.memory_space<semaphore_mem>>)
        %dma_wait3A_67 = arith.constant 0 : i32
        %dma_wait3A_68 = tpu.memref_slice %arg4[%add3A_12, %dma_wait3A_67] : memref<1280x128xi32, #tpu.memory_space<hbm>> -> memref<40x128xi32, #tpu.memory_space<hbm>>
        %dma_wait3A_69 = arith.constant 0 : i32
        %dma_wait3A_70 = tpu.memref_slice %arg4[%add3A_12, %dma_wait3A_69] : memref<1280x128xi32, #tpu.memory_space<hbm>> -> memref<40x128xi32, #tpu.memory_space<hbm>>
        tpu.wait_dma2 semaphore(%run_scoped3A : memref<!tpu.dma_semaphore, #tpu.memory_space<semaphore_mem>>) src(%dma_wait3A_70 : memref<40x128xi32, #tpu.memory_space<hbm>>) dst(%arg8 : memref<40x128xi32, #tpu.memory_space<vmem>>)
        tpu.yield
      }) : () -> ()
      %mul3A_13 = arith.constant 80 : i32
      %mul3A_14 = arith.muli %arg1, %mul3A_13 : i32
      %add3A_15 = arith.constant 0 : i32
      %add3A_16 = arith.addi %mul3A_14, %add3A_15 : i32
      "tpu.region"() ({
        %run_scoped3A = tpu.sem_alloc : memref<!tpu.dma_semaphore, #tpu.memory_space<semaphore_mem>>
        %dma_start3A = arith.constant 0 : i32
        %dma_start3A_64 = tpu.memref_slice %arg5[%add3A_16, %dma_start3A] : memref<1280x128xi32, #tpu.memory_space<hbm>> -> memref<40x128xi32, #tpu.memory_space<hbm>>
        %dma_start3A_65 = arith.constant 0 : i32
        %dma_start3A_66 = tpu.memref_slice %arg5[%add3A_16, %dma_start3A_65] : memref<1280x128xi32, #tpu.memory_space<hbm>> -> memref<40x128xi32, #tpu.memory_space<hbm>>
        tpu.enqueue_dma source(%dma_start3A_66 : memref<40x128xi32, #tpu.memory_space<hbm>>) target(%arg9 : memref<40x128xi32, #tpu.memory_space<vmem>>) target_semaphore(%run_scoped3A : memref<!tpu.dma_semaphore, #tpu.memory_space<semaphore_mem>>)
        %dma_wait3A_67 = arith.constant 0 : i32
        %dma_wait3A_68 = tpu.memref_slice %arg5[%add3A_16, %dma_wait3A_67] : memref<1280x128xi32, #tpu.memory_space<hbm>> -> memref<40x128xi32, #tpu.memory_space<hbm>>
        %dma_wait3A_69 = arith.constant 0 : i32
        %dma_wait3A_70 = tpu.memref_slice %arg5[%add3A_16, %dma_wait3A_69] : memref<1280x128xi32, #tpu.memory_space<hbm>> -> memref<40x128xi32, #tpu.memory_space<hbm>>
        tpu.wait_dma2 semaphore(%run_scoped3A : memref<!tpu.dma_semaphore, #tpu.memory_space<semaphore_mem>>) src(%dma_wait3A_70 : memref<40x128xi32, #tpu.memory_space<hbm>>) dst(%arg9 : memref<40x128xi32, #tpu.memory_space<vmem>>)
        tpu.yield
      }) : () -> ()
      %scan3A = arith.constant 0 : i32
      %scan3A_17 = arith.constant 0 : i32
      %scan3A_18 = arith.constant 20 : i32
      %scan3A_19 = arith.addi %scan3A_17, %scan3A_18 : i32
      %scan3A_20 = arith.constant 1 : i32
      scf.for %scan3A_64 = %scan3A_17 to %scan3A_19 step %scan3A_20  : i32 {
        %mul3A_65 = arith.constant 2 : i32
        %mul3A_66 = arith.muli %scan3A_64, %mul3A_65 : i32
        %gt3A = arith.constant 0 : i32
        %gt3A_67 = arith.cmpi sgt, %scan3A_64, %gt3A : i32
        %convert_element_type3A_68 = arith.extui %gt3A_67 : i1 to i32
        %cond3A_69 = arith.constant 0 : i32
        %cond3A_70 = arith.cmpi ne, %convert_element_type3A_68, %cond3A_69 : i32
        scf.if %cond3A_70 {
          %dma_wait3A_114 = arith.constant 0 : i32
          %dma_wait3A_115 = arith.constant 0 : i32
          %dma_wait3A_116 = tpu.memref_slice %arg3[%dma_wait3A_114, %dma_wait3A_115] : memref<10240x128xf32, #tpu.memory_space<hbm>> -> memref<128x128xf32, #tpu.memory_space<hbm>>
          %dma_wait3A_117 = arith.constant 0 : i32
          %dma_wait3A_118 = arith.constant 0 : i32
          %dma_wait3A_119 = tpu.memref_slice %arg3[%dma_wait3A_117, %dma_wait3A_118] : memref<10240x128xf32, #tpu.memory_space<hbm>> -> memref<128x128xf32, #tpu.memory_space<hbm>>
          tpu.wait_dma2 semaphore(%arg15 : memref<!tpu.dma_semaphore, #tpu.memory_space<semaphore_mem>>) src(%dma_wait3A_119 : memref<128x128xf32, #tpu.memory_space<hbm>>) dst(%arg10 : memref<128x128xf32, #tpu.memory_space<vmem>>)
          %dma_wait3A_120 = arith.constant 0 : i32
          %dma_wait3A_121 = arith.constant 0 : i32
          %dma_wait3A_122 = tpu.memref_slice %arg3[%dma_wait3A_120, %dma_wait3A_121] : memref<10240x128xf32, #tpu.memory_space<hbm>> -> memref<128x128xf32, #tpu.memory_space<hbm>>
          %dma_wait3A_123 = arith.constant 0 : i32
          %dma_wait3A_124 = arith.constant 0 : i32
          %dma_wait3A_125 = tpu.memref_slice %arg3[%dma_wait3A_123, %dma_wait3A_124] : memref<10240x128xf32, #tpu.memory_space<hbm>> -> memref<128x128xf32, #tpu.memory_space<hbm>>
          tpu.wait_dma2 semaphore(%arg16 : memref<!tpu.dma_semaphore, #tpu.memory_space<semaphore_mem>>) src(%dma_wait3A_125 : memref<128x128xf32, #tpu.memory_space<hbm>>) dst(%arg11 : memref<128x128xf32, #tpu.memory_space<vmem>>)
        } else {
        }
        %add3A_71 = arith.constant 0 : i32
        %add3A_72 = arith.addi %mul3A_66, %add3A_71 : i32
        %dma_start3A = arith.constant 0 : i32
        %dma_start3A_73 = tpu.memref_slice %arg8[%add3A_72, %dma_start3A] : memref<40x128xi32, #tpu.memory_space<vmem>> -> memref<1x128xi32, #tpu.memory_space<vmem>>
        %dma_start3A_74 = tpu.memref_squeeze %dma_start3A_73 : memref<1x128xi32, #tpu.memory_space<vmem>> -> memref<128xi32, #tpu.memory_space<vmem>>
        %dma_start3A_75 = arith.constant 0 : i32
        %dma_start3A_76 = arith.constant 0 : i32
        %dma_start3A_77 = tpu.memref_slice %arg3[%dma_start3A_75, %dma_start3A_76] : memref<10240x128xf32, #tpu.memory_space<hbm>> -> memref<10240x128xf32, #tpu.memory_space<hbm>>
        tpu.enqueue_indirect_dma source(%dma_start3A_77 : memref<10240x128xf32, #tpu.memory_space<hbm>>) target(%arg10 : memref<128x128xf32, #tpu.memory_space<vmem>>) offsets(%dma_start3A_74 : memref<128xi32, #tpu.memory_space<vmem>>) semaphore(%arg13 : memref<!tpu.dma_semaphore, #tpu.memory_space<semaphore_mem>>)
        %add3A_78 = arith.constant 1 : i32
        %add3A_79 = arith.addi %mul3A_66, %add3A_78 : i32
        %dma_start3A_80 = arith.constant 0 : i32
        %dma_start3A_81 = tpu.memref_slice %arg8[%add3A_79, %dma_start3A_80] : memref<40x128xi32, #tpu.memory_space<vmem>> -> memref<1x128xi32, #tpu.memory_space<vmem>>
        %dma_start3A_82 = tpu.memref_squeeze %dma_start3A_81 : memref<1x128xi32, #tpu.memory_space<vmem>> -> memref<128xi32, #tpu.memory_space<vmem>>
        %dma_start3A_83 = arith.constant 0 : i32
        %dma_start3A_84 = arith.constant 0 : i32
        %dma_start3A_85 = tpu.memref_slice %arg3[%dma_start3A_83, %dma_start3A_84] : memref<10240x128xf32, #tpu.memory_space<hbm>> -> memref<10240x128xf32, #tpu.memory_space<hbm>>
        tpu.enqueue_indirect_dma source(%dma_start3A_85 : memref<10240x128xf32, #tpu.memory_space<hbm>>) target(%arg11 : memref<128x128xf32, #tpu.memory_space<vmem>>) offsets(%dma_start3A_82 : memref<128xi32, #tpu.memory_space<vmem>>) semaphore(%arg14 : memref<!tpu.dma_semaphore, #tpu.memory_space<semaphore_mem>>)
        %dma_wait3A_86 = arith.constant 0 : i32
        %dma_wait3A_87 = tpu.memref_slice %arg8[%add3A_72, %dma_wait3A_86] : memref<40x128xi32, #tpu.memory_space<vmem>> -> memref<1x128xi32, #tpu.memory_space<vmem>>
        %dma_wait3A_88 = tpu.memref_squeeze %dma_wait3A_87 : memref<1x128xi32, #tpu.memory_space<vmem>> -> memref<128xi32, #tpu.memory_space<vmem>>
        %dma_wait3A_89 = arith.constant 0 : i32
        %dma_wait3A_90 = arith.constant 0 : i32
        %dma_wait3A_91 = tpu.memref_slice %arg3[%dma_wait3A_89, %dma_wait3A_90] : memref<10240x128xf32, #tpu.memory_space<hbm>> -> memref<10240x128xf32, #tpu.memory_space<hbm>>
        tpu.wait_indirect_dma semaphore(%arg13 : memref<!tpu.dma_semaphore, #tpu.memory_space<semaphore_mem>>) src(%dma_wait3A_91 : memref<10240x128xf32, #tpu.memory_space<hbm>>) dst(%arg10 : memref<128x128xf32, #tpu.memory_space<vmem>>)
        %add3A_92 = arith.constant 0 : i32
        %add3A_93 = arith.addi %mul3A_66, %add3A_92 : i32
        %dma_start3A_94 = arith.constant 0 : i32
        %dma_start3A_95 = tpu.memref_slice %arg9[%add3A_93, %dma_start3A_94] : memref<40x128xi32, #tpu.memory_space<vmem>> -> memref<1x128xi32, #tpu.memory_space<vmem>>
        %dma_start3A_96 = tpu.memref_squeeze %dma_start3A_95 : memref<1x128xi32, #tpu.memory_space<vmem>> -> memref<128xi32, #tpu.memory_space<vmem>>
        %dma_start3A_97 = arith.constant 0 : i32
        %dma_start3A_98 = arith.constant 0 : i32
        %dma_start3A_99 = tpu.memref_slice %arg12[%dma_start3A_97, %dma_start3A_98] : memref<10240x128xf32, #tpu.memory_space<vmem_shared>> -> memref<10240x128xf32, #tpu.memory_space<vmem_shared>>
        tpu.enqueue_indirect_dma source(%arg10 : memref<128x128xf32, #tpu.memory_space<vmem>>) target(%dma_start3A_99 : memref<10240x128xf32, #tpu.memory_space<vmem_shared>>) offsets(%dma_start3A_96 : memref<128xi32, #tpu.memory_space<vmem>>) semaphore(%arg15 : memref<!tpu.dma_semaphore, #tpu.memory_space<semaphore_mem>>) {add = true}
        %dma_wait3A_100 = arith.constant 0 : i32
        %dma_wait3A_101 = tpu.memref_slice %arg8[%add3A_79, %dma_wait3A_100] : memref<40x128xi32, #tpu.memory_space<vmem>> -> memref<1x128xi32, #tpu.memory_space<vmem>>
        %dma_wait3A_102 = tpu.memref_squeeze %dma_wait3A_101 : memref<1x128xi32, #tpu.memory_space<vmem>> -> memref<128xi32, #tpu.memory_space<vmem>>
        %dma_wait3A_103 = arith.constant 0 : i32
        %dma_wait3A_104 = arith.constant 0 : i32
        %dma_wait3A_105 = tpu.memref_slice %arg3[%dma_wait3A_103, %dma_wait3A_104] : memref<10240x128xf32, #tpu.memory_space<hbm>> -> memref<10240x128xf32, #tpu.memory_space<hbm>>
        tpu.wait_indirect_dma semaphore(%arg14 : memref<!tpu.dma_semaphore, #tpu.memory_space<semaphore_mem>>) src(%dma_wait3A_105 : memref<10240x128xf32, #tpu.memory_space<hbm>>) dst(%arg11 : memref<128x128xf32, #tpu.memory_space<vmem>>)
        %add3A_106 = arith.constant 1 : i32
        %add3A_107 = arith.addi %mul3A_66, %add3A_106 : i32
        %dma_start3A_108 = arith.constant 0 : i32
        %dma_start3A_109 = tpu.memref_slice %arg9[%add3A_107, %dma_start3A_108] : memref<40x128xi32, #tpu.memory_space<vmem>> -> memref<1x128xi32, #tpu.memory_space<vmem>>
        %dma_start3A_110 = tpu.memref_squeeze %dma_start3A_109 : memref<1x128xi32, #tpu.memory_space<vmem>> -> memref<128xi32, #tpu.memory_space<vmem>>
        %dma_start3A_111 = arith.constant 0 : i32
        %dma_start3A_112 = arith.constant 0 : i32
        %dma_start3A_113 = tpu.memref_slice %arg12[%dma_start3A_111, %dma_start3A_112] : memref<10240x128xf32, #tpu.memory_space<vmem_shared>> -> memref<10240x128xf32, #tpu.memory_space<vmem_shared>>
        tpu.enqueue_indirect_dma source(%arg11 : memref<128x128xf32, #tpu.memory_space<vmem>>) target(%dma_start3A_113 : memref<10240x128xf32, #tpu.memory_space<vmem_shared>>) offsets(%dma_start3A_110 : memref<128xi32, #tpu.memory_space<vmem>>) semaphore(%arg16 : memref<!tpu.dma_semaphore, #tpu.memory_space<semaphore_mem>>) {add = true}
      }
      %scan3A_21 = arith.constant 20 : i32
      %dma_wait3A = arith.constant 0 : i32
      %dma_wait3A_22 = arith.constant 0 : i32
      %dma_wait3A_23 = tpu.memref_slice %arg3[%dma_wait3A, %dma_wait3A_22] : memref<10240x128xf32, #tpu.memory_space<hbm>> -> memref<128x128xf32, #tpu.memory_space<hbm>>
      %dma_wait3A_24 = arith.constant 0 : i32
      %dma_wait3A_25 = arith.constant 0 : i32
      %dma_wait3A_26 = tpu.memref_slice %arg3[%dma_wait3A_24, %dma_wait3A_25] : memref<10240x128xf32, #tpu.memory_space<hbm>> -> memref<128x128xf32, #tpu.memory_space<hbm>>
      tpu.wait_dma2 semaphore(%arg15 : memref<!tpu.dma_semaphore, #tpu.memory_space<semaphore_mem>>) src(%dma_wait3A_26 : memref<128x128xf32, #tpu.memory_space<hbm>>) dst(%arg10 : memref<128x128xf32, #tpu.memory_space<vmem>>)
      %dma_wait3A_27 = arith.constant 0 : i32
      %dma_wait3A_28 = arith.constant 0 : i32
      %dma_wait3A_29 = tpu.memref_slice %arg3[%dma_wait3A_27, %dma_wait3A_28] : memref<10240x128xf32, #tpu.memory_space<hbm>> -> memref<128x128xf32, #tpu.memory_space<hbm>>
      %dma_wait3A_30 = arith.constant 0 : i32
      %dma_wait3A_31 = arith.constant 0 : i32
      %dma_wait3A_32 = tpu.memref_slice %arg3[%dma_wait3A_30, %dma_wait3A_31] : memref<10240x128xf32, #tpu.memory_space<hbm>> -> memref<128x128xf32, #tpu.memory_space<hbm>>
      tpu.wait_dma2 semaphore(%arg16 : memref<!tpu.dma_semaphore, #tpu.memory_space<semaphore_mem>>) src(%dma_wait3A_32 : memref<128x128xf32, #tpu.memory_space<hbm>>) dst(%arg11 : memref<128x128xf32, #tpu.memory_space<vmem>>)
      %mul3A_33 = arith.constant 80 : i32
      %mul3A_34 = arith.muli %arg1, %mul3A_33 : i32
      %add3A_35 = arith.constant 40 : i32
      %add3A_36 = arith.addi %mul3A_34, %add3A_35 : i32
      "tpu.region"() ({
        %run_scoped3A = tpu.sem_alloc : memref<!tpu.dma_semaphore, #tpu.memory_space<semaphore_mem>>
        %dma_start3A = arith.constant 0 : i32
        %dma_start3A_64 = tpu.memref_slice %arg4[%add3A_36, %dma_start3A] : memref<1280x128xi32, #tpu.memory_space<hbm>> -> memref<40x128xi32, #tpu.memory_space<hbm>>
        %dma_start3A_65 = arith.constant 0 : i32
        %dma_start3A_66 = tpu.memref_slice %arg4[%add3A_36, %dma_start3A_65] : memref<1280x128xi32, #tpu.memory_space<hbm>> -> memref<40x128xi32, #tpu.memory_space<hbm>>
        tpu.enqueue_dma source(%dma_start3A_66 : memref<40x128xi32, #tpu.memory_space<hbm>>) target(%arg8 : memref<40x128xi32, #tpu.memory_space<vmem>>) target_semaphore(%run_scoped3A : memref<!tpu.dma_semaphore, #tpu.memory_space<semaphore_mem>>)
        %dma_wait3A_67 = arith.constant 0 : i32
        %dma_wait3A_68 = tpu.memref_slice %arg4[%add3A_36, %dma_wait3A_67] : memref<1280x128xi32, #tpu.memory_space<hbm>> -> memref<40x128xi32, #tpu.memory_space<hbm>>
        %dma_wait3A_69 = arith.constant 0 : i32
        %dma_wait3A_70 = tpu.memref_slice %arg4[%add3A_36, %dma_wait3A_69] : memref<1280x128xi32, #tpu.memory_space<hbm>> -> memref<40x128xi32, #tpu.memory_space<hbm>>
        tpu.wait_dma2 semaphore(%run_scoped3A : memref<!tpu.dma_semaphore, #tpu.memory_space<semaphore_mem>>) src(%dma_wait3A_70 : memref<40x128xi32, #tpu.memory_space<hbm>>) dst(%arg8 : memref<40x128xi32, #tpu.memory_space<vmem>>)
        tpu.yield
      }) : () -> ()
      %mul3A_37 = arith.constant 80 : i32
      %mul3A_38 = arith.muli %arg1, %mul3A_37 : i32
      %add3A_39 = arith.constant 40 : i32
      %add3A_40 = arith.addi %mul3A_38, %add3A_39 : i32
      "tpu.region"() ({
        %run_scoped3A = tpu.sem_alloc : memref<!tpu.dma_semaphore, #tpu.memory_space<semaphore_mem>>
        %dma_start3A = arith.constant 0 : i32
        %dma_start3A_64 = tpu.memref_slice %arg5[%add3A_40, %dma_start3A] : memref<1280x128xi32, #tpu.memory_space<hbm>> -> memref<40x128xi32, #tpu.memory_space<hbm>>
        %dma_start3A_65 = arith.constant 0 : i32
        %dma_start3A_66 = tpu.memref_slice %arg5[%add3A_40, %dma_start3A_65] : memref<1280x128xi32, #tpu.memory_space<hbm>> -> memref<40x128xi32, #tpu.memory_space<hbm>>
        tpu.enqueue_dma source(%dma_start3A_66 : memref<40x128xi32, #tpu.memory_space<hbm>>) target(%arg9 : memref<40x128xi32, #tpu.memory_space<vmem>>) target_semaphore(%run_scoped3A : memref<!tpu.dma_semaphore, #tpu.memory_space<semaphore_mem>>)
        %dma_wait3A_67 = arith.constant 0 : i32
        %dma_wait3A_68 = tpu.memref_slice %arg5[%add3A_40, %dma_wait3A_67] : memref<1280x128xi32, #tpu.memory_space<hbm>> -> memref<40x128xi32, #tpu.memory_space<hbm>>
        %dma_wait3A_69 = arith.constant 0 : i32
        %dma_wait3A_70 = tpu.memref_slice %arg5[%add3A_40, %dma_wait3A_69] : memref<1280x128xi32, #tpu.memory_space<hbm>> -> memref<40x128xi32, #tpu.memory_space<hbm>>
        tpu.wait_dma2 semaphore(%run_scoped3A : memref<!tpu.dma_semaphore, #tpu.memory_space<semaphore_mem>>) src(%dma_wait3A_70 : memref<40x128xi32, #tpu.memory_space<hbm>>) dst(%arg9 : memref<40x128xi32, #tpu.memory_space<vmem>>)
        tpu.yield
      }) : () -> ()
      %scan3A_41 = arith.constant 0 : i32
      %scan3A_42 = arith.constant 0 : i32
      %scan3A_43 = arith.constant 20 : i32
      %scan3A_44 = arith.addi %scan3A_42, %scan3A_43 : i32
      %scan3A_45 = arith.constant 1 : i32
      scf.for %scan3A_64 = %scan3A_42 to %scan3A_44 step %scan3A_45  : i32 {
        %mul3A_65 = arith.constant 2 : i32
        %mul3A_66 = arith.muli %scan3A_64, %mul3A_65 : i32
        %gt3A = arith.constant 0 : i32
        %gt3A_67 = arith.cmpi sgt, %scan3A_64, %gt3A : i32
        %convert_element_type3A_68 = arith.extui %gt3A_67 : i1 to i32
        %cond3A_69 = arith.constant 0 : i32
        %cond3A_70 = arith.cmpi ne, %convert_element_type3A_68, %cond3A_69 : i32
        scf.if %cond3A_70 {
          %dma_wait3A_114 = arith.constant 0 : i32
          %dma_wait3A_115 = arith.constant 0 : i32
          %dma_wait3A_116 = tpu.memref_slice %arg3[%dma_wait3A_114, %dma_wait3A_115] : memref<10240x128xf32, #tpu.memory_space<hbm>> -> memref<128x128xf32, #tpu.memory_space<hbm>>
          %dma_wait3A_117 = arith.constant 0 : i32
          %dma_wait3A_118 = arith.constant 0 : i32
          %dma_wait3A_119 = tpu.memref_slice %arg3[%dma_wait3A_117, %dma_wait3A_118] : memref<10240x128xf32, #tpu.memory_space<hbm>> -> memref<128x128xf32, #tpu.memory_space<hbm>>
          tpu.wait_dma2 semaphore(%arg15 : memref<!tpu.dma_semaphore, #tpu.memory_space<semaphore_mem>>) src(%dma_wait3A_119 : memref<128x128xf32, #tpu.memory_space<hbm>>) dst(%arg10 : memref<128x128xf32, #tpu.memory_space<vmem>>)
          %dma_wait3A_120 = arith.constant 0 : i32
          %dma_wait3A_121 = arith.constant 0 : i32
          %dma_wait3A_122 = tpu.memref_slice %arg3[%dma_wait3A_120, %dma_wait3A_121] : memref<10240x128xf32, #tpu.memory_space<hbm>> -> memref<128x128xf32, #tpu.memory_space<hbm>>
          %dma_wait3A_123 = arith.constant 0 : i32
          %dma_wait3A_124 = arith.constant 0 : i32
          %dma_wait3A_125 = tpu.memref_slice %arg3[%dma_wait3A_123, %dma_wait3A_124] : memref<10240x128xf32, #tpu.memory_space<hbm>> -> memref<128x128xf32, #tpu.memory_space<hbm>>
          tpu.wait_dma2 semaphore(%arg16 : memref<!tpu.dma_semaphore, #tpu.memory_space<semaphore_mem>>) src(%dma_wait3A_125 : memref<128x128xf32, #tpu.memory_space<hbm>>) dst(%arg11 : memref<128x128xf32, #tpu.memory_space<vmem>>)
        } else {
        }
        %add3A_71 = arith.constant 0 : i32
        %add3A_72 = arith.addi %mul3A_66, %add3A_71 : i32
        %dma_start3A = arith.constant 0 : i32
        %dma_start3A_73 = tpu.memref_slice %arg8[%add3A_72, %dma_start3A] : memref<40x128xi32, #tpu.memory_space<vmem>> -> memref<1x128xi32, #tpu.memory_space<vmem>>
        %dma_start3A_74 = tpu.memref_squeeze %dma_start3A_73 : memref<1x128xi32, #tpu.memory_space<vmem>> -> memref<128xi32, #tpu.memory_space<vmem>>
        %dma_start3A_75 = arith.constant 0 : i32
        %dma_start3A_76 = arith.constant 0 : i32
        %dma_start3A_77 = tpu.memref_slice %arg3[%dma_start3A_75, %dma_start3A_76] : memref<10240x128xf32, #tpu.memory_space<hbm>> -> memref<10240x128xf32, #tpu.memory_space<hbm>>
        tpu.enqueue_indirect_dma source(%dma_start3A_77 : memref<10240x128xf32, #tpu.memory_space<hbm>>) target(%arg10 : memref<128x128xf32, #tpu.memory_space<vmem>>) offsets(%dma_start3A_74 : memref<128xi32, #tpu.memory_space<vmem>>) semaphore(%arg13 : memref<!tpu.dma_semaphore, #tpu.memory_space<semaphore_mem>>)
        %add3A_78 = arith.constant 1 : i32
        %add3A_79 = arith.addi %mul3A_66, %add3A_78 : i32
        %dma_start3A_80 = arith.constant 0 : i32
        %dma_start3A_81 = tpu.memref_slice %arg8[%add3A_79, %dma_start3A_80] : memref<40x128xi32, #tpu.memory_space<vmem>> -> memref<1x128xi32, #tpu.memory_space<vmem>>
        %dma_start3A_82 = tpu.memref_squeeze %dma_start3A_81 : memref<1x128xi32, #tpu.memory_space<vmem>> -> memref<128xi32, #tpu.memory_space<vmem>>
        %dma_start3A_83 = arith.constant 0 : i32
        %dma_start3A_84 = arith.constant 0 : i32
        %dma_start3A_85 = tpu.memref_slice %arg3[%dma_start3A_83, %dma_start3A_84] : memref<10240x128xf32, #tpu.memory_space<hbm>> -> memref<10240x128xf32, #tpu.memory_space<hbm>>
        tpu.enqueue_indirect_dma source(%dma_start3A_85 : memref<10240x128xf32, #tpu.memory_space<hbm>>) target(%arg11 : memref<128x128xf32, #tpu.memory_space<vmem>>) offsets(%dma_start3A_82 : memref<128xi32, #tpu.memory_space<vmem>>) semaphore(%arg14 : memref<!tpu.dma_semaphore, #tpu.memory_space<semaphore_mem>>)
        %dma_wait3A_86 = arith.constant 0 : i32
        %dma_wait3A_87 = tpu.memref_slice %arg8[%add3A_72, %dma_wait3A_86] : memref<40x128xi32, #tpu.memory_space<vmem>> -> memref<1x128xi32, #tpu.memory_space<vmem>>
        %dma_wait3A_88 = tpu.memref_squeeze %dma_wait3A_87 : memref<1x128xi32, #tpu.memory_space<vmem>> -> memref<128xi32, #tpu.memory_space<vmem>>
        %dma_wait3A_89 = arith.constant 0 : i32
        %dma_wait3A_90 = arith.constant 0 : i32
        %dma_wait3A_91 = tpu.memref_slice %arg3[%dma_wait3A_89, %dma_wait3A_90] : memref<10240x128xf32, #tpu.memory_space<hbm>> -> memref<10240x128xf32, #tpu.memory_space<hbm>>
        tpu.wait_indirect_dma semaphore(%arg13 : memref<!tpu.dma_semaphore, #tpu.memory_space<semaphore_mem>>) src(%dma_wait3A_91 : memref<10240x128xf32, #tpu.memory_space<hbm>>) dst(%arg10 : memref<128x128xf32, #tpu.memory_space<vmem>>)
        %add3A_92 = arith.constant 0 : i32
        %add3A_93 = arith.addi %mul3A_66, %add3A_92 : i32
        %dma_start3A_94 = arith.constant 0 : i32
        %dma_start3A_95 = tpu.memref_slice %arg9[%add3A_93, %dma_start3A_94] : memref<40x128xi32, #tpu.memory_space<vmem>> -> memref<1x128xi32, #tpu.memory_space<vmem>>
        %dma_start3A_96 = tpu.memref_squeeze %dma_start3A_95 : memref<1x128xi32, #tpu.memory_space<vmem>> -> memref<128xi32, #tpu.memory_space<vmem>>
        %dma_start3A_97 = arith.constant 0 : i32
        %dma_start3A_98 = arith.constant 0 : i32
        %dma_start3A_99 = tpu.memref_slice %arg12[%dma_start3A_97, %dma_start3A_98] : memref<10240x128xf32, #tpu.memory_space<vmem_shared>> -> memref<10240x128xf32, #tpu.memory_space<vmem_shared>>
        tpu.enqueue_indirect_dma source(%arg10 : memref<128x128xf32, #tpu.memory_space<vmem>>) target(%dma_start3A_99 : memref<10240x128xf32, #tpu.memory_space<vmem_shared>>) offsets(%dma_start3A_96 : memref<128xi32, #tpu.memory_space<vmem>>) semaphore(%arg15 : memref<!tpu.dma_semaphore, #tpu.memory_space<semaphore_mem>>) {add = true}
        %dma_wait3A_100 = arith.constant 0 : i32
        %dma_wait3A_101 = tpu.memref_slice %arg8[%add3A_79, %dma_wait3A_100] : memref<40x128xi32, #tpu.memory_space<vmem>> -> memref<1x128xi32, #tpu.memory_space<vmem>>
        %dma_wait3A_102 = tpu.memref_squeeze %dma_wait3A_101 : memref<1x128xi32, #tpu.memory_space<vmem>> -> memref<128xi32, #tpu.memory_space<vmem>>
        %dma_wait3A_103 = arith.constant 0 : i32
        %dma_wait3A_104 = arith.constant 0 : i32
        %dma_wait3A_105 = tpu.memref_slice %arg3[%dma_wait3A_103, %dma_wait3A_104] : memref<10240x128xf32, #tpu.memory_space<hbm>> -> memref<10240x128xf32, #tpu.memory_space<hbm>>
        tpu.wait_indirect_dma semaphore(%arg14 : memref<!tpu.dma_semaphore, #tpu.memory_space<semaphore_mem>>) src(%dma_wait3A_105 : memref<10240x128xf32, #tpu.memory_space<hbm>>) dst(%arg11 : memref<128x128xf32, #tpu.memory_space<vmem>>)
        %add3A_106 = arith.constant 1 : i32
        %add3A_107 = arith.addi %mul3A_66, %add3A_106 : i32
        %dma_start3A_108 = arith.constant 0 : i32
        %dma_start3A_109 = tpu.memref_slice %arg9[%add3A_107, %dma_start3A_108] : memref<40x128xi32, #tpu.memory_space<vmem>> -> memref<1x128xi32, #tpu.memory_space<vmem>>
        %dma_start3A_110 = tpu.memref_squeeze %dma_start3A_109 : memref<1x128xi32, #tpu.memory_space<vmem>> -> memref<128xi32, #tpu.memory_space<vmem>>
        %dma_start3A_111 = arith.constant 0 : i32
        %dma_start3A_112 = arith.constant 0 : i32
        %dma_start3A_113 = tpu.memref_slice %arg12[%dma_start3A_111, %dma_start3A_112] : memref<10240x128xf32, #tpu.memory_space<vmem_shared>> -> memref<10240x128xf32, #tpu.memory_space<vmem_shared>>
        tpu.enqueue_indirect_dma source(%arg11 : memref<128x128xf32, #tpu.memory_space<vmem>>) target(%dma_start3A_113 : memref<10240x128xf32, #tpu.memory_space<vmem_shared>>) offsets(%dma_start3A_110 : memref<128xi32, #tpu.memory_space<vmem>>) semaphore(%arg16 : memref<!tpu.dma_semaphore, #tpu.memory_space<semaphore_mem>>) {add = true}
      }
      %scan3A_46 = arith.constant 20 : i32
      %dma_wait3A_47 = arith.constant 0 : i32
      %dma_wait3A_48 = arith.constant 0 : i32
      %dma_wait3A_49 = tpu.memref_slice %arg3[%dma_wait3A_47, %dma_wait3A_48] : memref<10240x128xf32, #tpu.memory_space<hbm>> -> memref<128x128xf32, #tpu.memory_space<hbm>>
      %dma_wait3A_50 = arith.constant 0 : i32
      %dma_wait3A_51 = arith.constant 0 : i32
      %dma_wait3A_52 = tpu.memref_slice %arg3[%dma_wait3A_50, %dma_wait3A_51] : memref<10240x128xf32, #tpu.memory_space<hbm>> -> memref<128x128xf32, #tpu.memory_space<hbm>>
      tpu.wait_dma2 semaphore(%arg15 : memref<!tpu.dma_semaphore, #tpu.memory_space<semaphore_mem>>) src(%dma_wait3A_52 : memref<128x128xf32, #tpu.memory_space<hbm>>) dst(%arg10 : memref<128x128xf32, #tpu.memory_space<vmem>>)
      %dma_wait3A_53 = arith.constant 0 : i32
      %dma_wait3A_54 = arith.constant 0 : i32
      %dma_wait3A_55 = tpu.memref_slice %arg3[%dma_wait3A_53, %dma_wait3A_54] : memref<10240x128xf32, #tpu.memory_space<hbm>> -> memref<128x128xf32, #tpu.memory_space<hbm>>
      %dma_wait3A_56 = arith.constant 0 : i32
      %dma_wait3A_57 = arith.constant 0 : i32
      %dma_wait3A_58 = tpu.memref_slice %arg3[%dma_wait3A_56, %dma_wait3A_57] : memref<10240x128xf32, #tpu.memory_space<hbm>> -> memref<128x128xf32, #tpu.memory_space<hbm>>
      tpu.wait_dma2 semaphore(%arg16 : memref<!tpu.dma_semaphore, #tpu.memory_space<semaphore_mem>>) src(%dma_wait3A_58 : memref<128x128xf32, #tpu.memory_space<hbm>>) dst(%arg11 : memref<128x128xf32, #tpu.memory_space<vmem>>)
      %barrier3A_59 = arith.constant 0 : index
      tpu.barrier barrier_id(%barrier3A_59)
      %mul3A_60 = arith.constant 640 : i32
      %mul3A_61 = arith.muli %arg1, %mul3A_60 : i32
      %mul3A_62 = arith.constant 640 : i32
      %mul3A_63 = arith.muli %arg1, %mul3A_62 : i32
      "tpu.region"() ({
        %run_scoped3A = tpu.sem_alloc : memref<!tpu.dma_semaphore, #tpu.memory_space<semaphore_mem>>
        %dma_start3A = arith.constant 0 : i32
        %dma_start3A_64 = tpu.memref_slice %arg7[%mul3A_63, %dma_start3A] : memref<10240x128xf32, #tpu.memory_space<hbm>> -> memref<640x128xf32, #tpu.memory_space<hbm>>
        %dma_start3A_65 = arith.constant 0 : i32
        %dma_start3A_66 = tpu.memref_slice %arg12[%mul3A_61, %dma_start3A_65] : memref<10240x128xf32, #tpu.memory_space<vmem_shared>> -> memref<640x128xf32, #tpu.memory_space<vmem_shared>>
        tpu.enqueue_dma source(%dma_start3A_66 : memref<640x128xf32, #tpu.memory_space<vmem_shared>>) target(%dma_start3A_64 : memref<640x128xf32, #tpu.memory_space<hbm>>) target_semaphore(%run_scoped3A : memref<!tpu.dma_semaphore, #tpu.memory_space<semaphore_mem>>)
        %dma_wait3A_67 = arith.constant 0 : i32
        %dma_wait3A_68 = tpu.memref_slice %arg7[%mul3A_63, %dma_wait3A_67] : memref<10240x128xf32, #tpu.memory_space<hbm>> -> memref<640x128xf32, #tpu.memory_space<hbm>>
        %dma_wait3A_69 = arith.constant 0 : i32
        %dma_wait3A_70 = tpu.memref_slice %arg12[%mul3A_61, %dma_wait3A_69] : memref<10240x128xf32, #tpu.memory_space<vmem_shared>> -> memref<640x128xf32, #tpu.memory_space<vmem_shared>>
        tpu.wait_dma2 semaphore(%run_scoped3A : memref<!tpu.dma_semaphore, #tpu.memory_space<semaphore_mem>>) src(%dma_wait3A_70 : memref<640x128xf32, #tpu.memory_space<vmem_shared>>) dst(%dma_wait3A_68 : memref<640x128xf32, #tpu.memory_space<hbm>>)
        tpu.yield
      }) : () -> ()
    } else {
    }
    return
  }
}

module attributes {stable_mosaic.version = 14 : i64} {
  func.func @_tc_prep_body(%arg0: i32, %arg1: memref<1024x1xf32, #tpu.memory_space<vmem>>, %arg2: memref<1024x1xf32, #tpu.memory_space<vmem>>, %arg3: memref<1024x256xf32, #tpu.memory_space<vmem>>, %arg4: memref<1024x1xf32, #tpu.memory_space<vmem>>, %arg5: memref<1x1024xf32, #tpu.memory_space<vmem>>, %arg6: memref<1024x128xf32, #tpu.memory_space<vmem>>, %arg7: memref<1024x128xf32, #tpu.memory_space<vmem>>) attributes {dimension_semantics = [#tpu.dimension_semantics<arbitrary>], iteration_bounds = array<i64: 10>, scalar_prefetch = 0 : i64, scratch_operands = 0 : i64, tpu.core_type = #tpu.core_type<tc>, window_params = [{transform_indices = @transform_0, window_bounds = array<i64: 1024, 1>}, {transform_indices = @transform_1, window_bounds = array<i64: 1024, 1>}, {transform_indices = @transform_2, window_bounds = array<i64: 1024, 256>}, {transform_indices = @transform_3, window_bounds = array<i64: 1024, 1>}, {transform_indices = @transform_4, window_bounds = array<i64: 1, 1024>}, {transform_indices = @transform_5, window_bounds = array<i64: 1024, 128>}, {transform_indices = @transform_6, window_bounds = array<i64: 1024, 128>}]} {
    %mul3A = arith.constant 1024 : i32
    %mul3A_0 = arith.muli %arg0, %mul3A : i32
    %iota3A = tpu.iota {dimensions = array<i32: 0>} : vector<1024x1xi32>
    %add3A = vector.broadcast %mul3A_0 : i32 to vector<1024x1xi32>
    %add3A_1 = arith.addi %add3A, %iota3A : vector<1024x1xi32>
    %get3A = arith.constant 0 : index
    %get3A_2 = arith.constant 0 : index
    %get3A_3 = vector.load %arg1[%get3A, %get3A_2] : memref<1024x1xf32, #tpu.memory_space<vmem>>, vector<1024x1xf32>
    %get3A_4 = arith.constant 0 : index
    %get3A_5 = arith.constant 0 : index
    %get3A_6 = vector.load %arg2[%get3A_4, %get3A_5] : memref<1024x1xf32, #tpu.memory_space<vmem>>, vector<1024x1xf32>
    %add3A_7 = arith.addf %get3A_3, %get3A_6 : vector<1024x1xf32>
    %lt3A = arith.constant 10000 : i32
    %lt3A_8 = vector.broadcast %lt3A : i32 to vector<1024x1xi32>
    %lt3A_9 = arith.cmpi slt, %add3A_1, %lt3A_8 : vector<1024x1xi32>
    %rsqrt3A = math.rsqrt %add3A_7 : vector<1024x1xf32>
    %jit3A = arith.constant 0.000000e+00 : f32
    %broadcast_in_dim3A = vector.broadcast %jit3A : f32 to vector<1024x1xf32>
    %select_n3A = arith.select %lt3A_9, %rsqrt3A, %broadcast_in_dim3A : vector<1024x1xi1>, vector<1024x1xf32>
    %swap3A = arith.constant 0 : index
    %swap3A_10 = arith.constant 0 : index
    %swap3A_11 = vector.load %arg4[%swap3A, %swap3A_10] : memref<1024x1xf32, #tpu.memory_space<vmem>>, vector<1024x1xf32>
    tpu.vector_store %arg4[%swap3A, %swap3A_10], %select_n3A {strides = array<i32>} : memref<1024x1xf32, #tpu.memory_space<vmem>>, vector<1024x1xf32>,
    %reshape3A = vector.shape_cast %select_n3A : vector<1024x1xf32> to vector<1x1024xf32>
    %swap3A_12 = arith.constant 0 : index
    %swap3A_13 = arith.constant 0 : index
    %swap3A_14 = vector.load %arg5[%swap3A_12, %swap3A_13] : memref<1x1024xf32, #tpu.memory_space<vmem>>, vector<1x1024xf32>
    tpu.vector_store %arg5[%swap3A_12, %swap3A_13], %reshape3A {strides = array<i32>} : memref<1x1024xf32, #tpu.memory_space<vmem>>, vector<1x1024xf32>,
    %get3A_15 = arith.constant 0 : index
    %get3A_16 = arith.constant 0 : index
    %get3A_17 = vector.load %arg3[%get3A_15, %get3A_16] : memref<1024x256xf32, #tpu.memory_space<vmem>>, vector<1024x256xf32>
    %mul3A_18 = vector.broadcast %select_n3A : vector<1024x1xf32> to vector<1024x256xf32>
    %mul3A_19 = arith.mulf %get3A_17, %mul3A_18 : vector<1024x256xf32>
    %slice3A = vector.extract_strided_slice %mul3A_19 {offsets = [0, 0], sizes = [1024, 128], strides = [1, 1]} : vector<1024x256xf32> to vector<1024x128xf32>
    %swap3A_20 = arith.constant 0 : index
    %swap3A_21 = arith.constant 0 : index
    %swap3A_22 = vector.load %arg6[%swap3A_20, %swap3A_21] : memref<1024x128xf32, #tpu.memory_space<vmem>>, vector<1024x128xf32>
    tpu.vector_store %arg6[%swap3A_20, %swap3A_21], %slice3A {strides = array<i32>} : memref<1024x128xf32, #tpu.memory_space<vmem>>, vector<1024x128xf32>,
    %slice3A_23 = vector.extract_strided_slice %mul3A_19 {offsets = [0, 128], sizes = [1024, 128], strides = [1, 1]} : vector<1024x256xf32> to vector<1024x128xf32>
    %swap3A_24 = arith.constant 0 : index
    %swap3A_25 = arith.constant 0 : index
    %swap3A_26 = vector.load %arg7[%swap3A_24, %swap3A_25] : memref<1024x128xf32, #tpu.memory_space<vmem>>, vector<1024x128xf32>
    tpu.vector_store %arg7[%swap3A_24, %swap3A_25], %slice3A_23 {strides = array<i32>} : memref<1024x128xf32, #tpu.memory_space<vmem>>, vector<1024x128xf32>,
    return
  }
  func.func @transform_0(%arg0: i32) -> (i32, i32) {
    %c0_i32 = arith.constant 0 : i32
    %c0_i32_0 = arith.constant 0 : i32
    return %arg0, %c0_i32 : i32, i32
  }
  func.func @transform_1(%arg0: i32) -> (i32, i32) {
    %c0_i32 = arith.constant 0 : i32
    %c0_i32_0 = arith.constant 0 : i32
    return %arg0, %c0_i32 : i32, i32
  }
  func.func @transform_2(%arg0: i32) -> (i32, i32) {
    %c0_i32 = arith.constant 0 : i32
    %c0_i32_0 = arith.constant 0 : i32
    return %arg0, %c0_i32 : i32, i32
  }
  func.func @transform_3(%arg0: i32) -> (i32, i32) {
    %c0_i32 = arith.constant 0 : i32
    %c0_i32_0 = arith.constant 0 : i32
    return %arg0, %c0_i32 : i32, i32
  }
  func.func @transform_4(%arg0: i32) -> (i32, i32) {
    %c0_i32 = arith.constant 0 : i32
    %c0_i32_0 = arith.constant 0 : i32
    return %c0_i32, %arg0 : i32, i32
  }
  func.func @transform_5(%arg0: i32) -> (i32, i32) {
    %c0_i32 = arith.constant 0 : i32
    %c0_i32_0 = arith.constant 0 : i32
    return %arg0, %c0_i32 : i32, i32
  }
  func.func @transform_6(%arg0: i32) -> (i32, i32) {
    %c0_i32 = arith.constant 0 : i32
    %c0_i32_0 = arith.constant 0 : i32
    return %arg0, %c0_i32 : i32, i32
  }
}

module attributes {stable_mosaic.version = 14 : i64} {
  func.func @_tc_layer1_body(%arg0: i32, %arg1: memref<1024x128xf32, #tpu.memory_space<vmem>>, %arg2: memref<1024x128xf32, #tpu.memory_space<vmem>>, %arg3: memref<1024x1xf32, #tpu.memory_space<vmem>>, %arg4: memref<256x512xf32, #tpu.memory_space<vmem>>, %arg5: memref<1x512xf32, #tpu.memory_space<vmem>>, %arg6: memref<1024x128xf32, #tpu.memory_space<vmem>>, %arg7: memref<1024x128xf32, #tpu.memory_space<vmem>>, %arg8: memref<1024x128xf32, #tpu.memory_space<vmem>>, %arg9: memref<1024x128xf32, #tpu.memory_space<vmem>>) attributes {dimension_semantics = [#tpu.dimension_semantics<arbitrary>], iteration_bounds = array<i64: 10>, scalar_prefetch = 0 : i64, scratch_operands = 0 : i64, tpu.core_type = #tpu.core_type<tc>, window_params = [{transform_indices = @transform_0, window_bounds = array<i64: 1024, 128>}, {transform_indices = @transform_1, window_bounds = array<i64: 1024, 128>}, {transform_indices = @transform_2, window_bounds = array<i64: 1024, 1>}, {pipeline_mode = #tpu.pipeline_mode<synchronous>, transform_indices = @transform_3, window_bounds = array<i64: 256, 512>}, {pipeline_mode = #tpu.pipeline_mode<synchronous>, transform_indices = @transform_4, window_bounds = array<i64: 1, 512>}, {transform_indices = @transform_5, window_bounds = array<i64: 1024, 128>}, {transform_indices = @transform_6, window_bounds = array<i64: 1024, 128>}, {transform_indices = @transform_7, window_bounds = array<i64: 1024, 128>}, {transform_indices = @transform_8, window_bounds = array<i64: 1024, 128>}]} {
    %get3A = arith.constant 0 : index
    %get3A_0 = arith.constant 0 : index
    %get3A_1 = vector.load %arg3[%get3A, %get3A_0] : memref<1024x1xf32, #tpu.memory_space<vmem>>, vector<1024x1xf32>
    %get3A_2 = arith.constant 0 : index
    %get3A_3 = arith.constant 0 : index
    %get3A_4 = vector.load %arg5[%get3A_2, %get3A_3] : memref<1x512xf32, #tpu.memory_space<vmem>>, vector<1x512xf32>
    %get3A_5 = arith.constant 0 : index
    %get3A_6 = arith.constant 0 : index
    %get3A_7 = vector.load %arg1[%get3A_5, %get3A_6] : memref<1024x128xf32, #tpu.memory_space<vmem>>, vector<1024x128xf32>
    %mul3A = vector.broadcast %get3A_1 : vector<1024x1xf32> to vector<1024x128xf32>
    %mul3A_8 = arith.mulf %get3A_7, %mul3A : vector<1024x128xf32>
    %get3A_9 = arith.constant 0 : index
    %get3A_10 = arith.constant 0 : index
    %get3A_11 = vector.load %arg4[%get3A_9, %get3A_10] : memref<256x512xf32, #tpu.memory_space<vmem>>, vector<128x512xf32>
    %dot_general3A = arith.constant dense<0.000000e+00> : vector<1024x512xf32>
    %dot_general3A_12 = tpu.matmul %mul3A_8, %get3A_11, %dot_general3A {dimension_numbers = #tpu.dot_dimension_numbers<[1], [0], [0], [1], [0, 0, 1, 1], [], []>, transpose_lhs_hint = false} : vector<1024x128xf32>, vector<128x512xf32>, vector<1024x512xf32> -> vector<1024x512xf32>
    %add3A = vector.broadcast %get3A_4 : vector<1x512xf32> to vector<1024x512xf32>
    %add3A_13 = arith.addf %add3A, %dot_general3A_12 : vector<1024x512xf32>
    %get3A_14 = arith.constant 0 : index
    %get3A_15 = arith.constant 0 : index
    %get3A_16 = vector.load %arg2[%get3A_14, %get3A_15] : memref<1024x128xf32, #tpu.memory_space<vmem>>, vector<1024x128xf32>
    %mul3A_17 = vector.broadcast %get3A_1 : vector<1024x1xf32> to vector<1024x128xf32>
    %mul3A_18 = arith.mulf %get3A_16, %mul3A_17 : vector<1024x128xf32>
    %get3A_19 = arith.constant 128 : index
    %get3A_20 = arith.constant 0 : index
    %get3A_21 = vector.load %arg4[%get3A_19, %get3A_20] : memref<256x512xf32, #tpu.memory_space<vmem>>, vector<128x512xf32>
    %dot_general3A_22 = arith.constant dense<0.000000e+00> : vector<1024x512xf32>
    %dot_general3A_23 = tpu.matmul %mul3A_18, %get3A_21, %dot_general3A_22 {dimension_numbers = #tpu.dot_dimension_numbers<[1], [0], [0], [1], [0, 0, 1, 1], [], []>, transpose_lhs_hint = false} : vector<1024x128xf32>, vector<128x512xf32>, vector<1024x512xf32> -> vector<1024x512xf32>
    %add3A_24 = arith.addf %add3A_13, %dot_general3A_23 : vector<1024x512xf32>
    %max3A = arith.constant 0.000000e+00 : f32
    %max3A_25 = vector.broadcast %max3A : f32 to vector<1024x512xf32>
    %max3A_26 = arith.maximumf %add3A_24, %max3A_25 : vector<1024x512xf32>
    %mul3A_27 = vector.broadcast %get3A_1 : vector<1024x1xf32> to vector<1024x512xf32>
    %mul3A_28 = arith.mulf %max3A_26, %mul3A_27 : vector<1024x512xf32>
    %slice3A = vector.extract_strided_slice %mul3A_28 {offsets = [0, 0], sizes = [1024, 128], strides = [1, 1]} : vector<1024x512xf32> to vector<1024x128xf32>
    %swap3A = arith.constant 0 : index
    %swap3A_29 = arith.constant 0 : index
    %swap3A_30 = vector.load %arg6[%swap3A, %swap3A_29] : memref<1024x128xf32, #tpu.memory_space<vmem>>, vector<1024x128xf32>
    tpu.vector_store %arg6[%swap3A, %swap3A_29], %slice3A {strides = array<i32>} : memref<1024x128xf32, #tpu.memory_space<vmem>>, vector<1024x128xf32>,
    %slice3A_31 = vector.extract_strided_slice %mul3A_28 {offsets = [0, 128], sizes = [1024, 128], strides = [1, 1]} : vector<1024x512xf32> to vector<1024x128xf32>
    %swap3A_32 = arith.constant 0 : index
    %swap3A_33 = arith.constant 0 : index
    %swap3A_34 = vector.load %arg7[%swap3A_32, %swap3A_33] : memref<1024x128xf32, #tpu.memory_space<vmem>>, vector<1024x128xf32>
    tpu.vector_store %arg7[%swap3A_32, %swap3A_33], %slice3A_31 {strides = array<i32>} : memref<1024x128xf32, #tpu.memory_space<vmem>>, vector<1024x128xf32>,
    %slice3A_35 = vector.extract_strided_slice %mul3A_28 {offsets = [0, 256], sizes = [1024, 128], strides = [1, 1]} : vector<1024x512xf32> to vector<1024x128xf32>
    %swap3A_36 = arith.constant 0 : index
    %swap3A_37 = arith.constant 0 : index
    %swap3A_38 = vector.load %arg8[%swap3A_36, %swap3A_37] : memref<1024x128xf32, #tpu.memory_space<vmem>>, vector<1024x128xf32>
    tpu.vector_store %arg8[%swap3A_36, %swap3A_37], %slice3A_35 {strides = array<i32>} : memref<1024x128xf32, #tpu.memory_space<vmem>>, vector<1024x128xf32>,
    %slice3A_39 = vector.extract_strided_slice %mul3A_28 {offsets = [0, 384], sizes = [1024, 128], strides = [1, 1]} : vector<1024x512xf32> to vector<1024x128xf32>
    %swap3A_40 = arith.constant 0 : index
    %swap3A_41 = arith.constant 0 : index
    %swap3A_42 = vector.load %arg9[%swap3A_40, %swap3A_41] : memref<1024x128xf32, #tpu.memory_space<vmem>>, vector<1024x128xf32>
    tpu.vector_store %arg9[%swap3A_40, %swap3A_41], %slice3A_39 {strides = array<i32>} : memref<1024x128xf32, #tpu.memory_space<vmem>>, vector<1024x128xf32>,
    return
  }
  func.func @transform_0(%arg0: i32) -> (i32, i32) {
    %c0_i32 = arith.constant 0 : i32
    %c0_i32_0 = arith.constant 0 : i32
    return %arg0, %c0_i32 : i32, i32
  }
  func.func @transform_1(%arg0: i32) -> (i32, i32) {
    %c0_i32 = arith.constant 0 : i32
    %c0_i32_0 = arith.constant 0 : i32
    return %arg0, %c0_i32 : i32, i32
  }
  func.func @transform_2(%arg0: i32) -> (i32, i32) {
    %c0_i32 = arith.constant 0 : i32
    %c0_i32_0 = arith.constant 0 : i32
    return %arg0, %c0_i32 : i32, i32
  }
  func.func @transform_3(%arg0: i32) -> (i32, i32) {
    %c0_i32 = arith.constant 0 : i32
    %c0_i32_0 = arith.constant 0 : i32
    %c0_i32_1 = arith.constant 0 : i32
    return %c0_i32, %c0_i32_0 : i32, i32
  }
  func.func @transform_4(%arg0: i32) -> (i32, i32) {
    %c0_i32 = arith.constant 0 : i32
    %c0_i32_0 = arith.constant 0 : i32
    %c0_i32_1 = arith.constant 0 : i32
    return %c0_i32, %c0_i32_0 : i32, i32
  }
  func.func @transform_5(%arg0: i32) -> (i32, i32) {
    %c0_i32 = arith.constant 0 : i32
    %c0_i32_0 = arith.constant 0 : i32
    return %arg0, %c0_i32 : i32, i32
  }
  func.func @transform_6(%arg0: i32) -> (i32, i32) {
    %c0_i32 = arith.constant 0 : i32
    %c0_i32_0 = arith.constant 0 : i32
    return %arg0, %c0_i32 : i32, i32
  }
  func.func @transform_7(%arg0: i32) -> (i32, i32) {
    %c0_i32 = arith.constant 0 : i32
    %c0_i32_0 = arith.constant 0 : i32
    return %arg0, %c0_i32 : i32, i32
  }
  func.func @transform_8(%arg0: i32) -> (i32, i32) {
    %c0_i32 = arith.constant 0 : i32
    %c0_i32_0 = arith.constant 0 : i32
    return %arg0, %c0_i32 : i32, i32
  }
}

module attributes {stable_mosaic.version = 14 : i64} {
  func.func @_tc_layer2_body(%arg0: i32, %arg1: memref<1024x128xf32, #tpu.memory_space<vmem>>, %arg2: memref<1024x128xf32, #tpu.memory_space<vmem>>, %arg3: memref<1024x128xf32, #tpu.memory_space<vmem>>, %arg4: memref<1024x128xf32, #tpu.memory_space<vmem>>, %arg5: memref<1024x1xf32, #tpu.memory_space<vmem>>, %arg6: memref<512x512xf32, #tpu.memory_space<vmem>>, %arg7: memref<1x512xf32, #tpu.memory_space<vmem>>, %arg8: memref<512x512xf32, #tpu.memory_space<vmem>>, %arg9: memref<512x1xf32, #tpu.memory_space<vmem>>, %arg10: memref<1024x1xf32, #tpu.memory_space<vmem>>) attributes {dimension_semantics = [#tpu.dimension_semantics<arbitrary>], iteration_bounds = array<i64: 10>, scalar_prefetch = 0 : i64, scratch_operands = 0 : i64, tpu.core_type = #tpu.core_type<tc>, window_params = [{transform_indices = @transform_0, window_bounds = array<i64: 1024, 128>}, {transform_indices = @transform_1, window_bounds = array<i64: 1024, 128>}, {transform_indices = @transform_2, window_bounds = array<i64: 1024, 128>}, {transform_indices = @transform_3, window_bounds = array<i64: 1024, 128>}, {transform_indices = @transform_4, window_bounds = array<i64: 1024, 1>}, {pipeline_mode = #tpu.pipeline_mode<synchronous>, transform_indices = @transform_5, window_bounds = array<i64: 512, 512>}, {pipeline_mode = #tpu.pipeline_mode<synchronous>, transform_indices = @transform_6, window_bounds = array<i64: 1, 512>}, {pipeline_mode = #tpu.pipeline_mode<synchronous>, transform_indices = @transform_7, window_bounds = array<i64: 512, 512>}, {pipeline_mode = #tpu.pipeline_mode<synchronous>, transform_indices = @transform_8, window_bounds = array<i64: 512, 1>}, {transform_indices = @transform_9, window_bounds = array<i64: 1024, 1>}]} {
    %get3A = arith.constant 0 : index
    %get3A_0 = arith.constant 0 : index
    %get3A_1 = vector.load %arg5[%get3A, %get3A_0] : memref<1024x1xf32, #tpu.memory_space<vmem>>, vector<1024x1xf32>
    %get3A_2 = arith.constant 0 : index
    %get3A_3 = arith.constant 0 : index
    %get3A_4 = vector.load %arg7[%get3A_2, %get3A_3] : memref<1x512xf32, #tpu.memory_space<vmem>>, vector<1x512xf32>
    %get3A_5 = arith.constant 0 : index
    %get3A_6 = arith.constant 0 : index
    %get3A_7 = vector.load %arg1[%get3A_5, %get3A_6] : memref<1024x128xf32, #tpu.memory_space<vmem>>, vector<1024x128xf32>
    %mul3A = vector.broadcast %get3A_1 : vector<1024x1xf32> to vector<1024x128xf32>
    %mul3A_8 = arith.mulf %get3A_7, %mul3A : vector<1024x128xf32>
    %get3A_9 = arith.constant 0 : index
    %get3A_10 = arith.constant 0 : index
    %get3A_11 = vector.load %arg6[%get3A_9, %get3A_10] : memref<512x512xf32, #tpu.memory_space<vmem>>, vector<128x512xf32>
    %dot_general3A = arith.constant dense<0.000000e+00> : vector<1024x512xf32>
    %dot_general3A_12 = tpu.matmul %mul3A_8, %get3A_11, %dot_general3A {dimension_numbers = #tpu.dot_dimension_numbers<[1], [0], [0], [1], [0, 0, 1, 1], [], []>, transpose_lhs_hint = false} : vector<1024x128xf32>, vector<128x512xf32>, vector<1024x512xf32> -> vector<1024x512xf32>
    %add3A = vector.broadcast %get3A_4 : vector<1x512xf32> to vector<1024x512xf32>
    %add3A_13 = arith.addf %add3A, %dot_general3A_12 : vector<1024x512xf32>
    %get3A_14 = arith.constant 0 : index
    %get3A_15 = arith.constant 0 : index
    %get3A_16 = vector.load %arg2[%get3A_14, %get3A_15] : memref<1024x128xf32, #tpu.memory_space<vmem>>, vector<1024x128xf32>
    %mul3A_17 = vector.broadcast %get3A_1 : vector<1024x1xf32> to vector<1024x128xf32>
    %mul3A_18 = arith.mulf %get3A_16, %mul3A_17 : vector<1024x128xf32>
    %get3A_19 = arith.constant 128 : index
    %get3A_20 = arith.constant 0 : index
    %get3A_21 = vector.load %arg6[%get3A_19, %get3A_20] : memref<512x512xf32, #tpu.memory_space<vmem>>, vector<128x512xf32>
    %dot_general3A_22 = arith.constant dense<0.000000e+00> : vector<1024x512xf32>
    %dot_general3A_23 = tpu.matmul %mul3A_18, %get3A_21, %dot_general3A_22 {dimension_numbers = #tpu.dot_dimension_numbers<[1], [0], [0], [1], [0, 0, 1, 1], [], []>, transpose_lhs_hint = false} : vector<1024x128xf32>, vector<128x512xf32>, vector<1024x512xf32> -> vector<1024x512xf32>
    %add3A_24 = arith.addf %add3A_13, %dot_general3A_23 : vector<1024x512xf32>
    %get3A_25 = arith.constant 0 : index
    %get3A_26 = arith.constant 0 : index
    %get3A_27 = vector.load %arg3[%get3A_25, %get3A_26] : memref<1024x128xf32, #tpu.memory_space<vmem>>, vector<1024x128xf32>
    %mul3A_28 = vector.broadcast %get3A_1 : vector<1024x1xf32> to vector<1024x128xf32>
    %mul3A_29 = arith.mulf %get3A_27, %mul3A_28 : vector<1024x128xf32>
    %get3A_30 = arith.constant 256 : index
    %get3A_31 = arith.constant 0 : index
    %get3A_32 = vector.load %arg6[%get3A_30, %get3A_31] : memref<512x512xf32, #tpu.memory_space<vmem>>, vector<128x512xf32>
    %dot_general3A_33 = arith.constant dense<0.000000e+00> : vector<1024x512xf32>
    %dot_general3A_34 = tpu.matmul %mul3A_29, %get3A_32, %dot_general3A_33 {dimension_numbers = #tpu.dot_dimension_numbers<[1], [0], [0], [1], [0, 0, 1, 1], [], []>, transpose_lhs_hint = false} : vector<1024x128xf32>, vector<128x512xf32>, vector<1024x512xf32> -> vector<1024x512xf32>
    %add3A_35 = arith.addf %add3A_24, %dot_general3A_34 : vector<1024x512xf32>
    %get3A_36 = arith.constant 0 : index
    %get3A_37 = arith.constant 0 : index
    %get3A_38 = vector.load %arg4[%get3A_36, %get3A_37] : memref<1024x128xf32, #tpu.memory_space<vmem>>, vector<1024x128xf32>
    %mul3A_39 = vector.broadcast %get3A_1 : vector<1024x1xf32> to vector<1024x128xf32>
    %mul3A_40 = arith.mulf %get3A_38, %mul3A_39 : vector<1024x128xf32>
    %get3A_41 = arith.constant 384 : index
    %get3A_42 = arith.constant 0 : index
    %get3A_43 = vector.load %arg6[%get3A_41, %get3A_42] : memref<512x512xf32, #tpu.memory_space<vmem>>, vector<128x512xf32>
    %dot_general3A_44 = arith.constant dense<0.000000e+00> : vector<1024x512xf32>
    %dot_general3A_45 = tpu.matmul %mul3A_40, %get3A_43, %dot_general3A_44 {dimension_numbers = #tpu.dot_dimension_numbers<[1], [0], [0], [1], [0, 0, 1, 1], [], []>, transpose_lhs_hint = false} : vector<1024x128xf32>, vector<128x512xf32>, vector<1024x512xf32> -> vector<1024x512xf32>
    %add3A_46 = arith.addf %add3A_35, %dot_general3A_45 : vector<1024x512xf32>
    %max3A = arith.constant 0.000000e+00 : f32
    %max3A_47 = vector.broadcast %max3A : f32 to vector<1024x512xf32>
    %max3A_48 = arith.maximumf %add3A_46, %max3A_47 : vector<1024x512xf32>
    %get3A_49 = arith.constant 0 : index
    %get3A_50 = arith.constant 0 : index
    %get3A_51 = vector.load %arg8[%get3A_49, %get3A_50] : memref<512x512xf32, #tpu.memory_space<vmem>>, vector<512x512xf32>
    %get3A_52 = arith.constant 0 : index
    %get3A_53 = arith.constant 0 : index
    %get3A_54 = vector.load %arg9[%get3A_52, %get3A_53] : memref<512x1xf32, #tpu.memory_space<vmem>>, vector<512x1xf32>
    %dot_general3A_55 = arith.constant dense<0.000000e+00> : vector<512x1xf32>
    %dot_general3A_56 = tpu.matmul %get3A_51, %get3A_54, %dot_general3A_55 {dimension_numbers = #tpu.dot_dimension_numbers<[1], [0], [0], [1], [0, 0, 1, 1], [], []>, transpose_lhs_hint = false} : vector<512x512xf32>, vector<512x1xf32>, vector<512x1xf32> -> vector<512x1xf32>
    %dot_general3A_57 = arith.constant dense<0.000000e+00> : vector<1024x1xf32>
    %dot_general3A_58 = tpu.matmul %max3A_48, %dot_general3A_56, %dot_general3A_57 {dimension_numbers = #tpu.dot_dimension_numbers<[1], [0], [0], [1], [0, 0, 1, 1], [], []>, transpose_lhs_hint = false} : vector<1024x512xf32>, vector<512x1xf32>, vector<1024x1xf32> -> vector<1024x1xf32>
    %mul3A_59 = arith.mulf %dot_general3A_58, %get3A_1 : vector<1024x1xf32>
    %swap3A = arith.constant 0 : index
    %swap3A_60 = arith.constant 0 : index
    %swap3A_61 = vector.load %arg10[%swap3A, %swap3A_60] : memref<1024x1xf32, #tpu.memory_space<vmem>>, vector<1024x1xf32>
    tpu.vector_store %arg10[%swap3A, %swap3A_60], %mul3A_59 {strides = array<i32>} : memref<1024x1xf32, #tpu.memory_space<vmem>>, vector<1024x1xf32>,
    return
  }
  func.func @transform_0(%arg0: i32) -> (i32, i32) {
    %c0_i32 = arith.constant 0 : i32
    %c0_i32_0 = arith.constant 0 : i32
    return %arg0, %c0_i32 : i32, i32
  }
  func.func @transform_1(%arg0: i32) -> (i32, i32) {
    %c0_i32 = arith.constant 0 : i32
    %c0_i32_0 = arith.constant 0 : i32
    return %arg0, %c0_i32 : i32, i32
  }
  func.func @transform_2(%arg0: i32) -> (i32, i32) {
    %c0_i32 = arith.constant 0 : i32
    %c0_i32_0 = arith.constant 0 : i32
    return %arg0, %c0_i32 : i32, i32
  }
  func.func @transform_3(%arg0: i32) -> (i32, i32) {
    %c0_i32 = arith.constant 0 : i32
    %c0_i32_0 = arith.constant 0 : i32
    return %arg0, %c0_i32 : i32, i32
  }
  func.func @transform_4(%arg0: i32) -> (i32, i32) {
    %c0_i32 = arith.constant 0 : i32
    %c0_i32_0 = arith.constant 0 : i32
    return %arg0, %c0_i32 : i32, i32
  }
  func.func @transform_5(%arg0: i32) -> (i32, i32) {
    %c0_i32 = arith.constant 0 : i32
    %c0_i32_0 = arith.constant 0 : i32
    %c0_i32_1 = arith.constant 0 : i32
    return %c0_i32, %c0_i32_0 : i32, i32
  }
  func.func @transform_6(%arg0: i32) -> (i32, i32) {
    %c0_i32 = arith.constant 0 : i32
    %c0_i32_0 = arith.constant 0 : i32
    %c0_i32_1 = arith.constant 0 : i32
    return %c0_i32, %c0_i32_0 : i32, i32
  }
  func.func @transform_7(%arg0: i32) -> (i32, i32) {
    %c0_i32 = arith.constant 0 : i32
    %c0_i32_0 = arith.constant 0 : i32
    %c0_i32_1 = arith.constant 0 : i32
    return %c0_i32, %c0_i32_0 : i32, i32
  }
  func.func @transform_8(%arg0: i32) -> (i32, i32) {
    %c0_i32 = arith.constant 0 : i32
    %c0_i32_0 = arith.constant 0 : i32
    %c0_i32_1 = arith.constant 0 : i32
    return %c0_i32, %c0_i32_0 : i32, i32
  }
  func.func @transform_9(%arg0: i32) -> (i32, i32) {
    %c0_i32 = arith.constant 0 : i32
    %c0_i32_0 = arith.constant 0 : i32
    return %arg0, %c0_i32 : i32, i32
  }
}

module attributes {stable_mosaic.version = 14 : i64} {
  func.func @_tc_pool_body(%arg0: memref<1x10240xf32, #tpu.memory_space<vmem>>, %arg1: memref<1x10240xf32, #tpu.memory_space<vmem>>, %arg2: memref<1x10240xf32, #tpu.memory_space<vmem>>, %arg3: memref<1x10240xi32, #tpu.memory_space<vmem>>, %arg4: memref<1x512xf32, #tpu.memory_space<vmem>>, %arg5: memref<512x1xf32, #tpu.memory_space<vmem>>, %arg6: memref<1x1xf32, #tpu.memory_space<vmem>>, %arg7: memref<64x1xf32, #tpu.memory_space<vmem>>) attributes {dimension_semantics = [], scalar_prefetch = 0 : i64, scratch_operands = 0 : i64, tpu.core_type = #tpu.core_type<tc>} {
    %get3A = arith.constant 0 : index
    %get3A_0 = arith.constant 0 : index
    %get3A_1 = vector.load %arg0[%get3A, %get3A_0] : memref<1x10240xf32, #tpu.memory_space<vmem>>, vector<1x10240xf32>
    %get3A_2 = arith.constant 0 : index
    %get3A_3 = arith.constant 0 : index
    %get3A_4 = vector.load %arg1[%get3A_2, %get3A_3] : memref<1x10240xf32, #tpu.memory_space<vmem>>, vector<1x10240xf32>
    %add3A = arith.addf %get3A_1, %get3A_4 : vector<1x10240xf32>
    %get3A_5 = arith.constant 0 : index
    %get3A_6 = arith.constant 0 : index
    %get3A_7 = vector.load %arg2[%get3A_5, %get3A_6] : memref<1x10240xf32, #tpu.memory_space<vmem>>, vector<1x10240xf32>
    %mul3A = arith.mulf %add3A, %get3A_7 : vector<1x10240xf32>
    %iota3A = tpu.iota {dimensions = array<i32: 0>} : vector<64x1xi32>
    %get3A_8 = arith.constant 0 : index
    %get3A_9 = arith.constant 0 : index
    %get3A_10 = vector.load %arg3[%get3A_8, %get3A_9] : memref<1x10240xi32, #tpu.memory_space<vmem>>, vector<1x10240xi32>
    %eq3A = vector.broadcast %get3A_10 : vector<1x10240xi32> to vector<64x10240xi32>
    %eq3A_11 = vector.broadcast %iota3A : vector<64x1xi32> to vector<64x10240xi32>
    %eq3A_12 = arith.cmpi eq, %eq3A, %eq3A_11 : vector<64x10240xi32>
    %convert_element_type3A = arith.extui %eq3A_12 : vector<64x10240xi1> to vector<64x10240xi32>
    %convert_element_type3A_13 = arith.sitofp %convert_element_type3A : vector<64x10240xi32> to vector<64x10240xf32>
    %reduce_sum3A = arith.constant dense<0.000000e+00> : vector<64xf32>
    %reduce_sum3A_14 = vector.multi_reduction <add>, %convert_element_type3A_13, %reduce_sum3A [1] : vector<64x10240xf32> to vector<64xf32>
    %broadcast_in_dim3A = vector.shape_cast %reduce_sum3A_14 : vector<64xf32> to vector<64x1xf32>
    %mul3A_15 = vector.broadcast %mul3A : vector<1x10240xf32> to vector<64x10240xf32>
    %mul3A_16 = arith.mulf %convert_element_type3A_13, %mul3A_15 : vector<64x10240xf32>
    %reduce_sum3A_17 = arith.constant dense<0.000000e+00> : vector<64xf32>
    %reduce_sum3A_18 = vector.multi_reduction <add>, %mul3A_16, %reduce_sum3A_17 [1] : vector<64x10240xf32> to vector<64xf32>
    %broadcast_in_dim3A_19 = vector.shape_cast %reduce_sum3A_18 : vector<64xf32> to vector<64x1xf32>
    %get3A_20 = arith.constant 0 : index
    %get3A_21 = arith.constant 0 : index
    %get3A_22 = vector.load %arg4[%get3A_20, %get3A_21] : memref<1x512xf32, #tpu.memory_space<vmem>>, vector<1x512xf32>
    %get3A_23 = arith.constant 0 : index
    %get3A_24 = arith.constant 0 : index
    %get3A_25 = vector.load %arg5[%get3A_23, %get3A_24] : memref<512x1xf32, #tpu.memory_space<vmem>>, vector<512x1xf32>
    %dot_general3A = arith.constant dense<0.000000e+00> : vector<1x1xf32>
    %dot_general3A_26 = tpu.matmul %get3A_22, %get3A_25, %dot_general3A {dimension_numbers = #tpu.dot_dimension_numbers<[1], [0], [0], [1], [0, 0, 1, 1], [], []>, transpose_lhs_hint = false} : vector<1x512xf32>, vector<512x1xf32>, vector<1x1xf32> -> vector<1x1xf32>
    %max3A = arith.constant 1.000000e+00 : f32
    %max3A_27 = vector.broadcast %max3A : f32 to vector<64x1xf32>
    %max3A_28 = arith.maximumf %broadcast_in_dim3A, %max3A_27 : vector<64x1xf32>
    %div3A = arith.divf %broadcast_in_dim3A_19, %max3A_28 : vector<64x1xf32>
    %gt3A = arith.constant 0.000000e+00 : f32
    %gt3A_29 = vector.broadcast %gt3A : f32 to vector<64x1xf32>
    %gt3A_30 = arith.cmpf ogt, %broadcast_in_dim3A, %gt3A_29 : vector<64x1xf32>
    %jit3A = arith.constant 0.000000e+00 : f32
    %broadcast_in_dim3A_31 = vector.shape_cast %dot_general3A_26 : vector<1x1xf32> to vector<1x1xf32>
    %broadcast_in_dim3A_32 = vector.broadcast %broadcast_in_dim3A_31 : vector<1x1xf32> to vector<64x1xf32>
    %broadcast_in_dim3A_33 = vector.broadcast %jit3A : f32 to vector<64x1xf32>
    %select_n3A = arith.select %gt3A_30, %broadcast_in_dim3A_32, %broadcast_in_dim3A_33 : vector<64x1xi1>, vector<64x1xf32>
    %add3A_34 = arith.addf %div3A, %select_n3A : vector<64x1xf32>
    %get3A_35 = arith.constant 0 : index
    %get3A_36 = arith.constant 0 : index
    %get3A_37 = vector.load %arg6[%get3A_35, %get3A_36] : memref<1x1xf32, #tpu.memory_space<vmem>>, vector<1x1xf32>
    %add3A_38 = vector.broadcast %get3A_37 : vector<1x1xf32> to vector<64x1xf32>
    %add3A_39 = arith.addf %add3A_34, %add3A_38 : vector<64x1xf32>
    %swap3A = arith.constant 0 : index
    %swap3A_40 = arith.constant 0 : index
    %swap3A_41 = vector.load %arg7[%swap3A, %swap3A_40] : memref<64x1xf32, #tpu.memory_space<vmem>>, vector<64x1xf32>
    tpu.vector_store %arg7[%swap3A, %swap3A_40], %add3A_39 {strides = array<i32>} : memref<64x1xf32, #tpu.memory_space<vmem>>, vector<64x1xf32>,
    return
  }
}

</mosaic_0001>

<sc_bundles>
// kernel: kernel.10.cloned.1.call-start
scs
__scs_entry_jumppad:
0x0: {  	(pc) =	sbr.rel $0x88, $3  }
0x1: {  	(tag) =	ssettag $0x0;
	lr =	simm.s32 $0x1  }
0x2: {  	[smem:$0x3F96] =	sst lr;
	_ =	strace $0xD0000000  }
0x3: {  	_ = 	snop  }
0x4: {  	_ = 	snop  }
0x5: {  	_ = 	snop  }
0x6: {  	_ = 	snop  }
0x7: {  	_ = 	snop  }
__scs_overlays_trampoline_lowered:
0x8: {  	[smem:$0x3FA5] =	sst s0  }
0x9: {  	[smem:$0x3FA6] =	sst s1  }
0xa: {  	[smem:$0x3FA7] =	sst s2  }
0xb: {  	[smem:$0x3FA8] =	sst s3  }
0xc: {  	[smem:$0x3FA9] =	sst s4  }
0xd: {  	[smem:$0x3FAA] =	sst s5  }
0xe: {  	[smem:$0x3FAB] =	sst s6  }
0xf: {  	[smem:$0x3FAC] =	sst s7  }
0x10: {  	[smem:$0x3FAD] =	sst s8  }
0x11: {  	[smem:$0x3FAE] =	sst s9;
	s0 =	simm.s32 @!p0 $0x0  }
0x12: {  	s1 =	sld [smem:$0x3F94];
	s0 =	simm.s32 @p0 $0x1  }
0x13: {  	[smem:$0x3FAF] =	sst s0;
	s0 =	simm.s32 @!p1 $0x0  }
0x14: {  	s2 =	sld [smem:$0x3F93];
	s0 =	simm.s32 @p1 $0x1  }
0x15: {  	[smem:$0x3FB0] =	sst s0;
	s0 =	simm.s32 @!p2 $0x0  }
0x16: {  	s3 =	sld [smem:$0x3FDB];
	s0 =	simm.s32 @p2 $0x1  }
0x17: {  	s4 =	simm.s32 $0x1BF5;
	[smem:$0x3FB2] =	sst s0  }
0x18: {  	s0 =	sld [smem:$0x3F95];
	_ =	swait.ge [sflag:s4], $0x0  }
0x19: {  	s7 =	sld [smem:$0x3F96]  }
0x1a: {  	s8 =	sadd.s32 $0xFFFFE003, lr  }
0x1b: {  	s9 =	sadd.s32 $0xFFFFFEF7, lr;
	s5 =	simm.s32 $0xFFFFFFFF;
	p2 =	slt.u32 s8, $0xFFFFF086  }
0x1c: {  	p1 =	slt.u32 s9, $0xF7A;
	s5 =	simm.s32 @!p2 $0x0  }
0x1d: {  	s5 =	simm.s32 @p1 $0x1;
	p0 =	seq.s32 s7, s2  }
0x1e: {  	s7 =	smul.u32 @!p0 $0xF7A, s2;
	p2 =	seq.s32 @!p0 s5, $0x0  }
0x1f: {  	s9 =	smul.u32 $0xF7A, s1;
	s8 =	simm.s32 @!p0 $0x1BF5;
	p2 =	por !p2, p0  }
0x20: {  	[sflag:s8] =	ssyncset.s32 @!p0 $0xFFFFF086;
	s6 =	sadd.s32 @!p0 s3, s7;
	s7 =	simm.s32 @!p0 $0x108  }
0x21: {  	s3 =	sadd.s32 s3, s9;
	s6 =	sadd.s32 @!p0 $0x88, s6;
	s7 =	simm.s32 @p2 $0x1082  }
0x22: {  	[simem:s7], [sflag:s8] =	dma.local @!p0 [hbm:s6], $0xF7A  }
0x23: {  	s9 =	sor.u32 $0xD0000000, s2;
	s6 =	simm.s32 $0x108;
	_ =	swait.ge @!p0 [sflag:s8], $0x0  }
0x24: {  	s3 =	sadd.s32 $0x88, s3;
	s6 =	simm.s32 @!p1 $0x1082;
	[sflag:s4] =	ssyncset.s32 $0xFFFFF086  }
0x25: {  	[simem:s6], [sflag:s4] =	dma.local [hbm:s3], $0xF7A  }
0x26: {  	[smem:$0x3F96] =	sst s1;
	(tag) =	ssettag s2;
	_ =	strace s9  }
0x27: {  	s1 =	sld [smem:$0x3FA6]  }
0x28: {  	s2 =	sld [smem:$0x3FA7]  }
0x29: {  	s4 =	sld [smem:$0x3FA9]  }
0x2a: {  	p0 =	seq.s32 s5, $0x0;
	s5 =	sld [smem:$0x3FAA]  }
0x2b: {  	s6 =	sld [smem:$0x3FAB]  }
0x2c: {  	s7 =	sld [smem:$0x3FAC]  }
0x2d: {  	s3 =	simm.s32 $0x108;
	s8 =	sld [smem:$0x3FAD]  }
0x2e: {  	s3 =	simm.s32 @!p0 $0x1082;
	s9 =	sld [smem:$0x3FAE]  }
0x2f: {  	lr =	sadd.s32 s0, s3;
	s0 =	sld [smem:$0x3FA5]  }
0x30: {  	s3 =	sld [smem:$0x3FA8]  }
0x31: {  	[smem:$0x3FB1] =	sst s10  }
0x32: {  	s10 =	sld [smem:$0x3FAF];
	_ =	sdelay $0x3  }
0x33: {  	p0 =	seq.s32 s10, $0x1;
	s10 =	sld [smem:$0x3FB1];
	_ =	sdelay $0x3  }
0x34: {  	[smem:$0x3FB1] =	sst s10  }
0x35: {  	s10 =	sld [smem:$0x3FB0];
	_ =	sdelay $0x3  }
0x36: {  	p1 =	seq.s32 s10, $0x1;
	s10 =	sld [smem:$0x3FB1];
	_ =	sdelay $0x3  }
0x37: {  	[smem:$0x3FB1] =	sst s10  }
0x38: {  	s10 =	sld [smem:$0x3FB2]  }
0x39: {  	_ = 	snop;
	(pc) =	sbr.ind lr, $3  }
0x3a: {  	_ = 	snop  }
0x3b: {  	_ = 	snop  }
0x3c: {  	p2 =	seq.s32 s10, $0x1;
	s10 =	sld [smem:$0x3FB1]  }
0x3d: {  	_ =	shalt  }
0x3e: {  	_ =	shalt  }
0x3f: {  	_ =	shalt  }
0x40: {  	_ =	shalt  }
0x41: {  	_ =	shalt  }
0x42: {  	_ =	shalt  }
0x43: {  	_ =	shalt  }
0x44: {  	_ =	shalt  }
0x45: {  	_ =	shalt  }
0x46: {  	_ =	shalt  }
0x47: {  	_ =	shalt  }
0x48: {  	_ =	shalt  }
0x49: {  	_ =	shalt  }
0x4a: {  	_ =	shalt  }
0x4b: {  	_ =	shalt  }
0x4c: {  	_ =	shalt  }
0x4d: {  	_ =	shalt  }
0x4e: {  	_ =	shalt  }
0x4f: {  	_ =	shalt  }
0x50: {  	_ =	shalt  }
0x51: {  	_ =	shalt  }
0x52: {  	_ =	shalt  }
0x53: {  	_ =	shalt  }
0x54: {  	_ =	shalt  }
0x55: {  	_ =	shalt  }
0x56: {  	_ =	shalt  }
0x57: {  	_ =	shalt  }
0x58: {  	_ =	shalt  }
0x59: {  	_ =	shalt  }
0x5a: {  	_ =	shalt  }
0x5b: {  	_ =	shalt  }
0x5c: {  	_ =	shalt  }
0x5d: {  	_ =	shalt  }
0x5e: {  	_ =	shalt  }
0x5f: {  	_ =	shalt  }
0x60: {  	_ =	shalt  }
0x61: {  	_ =	shalt  }
0x62: {  	_ =	shalt  }
0x63: {  	_ =	shalt  }
0x64: {  	_ =	shalt  }
0x65: {  	_ =	shalt  }
0x66: {  	_ =	shalt  }
0x67: {  	_ =	shalt  }
0x68: {  	_ =	shalt  }
0x69: {  	_ =	shalt  }
0x6a: {  	_ =	shalt  }
0x6b: {  	_ =	shalt  }
0x6c: {  	_ =	shalt  }
0x6d: {  	_ =	shalt  }
0x6e: {  	_ =	shalt  }
0x6f: {  	_ =	shalt  }
0x70: {  	_ =	shalt  }
0x71: {  	_ =	shalt  }
0x72: {  	_ =	shalt  }
0x73: {  	_ =	shalt  }
0x74: {  	_ =	shalt  }
0x75: {  	_ =	shalt  }
0x76: {  	_ =	shalt  }
0x77: {  	_ =	shalt  }
0x78: {  	_ =	shalt  }
0x79: {  	_ =	shalt  }
0x7a: {  	_ =	shalt  }
0x7b: {  	_ =	shalt  }
0x7c: {  	_ =	shalt  }
0x7d: {  	_ =	shalt  }
0x7e: {  	_ =	shalt  }
0x7f: {  	_ =	shalt  }
0x80: {  	_ =	shalt  }
0x81: {  	_ =	shalt  }
0x82: {  	_ =	shalt  }
0x83: {  	_ =	shalt  }
0x84: {  	_ =	shalt  }
0x85: {  	_ =	shalt  }
0x86: {  	_ =	shalt  }
0x87: {  	_ =	shalt  }
.Lfunc_end0:
.L_simem_size_0:
called_computation_lowered:
.L_overlay_start_0:
0x88: {  	s2 =	sld [smem:$0x3FD9]  }
0x89: {  	s3 =	sld [smem:$0x3FFE];
	_ =	sdelay $0x1  }
0x8a: {  	s1 =	srdreg.scid  }
0x8b: {  	s0 =	sand.u32 $0x1, s1  }
0x8c: {  	s16 =	sshll.u32 s0, $0xA;
	s2 =	sadd.s32 s3, s2  }
0x8d: {  	s2 =	sadd.s32 s2, s16  }
0x8e: {  	[smem:$0x3FBD] =	sst s2  }
0x8f: {  	_ = 	snop  }
0x90: {  	(tm) =	ssettm $0x1  }
0x91: {  	s17 =	sld [smem:$0x3FFB];
	_ =	sdelay $0x3  }
0x92: {  	_ =	strace s17  }
0x93: {  	s2 =	sld [smem:$0x3FFC];
	_ =	sdelay $0x3  }
0x94: {  	_ =	strace s2  }
0x95: {  	s2 =	sld [smem:$0x3FFD];
	_ =	sdelay $0x3  }
0x96: {  	_ =	strace s2  }
0x97: {  	_ =	strace $0x8FFFFFFF  }
0x98: {  	s18 =	sld [smem:$0x3FDB];
	_ =	sdelay $0x1  }
0x99: {  	s19 =	simm.s32 $_scs_section_size  }
0x9a: {  	s4 =	simm.s32 $_size__tile_overlayer_lowered;
	s5 =	simm.s32 $_tile_overlayer_lowered  }
0x9b: {  	s22 =	simm.s32 $0x1BFF;
	s21 =	sshll.u32 s5, $0x1;
	s2 =	sadd.s32 s19, s18  }
0x9c: {  	s6 =	simm.s32 $0x0;
	s20 =	sshll.u32 s4, $0x1;
	s4 =	sadd.s32 s21, s2  }
0x9d: {  	[timem:s6], [sflag:s22] =	dma.local [hbm:s4], s20  }
0x9e: {  	_ =	swait.ge [sflag:s22], s20  }
0x9f: {  	s3 =	ssub.s32 $0x0, s20;
	[sflag:s22] =	ssyncset.done $0x0  }
0xa0: {  	[sflag:s22] =	ssyncadd.s32 s3;
	_ =	sdelay $0x1  }
0xa1: {  	s23 =	simm.s32 $0x1B8B  }
0xa2: {  	_ =	swait.ge [sflag:s23], $0x1  }
0xa3: {  	[sflag:s23] =	ssyncset.done $0x0  }
0xa4: {  	s25 =	simm.s32 $0x1B8E;
	s24 =	sld [smem:$0x3FFE];
	[sflag:s23] =	ssyncadd.s32 $0xFFFFFFFF  }
0xa5: {  	s26 =	simm.s32 $execute0_lowered;
	[smem:$0x3FD2] =	sst s25  }
0xa6: {  	s4 =	sshll.u32 s26, $0x1;
	_ =	strace $0x80000046;
	[dreg:$0x1] =	wrdreg $0xFFFFFFFF  }
0xa7: {  	s28 =	simm.s32 $_size_execute0_lowered;
	s2 =	sadd.s32 s2, s4;
	[dreg:$0x0] =	wrdreg $0x0  }
0xa8: {  	s4 =	sshll.u32 s28, $0x1;
	[dreg:$0x2] =	wrdreg s2  }
0xa9: {  	[dreg:$0x3] =	wrdreg s4  }
0xaa: {  	[dreg:$0x4] =	wrdreg $0xC0  }
0xab: {  	_ =	task [dreg:s6], $0x5FFFF  }
0xac: {  	[dreg:$0x1] =	wrdreg $0xFFFFFFFF  }
0xad: {  	[dreg:$0x0] =	wrdreg $0x60  }
0xae: {  	[dreg:$0x2] =	wrdreg s24  }
0xaf: {  	[dreg:$0x3] =	wrdreg $0x14800  }
0xb0: {  	[dreg:$0x4] =	wrdreg $0x9  }
0xb1: {  	_ =	task.clear_ibuf [dreg:s6], $0x5FFFF;
	_ =	strace $0x90000046  }
0xb2: {  	s29 =	simm.s32 $0x9;
	_ =	strace $0x80000048  }
0xb3: {  	_ =	swait.ge [sflag:s29], $0x1  }
0xb4: {  	[sflag:s29] =	ssyncadd.s32 $0xFFFFFFFF  }
0xb5: {  	_ =	strace $0x90000048  }
0xb6: {  	_ =	sfence  }
0xb7: {  	s30 =	sld [smem:$0x0];
	_ =	sdelay $0x2  }
0xb8: {  	s31 =	sshll.u32 s1, $0xD;
	s1 =	sshrl.u32 s1, $0x2  }
0xb9: {  	s3 =	sand.u32 $0x4000, s31;
	s1 =	sadd.s32 s1, s30  }
0xba: {  	s0 =	sor.u32 s3, s0;
	s1 =	sshll.u32 s1, $0x11  }
0xbb: {  	s0 =	sor.u32 s1, s0  }
0xbc: {  	s0 =	sadd.s32 $0x8F2B, s0  }
0xbd: {  	[sflag:s0] =	ssyncadd.remote.s32 $0x1  }
0xbe: {  	_ =	sfence.sel $0xFFFF  }
0xbf: {  	[dreg:$0x0] =	wrdreg $0xFFFFFFFF;
	(pc) =	sbr.abs _section_cstart, $3  }
0xc0: {  	[dreg:$0x1] =	wrdreg $0xFFFFFFFF  }
0xc1: {  	_ =	task.clear_ibuf [dreg:s6], $0x2FFFF;
	_ =	strace $0x9FFFFFFF  }
0xc2: {  	(tm) =	ssettm $0x7FFFFFFF  }
0xc3: {  	_ =	shalt  }
tec
execute0_lowered:
.L_overlay_start_1:
0x0: {  	(tag) =	ssettag $0x1  }
0x1: {  	s6 =	rddreg [dreg:$0x0]  }
0x2: {  	s0 =	srdreg.scid;
	s2 =	rddreg [dreg:$0x1];
	s3 =	simm.s32 $0x0  }
0x3: {  	s14 =	simm.s32 $0x0;
	s5 =	sand.u32 $0x1, s0;
	s0 =	stileid.u32  }
0x4: {  	[smem:$0x7FF] =	sst s3;
	s8 =	sadd.s32 $0xE000, s6;
	s10 =	sadd.s32 $0xEC00, s6  }
0x5: {  	s13 =	sadd.s32 $0xF200, s6;
	s1 =	sshll.u32 s5, $0x4;
	s9 =	ssub.s32 $0x2, s5  }
0x6: {  	s12 =	smul.u32 $0x280, s0;
	p0 =	seq.s32 s5, $0x0;
	s31 =	sshll.u32 s0, $0x6  }
0x7: {  	s4 =	sor.u32 s0, s1;
	s1 =	rddreg [dreg:$0x2];
	_ =	strace $0x80000047  }
0x8: {  	s11 =	sshrl.u32 s9, $0x1;
	s13 =	smov.u32 @p0 s10;
	s4 =	smul.u32 $0x280, s4  }
0x9: {  	s28 =	ssub.s32 s9, s11;
	s29 =	sadd.s32 s12, s2;
	s30 =	sshrl.u32 s12, $0x3  }
0xa: {  	s11 =	simm.s32 $0x1;
	s12 =	simm.s32 $0x1400;
	s9 =	sadd.s32 s13, s30  }
0xb: {  	s10 =	sshrl.u32 s29, $0x3;
	s7 =	sadd.s32 s4, s6;
	s4 =	sadd.s32 $0xE600, s6  }
0xc: {  	s13 =	simm.s32 $0x80;
	s6 =	smax.u32 s28, $0x1;
	s8 =	smov.u32 @p0 s4  }
0xd: {  	s5 =	sadd.s32 $0x9000, s7;
	s7 =	sadd.s32 s8, s30;
	s8 =	sor.u32 $0x1C01, s31  }
.LBB2_1:
0xe: {  	[spmem:s10], [sflag:s8] =	dma.local [hbm:s7], $0x50  }
0xf: {  	_ =	swait.ge [sflag:s11], $0x50  }
0x10: {  	[sflag:s11] =	ssyncset.done $0x0  }
0x11: {  	[sflag:s11] =	ssyncadd.s32 $0xFFFFFFB0  }
0x12: {  	[tilespmem:s12], [sflag:$0x1] =	stream.linear.gather [hbm4b:s4+s3], $0x80, $0x38;
	[tilespmem:$0x1700] =	vst v63  }
0x13: {  	_ =	swait.ge [sflag:s11], $0x80  }
0x14: {  	[sflag:s11] =	ssyncset.done $0x0  }
0x15: {  	[sflag:s11] =	ssyncadd.s32 $0xFFFFFF80  }
0x16: {  	[tilespmem:s3], [sflag:$0x1] =	stream.linear.gather [hbm4b:s5+s3], $0x1400, $0x38;
	[tilespmem:$0x1700] =	vst v63  }
0x17: {  	_ =	swait.ge [sflag:s11], $0x1400  }
0x18: {  	[sflag:s11] =	ssyncset.done $0x0  }
0x19: {  	[sflag:s11] =	ssyncadd.s32 $0xFFFFEC00  }
0x1a: {  	s15 =	simm.s32 $0x0;
	[bflag:$0x0] =	sbarrier.arrive $0xFFFF  }
0x1b: {  	[spmem:s2] =	stream.indirect.scatter.add.f32 [tilespmem:s12], [sflag:$0x1], $0x1, s15, s13, $0xb8;
	[tilespmem:$0x1700] =	vst v63  }
0x1c: {  	_ =	swait.ge [sflag:s11], $0x80  }
0x1d: {  	s15 =	simm.s32 $0x200;
	[sflag:s11] =	ssyncset.done $0x0  }
.LBB2_2:
0x1e: {  	s16 =	sshra.s32 s15, $0x2;
	[sflag:s11] =	ssyncadd.s32 $0xFFFFFF80;
	p0 =	sne.s32 s15, $0x4E00  }
0x1f: {  	[spmem:s2] =	stream.indirect.scatter.add.f32 [tilespmem:s12], [sflag:$0x1], $0x1, s16, s13, $0xb8;
	[tilespmem:$0x1700] =	vst v63  }
.Ltmp0:
0x20: {  	_ = 	snop;
	(pc) =	sbr.rel @p0 .LBB2_2-.Ltmp0, $4  }
0x21: {  	_ = 	snop  }
0x22: {  	s15 =	sadd.s32 $0x200, s15  }
0x23: {  	_ =	swait.ge [sflag:s11], $0x80  }
0x24: {  	[sflag:s11] =	ssyncset.done $0x0  }
0x25: {  	s14 =	sadd.s32 $0x1, s14  }
0x26: {  	[sflag:s11] =	ssyncadd.s32 $0xFFFFFF80;
	p0 =	sne.s32 s14, s6  }
.Ltmp1:
0x27: {  	[bflag:$0x0] =	sbarrier.arrive $0xFFFF;
	(pc) =	sbr.rel @p0 .LBB2_1-.Ltmp1, $4  }
0x28: {  	[hbm:s9], [sflag:s8] =	dma.local [spmem:s10], $0x50  }
0x29: {  	_ =	swait.ge [sflag:s11], $0x50  }
0x2a: {  	[sflag:s11] =	ssyncset.done $0x0  }
0x2b: {  	[sflag:s11] =	ssyncadd.s32 $0xFFFFFFB0  }
0x2c: {  	_ =	sfence.sel $0x180000  }
0x2d: {  	[bflag:$0x0] =	sbarrier.arrive $0xFFFF  }
0x2e: {  	p0 =	sne.s32 s0, $0x0;
	_ =	strace $0x90000047  }
0x2f: {  	s0 =	sadd.s32 @!p0 $0x100000, s1;
	[bflag:$0x2] =	sbarrier.arrive $0xFFFF  }
0x30: {  	[sflag:s0] =	ssyncadd.tile.s32 @!p0 $0x1;
	_ =	shalt  }
.Lfunc_end2:
_tile_overlayer_lowered:
.L_overlay_start_2:
0x31: {  	(tag) =	ssettag $0x2  }
0x32: {  	s0 =	rddreg [dreg:$0x0];
	s2 =	stileid.u32  }
0x33: {  	s1 =	rddreg [dreg:$0x1];
	p0 =	sne.s32 s2, $0x0  }
0x34: {  	s3 =	rddreg [dreg:$0x2];
	[bflag:$0x3] =	sbarrier.arrive $0xFFFF;
	s2 =	simm.s32 @!p0 $0x1C01  }
0x35: {  	[timem:s3], [sflag:s2] =	dma.local @!p0 [hbm:s0], s1  }
0x36: {  	s0 =	simm.s32 @!p0 $0x1  }
0x37: {  	_ =	swait.ge @!p0 [sflag:s0], s1  }
0x38: {  	s1 =	ssub.s32 @!p0 $0x0, s1;
	[sflag:s0] =	ssyncset.done @!p0 $0x0  }
0x39: {  	[sflag:s0] =	ssyncadd.s32 @!p0 s1  }
0x3a: {  	[bflag:$0x3] =	sbarrier.arrive $0xFFFF  }
0x3b: {  	_ =	shalt  }

// kernel: kernel.13.cloned.1.call-start
scs
__scs_entry_jumppad:
0x0: {  	(pc) =	sbr.rel $0x88, $3  }
0x1: {  	(tag) =	ssettag $0x0;
	lr =	simm.s32 $0x1  }
0x2: {  	[smem:$0x3F96] =	sst lr;
	_ =	strace $0xD0000000  }
0x3: {  	_ = 	snop  }
0x4: {  	_ = 	snop  }
0x5: {  	_ = 	snop  }
0x6: {  	_ = 	snop  }
0x7: {  	_ = 	snop  }
__scs_overlays_trampoline_lowered:
0x8: {  	[smem:$0x3FA5] =	sst s0  }
0x9: {  	[smem:$0x3FA6] =	sst s1  }
0xa: {  	[smem:$0x3FA7] =	sst s2  }
0xb: {  	[smem:$0x3FA8] =	sst s3  }
0xc: {  	[smem:$0x3FA9] =	sst s4  }
0xd: {  	[smem:$0x3FAA] =	sst s5  }
0xe: {  	[smem:$0x3FAB] =	sst s6  }
0xf: {  	[smem:$0x3FAC] =	sst s7  }
0x10: {  	[smem:$0x3FAD] =	sst s8  }
0x11: {  	[smem:$0x3FAE] =	sst s9;
	s0 =	simm.s32 @!p0 $0x0  }
0x12: {  	s1 =	sld [smem:$0x3F94];
	s0 =	simm.s32 @p0 $0x1  }
0x13: {  	[smem:$0x3FAF] =	sst s0;
	s0 =	simm.s32 @!p1 $0x0  }
0x14: {  	s2 =	sld [smem:$0x3F93];
	s0 =	simm.s32 @p1 $0x1  }
0x15: {  	[smem:$0x3FB0] =	sst s0;
	s0 =	simm.s32 @!p2 $0x0  }
0x16: {  	s3 =	sld [smem:$0x3FDB];
	s0 =	simm.s32 @p2 $0x1  }
0x17: {  	s4 =	simm.s32 $0x1BF5;
	[smem:$0x3FB2] =	sst s0  }
0x18: {  	s0 =	sld [smem:$0x3F95];
	_ =	swait.ge [sflag:s4], $0x0  }
0x19: {  	s7 =	sld [smem:$0x3F96]  }
0x1a: {  	s8 =	sadd.s32 $0xFFFFE003, lr  }
0x1b: {  	s9 =	sadd.s32 $0xFFFFFEF7, lr;
	s5 =	simm.s32 $0xFFFFFFFF;
	p2 =	slt.u32 s8, $0xFFFFF086  }
0x1c: {  	p1 =	slt.u32 s9, $0xF7A;
	s5 =	simm.s32 @!p2 $0x0  }
0x1d: {  	s5 =	simm.s32 @p1 $0x1;
	p0 =	seq.s32 s7, s2  }
0x1e: {  	s7 =	smul.u32 @!p0 $0xF7A, s2;
	p2 =	seq.s32 @!p0 s5, $0x0  }
0x1f: {  	s9 =	smul.u32 $0xF7A, s1;
	s8 =	simm.s32 @!p0 $0x1BF5;
	p2 =	por !p2, p0  }
0x20: {  	[sflag:s8] =	ssyncset.s32 @!p0 $0xFFFFF086;
	s6 =	sadd.s32 @!p0 s3, s7;
	s7 =	simm.s32 @!p0 $0x108  }
0x21: {  	s3 =	sadd.s32 s3, s9;
	s6 =	sadd.s32 @!p0 $0x88, s6;
	s7 =	simm.s32 @p2 $0x1082  }
0x22: {  	[simem:s7], [sflag:s8] =	dma.local @!p0 [hbm:s6], $0xF7A  }
0x23: {  	s9 =	sor.u32 $0xD0000000, s2;
	s6 =	simm.s32 $0x108;
	_ =	swait.ge @!p0 [sflag:s8], $0x0  }
0x24: {  	s3 =	sadd.s32 $0x88, s3;
	s6 =	simm.s32 @!p1 $0x1082;
	[sflag:s4] =	ssyncset.s32 $0xFFFFF086  }
0x25: {  	[simem:s6], [sflag:s4] =	dma.local [hbm:s3], $0xF7A  }
0x26: {  	[smem:$0x3F96] =	sst s1;
	(tag) =	ssettag s2;
	_ =	strace s9  }
0x27: {  	s1 =	sld [smem:$0x3FA6]  }
0x28: {  	s2 =	sld [smem:$0x3FA7]  }
0x29: {  	s4 =	sld [smem:$0x3FA9]  }
0x2a: {  	p0 =	seq.s32 s5, $0x0;
	s5 =	sld [smem:$0x3FAA]  }
0x2b: {  	s6 =	sld [smem:$0x3FAB]  }
0x2c: {  	s7 =	sld [smem:$0x3FAC]  }
0x2d: {  	s3 =	simm.s32 $0x108;
	s8 =	sld [smem:$0x3FAD]  }
0x2e: {  	s3 =	simm.s32 @!p0 $0x1082;
	s9 =	sld [smem:$0x3FAE]  }
0x2f: {  	lr =	sadd.s32 s0, s3;
	s0 =	sld [smem:$0x3FA5]  }
0x30: {  	s3 =	sld [smem:$0x3FA8]  }
0x31: {  	[smem:$0x3FB1] =	sst s10  }
0x32: {  	s10 =	sld [smem:$0x3FAF];
	_ =	sdelay $0x3  }
0x33: {  	p0 =	seq.s32 s10, $0x1;
	s10 =	sld [smem:$0x3FB1];
	_ =	sdelay $0x3  }
0x34: {  	[smem:$0x3FB1] =	sst s10  }
0x35: {  	s10 =	sld [smem:$0x3FB0];
	_ =	sdelay $0x3  }
0x36: {  	p1 =	seq.s32 s10, $0x1;
	s10 =	sld [smem:$0x3FB1];
	_ =	sdelay $0x3  }
0x37: {  	[smem:$0x3FB1] =	sst s10  }
0x38: {  	s10 =	sld [smem:$0x3FB2]  }
0x39: {  	_ = 	snop;
	(pc) =	sbr.ind lr, $3  }
0x3a: {  	_ = 	snop  }
0x3b: {  	_ = 	snop  }
0x3c: {  	p2 =	seq.s32 s10, $0x1;
	s10 =	sld [smem:$0x3FB1]  }
0x3d: {  	_ =	shalt  }
0x3e: {  	_ =	shalt  }
0x3f: {  	_ =	shalt  }
0x40: {  	_ =	shalt  }
0x41: {  	_ =	shalt  }
0x42: {  	_ =	shalt  }
0x43: {  	_ =	shalt  }
0x44: {  	_ =	shalt  }
0x45: {  	_ =	shalt  }
0x46: {  	_ =	shalt  }
0x47: {  	_ =	shalt  }
0x48: {  	_ =	shalt  }
0x49: {  	_ =	shalt  }
0x4a: {  	_ =	shalt  }
0x4b: {  	_ =	shalt  }
0x4c: {  	_ =	shalt  }
0x4d: {  	_ =	shalt  }
0x4e: {  	_ =	shalt  }
0x4f: {  	_ =	shalt  }
0x50: {  	_ =	shalt  }
0x51: {  	_ =	shalt  }
0x52: {  	_ =	shalt  }
0x53: {  	_ =	shalt  }
0x54: {  	_ =	shalt  }
0x55: {  	_ =	shalt  }
0x56: {  	_ =	shalt  }
0x57: {  	_ =	shalt  }
0x58: {  	_ =	shalt  }
0x59: {  	_ =	shalt  }
0x5a: {  	_ =	shalt  }
0x5b: {  	_ =	shalt  }
0x5c: {  	_ =	shalt  }
0x5d: {  	_ =	shalt  }
0x5e: {  	_ =	shalt  }
0x5f: {  	_ =	shalt  }
0x60: {  	_ =	shalt  }
0x61: {  	_ =	shalt  }
0x62: {  	_ =	shalt  }
0x63: {  	_ =	shalt  }
0x64: {  	_ =	shalt  }
0x65: {  	_ =	shalt  }
0x66: {  	_ =	shalt  }
0x67: {  	_ =	shalt  }
0x68: {  	_ =	shalt  }
0x69: {  	_ =	shalt  }
0x6a: {  	_ =	shalt  }
0x6b: {  	_ =	shalt  }
0x6c: {  	_ =	shalt  }
0x6d: {  	_ =	shalt  }
0x6e: {  	_ =	shalt  }
0x6f: {  	_ =	shalt  }
0x70: {  	_ =	shalt  }
0x71: {  	_ =	shalt  }
0x72: {  	_ =	shalt  }
0x73: {  	_ =	shalt  }
0x74: {  	_ =	shalt  }
0x75: {  	_ =	shalt  }
0x76: {  	_ =	shalt  }
0x77: {  	_ =	shalt  }
0x78: {  	_ =	shalt  }
0x79: {  	_ =	shalt  }
0x7a: {  	_ =	shalt  }
0x7b: {  	_ =	shalt  }
0x7c: {  	_ =	shalt  }
0x7d: {  	_ =	shalt  }
0x7e: {  	_ =	shalt  }
0x7f: {  	_ =	shalt  }
0x80: {  	_ =	shalt  }
0x81: {  	_ =	shalt  }
0x82: {  	_ =	shalt  }
0x83: {  	_ =	shalt  }
0x84: {  	_ =	shalt  }
0x85: {  	_ =	shalt  }
0x86: {  	_ =	shalt  }
0x87: {  	_ =	shalt  }
.Lfunc_end0:
.L_simem_size_0:
called_computation.1_lowered:
.L_overlay_start_0:
0x88: {  	s2 =	sld [smem:$0x3FD9]  }
0x89: {  	s3 =	sld [smem:$0x3FFE];
	_ =	sdelay $0x1  }
0x8a: {  	s1 =	srdreg.scid  }
0x8b: {  	s0 =	sand.u32 $0x1, s1  }
0x8c: {  	s16 =	sshll.u32 s0, $0xA;
	s2 =	sadd.s32 s3, s2  }
0x8d: {  	s2 =	sadd.s32 s2, s16  }
0x8e: {  	[smem:$0x3FBD] =	sst s2  }
0x8f: {  	_ = 	snop  }
0x90: {  	(tm) =	ssettm $0x1  }
0x91: {  	s17 =	sld [smem:$0x3FFB];
	_ =	sdelay $0x3  }
0x92: {  	_ =	strace s17  }
0x93: {  	s2 =	sld [smem:$0x3FFC];
	_ =	sdelay $0x3  }
0x94: {  	_ =	strace s2  }
0x95: {  	s2 =	sld [smem:$0x3FFD];
	_ =	sdelay $0x3  }
0x96: {  	_ =	strace s2  }
0x97: {  	_ =	strace $0x8FFFFFFF  }
0x98: {  	s18 =	sld [smem:$0x3FDB];
	_ =	sdelay $0x1  }
0x99: {  	s19 =	simm.s32 $_scs_section_size  }
0x9a: {  	s4 =	simm.s32 $_size__tile_overlayer_lowered;
	s5 =	simm.s32 $_tile_overlayer_lowered  }
0x9b: {  	s22 =	simm.s32 $0x1BFF;
	s21 =	sshll.u32 s5, $0x1;
	s2 =	sadd.s32 s19, s18  }
0x9c: {  	s6 =	simm.s32 $0x0;
	s20 =	sshll.u32 s4, $0x1;
	s4 =	sadd.s32 s21, s2  }
0x9d: {  	[timem:s6], [sflag:s22] =	dma.local [hbm:s4], s20  }
0x9e: {  	_ =	swait.ge [sflag:s22], s20  }
0x9f: {  	s3 =	ssub.s32 $0x0, s20;
	[sflag:s22] =	ssyncset.done $0x0  }
0xa0: {  	[sflag:s22] =	ssyncadd.s32 s3;
	_ =	sdelay $0x1  }
0xa1: {  	s23 =	simm.s32 $0x1B8B  }
0xa2: {  	_ =	swait.ge [sflag:s23], $0x1  }
0xa3: {  	[sflag:s23] =	ssyncset.done $0x0  }
0xa4: {  	s25 =	simm.s32 $0x1B8E;
	s24 =	sld [smem:$0x3FFE];
	[sflag:s23] =	ssyncadd.s32 $0xFFFFFFFF  }
0xa5: {  	s26 =	simm.s32 $execute0_lowered;
	[smem:$0x3FD2] =	sst s25  }
0xa6: {  	s4 =	sshll.u32 s26, $0x1;
	_ =	strace $0x80000049;
	[dreg:$0x1] =	wrdreg $0xFFFFFFFF  }
0xa7: {  	s28 =	simm.s32 $_size_execute0_lowered;
	s2 =	sadd.s32 s2, s4;
	[dreg:$0x0] =	wrdreg $0x0  }
0xa8: {  	s4 =	sshll.u32 s28, $0x1;
	[dreg:$0x2] =	wrdreg s2  }
0xa9: {  	[dreg:$0x3] =	wrdreg s4  }
0xaa: {  	[dreg:$0x4] =	wrdreg $0xC0  }
0xab: {  	_ =	task [dreg:s6], $0x5FFFF  }
0xac: {  	[dreg:$0x1] =	wrdreg $0xFFFFFFFF  }
0xad: {  	[dreg:$0x0] =	wrdreg $0x60  }
0xae: {  	[dreg:$0x2] =	wrdreg s24  }
0xaf: {  	[dreg:$0x3] =	wrdreg $0xA8000  }
0xb0: {  	[dreg:$0x4] =	wrdreg $0x9  }
0xb1: {  	_ =	task.clear_ibuf [dreg:s6], $0x5FFFF;
	_ =	strace $0x90000049  }
0xb2: {  	s29 =	simm.s32 $0x9;
	_ =	strace $0x8000004B  }
0xb3: {  	_ =	swait.ge [sflag:s29], $0x1  }
0xb4: {  	[sflag:s29] =	ssyncadd.s32 $0xFFFFFFFF  }
0xb5: {  	_ =	strace $0x9000004B  }
0xb6: {  	_ =	sfence  }
0xb7: {  	s30 =	sld [smem:$0x0];
	_ =	sdelay $0x2  }
0xb8: {  	s31 =	sshll.u32 s1, $0xD;
	s1 =	sshrl.u32 s1, $0x2  }
0xb9: {  	s3 =	sand.u32 $0x4000, s31;
	s1 =	sadd.s32 s1, s30  }
0xba: {  	s0 =	sor.u32 s3, s0;
	s1 =	sshll.u32 s1, $0x11  }
0xbb: {  	s0 =	sor.u32 s1, s0  }
0xbc: {  	s0 =	sadd.s32 $0x8F2B, s0  }
0xbd: {  	[sflag:s0] =	ssyncadd.remote.s32 $0x1  }
0xbe: {  	_ =	sfence.sel $0xFFFF  }
0xbf: {  	[dreg:$0x0] =	wrdreg $0xFFFFFFFF;
	(pc) =	sbr.abs _section_cstart, $3  }
0xc0: {  	[dreg:$0x1] =	wrdreg $0xFFFFFFFF  }
0xc1: {  	_ =	task.clear_ibuf [dreg:s6], $0x2FFFF;
	_ =	strace $0x9FFFFFFF  }
0xc2: {  	(tm) =	ssettm $0x7FFFFFFF  }
0xc3: {  	_ =	shalt  }
tec
execute0_lowered:
.L_overlay_start_1:
0x0: {  	(tag) =	ssettag $0x1  }
0x1: {  	s0 =	rddreg [dreg:$0x0]  }
0x2: {  	s1 =	rddreg [dreg:$0x1];
	s2 =	simm.s32 $0x0  }
0x3: {  	s4 =	srdreg.scid;
	s6 =	stileid.u32;
	s19 =	simm.s32 $0x5  }
0x4: {  	s20 =	simm.s32 $0x1400;
	s21 =	simm.s32 $0x80;
	s22 =	simm.s32 $0x2800  }
0x5: {  	s23 =	simm.s32 $0x6800;
	s24 =	simm.s32 $0x1;
	s25 =	simm.s32 $0x2  }
0x6: {  	s28 =	simm.s32 $0x3;
	s29 =	simm.s32 $0x4;
	s30 =	simm.s32 $0x0  }
0x7: {  	[smem:$0x7FF] =	sst s2;
	s3 =	sadd.s32 $0xE600, s0;
	s5 =	sadd.s32 $0x36600, s0  }
0x8: {  	s12 =	sadd.s32 $0x4000, s0;
	s4 =	sand.u32 $0x1, s4;
	s10 =	smul.u32 $0x50000, s6  }
0x9: {  	s13 =	sadd.s32 $0x9000, s0;
	s7 =	sadd.s32 $0x86600, s0;
	s11 =	smul.u32 $0x500, s6  }
0xa: {  	_ =	strace $0x8000004A;
	s8 =	ssub.s32 $0x2, s4;
	[dreg:$0x3] =	wrdreg s7  }
0xb: {  	s7 =	sadd.s32 $0xAE600, s0;
	p0 =	seq.s32 s4, $0x1;
	s9 =	sshrl.u32 s8, $0x1  }
0xc: {  	s31 =	sshrl.u32 s10, $0x2;
	s26 =	ssub.s32 s8, s9;
	s8 =	smul.u32 $0x2800, s6  }
.Ltmp0:
0xd: {  	s10 =	sadd.s32 s12, s11;
	s11 =	sadd.s32 s13, s11;
	(pc) =	sbr.rel .LBB2_1-.Ltmp0, $4  }
0xe: {  	s4 =	sadd.s32 s31, s1;
	s16 =	smax.u32 s26, $0x1;
	s14 =	sshrl.u32 s8, $0x3  }
0xf: {  	s18 =	sshrl.u32 s4, $0x3;
	s26 =	simm.s32 $0x1480;
	s14 =	sadd.s32 $0x280, s14  }
0x10: {  	s12 =	sadd.s32 s12, s14;
	s13 =	sadd.s32 s13, s14;
	s14 =	sshll.u32 s6, $0x6  }
0x11: {  	s9 =	sadd.s32 s3, s8;
	s15 =	sadd.s32 s5, s8;
	s17 =	sor.u32 $0x1C05, s14  }
.LBB2_11:
0x12: {  	[spmem:s1] =	stream.indirect.scatter.add.f32 [tilespmem:s23], [sflag:$0x4], $0x80, s4, s21, $0xb8;
	[tilespmem:$0x1E800] =	vst v63  }
0x13: {  	s0 =	smov.u32 s7;
	s31 =	smov.u32 s17  }
.LBB2_12:
0x14: {  	_ =	swait.ge [sflag:s28], $0x4000  }
0x15: {  	[sflag:s28] =	ssyncset.done $0x0  }
0x16: {  	[sflag:s28] =	ssyncadd.s32 $0xFFFFC000  }
0x17: {  	_ =	swait.ge [sflag:s29], $0x4000  }
0x18: {  	s30 =	sadd.s32 $0x1, s30;
	[sflag:s29] =	ssyncset.done $0x0  }
0x19: {  	p1 =	sne.s32 s30, s16;
	[sflag:s29] =	ssyncadd.s32 $0xFFFFC000  }
.Ltmp1:
0x1a: {  	s0 =	sadd.s32 s0, s8;
	[bflag:$0x0] =	sbarrier.arrive $0xFFFF;
	(pc) =	sbr.rel @!p1 .LBB2_13-.Ltmp1, $4  }
0x1b: {  	[hbm:s0], [sflag:s31] =	dma.local [spmem:s18], $0x2800  }
0x1c: {  	_ =	swait.ge [sflag:s19], $0x2800  }
0x1d: {  	[sflag:s19] =	ssyncset.done $0x0  }
0x1e: {  	[sflag:s19] =	ssyncadd.s32 $0xFFFFD800  }
.LBB2_1:
.Ltmp2:
0x1f: {  	(pc) =	sbr.rel @!p0 .LBB2_2-.Ltmp2, $1  }
0x20: {  	_ =	sdelay $0x3  }
0x21: {  	[spmem:s18], [sflag:s17] =	dma.local [hbm:s15], $0x2800  }
0x22: {  	_ =	swait.ge [sflag:s19], $0x2800  }
0x23: {  	[sflag:s19] =	ssyncset.done $0x0  }
0x24: {  	[sflag:s19] =	ssyncadd.s32 $0xFFFFD800  }
0x25: {  	[bflag:$0x0] =	sbarrier.arrive $0xFFFF  }
0x26: {  	[tilespmem:s2], [sflag:$0x5] =	stream.linear.gather [hbm4b:s10+s2], $0x1400, $0x38;
	[tilespmem:$0x1E800] =	vst v63  }
0x27: {  	_ =	swait.ge [sflag:s19], $0x1400  }
0x28: {  	[sflag:s19] =	ssyncset.done $0x0  }
0x29: {  	[sflag:s19] =	ssyncadd.s32 $0xFFFFEC00  }
0x2a: {  	[tilespmem:s20], [sflag:$0x5] =	stream.linear.gather [hbm4b:s11+s2], $0x1400, $0x38;
	[tilespmem:$0x1E800] =	vst v63  }
0x2b: {  	_ =	swait.ge [sflag:s19], $0x1400  }
0x2c: {  	[sflag:s19] =	ssyncset.done $0x0  }
0x2d: {  	[sflag:s19] =	ssyncadd.s32 $0xFFFFEC00  }
0x2e: {  	[tilespmem:s22], [sflag:$0x1] =	stream.indirect.gather [hbm4b:s5+s21], $0x80, s2, s21, $0xb8;
	[tilespmem:$0x1E800] =	vst v63  }
0x2f: {  	_ = 	snop  }
0x30: {  	[tilespmem:s23], [sflag:$0x2] =	stream.indirect.gather [hbm4b:s5+s21], $0x80, s21, s21, $0xb8;
	[tilespmem:$0x1E800] =	vst v63  }
0x31: {  	_ =	swait.ge [sflag:s24], $0x4000  }
0x32: {  	[sflag:s24] =	ssyncset.done $0x0  }
0x33: {  	[sflag:s24] =	ssyncadd.s32 $0xFFFFC000  }
0x34: {  	[spmem:s1] =	stream.indirect.scatter.add.f32 [tilespmem:s22], [sflag:$0x3], $0x80, s20, s21, $0xb8;
	[tilespmem:$0x1E800] =	vst v63  }
0x35: {  	_ =	swait.ge [sflag:s25], $0x4000  }
0x36: {  	[sflag:s25] =	ssyncset.done $0x0  }
0x37: {  	[sflag:s25] =	ssyncadd.s32 $0xFFFFC000  }
0x38: {  	[spmem:s1] =	stream.indirect.scatter.add.f32 [tilespmem:s23], [sflag:$0x4], $0x80, s26, s21, $0xb8;
	[tilespmem:$0x1E800] =	vst v63  }
0x39: {  	_ =	swait.ge [sflag:s28], $0x4000  }
0x3a: {  	[sflag:s28] =	ssyncset.done $0x0  }
0x3b: {  	[sflag:s28] =	ssyncadd.s32 $0xFFFFC000  }
0x3c: {  	_ =	swait.ge [sflag:s29], $0x4000  }
0x3d: {  	[sflag:s29] =	ssyncset.done $0x0  }
0x3e: {  	s0 =	simm.s32 $0x100;
	[sflag:s29] =	ssyncadd.s32 $0xFFFFC000  }
0x3f: {  	[tilespmem:s22], [sflag:$0x1] =	stream.indirect.gather [hbm4b:s5+s21], $0x80, s0, s21, $0xb8;
	[tilespmem:$0x1E800] =	vst v63  }
0x40: {  	s6 =	simm.s32 $0x180  }
0x41: {  	[tilespmem:s23], [sflag:$0x2] =	stream.indirect.gather [hbm4b:s5+s21], $0x80, s6, s21, $0xb8;
	[tilespmem:$0x1E800] =	vst v63  }
0x42: {  	_ =	swait.ge [sflag:s24], $0x4000  }
0x43: {  	[sflag:s24] =	ssyncset.done $0x0  }
0x44: {  	s31 =	simm.s32 $0x1500;
	[sflag:s24] =	ssyncadd.s32 $0xFFFFC000  }
0x45: {  	[spmem:s1] =	stream.indirect.scatter.add.f32 [tilespmem:s22], [sflag:$0x3], $0x80, s31, s21, $0xb8;
	[tilespmem:$0x1E800] =	vst v63  }
0x46: {  	_ =	swait.ge [sflag:s25], $0x4000  }
0x47: {  	[sflag:s25] =	ssyncset.done $0x0  }
0x48: {  	s4 =	simm.s32 $0x1580;
	s0 =	simm.s32 $0xFFFFB800;
	[sflag:s25] =	ssyncadd.s32 $0xFFFFC000  }
.LBB2_8:
0x49: {  	[spmem:s1] =	stream.indirect.scatter.add.f32 [tilespmem:s23], [sflag:$0x4], $0x80, s4, s21, $0xb8;
	[tilespmem:$0x1E800] =	vst v63  }
0x4a: {  	s4 =	smov.u32 s0  }
0x4b: {  	p1 =	sne.s32 s0, $0xFFFFFC00;
	s0 =	sadd.s32 $0x400, s0;
	_ =	swait.ge [sflag:s28], $0x4000  }
0x4c: {  	[sflag:s28] =	ssyncset.done $0x0  }
0x4d: {  	[sflag:s28] =	ssyncadd.s32 $0xFFFFC000  }
0x4e: {  	_ =	swait.ge [sflag:s29], $0x4000  }
0x4f: {  	s4 =	sshra.s32 s4, $0x2;
	[sflag:s29] =	ssyncset.done $0x0  }
0x50: {  	s6 =	sadd.s32 $0x1400, s4;
	[sflag:s29] =	ssyncadd.s32 $0xFFFFC000  }
0x51: {  	[tilespmem:s22], [sflag:$0x1] =	stream.indirect.gather [hbm4b:s5+s21], $0x80, s6, s21, $0xb8;
	[tilespmem:$0x1E800] =	vst v63  }
0x52: {  	s6 =	sadd.s32 $0x1480, s4  }
0x53: {  	[tilespmem:s23], [sflag:$0x2] =	stream.indirect.gather [hbm4b:s5+s21], $0x80, s6, s21, $0xb8;
	[tilespmem:$0x1E800] =	vst v63  }
0x54: {  	_ =	swait.ge [sflag:s24], $0x4000  }
0x55: {  	[sflag:s24] =	ssyncset.done $0x0  }
.Ltmp3:
0x56: {  	s6 =	sadd.s32 $0x2800, s4;
	[sflag:s24] =	ssyncadd.s32 $0xFFFFC000;
	(pc) =	sbr.rel @p1 .LBB2_8-.Ltmp3, $4  }
0x57: {  	[spmem:s1] =	stream.indirect.scatter.add.f32 [tilespmem:s22], [sflag:$0x3], $0x80, s6, s21, $0xb8;
	[tilespmem:$0x1E800] =	vst v63  }
0x58: {  	_ =	swait.ge [sflag:s25], $0x4000  }
0x59: {  	[sflag:s25] =	ssyncset.done $0x0  }
0x5a: {  	s4 =	sadd.s32 $0x2880, s4;
	[sflag:s25] =	ssyncadd.s32 $0xFFFFC000  }
0x5b: {  	[spmem:s1] =	stream.indirect.scatter.add.f32 [tilespmem:s23], [sflag:$0x4], $0x80, s4, s21, $0xb8;
	[tilespmem:$0x1E800] =	vst v63  }
0x5c: {  	_ =	swait.ge [sflag:s28], $0x4000  }
0x5d: {  	[sflag:s28] =	ssyncset.done $0x0  }
0x5e: {  	[sflag:s28] =	ssyncadd.s32 $0xFFFFC000  }
0x5f: {  	_ =	swait.ge [sflag:s29], $0x4000  }
0x60: {  	[sflag:s29] =	ssyncset.done $0x0  }
0x61: {  	[sflag:s29] =	ssyncadd.s32 $0xFFFFC000  }
0x62: {  	[tilespmem:s2], [sflag:$0x5] =	stream.linear.gather [hbm4b:s12+s2], $0x1400, $0x38;
	[tilespmem:$0x1E800] =	vst v63  }
0x63: {  	_ =	swait.ge [sflag:s19], $0x1400  }
0x64: {  	[sflag:s19] =	ssyncset.done $0x0  }
0x65: {  	[sflag:s19] =	ssyncadd.s32 $0xFFFFEC00  }
0x66: {  	[tilespmem:s20], [sflag:$0x5] =	stream.linear.gather [hbm4b:s13+s2], $0x1400, $0x38;
	[tilespmem:$0x1E800] =	vst v63  }
0x67: {  	_ =	swait.ge [sflag:s19], $0x1400  }
0x68: {  	[sflag:s19] =	ssyncset.done $0x0  }
0x69: {  	[sflag:s19] =	ssyncadd.s32 $0xFFFFEC00  }
0x6a: {  	[tilespmem:s22], [sflag:$0x1] =	stream.indirect.gather [hbm4b:s5+s21], $0x80, s2, s21, $0xb8;
	[tilespmem:$0x1E800] =	vst v63  }
0x6b: {  	_ = 	snop  }
0x6c: {  	[tilespmem:s23], [sflag:$0x2] =	stream.indirect.gather [hbm4b:s5+s21], $0x80, s21, s21, $0xb8;
	[tilespmem:$0x1E800] =	vst v63  }
0x6d: {  	_ =	swait.ge [sflag:s24], $0x4000  }
0x6e: {  	[sflag:s24] =	ssyncset.done $0x0  }
0x6f: {  	[sflag:s24] =	ssyncadd.s32 $0xFFFFC000  }
0x70: {  	[spmem:s1] =	stream.indirect.scatter.add.f32 [tilespmem:s22], [sflag:$0x3], $0x80, s20, s21, $0xb8;
	[tilespmem:$0x1E800] =	vst v63  }
0x71: {  	_ =	swait.ge [sflag:s25], $0x4000  }
0x72: {  	[sflag:s25] =	ssyncset.done $0x0  }
0x73: {  	[sflag:s25] =	ssyncadd.s32 $0xFFFFC000  }
0x74: {  	[spmem:s1] =	stream.indirect.scatter.add.f32 [tilespmem:s23], [sflag:$0x4], $0x80, s26, s21, $0xb8;
	[tilespmem:$0x1E800] =	vst v63  }
0x75: {  	_ =	swait.ge [sflag:s28], $0x4000  }
0x76: {  	[sflag:s28] =	ssyncset.done $0x0  }
0x77: {  	[sflag:s28] =	ssyncadd.s32 $0xFFFFC000  }
0x78: {  	_ =	swait.ge [sflag:s29], $0x4000  }
0x79: {  	[sflag:s29] =	ssyncset.done $0x0  }
0x7a: {  	s0 =	simm.s32 $0x100;
	[sflag:s29] =	ssyncadd.s32 $0xFFFFC000  }
0x7b: {  	[tilespmem:s22], [sflag:$0x1] =	stream.indirect.gather [hbm4b:s5+s21], $0x80, s0, s21, $0xb8;
	[tilespmem:$0x1E800] =	vst v63  }
0x7c: {  	s6 =	simm.s32 $0x180  }
0x7d: {  	[tilespmem:s23], [sflag:$0x2] =	stream.indirect.gather [hbm4b:s5+s21], $0x80, s6, s21, $0xb8;
	[tilespmem:$0x1E800] =	vst v63  }
0x7e: {  	_ =	swait.ge [sflag:s24], $0x4000  }
0x7f: {  	[sflag:s24] =	ssyncset.done $0x0  }
0x80: {  	s31 =	simm.s32 $0x1500;
	[sflag:s24] =	ssyncadd.s32 $0xFFFFC000  }
0x81: {  	[spmem:s1] =	stream.indirect.scatter.add.f32 [tilespmem:s22], [sflag:$0x3], $0x80, s31, s21, $0xb8;
	[tilespmem:$0x1E800] =	vst v63  }
0x82: {  	_ =	swait.ge [sflag:s25], $0x4000  }
0x83: {  	[sflag:s25] =	ssyncset.done $0x0  }
0x84: {  	s4 =	simm.s32 $0x1580;
	s0 =	simm.s32 $0xFFFFB800;
	[sflag:s25] =	ssyncadd.s32 $0xFFFFC000  }
.LBB2_10:
0x85: {  	[spmem:s1] =	stream.indirect.scatter.add.f32 [tilespmem:s23], [sflag:$0x4], $0x80, s4, s21, $0xb8;
	[tilespmem:$0x1E800] =	vst v63  }
0x86: {  	s4 =	smov.u32 s0  }
0x87: {  	p1 =	sne.s32 s0, $0xFFFFFC00;
	s0 =	sadd.s32 $0x400, s0;
	_ =	swait.ge [sflag:s28], $0x4000  }
0x88: {  	[sflag:s28] =	ssyncset.done $0x0  }
0x89: {  	[sflag:s28] =	ssyncadd.s32 $0xFFFFC000  }
0x8a: {  	_ =	swait.ge [sflag:s29], $0x4000  }
0x8b: {  	s4 =	sshra.s32 s4, $0x2;
	[sflag:s29] =	ssyncset.done $0x0  }
0x8c: {  	s6 =	sadd.s32 $0x1400, s4;
	[sflag:s29] =	ssyncadd.s32 $0xFFFFC000  }
0x8d: {  	[tilespmem:s22], [sflag:$0x1] =	stream.indirect.gather [hbm4b:s5+s21], $0x80, s6, s21, $0xb8;
	[tilespmem:$0x1E800] =	vst v63  }
0x8e: {  	s6 =	sadd.s32 $0x1480, s4  }
0x8f: {  	[tilespmem:s23], [sflag:$0x2] =	stream.indirect.gather [hbm4b:s5+s21], $0x80, s6, s21, $0xb8;
	[tilespmem:$0x1E800] =	vst v63  }
0x90: {  	_ =	swait.ge [sflag:s24], $0x4000  }
0x91: {  	[sflag:s24] =	ssyncset.done $0x0  }
.Ltmp4:
0x92: {  	s6 =	sadd.s32 $0x2800, s4;
	[sflag:s24] =	ssyncadd.s32 $0xFFFFC000;
	(pc) =	sbr.rel @p1 .LBB2_10-.Ltmp4, $4  }
0x93: {  	[spmem:s1] =	stream.indirect.scatter.add.f32 [tilespmem:s22], [sflag:$0x3], $0x80, s6, s21, $0xb8;
	[tilespmem:$0x1E800] =	vst v63  }
0x94: {  	_ =	swait.ge [sflag:s25], $0x4000  }
0x95: {  	[sflag:s25] =	ssyncset.done $0x0  }
0x96: {  	s4 =	sadd.s32 $0x2880, s4;
	[sflag:s25] =	ssyncadd.s32 $0xFFFFC000  }
.Ltmp5:
0x97: {  	_ = 	snop;
	(pc) =	sbr.rel .LBB2_11-.Ltmp5, $1  }
0x98: {  	_ =	sdelay $0x3  }
.LBB2_2:
0x99: {  	s31 =	sor.u32 $0x1C05, s14  }
0x9a: {  	[spmem:s18], [sflag:s31] =	dma.local [hbm:s9], $0x2800  }
0x9b: {  	_ =	swait.ge [sflag:s19], $0x2800  }
0x9c: {  	[sflag:s19] =	ssyncset.done $0x0  }
0x9d: {  	[sflag:s19] =	ssyncadd.s32 $0xFFFFD800  }
0x9e: {  	[bflag:$0x0] =	sbarrier.arrive $0xFFFF  }
0x9f: {  	[tilespmem:s2], [sflag:$0x5] =	stream.linear.gather [hbm4b:s10+s2], $0x1400, $0x38;
	[tilespmem:$0x1E800] =	vst v63  }
0xa0: {  	_ =	swait.ge [sflag:s19], $0x1400  }
0xa1: {  	[sflag:s19] =	ssyncset.done $0x0  }
0xa2: {  	[sflag:s19] =	ssyncadd.s32 $0xFFFFEC00  }
0xa3: {  	[tilespmem:s20], [sflag:$0x5] =	stream.linear.gather [hbm4b:s11+s2], $0x1400, $0x38;
	[tilespmem:$0x1E800] =	vst v63  }
0xa4: {  	_ =	swait.ge [sflag:s19], $0x1400  }
0xa5: {  	[sflag:s19] =	ssyncset.done $0x0  }
0xa6: {  	[sflag:s19] =	ssyncadd.s32 $0xFFFFEC00  }
0xa7: {  	[tilespmem:s22], [sflag:$0x1] =	stream.indirect.gather [hbm4b:s3+s21], $0x80, s2, s21, $0xb8;
	[tilespmem:$0x1E800] =	vst v63  }
0xa8: {  	_ = 	snop  }
0xa9: {  	[tilespmem:s23], [sflag:$0x2] =	stream.indirect.gather [hbm4b:s3+s21], $0x80, s21, s21, $0xb8;
	[tilespmem:$0x1E800] =	vst v63  }
0xaa: {  	_ =	swait.ge [sflag:s24], $0x4000  }
0xab: {  	[sflag:s24] =	ssyncset.done $0x0  }
0xac: {  	[sflag:s24] =	ssyncadd.s32 $0xFFFFC000  }
0xad: {  	[spmem:s1] =	stream.indirect.scatter.add.f32 [tilespmem:s22], [sflag:$0x3], $0x80, s20, s21, $0xb8;
	[tilespmem:$0x1E800] =	vst v63  }
0xae: {  	_ =	swait.ge [sflag:s25], $0x4000  }
0xaf: {  	[sflag:s25] =	ssyncset.done $0x0  }
0xb0: {  	[sflag:s25] =	ssyncadd.s32 $0xFFFFC000  }
0xb1: {  	[spmem:s1] =	stream.indirect.scatter.add.f32 [tilespmem:s23], [sflag:$0x4], $0x80, s26, s21, $0xb8;
	[tilespmem:$0x1E800] =	vst v63  }
0xb2: {  	_ =	swait.ge [sflag:s28], $0x4000  }
0xb3: {  	[sflag:s28] =	ssyncset.done $0x0  }
0xb4: {  	[sflag:s28] =	ssyncadd.s32 $0xFFFFC000  }
0xb5: {  	_ =	swait.ge [sflag:s29], $0x4000  }
0xb6: {  	[sflag:s29] =	ssyncset.done $0x0  }
0xb7: {  	s0 =	simm.s32 $0x100;
	[sflag:s29] =	ssyncadd.s32 $0xFFFFC000  }
0xb8: {  	[tilespmem:s22], [sflag:$0x1] =	stream.indirect.gather [hbm4b:s3+s21], $0x80, s0, s21, $0xb8;
	[tilespmem:$0x1E800] =	vst v63  }
0xb9: {  	s4 =	simm.s32 $0x180  }
0xba: {  	[tilespmem:s23], [sflag:$0x2] =	stream.indirect.gather [hbm4b:s3+s21], $0x80, s4, s21, $0xb8;
	[tilespmem:$0x1E800] =	vst v63  }
0xbb: {  	_ =	swait.ge [sflag:s24], $0x4000  }
0xbc: {  	[sflag:s24] =	ssyncset.done $0x0  }
0xbd: {  	s6 =	simm.s32 $0x1500;
	[sflag:s24] =	ssyncadd.s32 $0xFFFFC000  }
0xbe: {  	[spmem:s1] =	stream.indirect.scatter.add.f32 [tilespmem:s22], [sflag:$0x3], $0x80, s6, s21, $0xb8;
	[tilespmem:$0x1E800] =	vst v63  }
0xbf: {  	_ =	swait.ge [sflag:s25], $0x4000  }
0xc0: {  	[sflag:s25] =	ssyncset.done $0x0  }
0xc1: {  	s0 =	simm.s32 $0xFFFFB800;
	s4 =	simm.s32 $0x1580;
	[sflag:s25] =	ssyncadd.s32 $0xFFFFC000  }
.LBB2_3:
0xc2: {  	[spmem:s1] =	stream.indirect.scatter.add.f32 [tilespmem:s23], [sflag:$0x4], $0x80, s4, s21, $0xb8;
	[tilespmem:$0x1E800] =	vst v63  }
0xc3: {  	s4 =	smov.u32 s0  }
0xc4: {  	p1 =	sne.s32 s0, $0xFFFFFC00;
	s0 =	sadd.s32 $0x400, s0;
	_ =	swait.ge [sflag:s28], $0x4000  }
0xc5: {  	[sflag:s28] =	ssyncset.done $0x0  }
0xc6: {  	[sflag:s28] =	ssyncadd.s32 $0xFFFFC000  }
0xc7: {  	_ =	swait.ge [sflag:s29], $0x4000  }
0xc8: {  	s4 =	sshra.s32 s4, $0x2;
	[sflag:s29] =	ssyncset.done $0x0  }
0xc9: {  	s6 =	sadd.s32 $0x1400, s4;
	[sflag:s29] =	ssyncadd.s32 $0xFFFFC000  }
0xca: {  	[tilespmem:s22], [sflag:$0x1] =	stream.indirect.gather [hbm4b:s3+s21], $0x80, s6, s21, $0xb8;
	[tilespmem:$0x1E800] =	vst v63  }
0xcb: {  	s6 =	sadd.s32 $0x1480, s4  }
0xcc: {  	[tilespmem:s23], [sflag:$0x2] =	stream.indirect.gather [hbm4b:s3+s21], $0x80, s6, s21, $0xb8;
	[tilespmem:$0x1E800] =	vst v63  }
0xcd: {  	_ =	swait.ge [sflag:s24], $0x4000  }
0xce: {  	[sflag:s24] =	ssyncset.done $0x0  }
.Ltmp6:
0xcf: {  	s6 =	sadd.s32 $0x2800, s4;
	[sflag:s24] =	ssyncadd.s32 $0xFFFFC000;
	(pc) =	sbr.rel @p1 .LBB2_3-.Ltmp6, $4  }
0xd0: {  	[spmem:s1] =	stream.indirect.scatter.add.f32 [tilespmem:s22], [sflag:$0x3], $0x80, s6, s21, $0xb8;
	[tilespmem:$0x1E800] =	vst v63  }
0xd1: {  	_ =	swait.ge [sflag:s25], $0x4000  }
0xd2: {  	[sflag:s25] =	ssyncset.done $0x0  }
0xd3: {  	s4 =	sadd.s32 $0x2880, s4;
	[sflag:s25] =	ssyncadd.s32 $0xFFFFC000  }
0xd4: {  	[spmem:s1] =	stream.indirect.scatter.add.f32 [tilespmem:s23], [sflag:$0x4], $0x80, s4, s21, $0xb8;
	[tilespmem:$0x1E800] =	vst v63  }
0xd5: {  	_ =	swait.ge [sflag:s28], $0x4000  }
0xd6: {  	[sflag:s28] =	ssyncset.done $0x0  }
0xd7: {  	[sflag:s28] =	ssyncadd.s32 $0xFFFFC000  }
0xd8: {  	_ =	swait.ge [sflag:s29], $0x4000  }
0xd9: {  	[sflag:s29] =	ssyncset.done $0x0  }
0xda: {  	[sflag:s29] =	ssyncadd.s32 $0xFFFFC000  }
0xdb: {  	[tilespmem:s2], [sflag:$0x5] =	stream.linear.gather [hbm4b:s12+s2], $0x1400, $0x38;
	[tilespmem:$0x1E800] =	vst v63  }
0xdc: {  	_ =	swait.ge [sflag:s19], $0x1400  }
0xdd: {  	[sflag:s19] =	ssyncset.done $0x0  }
0xde: {  	[sflag:s19] =	ssyncadd.s32 $0xFFFFEC00  }
0xdf: {  	[tilespmem:s20], [sflag:$0x5] =	stream.linear.gather [hbm4b:s13+s2], $0x1400, $0x38;
	[tilespmem:$0x1E800] =	vst v63  }
0xe0: {  	_ =	swait.ge [sflag:s19], $0x1400  }
0xe1: {  	[sflag:s19] =	ssyncset.done $0x0  }
0xe2: {  	[sflag:s19] =	ssyncadd.s32 $0xFFFFEC00  }
0xe3: {  	[tilespmem:s22], [sflag:$0x1] =	stream.indirect.gather [hbm4b:s3+s21], $0x80, s2, s21, $0xb8;
	[tilespmem:$0x1E800] =	vst v63  }
0xe4: {  	_ = 	snop  }
0xe5: {  	[tilespmem:s23], [sflag:$0x2] =	stream.indirect.gather [hbm4b:s3+s21], $0x80, s21, s21, $0xb8;
	[tilespmem:$0x1E800] =	vst v63  }
0xe6: {  	_ =	swait.ge [sflag:s24], $0x4000  }
0xe7: {  	[sflag:s24] =	ssyncset.done $0x0  }
0xe8: {  	[sflag:s24] =	ssyncadd.s32 $0xFFFFC000  }
0xe9: {  	[spmem:s1] =	stream.indirect.scatter.add.f32 [tilespmem:s22], [sflag:$0x3], $0x80, s20, s21, $0xb8;
	[tilespmem:$0x1E800] =	vst v63  }
0xea: {  	_ =	swait.ge [sflag:s25], $0x4000  }
0xeb: {  	[sflag:s25] =	ssyncset.done $0x0  }
0xec: {  	[sflag:s25] =	ssyncadd.s32 $0xFFFFC000  }
0xed: {  	[spmem:s1] =	stream.indirect.scatter.add.f32 [tilespmem:s23], [sflag:$0x4], $0x80, s26, s21, $0xb8;
	[tilespmem:$0x1E800] =	vst v63  }
0xee: {  	_ =	swait.ge [sflag:s28], $0x4000  }
0xef: {  	[sflag:s28] =	ssyncset.done $0x0  }
0xf0: {  	[sflag:s28] =	ssyncadd.s32 $0xFFFFC000  }
0xf1: {  	_ =	swait.ge [sflag:s29], $0x4000  }
0xf2: {  	[sflag:s29] =	ssyncset.done $0x0  }
0xf3: {  	s0 =	simm.s32 $0x100;
	[sflag:s29] =	ssyncadd.s32 $0xFFFFC000  }
0xf4: {  	[tilespmem:s22], [sflag:$0x1] =	stream.indirect.gather [hbm4b:s3+s21], $0x80, s0, s21, $0xb8;
	[tilespmem:$0x1E800] =	vst v63  }
0xf5: {  	s4 =	simm.s32 $0x180  }
0xf6: {  	[tilespmem:s23], [sflag:$0x2] =	stream.indirect.gather [hbm4b:s3+s21], $0x80, s4, s21, $0xb8;
	[tilespmem:$0x1E800] =	vst v63  }
0xf7: {  	_ =	swait.ge [sflag:s24], $0x4000  }
0xf8: {  	[sflag:s24] =	ssyncset.done $0x0  }
0xf9: {  	s6 =	simm.s32 $0x1500;
	[sflag:s24] =	ssyncadd.s32 $0xFFFFC000  }
0xfa: {  	[spmem:s1] =	stream.indirect.scatter.add.f32 [tilespmem:s22], [sflag:$0x3], $0x80, s6, s21, $0xb8;
	[tilespmem:$0x1E800] =	vst v63  }
0xfb: {  	_ =	swait.ge [sflag:s25], $0x4000  }
0xfc: {  	[sflag:s25] =	ssyncset.done $0x0  }
0xfd: {  	s0 =	simm.s32 $0xFFFFB800;
	s4 =	simm.s32 $0x1580;
	[sflag:s25] =	ssyncadd.s32 $0xFFFFC000  }
.LBB2_5:
0xfe: {  	[spmem:s1] =	stream.indirect.scatter.add.f32 [tilespmem:s23], [sflag:$0x4], $0x80, s4, s21, $0xb8;
	[tilespmem:$0x1E800] =	vst v63  }
0xff: {  	s4 =	smov.u32 s0  }
0x100: {  	p1 =	seq.s32 s0, $0xFFFFFC00;
	s0 =	sadd.s32 $0x400, s0;
	_ =	swait.ge [sflag:s28], $0x4000  }
0x101: {  	[sflag:s28] =	ssyncset.done $0x0  }
0x102: {  	[sflag:s28] =	ssyncadd.s32 $0xFFFFC000  }
0x103: {  	_ =	swait.ge [sflag:s29], $0x4000  }
0x104: {  	s4 =	sshra.s32 s4, $0x2;
	[sflag:s29] =	ssyncset.done $0x0  }
0x105: {  	s6 =	sadd.s32 $0x1400, s4;
	[sflag:s29] =	ssyncadd.s32 $0xFFFFC000  }
0x106: {  	[tilespmem:s22], [sflag:$0x1] =	stream.indirect.gather [hbm4b:s3+s21], $0x80, s6, s21, $0xb8;
	[tilespmem:$0x1E800] =	vst v63  }
0x107: {  	s6 =	sadd.s32 $0x1480, s4  }
0x108: {  	[tilespmem:s23], [sflag:$0x2] =	stream.indirect.gather [hbm4b:s3+s21], $0x80, s6, s21, $0xb8;
	[tilespmem:$0x1E800] =	vst v63  }
0x109: {  	_ =	swait.ge [sflag:s24], $0x4000  }
0x10a: {  	[sflag:s24] =	ssyncset.done $0x0  }
.Ltmp7:
0x10b: {  	s6 =	sadd.s32 $0x2800, s4;
	[sflag:s24] =	ssyncadd.s32 $0xFFFFC000;
	(pc) =	sbr.rel @!p1 .LBB2_5-.Ltmp7, $4  }
0x10c: {  	[spmem:s1] =	stream.indirect.scatter.add.f32 [tilespmem:s22], [sflag:$0x3], $0x80, s6, s21, $0xb8;
	[tilespmem:$0x1E800] =	vst v63  }
0x10d: {  	_ =	swait.ge [sflag:s25], $0x4000  }
0x10e: {  	[sflag:s25] =	ssyncset.done $0x0  }
0x10f: {  	s4 =	sadd.s32 $0x2880, s4;
	[sflag:s25] =	ssyncadd.s32 $0xFFFFC000  }
.Ltmp8:
0x110: {  	(pc) =	sbr.rel .LBB2_12-.Ltmp8, $3  }
0x111: {  	_ =	sdelay $0x1  }
0x112: {  	[spmem:s1] =	stream.indirect.scatter.add.f32 [tilespmem:s23], [sflag:$0x4], $0x80, s4, s21, $0xb8;
	[tilespmem:$0x1E800] =	vst v63  }
0x113: {  	s0 =	rddreg [dreg:$0x3]  }
.LBB2_13:
0x114: {  	_ =	sfence.sel $0x180000  }
0x115: {  	[bflag:$0x0] =	sbarrier.arrive $0xFFFF  }
0x116: {  	_ =	strace $0x9000004A  }
0x117: {  	s0 =	stileid.u32;
	[bflag:$0x2] =	sbarrier.arrive $0xFFFF  }
0x118: {  	p0 =	sne.s32 s0, $0x0;
	s0 =	rddreg [dreg:$0x2]  }
0x119: {  	s0 =	sadd.s32 @!p0 $0x100000, s0  }
0x11a: {  	[sflag:s0] =	ssyncadd.tile.s32 @!p0 $0x1;
	_ =	shalt  }
.Lfunc_end2:
_tile_overlayer_lowered:
.L_overlay_start_2:
0x11b: {  	(tag) =	ssettag $0x2  }
0x11c: {  	s0 =	rddreg [dreg:$0x0];
	s2 =	stileid.u32  }
0x11d: {  	s1 =	rddreg [dreg:$0x1];
	p0 =	sne.s32 s2, $0x0  }
0x11e: {  	s3 =	rddreg [dreg:$0x2];
	[bflag:$0x3] =	sbarrier.arrive $0xFFFF;
	s2 =	simm.s32 @!p0 $0x1C05  }
0x11f: {  	[timem:s3], [sflag:s2] =	dma.local @!p0 [hbm:s0], s1  }
0x120: {  	s0 =	simm.s32 @!p0 $0x5  }
0x121: {  	_ =	swait.ge @!p0 [sflag:s0], s1  }
0x122: {  	s1 =	ssub.s32 @!p0 $0x0, s1;
	[sflag:s0] =	ssyncset.done @!p0 $0x0  }
0x123: {  	[sflag:s0] =	ssyncadd.s32 @!p0 s1  }
0x124: {  	[bflag:$0x3] =	sbarrier.arrive $0xFFFF  }
0x125: {  	_ =	shalt  }

// kernel: kernel.16.cloned.1.call-start
scs
__scs_entry_jumppad:
0x0: {  	(pc) =	sbr.rel $0x88, $3  }
0x1: {  	(tag) =	ssettag $0x0;
	lr =	simm.s32 $0x1  }
0x2: {  	[smem:$0x3F96] =	sst lr;
	_ =	strace $0xD0000000  }
0x3: {  	_ = 	snop  }
0x4: {  	_ = 	snop  }
0x5: {  	_ = 	snop  }
0x6: {  	_ = 	snop  }
0x7: {  	_ = 	snop  }
__scs_overlays_trampoline_lowered:
0x8: {  	[smem:$0x3FA5] =	sst s0  }
0x9: {  	[smem:$0x3FA6] =	sst s1  }
0xa: {  	[smem:$0x3FA7] =	sst s2  }
0xb: {  	[smem:$0x3FA8] =	sst s3  }
0xc: {  	[smem:$0x3FA9] =	sst s4  }
0xd: {  	[smem:$0x3FAA] =	sst s5  }
0xe: {  	[smem:$0x3FAB] =	sst s6  }
0xf: {  	[smem:$0x3FAC] =	sst s7  }
0x10: {  	[smem:$0x3FAD] =	sst s8  }
0x11: {  	[smem:$0x3FAE] =	sst s9;
	s0 =	simm.s32 @!p0 $0x0  }
0x12: {  	s1 =	sld [smem:$0x3F94];
	s0 =	simm.s32 @p0 $0x1  }
0x13: {  	[smem:$0x3FAF] =	sst s0;
	s0 =	simm.s32 @!p1 $0x0  }
0x14: {  	s2 =	sld [smem:$0x3F93];
	s0 =	simm.s32 @p1 $0x1  }
0x15: {  	[smem:$0x3FB0] =	sst s0;
	s0 =	simm.s32 @!p2 $0x0  }
0x16: {  	s3 =	sld [smem:$0x3FDB];
	s0 =	simm.s32 @p2 $0x1  }
0x17: {  	s4 =	simm.s32 $0x1BF5;
	[smem:$0x3FB2] =	sst s0  }
0x18: {  	s0 =	sld [smem:$0x3F95];
	_ =	swait.ge [sflag:s4], $0x0  }
0x19: {  	s7 =	sld [smem:$0x3F96]  }
0x1a: {  	s8 =	sadd.s32 $0xFFFFE003, lr  }
0x1b: {  	s9 =	sadd.s32 $0xFFFFFEF7, lr;
	s5 =	simm.s32 $0xFFFFFFFF;
	p2 =	slt.u32 s8, $0xFFFFF086  }
0x1c: {  	p1 =	slt.u32 s9, $0xF7A;
	s5 =	simm.s32 @!p2 $0x0  }
0x1d: {  	s5 =	simm.s32 @p1 $0x1;
	p0 =	seq.s32 s7, s2  }
0x1e: {  	s7 =	smul.u32 @!p0 $0xF7A, s2;
	p2 =	seq.s32 @!p0 s5, $0x0  }
0x1f: {  	s9 =	smul.u32 $0xF7A, s1;
	s8 =	simm.s32 @!p0 $0x1BF5;
	p2 =	por !p2, p0  }
0x20: {  	[sflag:s8] =	ssyncset.s32 @!p0 $0xFFFFF086;
	s6 =	sadd.s32 @!p0 s3, s7;
	s7 =	simm.s32 @!p0 $0x108  }
0x21: {  	s3 =	sadd.s32 s3, s9;
	s6 =	sadd.s32 @!p0 $0x88, s6;
	s7 =	simm.s32 @p2 $0x1082  }
0x22: {  	[simem:s7], [sflag:s8] =	dma.local @!p0 [hbm:s6], $0xF7A  }
0x23: {  	s9 =	sor.u32 $0xD0000000, s2;
	s6 =	simm.s32 $0x108;
	_ =	swait.ge @!p0 [sflag:s8], $0x0  }
0x24: {  	s3 =	sadd.s32 $0x88, s3;
	s6 =	simm.s32 @!p1 $0x1082;
	[sflag:s4] =	ssyncset.s32 $0xFFFFF086  }
0x25: {  	[simem:s6], [sflag:s4] =	dma.local [hbm:s3], $0xF7A  }
0x26: {  	[smem:$0x3F96] =	sst s1;
	(tag) =	ssettag s2;
	_ =	strace s9  }
0x27: {  	s1 =	sld [smem:$0x3FA6]  }
0x28: {  	s2 =	sld [smem:$0x3FA7]  }
0x29: {  	s4 =	sld [smem:$0x3FA9]  }
0x2a: {  	p0 =	seq.s32 s5, $0x0;
	s5 =	sld [smem:$0x3FAA]  }
0x2b: {  	s6 =	sld [smem:$0x3FAB]  }
0x2c: {  	s7 =	sld [smem:$0x3FAC]  }
0x2d: {  	s3 =	simm.s32 $0x108;
	s8 =	sld [smem:$0x3FAD]  }
0x2e: {  	s3 =	simm.s32 @!p0 $0x1082;
	s9 =	sld [smem:$0x3FAE]  }
0x2f: {  	lr =	sadd.s32 s0, s3;
	s0 =	sld [smem:$0x3FA5]  }
0x30: {  	s3 =	sld [smem:$0x3FA8]  }
0x31: {  	[smem:$0x3FB1] =	sst s10  }
0x32: {  	s10 =	sld [smem:$0x3FAF];
	_ =	sdelay $0x3  }
0x33: {  	p0 =	seq.s32 s10, $0x1;
	s10 =	sld [smem:$0x3FB1];
	_ =	sdelay $0x3  }
0x34: {  	[smem:$0x3FB1] =	sst s10  }
0x35: {  	s10 =	sld [smem:$0x3FB0];
	_ =	sdelay $0x3  }
0x36: {  	p1 =	seq.s32 s10, $0x1;
	s10 =	sld [smem:$0x3FB1];
	_ =	sdelay $0x3  }
0x37: {  	[smem:$0x3FB1] =	sst s10  }
0x38: {  	s10 =	sld [smem:$0x3FB2]  }
0x39: {  	_ = 	snop;
	(pc) =	sbr.ind lr, $3  }
0x3a: {  	_ = 	snop  }
0x3b: {  	_ = 	snop  }
0x3c: {  	p2 =	seq.s32 s10, $0x1;
	s10 =	sld [smem:$0x3FB1]  }
0x3d: {  	_ =	shalt  }
0x3e: {  	_ =	shalt  }
0x3f: {  	_ =	shalt  }
0x40: {  	_ =	shalt  }
0x41: {  	_ =	shalt  }
0x42: {  	_ =	shalt  }
0x43: {  	_ =	shalt  }
0x44: {  	_ =	shalt  }
0x45: {  	_ =	shalt  }
0x46: {  	_ =	shalt  }
0x47: {  	_ =	shalt  }
0x48: {  	_ =	shalt  }
0x49: {  	_ =	shalt  }
0x4a: {  	_ =	shalt  }
0x4b: {  	_ =	shalt  }
0x4c: {  	_ =	shalt  }
0x4d: {  	_ =	shalt  }
0x4e: {  	_ =	shalt  }
0x4f: {  	_ =	shalt  }
0x50: {  	_ =	shalt  }
0x51: {  	_ =	shalt  }
0x52: {  	_ =	shalt  }
0x53: {  	_ =	shalt  }
0x54: {  	_ =	shalt  }
0x55: {  	_ =	shalt  }
0x56: {  	_ =	shalt  }
0x57: {  	_ =	shalt  }
0x58: {  	_ =	shalt  }
0x59: {  	_ =	shalt  }
0x5a: {  	_ =	shalt  }
0x5b: {  	_ =	shalt  }
0x5c: {  	_ =	shalt  }
0x5d: {  	_ =	shalt  }
0x5e: {  	_ =	shalt  }
0x5f: {  	_ =	shalt  }
0x60: {  	_ =	shalt  }
0x61: {  	_ =	shalt  }
0x62: {  	_ =	shalt  }
0x63: {  	_ =	shalt  }
0x64: {  	_ =	shalt  }
0x65: {  	_ =	shalt  }
0x66: {  	_ =	shalt  }
0x67: {  	_ =	shalt  }
0x68: {  	_ =	shalt  }
0x69: {  	_ =	shalt  }
0x6a: {  	_ =	shalt  }
0x6b: {  	_ =	shalt  }
0x6c: {  	_ =	shalt  }
0x6d: {  	_ =	shalt  }
0x6e: {  	_ =	shalt  }
0x6f: {  	_ =	shalt  }
0x70: {  	_ =	shalt  }
0x71: {  	_ =	shalt  }
0x72: {  	_ =	shalt  }
0x73: {  	_ =	shalt  }
0x74: {  	_ =	shalt  }
0x75: {  	_ =	shalt  }
0x76: {  	_ =	shalt  }
0x77: {  	_ =	shalt  }
0x78: {  	_ =	shalt  }
0x79: {  	_ =	shalt  }
0x7a: {  	_ =	shalt  }
0x7b: {  	_ =	shalt  }
0x7c: {  	_ =	shalt  }
0x7d: {  	_ =	shalt  }
0x7e: {  	_ =	shalt  }
0x7f: {  	_ =	shalt  }
0x80: {  	_ =	shalt  }
0x81: {  	_ =	shalt  }
0x82: {  	_ =	shalt  }
0x83: {  	_ =	shalt  }
0x84: {  	_ =	shalt  }
0x85: {  	_ =	shalt  }
0x86: {  	_ =	shalt  }
0x87: {  	_ =	shalt  }
.Lfunc_end0:
.L_simem_size_0:
called_computation.2_lowered:
.L_overlay_start_0:
0x88: {  	s2 =	sld [smem:$0x3FD9]  }
0x89: {  	s3 =	sld [smem:$0x3FFE];
	_ =	sdelay $0x1  }
0x8a: {  	s1 =	srdreg.scid  }
0x8b: {  	s0 =	sand.u32 $0x1, s1  }
0x8c: {  	s16 =	sshll.u32 s0, $0xA;
	s2 =	sadd.s32 s3, s2  }
0x8d: {  	s2 =	sadd.s32 s2, s16  }
0x8e: {  	[smem:$0x3FBD] =	sst s2  }
0x8f: {  	_ = 	snop  }
0x90: {  	(tm) =	ssettm $0x1  }
0x91: {  	s17 =	sld [smem:$0x3FFB];
	_ =	sdelay $0x3  }
0x92: {  	_ =	strace s17  }
0x93: {  	s2 =	sld [smem:$0x3FFC];
	_ =	sdelay $0x3  }
0x94: {  	_ =	strace s2  }
0x95: {  	s2 =	sld [smem:$0x3FFD];
	_ =	sdelay $0x3  }
0x96: {  	_ =	strace s2  }
0x97: {  	_ =	strace $0x8FFFFFFF  }
0x98: {  	s18 =	sld [smem:$0x3FDB];
	_ =	sdelay $0x1  }
0x99: {  	s19 =	simm.s32 $_scs_section_size  }
0x9a: {  	s4 =	simm.s32 $_size__tile_overlayer_lowered;
	s5 =	simm.s32 $_tile_overlayer_lowered  }
0x9b: {  	s22 =	simm.s32 $0x1BFF;
	s21 =	sshll.u32 s5, $0x1;
	s2 =	sadd.s32 s19, s18  }
0x9c: {  	s6 =	simm.s32 $0x0;
	s20 =	sshll.u32 s4, $0x1;
	s4 =	sadd.s32 s21, s2  }
0x9d: {  	[timem:s6], [sflag:s22] =	dma.local [hbm:s4], s20  }
0x9e: {  	_ =	swait.ge [sflag:s22], s20  }
0x9f: {  	s3 =	ssub.s32 $0x0, s20;
	[sflag:s22] =	ssyncset.done $0x0  }
0xa0: {  	[sflag:s22] =	ssyncadd.s32 s3;
	_ =	sdelay $0x1  }
0xa1: {  	s23 =	simm.s32 $0x1B8B  }
0xa2: {  	_ =	swait.ge [sflag:s23], $0x1  }
0xa3: {  	[sflag:s23] =	ssyncset.done $0x0  }
0xa4: {  	s25 =	simm.s32 $0x1B8E;
	s24 =	sld [smem:$0x3FFE];
	[sflag:s23] =	ssyncadd.s32 $0xFFFFFFFF  }
0xa5: {  	s26 =	simm.s32 $execute0_lowered;
	[smem:$0x3FD2] =	sst s25  }
0xa6: {  	s4 =	sshll.u32 s26, $0x1;
	_ =	strace $0x8000004C;
	[dreg:$0x1] =	wrdreg $0xFFFFFFFF  }
0xa7: {  	s28 =	simm.s32 $_size_execute0_lowered;
	s2 =	sadd.s32 s2, s4;
	[dreg:$0x0] =	wrdreg $0x0  }
0xa8: {  	s4 =	sshll.u32 s28, $0x1;
	[dreg:$0x2] =	wrdreg s2  }
0xa9: {  	[dreg:$0x3] =	wrdreg s4  }
0xaa: {  	[dreg:$0x4] =	wrdreg $0xC0  }
0xab: {  	_ =	task [dreg:s6], $0x5FFFF  }
0xac: {  	[dreg:$0x1] =	wrdreg $0xFFFFFFFF  }
0xad: {  	[dreg:$0x0] =	wrdreg $0x60  }
0xae: {  	[dreg:$0x2] =	wrdreg s24  }
0xaf: {  	[dreg:$0x3] =	wrdreg $0xA8000  }
0xb0: {  	[dreg:$0x4] =	wrdreg $0x9  }
0xb1: {  	_ =	task.clear_ibuf [dreg:s6], $0x5FFFF;
	_ =	strace $0x9000004C  }
0xb2: {  	s29 =	simm.s32 $0x9;
	_ =	strace $0x8000004E  }
0xb3: {  	_ =	swait.ge [sflag:s29], $0x1  }
0xb4: {  	[sflag:s29] =	ssyncadd.s32 $0xFFFFFFFF  }
0xb5: {  	_ =	strace $0x9000004E  }
0xb6: {  	_ =	sfence  }
0xb7: {  	s30 =	sld [smem:$0x0];
	_ =	sdelay $0x2  }
0xb8: {  	s31 =	sshll.u32 s1, $0xD;
	s1 =	sshrl.u32 s1, $0x2  }
0xb9: {  	s3 =	sand.u32 $0x4000, s31;
	s1 =	sadd.s32 s1, s30  }
0xba: {  	s0 =	sor.u32 s3, s0;
	s1 =	sshll.u32 s1, $0x11  }
0xbb: {  	s0 =	sor.u32 s1, s0  }
0xbc: {  	s0 =	sadd.s32 $0x8F2B, s0  }
0xbd: {  	[sflag:s0] =	ssyncadd.remote.s32 $0x1  }
0xbe: {  	_ =	sfence.sel $0xFFFF  }
0xbf: {  	[dreg:$0x0] =	wrdreg $0xFFFFFFFF;
	(pc) =	sbr.abs _section_cstart, $3  }
0xc0: {  	[dreg:$0x1] =	wrdreg $0xFFFFFFFF  }
0xc1: {  	_ =	task.clear_ibuf [dreg:s6], $0x2FFFF;
	_ =	strace $0x9FFFFFFF  }
0xc2: {  	(tm) =	ssettm $0x7FFFFFFF  }
0xc3: {  	_ =	shalt  }
tec
execute0_lowered:
.L_overlay_start_1:
0x0: {  	(tag) =	ssettag $0x1  }
0x1: {  	s0 =	rddreg [dreg:$0x0]  }
0x2: {  	s1 =	rddreg [dreg:$0x1];
	s2 =	simm.s32 $0x0;
	s3 =	stileid.u32  }
0x3: {  	s9 =	srdreg.scid;
	s28 =	simm.s32 $0x6800;
	s29 =	simm.s32 $0x1  }
0x4: {  	s30 =	simm.s32 $0x2;
	s31 =	simm.s32 $0x1480;
	[smem:$0x7FF] =	sst s2  }
0x5: {  	s4 =	sadd.s32 $0xE600, s0;
	s5 =	sadd.s32 $0x36600, s0;
	s6 =	sadd.s32 $0x86600, s0  }
0x6: {  	s7 =	sadd.s32 $0xAE600, s0;
	s10 =	sadd.s32 $0x4000, s0;
	s8 =	smul.u32 $0x2800, s3  }
0x7: {  	s9 =	sand.u32 $0x1, s9;
	s12 =	sadd.s32 $0x9000, s0;
	s14 =	smul.u32 $0x50000, s3  }
0x8: {  	s11 =	sadd.s32 $0xFE600, s0;
	s19 =	smul.u32 $0x500, s3;
	_ =	strace $0x8000004D  }
0x9: {  	[dreg:$0x3] =	wrdreg s11;
	s16 =	ssub.s32 $0x2, s9;
	p0 =	seq.s32 s9, $0x1  }
0xa: {  	s9 =	simm.s32 $0x4;
	s17 =	sadd.s32 s8, s0;
	s13 =	sshrl.u32 s16, $0x1  }
0xb: {  	s0 =	sadd.s32 $0x14E600, s0;
	s18 =	sshrl.u32 s14, $0x2;
	s20 =	sshrl.u32 s8, $0x3  }
0xc: {  	s21 =	sadd.s32 s4, s8;
	s14 =	sadd.s32 s12, s19;
	s24 =	sadd.s32 s5, s8  }
0xd: {  	s25 =	sadd.s32 s6, s8;
	[dreg:$0x4] =	wrdreg s0;
	s0 =	ssub.s32 s16, s13  }
0xe: {  	s11 =	sadd.s32 s18, s1;
	[dreg:$0x5] =	wrdreg s21;
	s22 =	sadd.s32 $0x280, s20  }
0xf: {  	s13 =	sadd.s32 s10, s19;
	s23 =	sadd.s32 $0xD6600, s17;
	[dreg:$0x7] =	wrdreg s24  }
.Ltmp0:
0x10: {  	[dreg:$0x8] =	wrdreg s25;
	s26 =	sadd.s32 $0x126600, s17;
	(pc) =	sbr.rel .LBB2_1-.Ltmp0, $4  }
0x11: {  	s21 =	sadd.s32 s7, s8;
	s24 =	simm.s32 $0x1400;
	s25 =	simm.s32 $0x80  }
0x12: {  	s15 =	sadd.s32 s10, s22;
	s16 =	sadd.s32 s12, s22;
	[dreg:$0x6] =	wrdreg s23  }
0x13: {  	[dreg:$0x9] =	wrdreg s26;
	s22 =	smax.u32 s0, $0x1;
	s23 =	simm.s32 $0x5  }
0x14: {  	s26 =	simm.s32 $0x2800;
	s0 =	simm.s32 $0x3;
	s12 =	simm.s32 $0x0  }
.LBB2_19:
0x15: {  	[spmem:s1] =	stream.indirect.scatter.add.f32 [tilespmem:s28], [sflag:$0x4], $0x80, s19, s25, $0xb8;
	[tilespmem:$0x1E800] =	vst v63  }
0x16: {  	s18 =	rddreg [dreg:$0x4]  }
.LBB2_20:
0x17: {  	_ =	swait.ge [sflag:s0], $0x4000  }
0x18: {  	[sflag:s0] =	ssyncset.done $0x0  }
0x19: {  	[sflag:s0] =	ssyncadd.s32 $0xFFFFC000  }
0x1a: {  	_ =	swait.ge [sflag:s9], $0x4000  }
0x1b: {  	s12 =	sadd.s32 $0x1, s12;
	[sflag:s9] =	ssyncset.done $0x0  }
0x1c: {  	p1 =	sne.s32 s12, s22;
	[sflag:s9] =	ssyncadd.s32 $0xFFFFC000  }
.Ltmp1:
0x1d: {  	s18 =	sadd.s32 s18, s8;
	[bflag:$0x0] =	sbarrier.arrive $0xFFFF;
	(pc) =	sbr.rel @!p1 .LBB2_21-.Ltmp1, $4  }
0x1e: {  	[hbm:s18], [sflag:s17] =	dma.local [spmem:s10], $0x2800  }
0x1f: {  	_ =	swait.ge [sflag:s23], $0x2800  }
0x20: {  	[sflag:s23] =	ssyncset.done $0x0  }
0x21: {  	[sflag:s23] =	ssyncadd.s32 $0xFFFFD800  }
.LBB2_1:
.Ltmp2:
0x22: {  	(pc) =	sbr.rel @!p0 .LBB2_2-.Ltmp2, $3  }
0x23: {  	_ =	sdelay $0x1  }
0x24: {  	s18 =	sshll.u32 s3, $0x6  }
0x25: {  	s10 =	sshrl.u32 s11, $0x3;
	s17 =	sor.u32 $0x1C05, s18  }
0x26: {  	s17 =	sor.u32 $0x1C05, s18;
	s19 =	rddreg [dreg:$0x8]  }
0x27: {  	[spmem:s10], [sflag:s17] =	dma.local [hbm:s19], $0x2800  }
0x28: {  	_ =	swait.ge [sflag:s23], $0x2800  }
0x29: {  	[sflag:s23] =	ssyncset.done $0x0  }
0x2a: {  	[sflag:s23] =	ssyncadd.s32 $0xFFFFD800  }
0x2b: {  	[bflag:$0x0] =	sbarrier.arrive $0xFFFF  }
0x2c: {  	[tilespmem:s2], [sflag:$0x5] =	stream.linear.gather [hbm4b:s13+s2], $0x1400, $0x38;
	[tilespmem:$0x1E800] =	vst v63  }
0x2d: {  	_ =	swait.ge [sflag:s23], $0x1400  }
0x2e: {  	[sflag:s23] =	ssyncset.done $0x0  }
0x2f: {  	[sflag:s23] =	ssyncadd.s32 $0xFFFFEC00  }
0x30: {  	[tilespmem:s24], [sflag:$0x5] =	stream.linear.gather [hbm4b:s14+s2], $0x1400, $0x38;
	[tilespmem:$0x1E800] =	vst v63  }
0x31: {  	_ =	swait.ge [sflag:s23], $0x1400  }
0x32: {  	[sflag:s23] =	ssyncset.done $0x0  }
0x33: {  	[sflag:s23] =	ssyncadd.s32 $0xFFFFEC00  }
0x34: {  	[tilespmem:s26], [sflag:$0x1] =	stream.indirect.gather [hbm4b:s6+s25], $0x80, s2, s25, $0xb8;
	[tilespmem:$0x1E800] =	vst v63  }
0x35: {  	_ = 	snop  }
0x36: {  	[tilespmem:s28], [sflag:$0x2] =	stream.indirect.gather [hbm4b:s6+s25], $0x80, s25, s25, $0xb8;
	[tilespmem:$0x1E800] =	vst v63  }
0x37: {  	_ =	swait.ge [sflag:s29], $0x4000  }
0x38: {  	[sflag:s29] =	ssyncset.done $0x0  }
0x39: {  	[sflag:s29] =	ssyncadd.s32 $0xFFFFC000  }
0x3a: {  	[spmem:s1] =	stream.indirect.scatter.add.f32 [tilespmem:s26], [sflag:$0x3], $0x80, s24, s25, $0xb8;
	[tilespmem:$0x1E800] =	vst v63  }
0x3b: {  	_ =	swait.ge [sflag:s30], $0x4000  }
0x3c: {  	[sflag:s30] =	ssyncset.done $0x0  }
0x3d: {  	[sflag:s30] =	ssyncadd.s32 $0xFFFFC000  }
0x3e: {  	[spmem:s1] =	stream.indirect.scatter.add.f32 [tilespmem:s28], [sflag:$0x4], $0x80, s31, s25, $0xb8;
	[tilespmem:$0x1E800] =	vst v63  }
0x3f: {  	_ =	swait.ge [sflag:s0], $0x4000  }
0x40: {  	[sflag:s0] =	ssyncset.done $0x0  }
0x41: {  	[sflag:s0] =	ssyncadd.s32 $0xFFFFC000  }
0x42: {  	_ =	swait.ge [sflag:s9], $0x4000  }
0x43: {  	[sflag:s9] =	ssyncset.done $0x0  }
0x44: {  	s20 =	simm.s32 $0x100;
	[sflag:s9] =	ssyncadd.s32 $0xFFFFC000  }
0x45: {  	[tilespmem:s26], [sflag:$0x1] =	stream.indirect.gather [hbm4b:s6+s25], $0x80, s20, s25, $0xb8;
	[tilespmem:$0x1E800] =	vst v63  }
0x46: {  	s19 =	simm.s32 $0x180  }
0x47: {  	[tilespmem:s28], [sflag:$0x2] =	stream.indirect.gather [hbm4b:s6+s25], $0x80, s19, s25, $0xb8;
	[tilespmem:$0x1E800] =	vst v63  }
0x48: {  	_ =	swait.ge [sflag:s29], $0x4000  }
0x49: {  	[sflag:s29] =	ssyncset.done $0x0  }
0x4a: {  	s20 =	simm.s32 $0x1500;
	[sflag:s29] =	ssyncadd.s32 $0xFFFFC000  }
0x4b: {  	[spmem:s1] =	stream.indirect.scatter.add.f32 [tilespmem:s26], [sflag:$0x3], $0x80, s20, s25, $0xb8;
	[tilespmem:$0x1E800] =	vst v63  }
0x4c: {  	_ =	swait.ge [sflag:s30], $0x4000  }
0x4d: {  	[sflag:s30] =	ssyncset.done $0x0  }
0x4e: {  	s18 =	simm.s32 $0xFFFFB800;
	s19 =	simm.s32 $0x1580;
	[sflag:s30] =	ssyncadd.s32 $0xFFFFC000  }
.LBB2_12:
0x4f: {  	[spmem:s1] =	stream.indirect.scatter.add.f32 [tilespmem:s28], [sflag:$0x4], $0x80, s19, s25, $0xb8;
	[tilespmem:$0x1E800] =	vst v63  }
0x50: {  	s19 =	smov.u32 s18  }
0x51: {  	p1 =	sne.s32 s18, $0xFFFFFC00;
	s18 =	sadd.s32 $0x400, s18;
	_ =	swait.ge [sflag:s0], $0x4000  }
0x52: {  	[sflag:s0] =	ssyncset.done $0x0  }
0x53: {  	[sflag:s0] =	ssyncadd.s32 $0xFFFFC000  }
0x54: {  	_ =	swait.ge [sflag:s9], $0x4000  }
0x55: {  	s19 =	sshra.s32 s19, $0x2;
	[sflag:s9] =	ssyncset.done $0x0  }
0x56: {  	s20 =	sadd.s32 $0x1400, s19;
	[sflag:s9] =	ssyncadd.s32 $0xFFFFC000  }
0x57: {  	[tilespmem:s26], [sflag:$0x1] =	stream.indirect.gather [hbm4b:s6+s25], $0x80, s20, s25, $0xb8;
	[tilespmem:$0x1E800] =	vst v63  }
0x58: {  	s20 =	sadd.s32 $0x1480, s19  }
0x59: {  	[tilespmem:s28], [sflag:$0x2] =	stream.indirect.gather [hbm4b:s6+s25], $0x80, s20, s25, $0xb8;
	[tilespmem:$0x1E800] =	vst v63  }
0x5a: {  	_ =	swait.ge [sflag:s29], $0x4000  }
0x5b: {  	[sflag:s29] =	ssyncset.done $0x0  }
.Ltmp3:
0x5c: {  	s20 =	sadd.s32 $0x2800, s19;
	[sflag:s29] =	ssyncadd.s32 $0xFFFFC000;
	(pc) =	sbr.rel @p1 .LBB2_12-.Ltmp3, $4  }
0x5d: {  	[spmem:s1] =	stream.indirect.scatter.add.f32 [tilespmem:s26], [sflag:$0x3], $0x80, s20, s25, $0xb8;
	[tilespmem:$0x1E800] =	vst v63  }
0x5e: {  	_ =	swait.ge [sflag:s30], $0x4000  }
0x5f: {  	[sflag:s30] =	ssyncset.done $0x0  }
0x60: {  	s19 =	sadd.s32 $0x2880, s19;
	[sflag:s30] =	ssyncadd.s32 $0xFFFFC000  }
0x61: {  	[spmem:s1] =	stream.indirect.scatter.add.f32 [tilespmem:s28], [sflag:$0x4], $0x80, s19, s25, $0xb8;
	[tilespmem:$0x1E800] =	vst v63  }
0x62: {  	_ =	swait.ge [sflag:s0], $0x4000  }
0x63: {  	[sflag:s0] =	ssyncset.done $0x0  }
0x64: {  	[sflag:s0] =	ssyncadd.s32 $0xFFFFC000  }
0x65: {  	_ =	swait.ge [sflag:s9], $0x4000  }
0x66: {  	[sflag:s9] =	ssyncset.done $0x0  }
0x67: {  	[sflag:s9] =	ssyncadd.s32 $0xFFFFC000  }
0x68: {  	[tilespmem:s2], [sflag:$0x5] =	stream.linear.gather [hbm4b:s15+s2], $0x1400, $0x38;
	[tilespmem:$0x1E800] =	vst v63  }
0x69: {  	_ =	swait.ge [sflag:s23], $0x1400  }
0x6a: {  	[sflag:s23] =	ssyncset.done $0x0  }
0x6b: {  	[sflag:s23] =	ssyncadd.s32 $0xFFFFEC00  }
0x6c: {  	[tilespmem:s24], [sflag:$0x5] =	stream.linear.gather [hbm4b:s16+s2], $0x1400, $0x38;
	[tilespmem:$0x1E800] =	vst v63  }
0x6d: {  	_ =	swait.ge [sflag:s23], $0x1400  }
0x6e: {  	[sflag:s23] =	ssyncset.done $0x0  }
0x6f: {  	[sflag:s23] =	ssyncadd.s32 $0xFFFFEC00  }
0x70: {  	[tilespmem:s26], [sflag:$0x1] =	stream.indirect.gather [hbm4b:s6+s25], $0x80, s2, s25, $0xb8;
	[tilespmem:$0x1E800] =	vst v63  }
0x71: {  	_ = 	snop  }
0x72: {  	[tilespmem:s28], [sflag:$0x2] =	stream.indirect.gather [hbm4b:s6+s25], $0x80, s25, s25, $0xb8;
	[tilespmem:$0x1E800] =	vst v63  }
0x73: {  	_ =	swait.ge [sflag:s29], $0x4000  }
0x74: {  	[sflag:s29] =	ssyncset.done $0x0  }
0x75: {  	[sflag:s29] =	ssyncadd.s32 $0xFFFFC000  }
0x76: {  	[spmem:s1] =	stream.indirect.scatter.add.f32 [tilespmem:s26], [sflag:$0x3], $0x80, s24, s25, $0xb8;
	[tilespmem:$0x1E800] =	vst v63  }
0x77: {  	_ =	swait.ge [sflag:s30], $0x4000  }
0x78: {  	[sflag:s30] =	ssyncset.done $0x0  }
0x79: {  	[sflag:s30] =	ssyncadd.s32 $0xFFFFC000  }
0x7a: {  	[spmem:s1] =	stream.indirect.scatter.add.f32 [tilespmem:s28], [sflag:$0x4], $0x80, s31, s25, $0xb8;
	[tilespmem:$0x1E800] =	vst v63  }
0x7b: {  	_ =	swait.ge [sflag:s0], $0x4000  }
0x7c: {  	[sflag:s0] =	ssyncset.done $0x0  }
0x7d: {  	[sflag:s0] =	ssyncadd.s32 $0xFFFFC000  }
0x7e: {  	_ =	swait.ge [sflag:s9], $0x4000  }
0x7f: {  	[sflag:s9] =	ssyncset.done $0x0  }
0x80: {  	s18 =	simm.s32 $0x100;
	[sflag:s9] =	ssyncadd.s32 $0xFFFFC000  }
0x81: {  	[tilespmem:s26], [sflag:$0x1] =	stream.indirect.gather [hbm4b:s6+s25], $0x80, s18, s25, $0xb8;
	[tilespmem:$0x1E800] =	vst v63  }
0x82: {  	s19 =	simm.s32 $0x180  }
0x83: {  	[tilespmem:s28], [sflag:$0x2] =	stream.indirect.gather [hbm4b:s6+s25], $0x80, s19, s25, $0xb8;
	[tilespmem:$0x1E800] =	vst v63  }
0x84: {  	_ =	swait.ge [sflag:s29], $0x4000  }
0x85: {  	[sflag:s29] =	ssyncset.done $0x0  }
0x86: {  	s20 =	simm.s32 $0x1500;
	[sflag:s29] =	ssyncadd.s32 $0xFFFFC000  }
0x87: {  	[spmem:s1] =	stream.indirect.scatter.add.f32 [tilespmem:s26], [sflag:$0x3], $0x80, s20, s25, $0xb8;
	[tilespmem:$0x1E800] =	vst v63  }
0x88: {  	_ =	swait.ge [sflag:s30], $0x4000  }
0x89: {  	[sflag:s30] =	ssyncset.done $0x0  }
0x8a: {  	s18 =	simm.s32 $0xFFFFB800;
	s19 =	simm.s32 $0x1580;
	[sflag:s30] =	ssyncadd.s32 $0xFFFFC000  }
.LBB2_14:
0x8b: {  	[spmem:s1] =	stream.indirect.scatter.add.f32 [tilespmem:s28], [sflag:$0x4], $0x80, s19, s25, $0xb8;
	[tilespmem:$0x1E800] =	vst v63  }
0x8c: {  	s19 =	smov.u32 s18  }
0x8d: {  	p1 =	sne.s32 s18, $0xFFFFFC00;
	s18 =	sadd.s32 $0x400, s18;
	_ =	swait.ge [sflag:s0], $0x4000  }
0x8e: {  	[sflag:s0] =	ssyncset.done $0x0  }
0x8f: {  	[sflag:s0] =	ssyncadd.s32 $0xFFFFC000  }
0x90: {  	_ =	swait.ge [sflag:s9], $0x4000  }
0x91: {  	s19 =	sshra.s32 s19, $0x2;
	[sflag:s9] =	ssyncset.done $0x0  }
0x92: {  	s20 =	sadd.s32 $0x1400, s19;
	[sflag:s9] =	ssyncadd.s32 $0xFFFFC000  }
0x93: {  	[tilespmem:s26], [sflag:$0x1] =	stream.indirect.gather [hbm4b:s6+s25], $0x80, s20, s25, $0xb8;
	[tilespmem:$0x1E800] =	vst v63  }
0x94: {  	s20 =	sadd.s32 $0x1480, s19  }
0x95: {  	[tilespmem:s28], [sflag:$0x2] =	stream.indirect.gather [hbm4b:s6+s25], $0x80, s20, s25, $0xb8;
	[tilespmem:$0x1E800] =	vst v63  }
0x96: {  	_ =	swait.ge [sflag:s29], $0x4000  }
0x97: {  	[sflag:s29] =	ssyncset.done $0x0  }
.Ltmp4:
0x98: {  	s20 =	sadd.s32 $0x2800, s19;
	[sflag:s29] =	ssyncadd.s32 $0xFFFFC000;
	(pc) =	sbr.rel @p1 .LBB2_14-.Ltmp4, $4  }
0x99: {  	[spmem:s1] =	stream.indirect.scatter.add.f32 [tilespmem:s26], [sflag:$0x3], $0x80, s20, s25, $0xb8;
	[tilespmem:$0x1E800] =	vst v63  }
0x9a: {  	_ =	swait.ge [sflag:s30], $0x4000  }
0x9b: {  	[sflag:s30] =	ssyncset.done $0x0  }
0x9c: {  	s19 =	sadd.s32 $0x2880, s19;
	[sflag:s30] =	ssyncadd.s32 $0xFFFFC000  }
0x9d: {  	[spmem:s1] =	stream.indirect.scatter.add.f32 [tilespmem:s28], [sflag:$0x4], $0x80, s19, s25, $0xb8;
	[tilespmem:$0x1E800] =	vst v63  }
0x9e: {  	_ =	swait.ge [sflag:s0], $0x4000  }
0x9f: {  	[sflag:s0] =	ssyncset.done $0x0  }
0xa0: {  	[sflag:s0] =	ssyncadd.s32 $0xFFFFC000  }
0xa1: {  	_ =	swait.ge [sflag:s9], $0x4000  }
0xa2: {  	[sflag:s9] =	ssyncset.done $0x0  }
0xa3: {  	[sflag:s9] =	ssyncadd.s32 $0xFFFFC000  }
0xa4: {  	[bflag:$0x0] =	sbarrier.arrive $0xFFFF  }
0xa5: {  	s18 =	rddreg [dreg:$0x9]  }
0xa6: {  	[hbm:s18], [sflag:s17] =	dma.local [spmem:s10], $0x2800  }
0xa7: {  	_ =	swait.ge [sflag:s23], $0x2800  }
0xa8: {  	[sflag:s23] =	ssyncset.done $0x0  }
0xa9: {  	[sflag:s23] =	ssyncadd.s32 $0xFFFFD800  }
0xaa: {  	[spmem:s10], [sflag:s17] =	dma.local [hbm:s21], $0x2800  }
0xab: {  	_ =	swait.ge [sflag:s23], $0x2800  }
0xac: {  	[sflag:s23] =	ssyncset.done $0x0  }
0xad: {  	[sflag:s23] =	ssyncadd.s32 $0xFFFFD800  }
0xae: {  	[bflag:$0x0] =	sbarrier.arrive $0xFFFF  }
0xaf: {  	[tilespmem:s2], [sflag:$0x5] =	stream.linear.gather [hbm4b:s13+s2], $0x1400, $0x38;
	[tilespmem:$0x1E800] =	vst v63  }
0xb0: {  	_ =	swait.ge [sflag:s23], $0x1400  }
0xb1: {  	[sflag:s23] =	ssyncset.done $0x0  }
0xb2: {  	[sflag:s23] =	ssyncadd.s32 $0xFFFFEC00  }
0xb3: {  	[tilespmem:s24], [sflag:$0x5] =	stream.linear.gather [hbm4b:s14+s2], $0x1400, $0x38;
	[tilespmem:$0x1E800] =	vst v63  }
0xb4: {  	_ =	swait.ge [sflag:s23], $0x1400  }
0xb5: {  	[sflag:s23] =	ssyncset.done $0x0  }
0xb6: {  	[sflag:s23] =	ssyncadd.s32 $0xFFFFEC00  }
0xb7: {  	[tilespmem:s26], [sflag:$0x1] =	stream.indirect.gather [hbm4b:s7+s25], $0x80, s2, s25, $0xb8;
	[tilespmem:$0x1E800] =	vst v63  }
0xb8: {  	_ = 	snop  }
0xb9: {  	[tilespmem:s28], [sflag:$0x2] =	stream.indirect.gather [hbm4b:s7+s25], $0x80, s25, s25, $0xb8;
	[tilespmem:$0x1E800] =	vst v63  }
0xba: {  	_ =	swait.ge [sflag:s29], $0x4000  }
0xbb: {  	[sflag:s29] =	ssyncset.done $0x0  }
0xbc: {  	[sflag:s29] =	ssyncadd.s32 $0xFFFFC000  }
0xbd: {  	[spmem:s1] =	stream.indirect.scatter.add.f32 [tilespmem:s26], [sflag:$0x3], $0x80, s24, s25, $0xb8;
	[tilespmem:$0x1E800] =	vst v63  }
0xbe: {  	_ =	swait.ge [sflag:s30], $0x4000  }
0xbf: {  	[sflag:s30] =	ssyncset.done $0x0  }
0xc0: {  	[sflag:s30] =	ssyncadd.s32 $0xFFFFC000  }
0xc1: {  	[spmem:s1] =	stream.indirect.scatter.add.f32 [tilespmem:s28], [sflag:$0x4], $0x80, s31, s25, $0xb8;
	[tilespmem:$0x1E800] =	vst v63  }
0xc2: {  	_ =	swait.ge [sflag:s0], $0x4000  }
0xc3: {  	[sflag:s0] =	ssyncset.done $0x0  }
0xc4: {  	[sflag:s0] =	ssyncadd.s32 $0xFFFFC000  }
0xc5: {  	_ =	swait.ge [sflag:s9], $0x4000  }
0xc6: {  	[sflag:s9] =	ssyncset.done $0x0  }
0xc7: {  	s20 =	simm.s32 $0x100;
	[sflag:s9] =	ssyncadd.s32 $0xFFFFC000  }
0xc8: {  	[tilespmem:s26], [sflag:$0x1] =	stream.indirect.gather [hbm4b:s7+s25], $0x80, s20, s25, $0xb8;
	[tilespmem:$0x1E800] =	vst v63  }
0xc9: {  	s19 =	simm.s32 $0x180  }
0xca: {  	[tilespmem:s28], [sflag:$0x2] =	stream.indirect.gather [hbm4b:s7+s25], $0x80, s19, s25, $0xb8;
	[tilespmem:$0x1E800] =	vst v63  }
0xcb: {  	_ =	swait.ge [sflag:s29], $0x4000  }
0xcc: {  	[sflag:s29] =	ssyncset.done $0x0  }
0xcd: {  	s20 =	simm.s32 $0x1500;
	[sflag:s29] =	ssyncadd.s32 $0xFFFFC000  }
0xce: {  	[spmem:s1] =	stream.indirect.scatter.add.f32 [tilespmem:s26], [sflag:$0x3], $0x80, s20, s25, $0xb8;
	[tilespmem:$0x1E800] =	vst v63  }
0xcf: {  	_ =	swait.ge [sflag:s30], $0x4000  }
0xd0: {  	[sflag:s30] =	ssyncset.done $0x0  }
0xd1: {  	s18 =	simm.s32 $0xFFFFB800;
	s19 =	simm.s32 $0x1580;
	[sflag:s30] =	ssyncadd.s32 $0xFFFFC000  }
.LBB2_16:
0xd2: {  	[spmem:s1] =	stream.indirect.scatter.add.f32 [tilespmem:s28], [sflag:$0x4], $0x80, s19, s25, $0xb8;
	[tilespmem:$0x1E800] =	vst v63  }
0xd3: {  	s19 =	smov.u32 s18  }
0xd4: {  	p1 =	sne.s32 s18, $0xFFFFFC00;
	s18 =	sadd.s32 $0x400, s18;
	_ =	swait.ge [sflag:s0], $0x4000  }
0xd5: {  	[sflag:s0] =	ssyncset.done $0x0  }
0xd6: {  	[sflag:s0] =	ssyncadd.s32 $0xFFFFC000  }
0xd7: {  	_ =	swait.ge [sflag:s9], $0x4000  }
0xd8: {  	s19 =	sshra.s32 s19, $0x2;
	[sflag:s9] =	ssyncset.done $0x0  }
0xd9: {  	s20 =	sadd.s32 $0x1400, s19;
	[sflag:s9] =	ssyncadd.s32 $0xFFFFC000  }
0xda: {  	[tilespmem:s26], [sflag:$0x1] =	stream.indirect.gather [hbm4b:s7+s25], $0x80, s20, s25, $0xb8;
	[tilespmem:$0x1E800] =	vst v63  }
0xdb: {  	s20 =	sadd.s32 $0x1480, s19  }
0xdc: {  	[tilespmem:s28], [sflag:$0x2] =	stream.indirect.gather [hbm4b:s7+s25], $0x80, s20, s25, $0xb8;
	[tilespmem:$0x1E800] =	vst v63  }
0xdd: {  	_ =	swait.ge [sflag:s29], $0x4000  }
0xde: {  	[sflag:s29] =	ssyncset.done $0x0  }
.Ltmp5:
0xdf: {  	s20 =	sadd.s32 $0x2800, s19;
	[sflag:s29] =	ssyncadd.s32 $0xFFFFC000;
	(pc) =	sbr.rel @p1 .LBB2_16-.Ltmp5, $4  }
0xe0: {  	[spmem:s1] =	stream.indirect.scatter.add.f32 [tilespmem:s26], [sflag:$0x3], $0x80, s20, s25, $0xb8;
	[tilespmem:$0x1E800] =	vst v63  }
0xe1: {  	_ =	swait.ge [sflag:s30], $0x4000  }
0xe2: {  	[sflag:s30] =	ssyncset.done $0x0  }
0xe3: {  	s19 =	sadd.s32 $0x2880, s19;
	[sflag:s30] =	ssyncadd.s32 $0xFFFFC000  }
0xe4: {  	[spmem:s1] =	stream.indirect.scatter.add.f32 [tilespmem:s28], [sflag:$0x4], $0x80, s19, s25, $0xb8;
	[tilespmem:$0x1E800] =	vst v63  }
0xe5: {  	_ =	swait.ge [sflag:s0], $0x4000  }
0xe6: {  	[sflag:s0] =	ssyncset.done $0x0  }
0xe7: {  	[sflag:s0] =	ssyncadd.s32 $0xFFFFC000  }
0xe8: {  	_ =	swait.ge [sflag:s9], $0x4000  }
0xe9: {  	[sflag:s9] =	ssyncset.done $0x0  }
0xea: {  	[sflag:s9] =	ssyncadd.s32 $0xFFFFC000  }
0xeb: {  	[tilespmem:s2], [sflag:$0x5] =	stream.linear.gather [hbm4b:s15+s2], $0x1400, $0x38;
	[tilespmem:$0x1E800] =	vst v63  }
0xec: {  	_ =	swait.ge [sflag:s23], $0x1400  }
0xed: {  	[sflag:s23] =	ssyncset.done $0x0  }
0xee: {  	[sflag:s23] =	ssyncadd.s32 $0xFFFFEC00  }
0xef: {  	[tilespmem:s24], [sflag:$0x5] =	stream.linear.gather [hbm4b:s16+s2], $0x1400, $0x38;
	[tilespmem:$0x1E800] =	vst v63  }
0xf0: {  	_ =	swait.ge [sflag:s23], $0x1400  }
0xf1: {  	[sflag:s23] =	ssyncset.done $0x0  }
0xf2: {  	[sflag:s23] =	ssyncadd.s32 $0xFFFFEC00  }
0xf3: {  	[tilespmem:s26], [sflag:$0x1] =	stream.indirect.gather [hbm4b:s7+s25], $0x80, s2, s25, $0xb8;
	[tilespmem:$0x1E800] =	vst v63  }
0xf4: {  	_ = 	snop  }
0xf5: {  	[tilespmem:s28], [sflag:$0x2] =	stream.indirect.gather [hbm4b:s7+s25], $0x80, s25, s25, $0xb8;
	[tilespmem:$0x1E800] =	vst v63  }
0xf6: {  	_ =	swait.ge [sflag:s29], $0x4000  }
0xf7: {  	[sflag:s29] =	ssyncset.done $0x0  }
0xf8: {  	[sflag:s29] =	ssyncadd.s32 $0xFFFFC000  }
0xf9: {  	[spmem:s1] =	stream.indirect.scatter.add.f32 [tilespmem:s26], [sflag:$0x3], $0x80, s24, s25, $0xb8;
	[tilespmem:$0x1E800] =	vst v63  }
0xfa: {  	_ =	swait.ge [sflag:s30], $0x4000  }
0xfb: {  	[sflag:s30] =	ssyncset.done $0x0  }
0xfc: {  	[sflag:s30] =	ssyncadd.s32 $0xFFFFC000  }
0xfd: {  	[spmem:s1] =	stream.indirect.scatter.add.f32 [tilespmem:s28], [sflag:$0x4], $0x80, s31, s25, $0xb8;
	[tilespmem:$0x1E800] =	vst v63  }
0xfe: {  	_ =	swait.ge [sflag:s0], $0x4000  }
0xff: {  	[sflag:s0] =	ssyncset.done $0x0  }
0x100: {  	[sflag:s0] =	ssyncadd.s32 $0xFFFFC000  }
0x101: {  	_ =	swait.ge [sflag:s9], $0x4000  }
0x102: {  	[sflag:s9] =	ssyncset.done $0x0  }
0x103: {  	s18 =	simm.s32 $0x100;
	[sflag:s9] =	ssyncadd.s32 $0xFFFFC000  }
0x104: {  	[tilespmem:s26], [sflag:$0x1] =	stream.indirect.gather [hbm4b:s7+s25], $0x80, s18, s25, $0xb8;
	[tilespmem:$0x1E800] =	vst v63  }
0x105: {  	s19 =	simm.s32 $0x180  }
0x106: {  	[tilespmem:s28], [sflag:$0x2] =	stream.indirect.gather [hbm4b:s7+s25], $0x80, s19, s25, $0xb8;
	[tilespmem:$0x1E800] =	vst v63  }
0x107: {  	_ =	swait.ge [sflag:s29], $0x4000  }
0x108: {  	[sflag:s29] =	ssyncset.done $0x0  }
0x109: {  	s20 =	simm.s32 $0x1500;
	[sflag:s29] =	ssyncadd.s32 $0xFFFFC000  }
0x10a: {  	[spmem:s1] =	stream.indirect.scatter.add.f32 [tilespmem:s26], [sflag:$0x3], $0x80, s20, s25, $0xb8;
	[tilespmem:$0x1E800] =	vst v63  }
0x10b: {  	_ =	swait.ge [sflag:s30], $0x4000  }
0x10c: {  	[sflag:s30] =	ssyncset.done $0x0  }
0x10d: {  	s18 =	simm.s32 $0xFFFFB800;
	s19 =	simm.s32 $0x1580;
	[sflag:s30] =	ssyncadd.s32 $0xFFFFC000  }
.LBB2_18:
0x10e: {  	[spmem:s1] =	stream.indirect.scatter.add.f32 [tilespmem:s28], [sflag:$0x4], $0x80, s19, s25, $0xb8;
	[tilespmem:$0x1E800] =	vst v63  }
0x10f: {  	s19 =	smov.u32 s18  }
0x110: {  	p1 =	sne.s32 s18, $0xFFFFFC00;
	s18 =	sadd.s32 $0x400, s18;
	_ =	swait.ge [sflag:s0], $0x4000  }
0x111: {  	[sflag:s0] =	ssyncset.done $0x0  }
0x112: {  	[sflag:s0] =	ssyncadd.s32 $0xFFFFC000  }
0x113: {  	_ =	swait.ge [sflag:s9], $0x4000  }
0x114: {  	s19 =	sshra.s32 s19, $0x2;
	[sflag:s9] =	ssyncset.done $0x0  }
0x115: {  	s20 =	sadd.s32 $0x1400, s19;
	[sflag:s9] =	ssyncadd.s32 $0xFFFFC000  }
0x116: {  	[tilespmem:s26], [sflag:$0x1] =	stream.indirect.gather [hbm4b:s7+s25], $0x80, s20, s25, $0xb8;
	[tilespmem:$0x1E800] =	vst v63  }
0x117: {  	s20 =	sadd.s32 $0x1480, s19  }
0x118: {  	[tilespmem:s28], [sflag:$0x2] =	stream.indirect.gather [hbm4b:s7+s25], $0x80, s20, s25, $0xb8;
	[tilespmem:$0x1E800] =	vst v63  }
0x119: {  	_ =	swait.ge [sflag:s29], $0x4000  }
0x11a: {  	[sflag:s29] =	ssyncset.done $0x0  }
.Ltmp6:
0x11b: {  	s20 =	sadd.s32 $0x2800, s19;
	[sflag:s29] =	ssyncadd.s32 $0xFFFFC000;
	(pc) =	sbr.rel @p1 .LBB2_18-.Ltmp6, $4  }
0x11c: {  	[spmem:s1] =	stream.indirect.scatter.add.f32 [tilespmem:s26], [sflag:$0x3], $0x80, s20, s25, $0xb8;
	[tilespmem:$0x1E800] =	vst v63  }
0x11d: {  	_ =	swait.ge [sflag:s30], $0x4000  }
0x11e: {  	[sflag:s30] =	ssyncset.done $0x0  }
0x11f: {  	s19 =	sadd.s32 $0x2880, s19;
	[sflag:s30] =	ssyncadd.s32 $0xFFFFC000  }
.Ltmp7:
0x120: {  	_ = 	snop;
	(pc) =	sbr.rel .LBB2_19-.Ltmp7, $1  }
0x121: {  	_ =	sdelay $0x3  }
.LBB2_2:
0x122: {  	s18 =	rddreg [dreg:$0x5]  }
0x123: {  	[spmem:s10], [sflag:s17] =	dma.local [hbm:s18], $0x2800  }
0x124: {  	_ =	swait.ge [sflag:s23], $0x2800  }
0x125: {  	[sflag:s23] =	ssyncset.done $0x0  }
0x126: {  	[sflag:s23] =	ssyncadd.s32 $0xFFFFD800  }
0x127: {  	[bflag:$0x0] =	sbarrier.arrive $0xFFFF  }
0x128: {  	[tilespmem:s2], [sflag:$0x5] =	stream.linear.gather [hbm4b:s13+s2], $0x1400, $0x38;
	[tilespmem:$0x1E800] =	vst v63  }
0x129: {  	_ =	swait.ge [sflag:s23], $0x1400  }
0x12a: {  	[sflag:s23] =	ssyncset.done $0x0  }
0x12b: {  	[sflag:s23] =	ssyncadd.s32 $0xFFFFEC00  }
0x12c: {  	[tilespmem:s24], [sflag:$0x5] =	stream.linear.gather [hbm4b:s14+s2], $0x1400, $0x38;
	[tilespmem:$0x1E800] =	vst v63  }
0x12d: {  	_ =	swait.ge [sflag:s23], $0x1400  }
0x12e: {  	[sflag:s23] =	ssyncset.done $0x0  }
0x12f: {  	[sflag:s23] =	ssyncadd.s32 $0xFFFFEC00  }
0x130: {  	[tilespmem:s26], [sflag:$0x1] =	stream.indirect.gather [hbm4b:s4+s25], $0x80, s2, s25, $0xb8;
	[tilespmem:$0x1E800] =	vst v63  }
0x131: {  	_ = 	snop  }
0x132: {  	[tilespmem:s28], [sflag:$0x2] =	stream.indirect.gather [hbm4b:s4+s25], $0x80, s25, s25, $0xb8;
	[tilespmem:$0x1E800] =	vst v63  }
0x133: {  	_ =	swait.ge [sflag:s29], $0x4000  }
0x134: {  	[sflag:s29] =	ssyncset.done $0x0  }
0x135: {  	[sflag:s29] =	ssyncadd.s32 $0xFFFFC000  }
0x136: {  	[spmem:s1] =	stream.indirect.scatter.add.f32 [tilespmem:s26], [sflag:$0x3], $0x80, s24, s25, $0xb8;
	[tilespmem:$0x1E800] =	vst v63  }
0x137: {  	_ =	swait.ge [sflag:s30], $0x4000  }
0x138: {  	[sflag:s30] =	ssyncset.done $0x0  }
0x139: {  	[sflag:s30] =	ssyncadd.s32 $0xFFFFC000  }
0x13a: {  	[spmem:s1] =	stream.indirect.scatter.add.f32 [tilespmem:s28], [sflag:$0x4], $0x80, s31, s25, $0xb8;
	[tilespmem:$0x1E800] =	vst v63  }
0x13b: {  	_ =	swait.ge [sflag:s0], $0x4000  }
0x13c: {  	[sflag:s0] =	ssyncset.done $0x0  }
0x13d: {  	[sflag:s0] =	ssyncadd.s32 $0xFFFFC000  }
0x13e: {  	_ =	swait.ge [sflag:s9], $0x4000  }
0x13f: {  	[sflag:s9] =	ssyncset.done $0x0  }
0x140: {  	s20 =	simm.s32 $0x100;
	[sflag:s9] =	ssyncadd.s32 $0xFFFFC000  }
0x141: {  	[tilespmem:s26], [sflag:$0x1] =	stream.indirect.gather [hbm4b:s4+s25], $0x80, s20, s25, $0xb8;
	[tilespmem:$0x1E800] =	vst v63  }
0x142: {  	s19 =	simm.s32 $0x180  }
0x143: {  	[tilespmem:s28], [sflag:$0x2] =	stream.indirect.gather [hbm4b:s4+s25], $0x80, s19, s25, $0xb8;
	[tilespmem:$0x1E800] =	vst v63  }
0x144: {  	_ =	swait.ge [sflag:s29], $0x4000  }
0x145: {  	[sflag:s29] =	ssyncset.done $0x0  }
0x146: {  	s20 =	simm.s32 $0x1500;
	[sflag:s29] =	ssyncadd.s32 $0xFFFFC000  }
0x147: {  	[spmem:s1] =	stream.indirect.scatter.add.f32 [tilespmem:s26], [sflag:$0x3], $0x80, s20, s25, $0xb8;
	[tilespmem:$0x1E800] =	vst v63  }
0x148: {  	_ =	swait.ge [sflag:s30], $0x4000  }
0x149: {  	[sflag:s30] =	ssyncset.done $0x0  }
0x14a: {  	s18 =	simm.s32 $0xFFFFB800;
	s19 =	simm.s32 $0x1580;
	[sflag:s30] =	ssyncadd.s32 $0xFFFFC000  }
.LBB2_3:
0x14b: {  	[spmem:s1] =	stream.indirect.scatter.add.f32 [tilespmem:s28], [sflag:$0x4], $0x80, s19, s25, $0xb8;
	[tilespmem:$0x1E800] =	vst v63  }
0x14c: {  	s19 =	smov.u32 s18  }
0x14d: {  	p1 =	sne.s32 s18, $0xFFFFFC00;
	s18 =	sadd.s32 $0x400, s18;
	_ =	swait.ge [sflag:s0], $0x4000  }
0x14e: {  	[sflag:s0] =	ssyncset.done $0x0  }
0x14f: {  	[sflag:s0] =	ssyncadd.s32 $0xFFFFC000  }
0x150: {  	_ =	swait.ge [sflag:s9], $0x4000  }
0x151: {  	s19 =	sshra.s32 s19, $0x2;
	[sflag:s9] =	ssyncset.done $0x0  }
0x152: {  	s20 =	sadd.s32 $0x1400, s19;
	[sflag:s9] =	ssyncadd.s32 $0xFFFFC000  }
0x153: {  	[tilespmem:s26], [sflag:$0x1] =	stream.indirect.gather [hbm4b:s4+s25], $0x80, s20, s25, $0xb8;
	[tilespmem:$0x1E800] =	vst v63  }
0x154: {  	s20 =	sadd.s32 $0x1480, s19  }
0x155: {  	[tilespmem:s28], [sflag:$0x2] =	stream.indirect.gather [hbm4b:s4+s25], $0x80, s20, s25, $0xb8;
	[tilespmem:$0x1E800] =	vst v63  }
0x156: {  	_ =	swait.ge [sflag:s29], $0x4000  }
0x157: {  	[sflag:s29] =	ssyncset.done $0x0  }
.Ltmp8:
0x158: {  	s20 =	sadd.s32 $0x2800, s19;
	[sflag:s29] =	ssyncadd.s32 $0xFFFFC000;
	(pc) =	sbr.rel @p1 .LBB2_3-.Ltmp8, $4  }
0x159: {  	[spmem:s1] =	stream.indirect.scatter.add.f32 [tilespmem:s26], [sflag:$0x3], $0x80, s20, s25, $0xb8;
	[tilespmem:$0x1E800] =	vst v63  }
0x15a: {  	_ =	swait.ge [sflag:s30], $0x4000  }
0x15b: {  	[sflag:s30] =	ssyncset.done $0x0  }
0x15c: {  	s19 =	sadd.s32 $0x2880, s19;
	[sflag:s30] =	ssyncadd.s32 $0xFFFFC000  }
0x15d: {  	[spmem:s1] =	stream.indirect.scatter.add.f32 [tilespmem:s28], [sflag:$0x4], $0x80, s19, s25, $0xb8;
	[tilespmem:$0x1E800] =	vst v63  }
0x15e: {  	_ =	swait.ge [sflag:s0], $0x4000  }
0x15f: {  	[sflag:s0] =	ssyncset.done $0x0  }
0x160: {  	[sflag:s0] =	ssyncadd.s32 $0xFFFFC000  }
0x161: {  	_ =	swait.ge [sflag:s9], $0x4000  }
0x162: {  	[sflag:s9] =	ssyncset.done $0x0  }
0x163: {  	[sflag:s9] =	ssyncadd.s32 $0xFFFFC000  }
0x164: {  	[tilespmem:s2], [sflag:$0x5] =	stream.linear.gather [hbm4b:s15+s2], $0x1400, $0x38;
	[tilespmem:$0x1E800] =	vst v63  }
0x165: {  	_ =	swait.ge [sflag:s23], $0x1400  }
0x166: {  	[sflag:s23] =	ssyncset.done $0x0  }
0x167: {  	[sflag:s23] =	ssyncadd.s32 $0xFFFFEC00  }
0x168: {  	[tilespmem:s24], [sflag:$0x5] =	stream.linear.gather [hbm4b:s16+s2], $0x1400, $0x38;
	[tilespmem:$0x1E800] =	vst v63  }
0x169: {  	_ =	swait.ge [sflag:s23], $0x1400  }
0x16a: {  	[sflag:s23] =	ssyncset.done $0x0  }
0x16b: {  	[sflag:s23] =	ssyncadd.s32 $0xFFFFEC00  }
0x16c: {  	[tilespmem:s26], [sflag:$0x1] =	stream.indirect.gather [hbm4b:s4+s25], $0x80, s2, s25, $0xb8;
	[tilespmem:$0x1E800] =	vst v63  }
0x16d: {  	_ = 	snop  }
0x16e: {  	[tilespmem:s28], [sflag:$0x2] =	stream.indirect.gather [hbm4b:s4+s25], $0x80, s25, s25, $0xb8;
	[tilespmem:$0x1E800] =	vst v63  }
0x16f: {  	_ =	swait.ge [sflag:s29], $0x4000  }
0x170: {  	[sflag:s29] =	ssyncset.done $0x0  }
0x171: {  	[sflag:s29] =	ssyncadd.s32 $0xFFFFC000  }
0x172: {  	[spmem:s1] =	stream.indirect.scatter.add.f32 [tilespmem:s26], [sflag:$0x3], $0x80, s24, s25, $0xb8;
	[tilespmem:$0x1E800] =	vst v63  }
0x173: {  	_ =	swait.ge [sflag:s30], $0x4000  }
0x174: {  	[sflag:s30] =	ssyncset.done $0x0  }
0x175: {  	[sflag:s30] =	ssyncadd.s32 $0xFFFFC000  }
0x176: {  	[spmem:s1] =	stream.indirect.scatter.add.f32 [tilespmem:s28], [sflag:$0x4], $0x80, s31, s25, $0xb8;
	[tilespmem:$0x1E800] =	vst v63  }
0x177: {  	_ =	swait.ge [sflag:s0], $0x4000  }
0x178: {  	[sflag:s0] =	ssyncset.done $0x0  }
0x179: {  	[sflag:s0] =	ssyncadd.s32 $0xFFFFC000  }
0x17a: {  	_ =	swait.ge [sflag:s9], $0x4000  }
0x17b: {  	[sflag:s9] =	ssyncset.done $0x0  }
0x17c: {  	s18 =	simm.s32 $0x100;
	[sflag:s9] =	ssyncadd.s32 $0xFFFFC000  }
0x17d: {  	[tilespmem:s26], [sflag:$0x1] =	stream.indirect.gather [hbm4b:s4+s25], $0x80, s18, s25, $0xb8;
	[tilespmem:$0x1E800] =	vst v63  }
0x17e: {  	s19 =	simm.s32 $0x180  }
0x17f: {  	[tilespmem:s28], [sflag:$0x2] =	stream.indirect.gather [hbm4b:s4+s25], $0x80, s19, s25, $0xb8;
	[tilespmem:$0x1E800] =	vst v63  }
0x180: {  	_ =	swait.ge [sflag:s29], $0x4000  }
0x181: {  	[sflag:s29] =	ssyncset.done $0x0  }
0x182: {  	s20 =	simm.s32 $0x1500;
	[sflag:s29] =	ssyncadd.s32 $0xFFFFC000  }
0x183: {  	[spmem:s1] =	stream.indirect.scatter.add.f32 [tilespmem:s26], [sflag:$0x3], $0x80, s20, s25, $0xb8;
	[tilespmem:$0x1E800] =	vst v63  }
0x184: {  	_ =	swait.ge [sflag:s30], $0x4000  }
0x185: {  	[sflag:s30] =	ssyncset.done $0x0  }
0x186: {  	s18 =	simm.s32 $0xFFFFB800;
	s19 =	simm.s32 $0x1580;
	[sflag:s30] =	ssyncadd.s32 $0xFFFFC000  }
.LBB2_5:
0x187: {  	[spmem:s1] =	stream.indirect.scatter.add.f32 [tilespmem:s28], [sflag:$0x4], $0x80, s19, s25, $0xb8;
	[tilespmem:$0x1E800] =	vst v63  }
0x188: {  	s19 =	smov.u32 s18  }
0x189: {  	p1 =	sne.s32 s18, $0xFFFFFC00;
	s18 =	sadd.s32 $0x400, s18;
	_ =	swait.ge [sflag:s0], $0x4000  }
0x18a: {  	[sflag:s0] =	ssyncset.done $0x0  }
0x18b: {  	[sflag:s0] =	ssyncadd.s32 $0xFFFFC000  }
0x18c: {  	_ =	swait.ge [sflag:s9], $0x4000  }
0x18d: {  	s19 =	sshra.s32 s19, $0x2;
	[sflag:s9] =	ssyncset.done $0x0  }
0x18e: {  	s20 =	sadd.s32 $0x1400, s19;
	[sflag:s9] =	ssyncadd.s32 $0xFFFFC000  }
0x18f: {  	[tilespmem:s26], [sflag:$0x1] =	stream.indirect.gather [hbm4b:s4+s25], $0x80, s20, s25, $0xb8;
	[tilespmem:$0x1E800] =	vst v63  }
0x190: {  	s20 =	sadd.s32 $0x1480, s19  }
0x191: {  	[tilespmem:s28], [sflag:$0x2] =	stream.indirect.gather [hbm4b:s4+s25], $0x80, s20, s25, $0xb8;
	[tilespmem:$0x1E800] =	vst v63  }
0x192: {  	_ =	swait.ge [sflag:s29], $0x4000  }
0x193: {  	[sflag:s29] =	ssyncset.done $0x0  }
.Ltmp9:
0x194: {  	s20 =	sadd.s32 $0x2800, s19;
	[sflag:s29] =	ssyncadd.s32 $0xFFFFC000;
	(pc) =	sbr.rel @p1 .LBB2_5-.Ltmp9, $4  }
0x195: {  	[spmem:s1] =	stream.indirect.scatter.add.f32 [tilespmem:s26], [sflag:$0x3], $0x80, s20, s25, $0xb8;
	[tilespmem:$0x1E800] =	vst v63  }
0x196: {  	_ =	swait.ge [sflag:s30], $0x4000  }
0x197: {  	[sflag:s30] =	ssyncset.done $0x0  }
0x198: {  	s19 =	sadd.s32 $0x2880, s19;
	[sflag:s30] =	ssyncadd.s32 $0xFFFFC000  }
0x199: {  	[spmem:s1] =	stream.indirect.scatter.add.f32 [tilespmem:s28], [sflag:$0x4], $0x80, s19, s25, $0xb8;
	[tilespmem:$0x1E800] =	vst v63  }
0x19a: {  	_ =	swait.ge [sflag:s0], $0x4000  }
0x19b: {  	[sflag:s0] =	ssyncset.done $0x0  }
0x19c: {  	[sflag:s0] =	ssyncadd.s32 $0xFFFFC000  }
0x19d: {  	_ =	swait.ge [sflag:s9], $0x4000  }
0x19e: {  	[sflag:s9] =	ssyncset.done $0x0  }
0x19f: {  	[sflag:s9] =	ssyncadd.s32 $0xFFFFC000  }
0x1a0: {  	[bflag:$0x0] =	sbarrier.arrive $0xFFFF  }
0x1a1: {  	s18 =	rddreg [dreg:$0x6]  }
0x1a2: {  	[hbm:s18], [sflag:s17] =	dma.local [spmem:s10], $0x2800  }
0x1a3: {  	_ =	swait.ge [sflag:s23], $0x2800  }
0x1a4: {  	[sflag:s23] =	ssyncset.done $0x0  }
0x1a5: {  	s19 =	rddreg [dreg:$0x7];
	[sflag:s23] =	ssyncadd.s32 $0xFFFFD800  }
0x1a6: {  	[spmem:s10], [sflag:s17] =	dma.local [hbm:s19], $0x2800  }
0x1a7: {  	_ =	swait.ge [sflag:s23], $0x2800  }
0x1a8: {  	[sflag:s23] =	ssyncset.done $0x0  }
0x1a9: {  	[sflag:s23] =	ssyncadd.s32 $0xFFFFD800  }
0x1aa: {  	[bflag:$0x0] =	sbarrier.arrive $0xFFFF  }
0x1ab: {  	[tilespmem:s2], [sflag:$0x5] =	stream.linear.gather [hbm4b:s13+s2], $0x1400, $0x38;
	[tilespmem:$0x1E800] =	vst v63  }
0x1ac: {  	_ =	swait.ge [sflag:s23], $0x1400  }
0x1ad: {  	[sflag:s23] =	ssyncset.done $0x0  }
0x1ae: {  	[sflag:s23] =	ssyncadd.s32 $0xFFFFEC00  }
0x1af: {  	[tilespmem:s24], [sflag:$0x5] =	stream.linear.gather [hbm4b:s14+s2], $0x1400, $0x38;
	[tilespmem:$0x1E800] =	vst v63  }
0x1b0: {  	_ =	swait.ge [sflag:s23], $0x1400  }
0x1b1: {  	[sflag:s23] =	ssyncset.done $0x0  }
0x1b2: {  	[sflag:s23] =	ssyncadd.s32 $0xFFFFEC00  }
0x1b3: {  	[tilespmem:s26], [sflag:$0x1] =	stream.indirect.gather [hbm4b:s5+s25], $0x80, s2, s25, $0xb8;
	[tilespmem:$0x1E800] =	vst v63  }
0x1b4: {  	_ = 	snop  }
0x1b5: {  	[tilespmem:s28], [sflag:$0x2] =	stream.indirect.gather [hbm4b:s5+s25], $0x80, s25, s25, $0xb8;
	[tilespmem:$0x1E800] =	vst v63  }
0x1b6: {  	_ =	swait.ge [sflag:s29], $0x4000  }
0x1b7: {  	[sflag:s29] =	ssyncset.done $0x0  }
0x1b8: {  	[sflag:s29] =	ssyncadd.s32 $0xFFFFC000  }
0x1b9: {  	[spmem:s1] =	stream.indirect.scatter.add.f32 [tilespmem:s26], [sflag:$0x3], $0x80, s24, s25, $0xb8;
	[tilespmem:$0x1E800] =	vst v63  }
0x1ba: {  	_ =	swait.ge [sflag:s30], $0x4000  }
0x1bb: {  	[sflag:s30] =	ssyncset.done $0x0  }
0x1bc: {  	[sflag:s30] =	ssyncadd.s32 $0xFFFFC000  }
0x1bd: {  	[spmem:s1] =	stream.indirect.scatter.add.f32 [tilespmem:s28], [sflag:$0x4], $0x80, s31, s25, $0xb8;
	[tilespmem:$0x1E800] =	vst v63  }
0x1be: {  	_ =	swait.ge [sflag:s0], $0x4000  }
0x1bf: {  	[sflag:s0] =	ssyncset.done $0x0  }
0x1c0: {  	[sflag:s0] =	ssyncadd.s32 $0xFFFFC000  }
0x1c1: {  	_ =	swait.ge [sflag:s9], $0x4000  }
0x1c2: {  	[sflag:s9] =	ssyncset.done $0x0  }
0x1c3: {  	s20 =	simm.s32 $0x100;
	[sflag:s9] =	ssyncadd.s32 $0xFFFFC000  }
0x1c4: {  	[tilespmem:s26], [sflag:$0x1] =	stream.indirect.gather [hbm4b:s5+s25], $0x80, s20, s25, $0xb8;
	[tilespmem:$0x1E800] =	vst v63  }
0x1c5: {  	s19 =	simm.s32 $0x180  }
0x1c6: {  	[tilespmem:s28], [sflag:$0x2] =	stream.indirect.gather [hbm4b:s5+s25], $0x80, s19, s25, $0xb8;
	[tilespmem:$0x1E800] =	vst v63  }
0x1c7: {  	_ =	swait.ge [sflag:s29], $0x4000  }
0x1c8: {  	[sflag:s29] =	ssyncset.done $0x0  }
0x1c9: {  	s20 =	simm.s32 $0x1500;
	[sflag:s29] =	ssyncadd.s32 $0xFFFFC000  }
0x1ca: {  	[spmem:s1] =	stream.indirect.scatter.add.f32 [tilespmem:s26], [sflag:$0x3], $0x80, s20, s25, $0xb8;
	[tilespmem:$0x1E800] =	vst v63  }
0x1cb: {  	_ =	swait.ge [sflag:s30], $0x4000  }
0x1cc: {  	[sflag:s30] =	ssyncset.done $0x0  }
0x1cd: {  	s18 =	simm.s32 $0xFFFFB800;
	s19 =	simm.s32 $0x1580;
	[sflag:s30] =	ssyncadd.s32 $0xFFFFC000  }
.LBB2_7:
0x1ce: {  	[spmem:s1] =	stream.indirect.scatter.add.f32 [tilespmem:s28], [sflag:$0x4], $0x80, s19, s25, $0xb8;
	[tilespmem:$0x1E800] =	vst v63  }
0x1cf: {  	s19 =	smov.u32 s18  }
0x1d0: {  	p1 =	sne.s32 s18, $0xFFFFFC00;
	s18 =	sadd.s32 $0x400, s18;
	_ =	swait.ge [sflag:s0], $0x4000  }
0x1d1: {  	[sflag:s0] =	ssyncset.done $0x0  }
0x1d2: {  	[sflag:s0] =	ssyncadd.s32 $0xFFFFC000  }
0x1d3: {  	_ =	swait.ge [sflag:s9], $0x4000  }
0x1d4: {  	s19 =	sshra.s32 s19, $0x2;
	[sflag:s9] =	ssyncset.done $0x0  }
0x1d5: {  	s20 =	sadd.s32 $0x1400, s19;
	[sflag:s9] =	ssyncadd.s32 $0xFFFFC000  }
0x1d6: {  	[tilespmem:s26], [sflag:$0x1] =	stream.indirect.gather [hbm4b:s5+s25], $0x80, s20, s25, $0xb8;
	[tilespmem:$0x1E800] =	vst v63  }
0x1d7: {  	s20 =	sadd.s32 $0x1480, s19  }
0x1d8: {  	[tilespmem:s28], [sflag:$0x2] =	stream.indirect.gather [hbm4b:s5+s25], $0x80, s20, s25, $0xb8;
	[tilespmem:$0x1E800] =	vst v63  }
0x1d9: {  	_ =	swait.ge [sflag:s29], $0x4000  }
0x1da: {  	[sflag:s29] =	ssyncset.done $0x0  }
.Ltmp10:
0x1db: {  	s20 =	sadd.s32 $0x2800, s19;
	[sflag:s29] =	ssyncadd.s32 $0xFFFFC000;
	(pc) =	sbr.rel @p1 .LBB2_7-.Ltmp10, $4  }
0x1dc: {  	[spmem:s1] =	stream.indirect.scatter.add.f32 [tilespmem:s26], [sflag:$0x3], $0x80, s20, s25, $0xb8;
	[tilespmem:$0x1E800] =	vst v63  }
0x1dd: {  	_ =	swait.ge [sflag:s30], $0x4000  }
0x1de: {  	[sflag:s30] =	ssyncset.done $0x0  }
0x1df: {  	s19 =	sadd.s32 $0x2880, s19;
	[sflag:s30] =	ssyncadd.s32 $0xFFFFC000  }
0x1e0: {  	[spmem:s1] =	stream.indirect.scatter.add.f32 [tilespmem:s28], [sflag:$0x4], $0x80, s19, s25, $0xb8;
	[tilespmem:$0x1E800] =	vst v63  }
0x1e1: {  	_ =	swait.ge [sflag:s0], $0x4000  }
0x1e2: {  	[sflag:s0] =	ssyncset.done $0x0  }
0x1e3: {  	[sflag:s0] =	ssyncadd.s32 $0xFFFFC000  }
0x1e4: {  	_ =	swait.ge [sflag:s9], $0x4000  }
0x1e5: {  	[sflag:s9] =	ssyncset.done $0x0  }
0x1e6: {  	[sflag:s9] =	ssyncadd.s32 $0xFFFFC000  }
0x1e7: {  	[tilespmem:s2], [sflag:$0x5] =	stream.linear.gather [hbm4b:s15+s2], $0x1400, $0x38;
	[tilespmem:$0x1E800] =	vst v63  }
0x1e8: {  	_ =	swait.ge [sflag:s23], $0x1400  }
0x1e9: {  	[sflag:s23] =	ssyncset.done $0x0  }
0x1ea: {  	[sflag:s23] =	ssyncadd.s32 $0xFFFFEC00  }
0x1eb: {  	[tilespmem:s24], [sflag:$0x5] =	stream.linear.gather [hbm4b:s16+s2], $0x1400, $0x38;
	[tilespmem:$0x1E800] =	vst v63  }
0x1ec: {  	_ =	swait.ge [sflag:s23], $0x1400  }
0x1ed: {  	[sflag:s23] =	ssyncset.done $0x0  }
0x1ee: {  	[sflag:s23] =	ssyncadd.s32 $0xFFFFEC00  }
0x1ef: {  	[tilespmem:s26], [sflag:$0x1] =	stream.indirect.gather [hbm4b:s5+s25], $0x80, s2, s25, $0xb8;
	[tilespmem:$0x1E800] =	vst v63  }
0x1f0: {  	_ = 	snop  }
0x1f1: {  	[tilespmem:s28], [sflag:$0x2] =	stream.indirect.gather [hbm4b:s5+s25], $0x80, s25, s25, $0xb8;
	[tilespmem:$0x1E800] =	vst v63  }
0x1f2: {  	_ =	swait.ge [sflag:s29], $0x4000  }
0x1f3: {  	[sflag:s29] =	ssyncset.done $0x0  }
0x1f4: {  	[sflag:s29] =	ssyncadd.s32 $0xFFFFC000  }
0x1f5: {  	[spmem:s1] =	stream.indirect.scatter.add.f32 [tilespmem:s26], [sflag:$0x3], $0x80, s24, s25, $0xb8;
	[tilespmem:$0x1E800] =	vst v63  }
0x1f6: {  	_ =	swait.ge [sflag:s30], $0x4000  }
0x1f7: {  	[sflag:s30] =	ssyncset.done $0x0  }
0x1f8: {  	[sflag:s30] =	ssyncadd.s32 $0xFFFFC000  }
0x1f9: {  	[spmem:s1] =	stream.indirect.scatter.add.f32 [tilespmem:s28], [sflag:$0x4], $0x80, s31, s25, $0xb8;
	[tilespmem:$0x1E800] =	vst v63  }
0x1fa: {  	_ =	swait.ge [sflag:s0], $0x4000  }
0x1fb: {  	[sflag:s0] =	ssyncset.done $0x0  }
0x1fc: {  	[sflag:s0] =	ssyncadd.s32 $0xFFFFC000  }
0x1fd: {  	_ =	swait.ge [sflag:s9], $0x4000  }
0x1fe: {  	[sflag:s9] =	ssyncset.done $0x0  }
0x1ff: {  	s18 =	simm.s32 $0x100;
	[sflag:s9] =	ssyncadd.s32 $0xFFFFC000  }
0x200: {  	[tilespmem:s26], [sflag:$0x1] =	stream.indirect.gather [hbm4b:s5+s25], $0x80, s18, s25, $0xb8;
	[tilespmem:$0x1E800] =	vst v63  }
0x201: {  	s19 =	simm.s32 $0x180  }
0x202: {  	[tilespmem:s28], [sflag:$0x2] =	stream.indirect.gather [hbm4b:s5+s25], $0x80, s19, s25, $0xb8;
	[tilespmem:$0x1E800] =	vst v63  }
0x203: {  	_ =	swait.ge [sflag:s29], $0x4000  }
0x204: {  	[sflag:s29] =	ssyncset.done $0x0  }
0x205: {  	s20 =	simm.s32 $0x1500;
	[sflag:s29] =	ssyncadd.s32 $0xFFFFC000  }
0x206: {  	[spmem:s1] =	stream.indirect.scatter.add.f32 [tilespmem:s26], [sflag:$0x3], $0x80, s20, s25, $0xb8;
	[tilespmem:$0x1E800] =	vst v63  }
0x207: {  	_ =	swait.ge [sflag:s30], $0x4000  }
0x208: {  	[sflag:s30] =	ssyncset.done $0x0  }
0x209: {  	s18 =	simm.s32 $0xFFFFB800;
	s19 =	simm.s32 $0x1580;
	[sflag:s30] =	ssyncadd.s32 $0xFFFFC000  }
.LBB2_9:
0x20a: {  	[spmem:s1] =	stream.indirect.scatter.add.f32 [tilespmem:s28], [sflag:$0x4], $0x80, s19, s25, $0xb8;
	[tilespmem:$0x1E800] =	vst v63  }
0x20b: {  	s19 =	smov.u32 s18  }
0x20c: {  	p1 =	seq.s32 s18, $0xFFFFFC00;
	s18 =	sadd.s32 $0x400, s18;
	_ =	swait.ge [sflag:s0], $0x4000  }
0x20d: {  	[sflag:s0] =	ssyncset.done $0x0  }
0x20e: {  	[sflag:s0] =	ssyncadd.s32 $0xFFFFC000  }
0x20f: {  	_ =	swait.ge [sflag:s9], $0x4000  }
0x210: {  	s19 =	sshra.s32 s19, $0x2;
	[sflag:s9] =	ssyncset.done $0x0  }
0x211: {  	s20 =	sadd.s32 $0x1400, s19;
	[sflag:s9] =	ssyncadd.s32 $0xFFFFC000  }
0x212: {  	[tilespmem:s26], [sflag:$0x1] =	stream.indirect.gather [hbm4b:s5+s25], $0x80, s20, s25, $0xb8;
	[tilespmem:$0x1E800] =	vst v63  }
0x213: {  	s20 =	sadd.s32 $0x1480, s19  }
0x214: {  	[tilespmem:s28], [sflag:$0x2] =	stream.indirect.gather [hbm4b:s5+s25], $0x80, s20, s25, $0xb8;
	[tilespmem:$0x1E800] =	vst v63  }
0x215: {  	_ =	swait.ge [sflag:s29], $0x4000  }
0x216: {  	[sflag:s29] =	ssyncset.done $0x0  }
.Ltmp11:
0x217: {  	s20 =	sadd.s32 $0x2800, s19;
	[sflag:s29] =	ssyncadd.s32 $0xFFFFC000;
	(pc) =	sbr.rel @!p1 .LBB2_9-.Ltmp11, $4  }
0x218: {  	[spmem:s1] =	stream.indirect.scatter.add.f32 [tilespmem:s26], [sflag:$0x3], $0x80, s20, s25, $0xb8;
	[tilespmem:$0x1E800] =	vst v63  }
0x219: {  	_ =	swait.ge [sflag:s30], $0x4000  }
0x21a: {  	[sflag:s30] =	ssyncset.done $0x0  }
0x21b: {  	s19 =	sadd.s32 $0x2880, s19;
	[sflag:s30] =	ssyncadd.s32 $0xFFFFC000  }
.Ltmp12:
0x21c: {  	(pc) =	sbr.rel .LBB2_20-.Ltmp12, $3  }
0x21d: {  	_ =	sdelay $0x1  }
0x21e: {  	[spmem:s1] =	stream.indirect.scatter.add.f32 [tilespmem:s28], [sflag:$0x4], $0x80, s19, s25, $0xb8;
	[tilespmem:$0x1E800] =	vst v63  }
0x21f: {  	s18 =	rddreg [dreg:$0x3]  }
.LBB2_21:
0x220: {  	_ =	sfence.sel $0x180000  }
0x221: {  	[bflag:$0x0] =	sbarrier.arrive $0xFFFF  }
0x222: {  	_ =	strace $0x9000004D  }
0x223: {  	[bflag:$0x2] =	sbarrier.arrive $0xFFFF  }
0x224: {  	p0 =	sne.s32 s3, $0x0;
	s0 =	rddreg [dreg:$0x2]  }
0x225: {  	s0 =	sadd.s32 @!p0 $0x100000, s0  }
0x226: {  	[sflag:s0] =	ssyncadd.tile.s32 @!p0 $0x1;
	_ =	shalt  }
.Lfunc_end2:
_tile_overlayer_lowered:
.L_overlay_start_2:
0x227: {  	(tag) =	ssettag $0x2  }
0x228: {  	s0 =	rddreg [dreg:$0x0];
	s2 =	stileid.u32  }
0x229: {  	s1 =	rddreg [dreg:$0x1];
	p0 =	sne.s32 s2, $0x0  }
0x22a: {  	s3 =	rddreg [dreg:$0x2];
	[bflag:$0x3] =	sbarrier.arrive $0xFFFF;
	s2 =	simm.s32 @!p0 $0x1C05  }
0x22b: {  	[timem:s3], [sflag:s2] =	dma.local @!p0 [hbm:s0], s1  }
0x22c: {  	s0 =	simm.s32 @!p0 $0x5  }
0x22d: {  	_ =	swait.ge @!p0 [sflag:s0], s1  }
0x22e: {  	s1 =	ssub.s32 @!p0 $0x0, s1;
	[sflag:s0] =	ssyncset.done @!p0 $0x0  }
0x22f: {  	[sflag:s0] =	ssyncadd.s32 @!p0 s1  }
0x230: {  	[bflag:$0x3] =	sbarrier.arrive $0xFFFF  }
0x231: {  	_ =	shalt  }

// kernel: kernel.19.cloned.1.call-start
scs
__scs_entry_jumppad:
0x0: {  	(pc) =	sbr.rel $0x88, $3  }
0x1: {  	(tag) =	ssettag $0x0;
	lr =	simm.s32 $0x1  }
0x2: {  	[smem:$0x3F96] =	sst lr;
	_ =	strace $0xD0000000  }
0x3: {  	_ = 	snop  }
0x4: {  	_ = 	snop  }
0x5: {  	_ = 	snop  }
0x6: {  	_ = 	snop  }
0x7: {  	_ = 	snop  }
__scs_overlays_trampoline_lowered:
0x8: {  	[smem:$0x3FA5] =	sst s0  }
0x9: {  	[smem:$0x3FA6] =	sst s1  }
0xa: {  	[smem:$0x3FA7] =	sst s2  }
0xb: {  	[smem:$0x3FA8] =	sst s3  }
0xc: {  	[smem:$0x3FA9] =	sst s4  }
0xd: {  	[smem:$0x3FAA] =	sst s5  }
0xe: {  	[smem:$0x3FAB] =	sst s6  }
0xf: {  	[smem:$0x3FAC] =	sst s7  }
0x10: {  	[smem:$0x3FAD] =	sst s8  }
0x11: {  	[smem:$0x3FAE] =	sst s9;
	s0 =	simm.s32 @!p0 $0x0  }
0x12: {  	s1 =	sld [smem:$0x3F94];
	s0 =	simm.s32 @p0 $0x1  }
0x13: {  	[smem:$0x3FAF] =	sst s0;
	s0 =	simm.s32 @!p1 $0x0  }
0x14: {  	s2 =	sld [smem:$0x3F93];
	s0 =	simm.s32 @p1 $0x1  }
0x15: {  	[smem:$0x3FB0] =	sst s0;
	s0 =	simm.s32 @!p2 $0x0  }
0x16: {  	s3 =	sld [smem:$0x3FDB];
	s0 =	simm.s32 @p2 $0x1  }
0x17: {  	s4 =	simm.s32 $0x1BF5;
	[smem:$0x3FB2] =	sst s0  }
0x18: {  	s0 =	sld [smem:$0x3F95];
	_ =	swait.ge [sflag:s4], $0x0  }
0x19: {  	s7 =	sld [smem:$0x3F96]  }
0x1a: {  	s8 =	sadd.s32 $0xFFFFE003, lr  }
0x1b: {  	s9 =	sadd.s32 $0xFFFFFEF7, lr;
	s5 =	simm.s32 $0xFFFFFFFF;
	p2 =	slt.u32 s8, $0xFFFFF086  }
0x1c: {  	p1 =	slt.u32 s9, $0xF7A;
	s5 =	simm.s32 @!p2 $0x0  }
0x1d: {  	s5 =	simm.s32 @p1 $0x1;
	p0 =	seq.s32 s7, s2  }
0x1e: {  	s7 =	smul.u32 @!p0 $0xF7A, s2;
	p2 =	seq.s32 @!p0 s5, $0x0  }
0x1f: {  	s9 =	smul.u32 $0xF7A, s1;
	s8 =	simm.s32 @!p0 $0x1BF5;
	p2 =	por !p2, p0  }
0x20: {  	[sflag:s8] =	ssyncset.s32 @!p0 $0xFFFFF086;
	s6 =	sadd.s32 @!p0 s3, s7;
	s7 =	simm.s32 @!p0 $0x108  }
0x21: {  	s3 =	sadd.s32 s3, s9;
	s6 =	sadd.s32 @!p0 $0x88, s6;
	s7 =	simm.s32 @p2 $0x1082  }
0x22: {  	[simem:s7], [sflag:s8] =	dma.local @!p0 [hbm:s6], $0xF7A  }
0x23: {  	s9 =	sor.u32 $0xD0000000, s2;
	s6 =	simm.s32 $0x108;
	_ =	swait.ge @!p0 [sflag:s8], $0x0  }
0x24: {  	s3 =	sadd.s32 $0x88, s3;
	s6 =	simm.s32 @!p1 $0x1082;
	[sflag:s4] =	ssyncset.s32 $0xFFFFF086  }
0x25: {  	[simem:s6], [sflag:s4] =	dma.local [hbm:s3], $0xF7A  }
0x26: {  	[smem:$0x3F96] =	sst s1;
	(tag) =	ssettag s2;
	_ =	strace s9  }
0x27: {  	s1 =	sld [smem:$0x3FA6]  }
0x28: {  	s2 =	sld [smem:$0x3FA7]  }
0x29: {  	s4 =	sld [smem:$0x3FA9]  }
0x2a: {  	p0 =	seq.s32 s5, $0x0;
	s5 =	sld [smem:$0x3FAA]  }
0x2b: {  	s6 =	sld [smem:$0x3FAB]  }
0x2c: {  	s7 =	sld [smem:$0x3FAC]  }
0x2d: {  	s3 =	simm.s32 $0x108;
	s8 =	sld [smem:$0x3FAD]  }
0x2e: {  	s3 =	simm.s32 @!p0 $0x1082;
	s9 =	sld [smem:$0x3FAE]  }
0x2f: {  	lr =	sadd.s32 s0, s3;
	s0 =	sld [smem:$0x3FA5]  }
0x30: {  	s3 =	sld [smem:$0x3FA8]  }
0x31: {  	[smem:$0x3FB1] =	sst s10  }
0x32: {  	s10 =	sld [smem:$0x3FAF];
	_ =	sdelay $0x3  }
0x33: {  	p0 =	seq.s32 s10, $0x1;
	s10 =	sld [smem:$0x3FB1];
	_ =	sdelay $0x3  }
0x34: {  	[smem:$0x3FB1] =	sst s10  }
0x35: {  	s10 =	sld [smem:$0x3FB0];
	_ =	sdelay $0x3  }
0x36: {  	p1 =	seq.s32 s10, $0x1;
	s10 =	sld [smem:$0x3FB1];
	_ =	sdelay $0x3  }
0x37: {  	[smem:$0x3FB1] =	sst s10  }
0x38: {  	s10 =	sld [smem:$0x3FB2]  }
0x39: {  	_ = 	snop;
	(pc) =	sbr.ind lr, $3  }
0x3a: {  	_ = 	snop  }
0x3b: {  	_ = 	snop  }
0x3c: {  	p2 =	seq.s32 s10, $0x1;
	s10 =	sld [smem:$0x3FB1]  }
0x3d: {  	_ =	shalt  }
0x3e: {  	_ =	shalt  }
0x3f: {  	_ =	shalt  }
0x40: {  	_ =	shalt  }
0x41: {  	_ =	shalt  }
0x42: {  	_ =	shalt  }
0x43: {  	_ =	shalt  }
0x44: {  	_ =	shalt  }
0x45: {  	_ =	shalt  }
0x46: {  	_ =	shalt  }
0x47: {  	_ =	shalt  }
0x48: {  	_ =	shalt  }
0x49: {  	_ =	shalt  }
0x4a: {  	_ =	shalt  }
0x4b: {  	_ =	shalt  }
0x4c: {  	_ =	shalt  }
0x4d: {  	_ =	shalt  }
0x4e: {  	_ =	shalt  }
0x4f: {  	_ =	shalt  }
0x50: {  	_ =	shalt  }
0x51: {  	_ =	shalt  }
0x52: {  	_ =	shalt  }
0x53: {  	_ =	shalt  }
0x54: {  	_ =	shalt  }
0x55: {  	_ =	shalt  }
0x56: {  	_ =	shalt  }
0x57: {  	_ =	shalt  }
0x58: {  	_ =	shalt  }
0x59: {  	_ =	shalt  }
0x5a: {  	_ =	shalt  }
0x5b: {  	_ =	shalt  }
0x5c: {  	_ =	shalt  }
0x5d: {  	_ =	shalt  }
0x5e: {  	_ =	shalt  }
0x5f: {  	_ =	shalt  }
0x60: {  	_ =	shalt  }
0x61: {  	_ =	shalt  }
0x62: {  	_ =	shalt  }
0x63: {  	_ =	shalt  }
0x64: {  	_ =	shalt  }
0x65: {  	_ =	shalt  }
0x66: {  	_ =	shalt  }
0x67: {  	_ =	shalt  }
0x68: {  	_ =	shalt  }
0x69: {  	_ =	shalt  }
0x6a: {  	_ =	shalt  }
0x6b: {  	_ =	shalt  }
0x6c: {  	_ =	shalt  }
0x6d: {  	_ =	shalt  }
0x6e: {  	_ =	shalt  }
0x6f: {  	_ =	shalt  }
0x70: {  	_ =	shalt  }
0x71: {  	_ =	shalt  }
0x72: {  	_ =	shalt  }
0x73: {  	_ =	shalt  }
0x74: {  	_ =	shalt  }
0x75: {  	_ =	shalt  }
0x76: {  	_ =	shalt  }
0x77: {  	_ =	shalt  }
0x78: {  	_ =	shalt  }
0x79: {  	_ =	shalt  }
0x7a: {  	_ =	shalt  }
0x7b: {  	_ =	shalt  }
0x7c: {  	_ =	shalt  }
0x7d: {  	_ =	shalt  }
0x7e: {  	_ =	shalt  }
0x7f: {  	_ =	shalt  }
0x80: {  	_ =	shalt  }
0x81: {  	_ =	shalt  }
0x82: {  	_ =	shalt  }
0x83: {  	_ =	shalt  }
0x84: {  	_ =	shalt  }
0x85: {  	_ =	shalt  }
0x86: {  	_ =	shalt  }
0x87: {  	_ =	shalt  }
.Lfunc_end0:
.L_simem_size_0:
called_computation.3_lowered:
.L_overlay_start_0:
0x88: {  	s2 =	sld [smem:$0x3FD9]  }
0x89: {  	s3 =	sld [smem:$0x3FFE];
	_ =	sdelay $0x1  }
0x8a: {  	s1 =	srdreg.scid  }
0x8b: {  	s0 =	sand.u32 $0x1, s1  }
0x8c: {  	s16 =	sshll.u32 s0, $0xA;
	s2 =	sadd.s32 s3, s2  }
0x8d: {  	s2 =	sadd.s32 s2, s16  }
0x8e: {  	[smem:$0x3FBD] =	sst s2  }
0x8f: {  	_ = 	snop  }
0x90: {  	(tm) =	ssettm $0x1  }
0x91: {  	s17 =	sld [smem:$0x3FFB];
	_ =	sdelay $0x3  }
0x92: {  	_ =	strace s17  }
0x93: {  	s2 =	sld [smem:$0x3FFC];
	_ =	sdelay $0x3  }
0x94: {  	_ =	strace s2  }
0x95: {  	s2 =	sld [smem:$0x3FFD];
	_ =	sdelay $0x3  }
0x96: {  	_ =	strace s2  }
0x97: {  	_ =	strace $0x8FFFFFFF  }
0x98: {  	s18 =	sld [smem:$0x3FDB];
	_ =	sdelay $0x1  }
0x99: {  	s19 =	simm.s32 $_scs_section_size  }
0x9a: {  	s4 =	simm.s32 $_size__tile_overlayer_lowered;
	s5 =	simm.s32 $_tile_overlayer_lowered  }
0x9b: {  	s22 =	simm.s32 $0x1BFF;
	s21 =	sshll.u32 s5, $0x1;
	s2 =	sadd.s32 s19, s18  }
0x9c: {  	s6 =	simm.s32 $0x0;
	s20 =	sshll.u32 s4, $0x1;
	s4 =	sadd.s32 s21, s2  }
0x9d: {  	[timem:s6], [sflag:s22] =	dma.local [hbm:s4], s20  }
0x9e: {  	_ =	swait.ge [sflag:s22], s20  }
0x9f: {  	s3 =	ssub.s32 $0x0, s20;
	[sflag:s22] =	ssyncset.done $0x0  }
0xa0: {  	[sflag:s22] =	ssyncadd.s32 s3;
	_ =	sdelay $0x1  }
0xa1: {  	s23 =	simm.s32 $0x1B8B  }
0xa2: {  	_ =	swait.ge [sflag:s23], $0x1  }
0xa3: {  	[sflag:s23] =	ssyncset.done $0x0  }
0xa4: {  	s25 =	simm.s32 $0x1B8E;
	s24 =	sld [smem:$0x3FFE];
	[sflag:s23] =	ssyncadd.s32 $0xFFFFFFFF  }
0xa5: {  	s26 =	simm.s32 $execute0_lowered;
	[smem:$0x3FD2] =	sst s25  }
0xa6: {  	s4 =	sshll.u32 s26, $0x1;
	_ =	strace $0x8000004F;
	[dreg:$0x1] =	wrdreg $0xFFFFFFFF  }
0xa7: {  	s28 =	simm.s32 $_size_execute0_lowered;
	s2 =	sadd.s32 s2, s4;
	[dreg:$0x0] =	wrdreg $0x0  }
0xa8: {  	s4 =	sshll.u32 s28, $0x1;
	[dreg:$0x2] =	wrdreg s2  }
0xa9: {  	[dreg:$0x3] =	wrdreg s4  }
0xaa: {  	[dreg:$0x4] =	wrdreg $0xC0  }
0xab: {  	_ =	task [dreg:s6], $0x5FFFF  }
0xac: {  	[dreg:$0x1] =	wrdreg $0xFFFFFFFF  }
0xad: {  	[dreg:$0x0] =	wrdreg $0x60  }
0xae: {  	[dreg:$0x2] =	wrdreg s24  }
0xaf: {  	[dreg:$0x3] =	wrdreg $0x28800  }
0xb0: {  	[dreg:$0x4] =	wrdreg $0x2B000  }
0xb1: {  	[dreg:$0x5] =	wrdreg $0x9  }
0xb2: {  	_ =	task.clear_ibuf [dreg:s6], $0x6FFFF;
	_ =	strace $0x9000004F  }
0xb3: {  	s29 =	simm.s32 $0x9;
	_ =	strace $0x80000051  }
0xb4: {  	_ =	swait.ge [sflag:s29], $0x1  }
0xb5: {  	[sflag:s29] =	ssyncadd.s32 $0xFFFFFFFF  }
0xb6: {  	_ =	strace $0x90000051  }
0xb7: {  	_ =	sfence  }
0xb8: {  	s30 =	sld [smem:$0x0];
	_ =	sdelay $0x2  }
0xb9: {  	s31 =	sshll.u32 s1, $0xD;
	s1 =	sshrl.u32 s1, $0x2  }
0xba: {  	s3 =	sand.u32 $0x4000, s31;
	s1 =	sadd.s32 s1, s30  }
0xbb: {  	s0 =	sor.u32 s3, s0;
	s1 =	sshll.u32 s1, $0x11  }
0xbc: {  	s0 =	sor.u32 s1, s0  }
0xbd: {  	s0 =	sadd.s32 $0x8F2B, s0  }
0xbe: {  	[sflag:s0] =	ssyncadd.remote.s32 $0x1  }
0xbf: {  	_ =	sfence.sel $0xFFFF  }
0xc0: {  	[dreg:$0x0] =	wrdreg $0xFFFFFFFF;
	(pc) =	sbr.abs _section_cstart, $3  }
0xc1: {  	[dreg:$0x1] =	wrdreg $0xFFFFFFFF  }
0xc2: {  	_ =	task.clear_ibuf [dreg:s6], $0x2FFFF;
	_ =	strace $0x9FFFFFFF  }
0xc3: {  	(tm) =	ssettm $0x7FFFFFFF  }
tec
execute0_lowered:
.L_overlay_start_1:
0x0: {  	(tag) =	ssettag $0x1  }
0x1: {  	s5 =	rddreg [dreg:$0x0]  }
0x2: {  	s2 =	rddreg [dreg:$0x1]  }
0x3: {  	s3 =	rddreg [dreg:$0x2];
	s4 =	srdreg.scid  }
0x4: {  	s0 =	rddreg [dreg:$0x3];
	s1 =	stileid.u32  }
0x5: {  	s15 =	simm.s32 $0xEC00;
	s16 =	simm.s32 $0x80;
	s17 =	simm.s32 $0x2800  }
0x6: {  	s18 =	simm.s32 $0x1;
	s19 =	simm.s32 $0x0;
	s7 =	sand.u32 $0x1, s4  }
0x7: {  	s4 =	simm.s32 $0x0;
	s8 =	smul.u32 $0x280, s1;
	s31 =	sshll.u32 s1, $0x6  }
0x8: {  	s6 =	sshll.u32 s7, $0x4;
	[smem:$0x7FF] =	sst s4;
	s10 =	ssub.s32 $0x2, s7  }
0x9: {  	p0 =	seq.s32 s7, $0x0;
	s6 =	sor.u32 s1, s6;
	s9 =	sshrl.u32 s8, $0x3  }
0xa: {  	_ =	strace $0x80000050;
	s30 =	sshrl.u32 s10, $0x1;
	s13 =	sadd.s32 s8, s2  }
0xb: {  	s14 =	sadd.s32 s8, s3;
	s15 =	simm.s32 @!p0 $0xF200;
	s6 =	smul.u32 $0x280, s6  }
0xc: {  	s11 =	sadd.s32 s9, s5;
	s10 =	ssub.s32 s10, s30;
	s14 =	sshrl.u32 s14, $0x3  }
0xd: {  	s7 =	sadd.s32 $0xE000, s11;
	s10 =	smax.u32 s10, $0x1;
	s12 =	sadd.s32 s6, s5  }
0xe: {  	s5 =	sadd.s32 $0xE600, s11;
	s6 =	sor.u32 $0x1C02, s31;
	s11 =	sadd.s32 s15, s11  }
0xf: {  	s15 =	simm.s32 $0x1400;
	s8 =	sadd.s32 $0x4000, s12;
	s9 =	sadd.s32 $0x9000, s12  }
0x10: {  	s12 =	sshrl.u32 s13, $0x3;
	s13 =	simm.s32 $0x2;
	s7 =	smov.u32 @p0 s5  }
.LBB2_1:
0x11: {  	[spmem:s12], [sflag:s6] =	dma.local [hbm:s5], $0x50  }
0x12: {  	_ =	swait.ge [sflag:s13], $0x50  }
0x13: {  	[sflag:s13] =	ssyncset.done $0x0  }
0x14: {  	[sflag:s13] =	ssyncadd.s32 $0xFFFFFFB0  }
0x15: {  	[spmem:s14], [sflag:s6] =	dma.local [hbm:s7], $0x50  }
0x16: {  	_ =	swait.ge [sflag:s13], $0x50  }
0x17: {  	[sflag:s13] =	ssyncset.done $0x0  }
0x18: {  	[sflag:s13] =	ssyncadd.s32 $0xFFFFFFB0  }
0x19: {  	[tilespmem:s4], [sflag:$0x2] =	stream.linear.gather [hbm4b:s8+s4], $0x1400, $0x38;
	[tilespmem:$0x2D80] =	vst v63  }
0x1a: {  	_ =	swait.ge [sflag:s13], $0x1400  }
0x1b: {  	[sflag:s13] =	ssyncset.done $0x0  }
0x1c: {  	[sflag:s13] =	ssyncadd.s32 $0xFFFFEC00  }
0x1d: {  	[tilespmem:s15], [sflag:$0x2] =	stream.linear.gather [hbm4b:s9+s4], $0x1400, $0x38;
	[tilespmem:$0x2D80] =	vst v63  }
0x1e: {  	_ =	swait.ge [sflag:s13], $0x1400  }
0x1f: {  	[sflag:s13] =	ssyncset.done $0x0  }
0x20: {  	[sflag:s13] =	ssyncadd.s32 $0xFFFFEC00  }
0x21: {  	s20 =	simm.s32 $0x0;
	[bflag:$0x0] =	sbarrier.arrive $0xFFFF  }
0x22: {  	[tilespmem:s17], [sflag:$0x1] =	stream.indirect.gather [spmem:s2], $0x1, s20, s16, $0xb8;
	[tilespmem:$0x2D80] =	vst v63  }
0x23: {  	_ =	swait.ge [sflag:s18], $0x80  }
0x24: {  	[sflag:s18] =	ssyncset.done $0x0  }
0x25: {  	s31 =	simm.s32 $0x1400;
	[sflag:s18] =	ssyncadd.s32 $0xFFFFFF80  }
0x26: {  	[spmem:s3] =	stream.indirect.scatter.add.f32 [tilespmem:s17], [sflag:$0x2], $0x1, s31, s16, $0xb8;
	[tilespmem:$0x2D80] =	vst v63  }
0x27: {  	_ =	swait.ge [sflag:s13], $0x80  }
0x28: {  	s21 =	simm.s32 $0x400;
	s20 =	simm.s32 $0x200;
	[sflag:s13] =	ssyncset.done $0x0  }
.LBB2_2:
0x29: {  	s22 =	sshra.s32 s20, $0x2  }
0x2a: {  	[sflag:s13] =	ssyncadd.s32 $0xFFFFFF80;
	s20 =	smov.u32 s21;
	s23 =	sadd.s32 $0x200, s21  }
0x2b: {  	[tilespmem:s17], [sflag:$0x1] =	stream.indirect.gather [spmem:s2], $0x1, s22, s16, $0xb8;
	[tilespmem:$0x2D80] =	vst v63  }
0x2c: {  	p0 =	sne.s32 s21, $0x4E00;
	_ =	swait.ge [sflag:s18], $0x80  }
.Ltmp0:
0x2d: {  	[sflag:s18] =	ssyncset.done $0x0;
	(pc) =	sbr.rel @p0 .LBB2_2-.Ltmp0, $4  }
0x2e: {  	s21 =	sadd.s32 $0x1400, s22;
	[sflag:s18] =	ssyncadd.s32 $0xFFFFFF80  }
0x2f: {  	[spmem:s3] =	stream.indirect.scatter.add.f32 [tilespmem:s17], [sflag:$0x2], $0x1, s21, s16, $0xb8;
	[tilespmem:$0x2D80] =	vst v63  }
0x30: {  	_ =	swait.ge [sflag:s13], $0x80  }
0x31: {  	s21 =	smov.u32 s23;
	[sflag:s13] =	ssyncset.done $0x0  }
0x32: {  	s20 =	sshra.s32 s20, $0x2;
	[sflag:s13] =	ssyncadd.s32 $0xFFFFFF80  }
0x33: {  	[tilespmem:s17], [sflag:$0x1] =	stream.indirect.gather [spmem:s2], $0x1, s20, s16, $0xb8;
	[tilespmem:$0x2D80] =	vst v63  }
0x34: {  	_ =	swait.ge [sflag:s18], $0x80  }
0x35: {  	[sflag:s18] =	ssyncset.done $0x0  }
0x36: {  	s20 =	sadd.s32 $0x1400, s20;
	[sflag:s18] =	ssyncadd.s32 $0xFFFFFF80  }
0x37: {  	[spmem:s3] =	stream.indirect.scatter.add.f32 [tilespmem:s17], [sflag:$0x2], $0x1, s20, s16, $0xb8;
	[tilespmem:$0x2D80] =	vst v63  }
0x38: {  	_ =	swait.ge [sflag:s13], $0x80  }
0x39: {  	s19 =	sadd.s32 $0x1, s19;
	[sflag:s13] =	ssyncset.done $0x0  }
0x3a: {  	p0 =	sne.s32 s19, s10;
	[sflag:s13] =	ssyncadd.s32 $0xFFFFFF80  }
.Ltmp1:
0x3b: {  	[bflag:$0x0] =	sbarrier.arrive $0xFFFF;
	(pc) =	sbr.rel @p0 .LBB2_1-.Ltmp1, $4  }
0x3c: {  	[hbm:s11], [sflag:s6] =	dma.local [spmem:s14], $0x50  }
0x3d: {  	_ =	swait.ge [sflag:s13], $0x50  }
0x3e: {  	[sflag:s13] =	ssyncset.done $0x0  }
0x3f: {  	[sflag:s13] =	ssyncadd.s32 $0xFFFFFFB0  }
0x40: {  	_ =	sfence.sel $0x180000  }
0x41: {  	[bflag:$0x0] =	sbarrier.arrive $0xFFFF  }
0x42: {  	p0 =	sne.s32 s1, $0x0;
	_ =	strace $0x90000050  }
0x43: {  	s0 =	sadd.s32 @!p0 $0x100000, s0;
	[bflag:$0x2] =	sbarrier.arrive $0xFFFF  }
0x44: {  	[sflag:s0] =	ssyncadd.tile.s32 @!p0 $0x1;
	_ =	shalt  }
.Lfunc_end2:
_tile_overlayer_lowered:
.L_overlay_start_2:
0x45: {  	(tag) =	ssettag $0x2  }
0x46: {  	s0 =	rddreg [dreg:$0x0];
	s2 =	stileid.u32  }
0x47: {  	s1 =	rddreg [dreg:$0x1];
	p0 =	sne.s32 s2, $0x0  }
0x48: {  	s3 =	rddreg [dreg:$0x2];
	[bflag:$0x3] =	sbarrier.arrive $0xFFFF;
	s2 =	simm.s32 @!p0 $0x1C02  }
0x49: {  	[timem:s3], [sflag:s2] =	dma.local @!p0 [hbm:s0], s1  }
0x4a: {  	s0 =	simm.s32 @!p0 $0x2  }
0x4b: {  	_ =	swait.ge @!p0 [sflag:s0], s1  }
0x4c: {  	s1 =	ssub.s32 @!p0 $0x0, s1;
	[sflag:s0] =	ssyncset.done @!p0 $0x0  }
0x4d: {  	[sflag:s0] =	ssyncadd.s32 @!p0 s1  }
0x4e: {  	[bflag:$0x3] =	sbarrier.arrive $0xFFFF  }
0x4f: {  	_ =	shalt  }

</sc_bundles>
